<compile_context>
chip_gen: v7x
topology: tpu7x:2x2x1
jax: 0.10.2.dev20260603
libtpu: 0.0.44.dev20260713+nightly
codegen_flags: <defaults>
</compile_context>

<pallas_src>
import jax
import jax.numpy as jnp
from jax import lax
from jax.experimental import pallas as pl
from jax.experimental.pallas import tpu as pltpu
from jax.experimental.pallas import tpu_sc as plsc

E = 8
G = 2
EG = E // G
D = 768
F = 512
T = 2048
B = 256
NB_G = T // B + EG
NBT = G * NB_G
PG = NB_G * B
ROWS = G * PG
CHUNK = 256

NC, NS = 2, 16
NW = NC * NS
TPW = T // NW


def _routing_body(x_ref, rw_ref, pos_ref, w_ref, be_ref):
    x = x_ref[...]
    logits = jnp.dot(x, rw_ref[...], preferred_element_type=jnp.float32)
    m = jnp.max(logits, axis=-1, keepdims=True)
    ex = jnp.exp(logits - m)
    p = ex / jnp.sum(ex, axis=-1, keepdims=True)
    col = lax.broadcasted_iota(jnp.int32, (T, E), 1)
    g0 = col < EG
    neg = jnp.float32(-1.0)
    w0 = jnp.max(jnp.where(g0, p, neg), axis=-1, keepdims=True)
    w1 = jnp.max(jnp.where(g0, neg, p), axis=-1, keepdims=True)
    big = jnp.int32(E)
    e0 = jnp.min(jnp.where(g0 & (p == w0), col, big), axis=-1, keepdims=True)
    e1 = jnp.min(jnp.where((~g0) & (p == w1), col, big), axis=-1, keepdims=True)
    s = w0 + w1
    oh0 = (col == e0).astype(jnp.float32)
    oh1 = (col == e1).astype(jnp.float32)
    oh = oh0 + oh1

    r_ = lax.broadcasted_iota(jnp.int32, (CHUNK, CHUNK), 0)
    c_ = lax.broadcasted_iota(jnp.int32, (CHUNK, CHUNK), 1)
    tril = (r_ >= c_).astype(jnp.float32)
    carry = jnp.zeros((1, E), jnp.float32)
    rank_chunks = []
    for c in range(T // CHUNK):
        oh_c = oh[c * CHUNK:(c + 1) * CHUNK, :]
        cum_c = jnp.dot(tril, oh_c, preferred_element_type=jnp.float32)
        rank_chunks.append(cum_c + carry - oh_c)
        carry = carry + jnp.sum(oh_c, axis=0, keepdims=True)
    rank = jnp.concatenate(rank_chunks, axis=0)

    counts = carry
    pc = (jnp.floor(counts / B) +
          jnp.where(counts % B > 0, 1.0, 0.0)) * B
    gi = lax.broadcasted_iota(jnp.int32, (E, E), 0)
    gj = lax.broadcasted_iota(jnp.int32, (E, E), 1)
    same = gi // EG == gj // EG
    prefix = (same & (gi < gj)).astype(jnp.float32)
    off = jnp.dot(pc, prefix, preferred_element_type=jnp.float32)

    posf = jnp.sum(oh * (off + rank), axis=-1, keepdims=True)
    pos0 = jnp.sum(oh0 * (off + rank), axis=-1, keepdims=True)
    pos1 = posf - pos0 + PG
    pos2 = jnp.concatenate([pos0, pos1], axis=1)
    pos_ref[...] = jnp.transpose(pos2, (1, 0)).astype(jnp.int32)

    wcol = lax.broadcasted_iota(jnp.int32, (T, 32), 1)
    w_ref[...] = jnp.where(wcol < 16, w0 / s, w1 / s)

    cumi = jnp.dot(pc, (same & (gi <= gj)).astype(jnp.float32),
                   preferred_element_type=jnp.float32)
    bstart = (lax.broadcasted_iota(jnp.int32, (NB_G, E), 0) * B)
    passed = (bstart.astype(jnp.float32) >= cumi).astype(jnp.float32)
    lo = (col[:NB_G, :] < EG).astype(jnp.float32)
    glo = jnp.sum(passed * lo, axis=-1, keepdims=True)
    ghi = jnp.sum(passed * (1.0 - lo), axis=-1, keepdims=True)
    be0 = jnp.where(glo > EG - 1, -1.0, glo)
    be1 = jnp.where(ghi > EG - 1, -1.0, ghi + EG)
    be2 = jnp.concatenate([be0, be1], axis=1)
    be_ref[...] = jnp.transpose(be2, (1, 0)).astype(jnp.int32)


def _routing(x, router_w):
    return pl.pallas_call(
        _routing_body,
        out_shape=(
            jax.ShapeDtypeStruct((G, T), jnp.int32),
            jax.ShapeDtypeStruct((T, 32), jnp.float32),
            jax.ShapeDtypeStruct((G, NB_G), jnp.int32),
        ),
    )(x, router_w)


def _make_mesh():
    return plsc.VectorSubcoreMesh(
        core_axis_name="c", subcore_axis_name="s",
        num_cores=NC, num_subcores=NS)


def _scatter_body(x_hbm, pos_hbm, out_hbm, i0_v, i1_v, rows_v, sem0, sem1):
    wid = lax.axis_index("s") * NC + lax.axis_index("c")
    base = wid * TPW
    pltpu.sync_copy(pos_hbm.at[0, pl.ds(base, TPW)], i0_v)
    pltpu.sync_copy(pos_hbm.at[1, pl.ds(base, TPW)], i1_v)
    pltpu.sync_copy(x_hbm.at[pl.ds(base, TPW)], rows_v)
    c0 = pltpu.async_copy(rows_v, out_hbm.at[i0_v], sem0)
    c1 = pltpu.async_copy(rows_v, out_hbm.at[i1_v], sem1)
    c0.wait()
    c1.wait()


def _dispatch(x, pos):
    return pl.kernel(
        _scatter_body,
        out_type=jax.ShapeDtypeStruct((ROWS, D), jnp.float32),
        mesh=_make_mesh(),
        scratch_types=[
            pltpu.VMEM((TPW,), jnp.int32),
            pltpu.VMEM((TPW,), jnp.int32),
            pltpu.VMEM((TPW, D), jnp.float32),
            pltpu.SemaphoreType.DMA,
            pltpu.SemaphoreType.DMA,
        ],
    )(x, pos)


def _ffn_body(be_ref, x_ref, wgu_ref, wd_ref, y_ref):
    e = be_ref[pl.program_id(0)]

    @pl.when(e >= 0)
    def _compute():
        x = x_ref[...]
        gu = jnp.dot(x, wgu_ref[jnp.maximum(e, 0)],
                     preferred_element_type=jnp.float32)
        g = gu[:, :F]
        u = gu[:, F:]
        h = g * (1.0 / (1.0 + jnp.exp(-g))) * u
        y_ref[...] = jnp.dot(h, wd_ref[jnp.maximum(e, 0)],
                             preferred_element_type=jnp.float32)


def _ffn(block_expert, x_sorted, w_gate_up, w_down):
    grid_spec = pltpu.PrefetchScalarGridSpec(
        num_scalar_prefetch=1,
        grid=(NBT,),
        in_specs=[
            pl.BlockSpec((B, D), lambda b, be: (b, 0)),
            pl.BlockSpec((E, D, 2 * F), lambda b, be: (0, 0, 0)),
            pl.BlockSpec((E, F, D), lambda b, be: (0, 0, 0)),
        ],
        out_specs=pl.BlockSpec((B, D), lambda b, be: (b, 0)),
    )
    return pl.pallas_call(
        _ffn_body,
        grid_spec=grid_spec,
        out_shape=jax.ShapeDtypeStruct((ROWS, D), jnp.float32),
    )(block_expert, x_sorted, w_gate_up, w_down)


_CCH = TPW // 2


def _combine_body(y_hbm, pos_hbm, w_hbm, out_hbm,
                  i0_v, i1_v, w_v, b0_v, b1_v, gsem, wsem):
    wid = lax.axis_index("s") * NC + lax.axis_index("c")
    base = wid * TPW
    pltpu.sync_copy(pos_hbm.at[0, pl.ds(base, TPW)], i0_v)
    pltpu.sync_copy(pos_hbm.at[1, pl.ds(base, TPW)], i1_v)
    pltpu.sync_copy(w_hbm.at[pl.ds(base, TPW)], w_v)

    def chunk_copies(c):
        sl = pl.ds(c * _CCH, _CCH)
        return (pltpu.async_copy(y_hbm.at[i0_v.at[sl]],
                                 b0_v.at[sl], gsem),
                pltpu.async_copy(y_hbm.at[i1_v.at[sl]],
                                 b1_v.at[sl], gsem))

    def chunk_fma(c):
        def row_fma(r, carry):
            wa = w_v[r, pl.ds(0, 16)]
            wb = w_v[r, pl.ds(16, 16)]
            for j in range(D // 16):
                sl = (r, pl.ds(j * 16, 16))
                b0_v[sl] = b0_v[sl] * wa + b1_v[sl] * wb
            return carry
        lax.fori_loop(c * _CCH, (c + 1) * _CCH, row_fma, 0)

    g0a, g0b = chunk_copies(0)
    g1a, g1b = chunk_copies(1)
    g0a.wait()
    g0b.wait()
    chunk_fma(0)
    w0c = pltpu.async_copy(b0_v.at[pl.ds(0, _CCH)],
                           out_hbm.at[pl.ds(base, _CCH)], wsem)
    g1a.wait()
    g1b.wait()
    chunk_fma(1)
    pltpu.sync_copy(b0_v.at[pl.ds(_CCH, _CCH)],
                    out_hbm.at[pl.ds(base + _CCH, _CCH)])
    w0c.wait()


def _combine(y_sorted, pos, wrep):
    return pl.kernel(
        _combine_body,
        out_type=jax.ShapeDtypeStruct((T, D), jnp.float32),
        mesh=_make_mesh(),
        scratch_types=[
            pltpu.VMEM((TPW,), jnp.int32),
            pltpu.VMEM((TPW,), jnp.int32),
            pltpu.VMEM((TPW, 32), jnp.float32),
            pltpu.VMEM((TPW, D), jnp.float32),
            pltpu.VMEM((TPW, D), jnp.float32),
            pltpu.SemaphoreType.DMA,
            pltpu.SemaphoreType.DMA,
        ],
    )(y_sorted, pos, wrep)


def kernel(hidden_states, router_w, w_gate_up, w_down):
    x = hidden_states
    pos, wrep, bexp = _routing(x, router_w)
    block_expert = bexp.reshape(NBT)
    x_sorted = _dispatch(x, pos)
    y_sorted = _ffn(block_expert, x_sorted, w_gate_up, w_down)
    out = _combine(y_sorted, pos, wrep)
    return out.astype(hidden_states.dtype)

# --- scband reference (transcript-rebuilt; emitter-appended) ---
"""Pipeline reference for scband-intern-s1-pro-moe-decoder-layer-83597243449697 (READ-ONLY COPY).

The authoritative reference and input builder live on the scoring server;
editing this copy changes nothing except your own understanding.
"""

import jax, jax.numpy as jnp
import numpy as np

NUM_EXPERTS = 8
TOP_K = 2
D_MODEL = 768
D_FF = 512
N_GROUPS = 2
RENORMALIZE = True
T = 2048


def setup_inputs(seed: int = 0) -> dict:
    key = jax.random.key(seed)
    k1, k2, k3, k4 = jax.random.split(key, 4)
    hidden_states = jax.random.normal(k1, (T, D_MODEL), dtype=jnp.float32)
    router_w = jax.random.normal(k2, (D_MODEL, NUM_EXPERTS), dtype=jnp.float32) * 0.02
    w_gate_up = jax.random.normal(k3, (NUM_EXPERTS, D_MODEL, 2 * D_FF), dtype=jnp.float32) * 0.02
    w_down = jax.random.normal(k4, (NUM_EXPERTS, D_FF, D_MODEL), dtype=jnp.float32) * 0.02
    return {"hidden_states": hidden_states, "router_w": router_w,
            "w_gate_up": w_gate_up, "w_down": w_down}


def _custom_routing(gating_logits):
    # softmax in float32, grouped top-k (router_n_groups), then renormalize
    routing_weights = jax.nn.softmax(gating_logits.astype(jnp.float32), axis=-1)
    t, e = routing_weights.shape
    group_size = e // N_GROUPS
    per_group_top_k = TOP_K // N_GROUPS
    rw_g = routing_weights.reshape(t, N_GROUPS, group_size)
    topk_w, topk_ids = jax.lax.top_k(rw_g, per_group_top_k)  # [t, G, pk]
    group_offsets = (jnp.arange(N_GROUPS) * group_size)[None, :, None]
    topk_ids = (topk_ids + group_offsets).reshape(t, -1)
    topk_w = topk_w.reshape(t, -1)
    if RENORMALIZE:
        topk_w = topk_w / jnp.sum(topk_w, axis=-1, keepdims=True)
    return topk_w, topk_ids


def reference(hidden_states, router_w, w_gate_up, w_down):
    x = hidden_states
    t = x.shape[0]
    # gate (ReplicatedLinear, no bias)
    gating_logits = x @ router_w
    topk_w, topk_ids = _custom_routing(gating_logits)
    # scatter top-k weights into dense combine matrix [t, E]
    rows = jnp.arange(t)[:, None]
    combine = jnp.zeros((t, NUM_EXPERTS), dtype=jnp.float32).at[rows, topk_ids].add(topk_w)
    # expert FFN: merged gate_up proj -> SiluAndMul -> down proj
    gu = jnp.einsum('td,edf->tef', x, w_gate_up)  # [t, E, 2*D_FF]
    g, u = jnp.split(gu, 2, axis=-1)
    h = jax.nn.silu(g) * u
    y_e = jnp.einsum('tef,efd->ted', h, w_down)  # [t, E, d]
    out = jnp.einsum('ted,te->td', y_e, combine)
    return out.astype(x.dtype)

if __name__ == "__main__":
    import jax
    _d = setup_inputs()
    print(jax.jit(kernel)(*tuple(_d.values())))

</pallas_src>

<mosaic_0001>
#map = affine_map<(d0, d1) -> (0, 0)>
module attributes {stable_mosaic.version = 14 : i64} {
  func.func @_scatter_body(%arg0: i32, %arg1: i32, %arg2: memref<2048x768xf32, #tpu.memory_space<hbm>>, %arg3: memref<2x2048xi32, #tpu.memory_space<hbm>>, %arg4: memref<6144x768xf32, #tpu.memory_space<hbm>>, %arg5: memref<64xi32, #tpu.memory_space<vmem>>, %arg6: memref<64xi32, #tpu.memory_space<vmem>>, %arg7: memref<64x768xf32, #tpu.memory_space<vmem>>, %arg8: memref<!tpu.dma_semaphore, #tpu.memory_space<semaphore_mem>>, %arg9: memref<!tpu.dma_semaphore, #tpu.memory_space<semaphore_mem>>) attributes {dimension_semantics = [#tpu.dimension_semantics<core_parallel>, #tpu.dimension_semantics<subcore_parallel>], iteration_bounds = array<i64: 2, 16>, scalar_prefetch = 0 : i64, scratch_operands = 5 : i64, tpu.core_type = #tpu.core_type<sc_vector_subcore>, window_params = [{transform_indices = #map}, {transform_indices = #map}, {transform_indices = #map}]} {
    %mul3A = arith.constant 2 : i32
    %mul3A_0 = arith.muli %arg1, %mul3A : i32
    %add3A = arith.addi %mul3A_0, %arg0 : i32
    %mul3A_1 = arith.constant 64 : i32
    %mul3A_2 = arith.muli %add3A, %mul3A_1 : i32
    %run_scoped3A = arith.constant 0 : i32
    "tpu.region"() ({
      %run_scoped3A_14 = tpu.sem_alloc : memref<!tpu.dma_semaphore, #tpu.memory_space<semaphore_mem>>
      %dma_start3A_15 = tpu.memref_slice %arg3[%run_scoped3A, %mul3A_2] : memref<2x2048xi32, #tpu.memory_space<hbm>> -> memref<1x64xi32, #tpu.memory_space<hbm>>
      %dma_start3A_16 = tpu.memref_squeeze %dma_start3A_15 : memref<1x64xi32, #tpu.memory_space<hbm>> -> memref<64xi32, #tpu.memory_space<hbm>>
      %dma_start3A_17 = tpu.memref_slice %arg3[%run_scoped3A, %mul3A_2] : memref<2x2048xi32, #tpu.memory_space<hbm>> -> memref<1x64xi32, #tpu.memory_space<hbm>>
      %dma_start3A_18 = tpu.memref_squeeze %dma_start3A_17 : memref<1x64xi32, #tpu.memory_space<hbm>> -> memref<64xi32, #tpu.memory_space<hbm>>
      tpu.enqueue_dma source(%dma_start3A_18 : memref<64xi32, #tpu.memory_space<hbm>>) target(%arg5 : memref<64xi32, #tpu.memory_space<vmem>>) target_semaphore(%run_scoped3A_14 : memref<!tpu.dma_semaphore, #tpu.memory_space<semaphore_mem>>)
      %dma_wait3A_19 = tpu.memref_slice %arg3[%run_scoped3A, %mul3A_2] : memref<2x2048xi32, #tpu.memory_space<hbm>> -> memref<1x64xi32, #tpu.memory_space<hbm>>
      %dma_wait3A_20 = tpu.memref_squeeze %dma_wait3A_19 : memref<1x64xi32, #tpu.memory_space<hbm>> -> memref<64xi32, #tpu.memory_space<hbm>>
      %dma_wait3A_21 = tpu.memref_slice %arg3[%run_scoped3A, %mul3A_2] : memref<2x2048xi32, #tpu.memory_space<hbm>> -> memref<1x64xi32, #tpu.memory_space<hbm>>
      %dma_wait3A_22 = tpu.memref_squeeze %dma_wait3A_21 : memref<1x64xi32, #tpu.memory_space<hbm>> -> memref<64xi32, #tpu.memory_space<hbm>>
      tpu.wait_dma2 semaphore(%run_scoped3A_14 : memref<!tpu.dma_semaphore, #tpu.memory_space<semaphore_mem>>) src(%dma_wait3A_22 : memref<64xi32, #tpu.memory_space<hbm>>) dst(%arg5 : memref<64xi32, #tpu.memory_space<vmem>>)
      tpu.yield
    }) : () -> ()
    %run_scoped3A_3 = arith.constant 1 : i32
    "tpu.region"() ({
      %run_scoped3A_14 = tpu.sem_alloc : memref<!tpu.dma_semaphore, #tpu.memory_space<semaphore_mem>>
      %dma_start3A_15 = tpu.memref_slice %arg3[%run_scoped3A_3, %mul3A_2] : memref<2x2048xi32, #tpu.memory_space<hbm>> -> memref<1x64xi32, #tpu.memory_space<hbm>>
      %dma_start3A_16 = tpu.memref_squeeze %dma_start3A_15 : memref<1x64xi32, #tpu.memory_space<hbm>> -> memref<64xi32, #tpu.memory_space<hbm>>
      %dma_start3A_17 = tpu.memref_slice %arg3[%run_scoped3A_3, %mul3A_2] : memref<2x2048xi32, #tpu.memory_space<hbm>> -> memref<1x64xi32, #tpu.memory_space<hbm>>
      %dma_start3A_18 = tpu.memref_squeeze %dma_start3A_17 : memref<1x64xi32, #tpu.memory_space<hbm>> -> memref<64xi32, #tpu.memory_space<hbm>>
      tpu.enqueue_dma source(%dma_start3A_18 : memref<64xi32, #tpu.memory_space<hbm>>) target(%arg6 : memref<64xi32, #tpu.memory_space<vmem>>) target_semaphore(%run_scoped3A_14 : memref<!tpu.dma_semaphore, #tpu.memory_space<semaphore_mem>>)
      %dma_wait3A_19 = tpu.memref_slice %arg3[%run_scoped3A_3, %mul3A_2] : memref<2x2048xi32, #tpu.memory_space<hbm>> -> memref<1x64xi32, #tpu.memory_space<hbm>>
      %dma_wait3A_20 = tpu.memref_squeeze %dma_wait3A_19 : memref<1x64xi32, #tpu.memory_space<hbm>> -> memref<64xi32, #tpu.memory_space<hbm>>
      %dma_wait3A_21 = tpu.memref_slice %arg3[%run_scoped3A_3, %mul3A_2] : memref<2x2048xi32, #tpu.memory_space<hbm>> -> memref<1x64xi32, #tpu.memory_space<hbm>>
      %dma_wait3A_22 = tpu.memref_squeeze %dma_wait3A_21 : memref<1x64xi32, #tpu.memory_space<hbm>> -> memref<64xi32, #tpu.memory_space<hbm>>
      tpu.wait_dma2 semaphore(%run_scoped3A_14 : memref<!tpu.dma_semaphore, #tpu.memory_space<semaphore_mem>>) src(%dma_wait3A_22 : memref<64xi32, #tpu.memory_space<hbm>>) dst(%arg6 : memref<64xi32, #tpu.memory_space<vmem>>)
      tpu.yield
    }) : () -> ()
    "tpu.region"() ({
      %run_scoped3A_14 = tpu.sem_alloc : memref<!tpu.dma_semaphore, #tpu.memory_space<semaphore_mem>>
      %dma_start3A_15 = arith.constant 0 : i32
      %dma_start3A_16 = tpu.memref_slice %arg2[%mul3A_2, %dma_start3A_15] : memref<2048x768xf32, #tpu.memory_space<hbm>> -> memref<64x768xf32, #tpu.memory_space<hbm>>
      %dma_start3A_17 = arith.constant 0 : i32
      %dma_start3A_18 = tpu.memref_slice %arg2[%mul3A_2, %dma_start3A_17] : memref<2048x768xf32, #tpu.memory_space<hbm>> -> memref<64x768xf32, #tpu.memory_space<hbm>>
      tpu.enqueue_dma source(%dma_start3A_18 : memref<64x768xf32, #tpu.memory_space<hbm>>) target(%arg7 : memref<64x768xf32, #tpu.memory_space<vmem>>) target_semaphore(%run_scoped3A_14 : memref<!tpu.dma_semaphore, #tpu.memory_space<semaphore_mem>>)
      %dma_wait3A_19 = arith.constant 0 : i32
      %dma_wait3A_20 = tpu.memref_slice %arg2[%mul3A_2, %dma_wait3A_19] : memref<2048x768xf32, #tpu.memory_space<hbm>> -> memref<64x768xf32, #tpu.memory_space<hbm>>
      %dma_wait3A_21 = arith.constant 0 : i32
      %dma_wait3A_22 = tpu.memref_slice %arg2[%mul3A_2, %dma_wait3A_21] : memref<2048x768xf32, #tpu.memory_space<hbm>> -> memref<64x768xf32, #tpu.memory_space<hbm>>
      tpu.wait_dma2 semaphore(%run_scoped3A_14 : memref<!tpu.dma_semaphore, #tpu.memory_space<semaphore_mem>>) src(%dma_wait3A_22 : memref<64x768xf32, #tpu.memory_space<hbm>>) dst(%arg7 : memref<64x768xf32, #tpu.memory_space<vmem>>)
      tpu.yield
    }) : () -> ()
    %dma_start3A = arith.constant 0 : i32
    %dma_start3A_4 = arith.constant 0 : i32
    %dma_start3A_5 = tpu.memref_slice %arg4[%dma_start3A, %dma_start3A_4] : memref<6144x768xf32, #tpu.memory_space<hbm>> -> memref<6144x768xf32, #tpu.memory_space<hbm>>
    tpu.enqueue_indirect_dma source(%arg7 : memref<64x768xf32, #tpu.memory_space<vmem>>) target(%dma_start3A_5 : memref<6144x768xf32, #tpu.memory_space<hbm>>) offsets(%arg5 : memref<64xi32, #tpu.memory_space<vmem>>) semaphore(%arg8 : memref<!tpu.dma_semaphore, #tpu.memory_space<semaphore_mem>>)
    %dma_start3A_6 = arith.constant 0 : i32
    %dma_start3A_7 = arith.constant 0 : i32
    %dma_start3A_8 = tpu.memref_slice %arg4[%dma_start3A_6, %dma_start3A_7] : memref<6144x768xf32, #tpu.memory_space<hbm>> -> memref<6144x768xf32, #tpu.memory_space<hbm>>
    tpu.enqueue_indirect_dma source(%arg7 : memref<64x768xf32, #tpu.memory_space<vmem>>) target(%dma_start3A_8 : memref<6144x768xf32, #tpu.memory_space<hbm>>) offsets(%arg6 : memref<64xi32, #tpu.memory_space<vmem>>) semaphore(%arg9 : memref<!tpu.dma_semaphore, #tpu.memory_space<semaphore_mem>>)
    %dma_wait3A = arith.constant 0 : i32
    %dma_wait3A_9 = arith.constant 0 : i32
    %dma_wait3A_10 = tpu.memref_slice %arg4[%dma_wait3A, %dma_wait3A_9] : memref<6144x768xf32, #tpu.memory_space<hbm>> -> memref<6144x768xf32, #tpu.memory_space<hbm>>
    tpu.wait_indirect_dma semaphore(%arg8 : memref<!tpu.dma_semaphore, #tpu.memory_space<semaphore_mem>>) src(%arg7 : memref<64x768xf32, #tpu.memory_space<vmem>>) dst(%dma_wait3A_10 : memref<6144x768xf32, #tpu.memory_space<hbm>>)
    %dma_wait3A_11 = arith.constant 0 : i32
    %dma_wait3A_12 = arith.constant 0 : i32
    %dma_wait3A_13 = tpu.memref_slice %arg4[%dma_wait3A_11, %dma_wait3A_12] : memref<6144x768xf32, #tpu.memory_space<hbm>> -> memref<6144x768xf32, #tpu.memory_space<hbm>>
    tpu.wait_indirect_dma semaphore(%arg9 : memref<!tpu.dma_semaphore, #tpu.memory_space<semaphore_mem>>) src(%arg7 : memref<64x768xf32, #tpu.memory_space<vmem>>) dst(%dma_wait3A_13 : memref<6144x768xf32, #tpu.memory_space<hbm>>)
    return
  }
}

#map = affine_map<(d0, d1) -> (0, 0)>
module attributes {stable_mosaic.version = 14 : i64} {
  func.func @_combine_body(%arg0: i32, %arg1: i32, %arg2: memref<6144x768xf32, #tpu.memory_space<hbm>>, %arg3: memref<2x2048xi32, #tpu.memory_space<hbm>>, %arg4: memref<2048x32xf32, #tpu.memory_space<hbm>>, %arg5: memref<2048x768xf32, #tpu.memory_space<hbm>>, %arg6: memref<64xi32, #tpu.memory_space<vmem>>, %arg7: memref<64xi32, #tpu.memory_space<vmem>>, %arg8: memref<64x32xf32, #tpu.memory_space<vmem>>, %arg9: memref<64x768xf32, #tpu.memory_space<vmem>>, %arg10: memref<64x768xf32, #tpu.memory_space<vmem>>, %arg11: memref<!tpu.dma_semaphore, #tpu.memory_space<semaphore_mem>>, %arg12: memref<!tpu.dma_semaphore, #tpu.memory_space<semaphore_mem>>) attributes {dimension_semantics = [#tpu.dimension_semantics<core_parallel>, #tpu.dimension_semantics<subcore_parallel>], iteration_bounds = array<i64: 2, 16>, scalar_prefetch = 0 : i64, scratch_operands = 7 : i64, tpu.core_type = #tpu.core_type<sc_vector_subcore>, window_params = [{transform_indices = #map}, {transform_indices = #map}, {transform_indices = #map}, {transform_indices = #map}]} {
    %mul3A = arith.constant 2 : i32
    %mul3A_0 = arith.muli %arg1, %mul3A : i32
    %add3A = arith.addi %mul3A_0, %arg0 : i32
    %mul3A_1 = arith.constant 64 : i32
    %mul3A_2 = arith.muli %add3A, %mul3A_1 : i32
    %run_scoped3A = arith.constant 0 : i32
    "tpu.region"() ({
      %run_scoped3A_99 = tpu.sem_alloc : memref<!tpu.dma_semaphore, #tpu.memory_space<semaphore_mem>>
      %dma_start3A_100 = tpu.memref_slice %arg3[%run_scoped3A, %mul3A_2] : memref<2x2048xi32, #tpu.memory_space<hbm>> -> memref<1x64xi32, #tpu.memory_space<hbm>>
      %dma_start3A_101 = tpu.memref_squeeze %dma_start3A_100 : memref<1x64xi32, #tpu.memory_space<hbm>> -> memref<64xi32, #tpu.memory_space<hbm>>
      %dma_start3A_102 = tpu.memref_slice %arg3[%run_scoped3A, %mul3A_2] : memref<2x2048xi32, #tpu.memory_space<hbm>> -> memref<1x64xi32, #tpu.memory_space<hbm>>
      %dma_start3A_103 = tpu.memref_squeeze %dma_start3A_102 : memref<1x64xi32, #tpu.memory_space<hbm>> -> memref<64xi32, #tpu.memory_space<hbm>>
      tpu.enqueue_dma source(%dma_start3A_103 : memref<64xi32, #tpu.memory_space<hbm>>) target(%arg6 : memref<64xi32, #tpu.memory_space<vmem>>) target_semaphore(%run_scoped3A_99 : memref<!tpu.dma_semaphore, #tpu.memory_space<semaphore_mem>>)
      %dma_wait3A_104 = tpu.memref_slice %arg3[%run_scoped3A, %mul3A_2] : memref<2x2048xi32, #tpu.memory_space<hbm>> -> memref<1x64xi32, #tpu.memory_space<hbm>>
      %dma_wait3A_105 = tpu.memref_squeeze %dma_wait3A_104 : memref<1x64xi32, #tpu.memory_space<hbm>> -> memref<64xi32, #tpu.memory_space<hbm>>
      %dma_wait3A_106 = tpu.memref_slice %arg3[%run_scoped3A, %mul3A_2] : memref<2x2048xi32, #tpu.memory_space<hbm>> -> memref<1x64xi32, #tpu.memory_space<hbm>>
      %dma_wait3A_107 = tpu.memref_squeeze %dma_wait3A_106 : memref<1x64xi32, #tpu.memory_space<hbm>> -> memref<64xi32, #tpu.memory_space<hbm>>
      tpu.wait_dma2 semaphore(%run_scoped3A_99 : memref<!tpu.dma_semaphore, #tpu.memory_space<semaphore_mem>>) src(%dma_wait3A_107 : memref<64xi32, #tpu.memory_space<hbm>>) dst(%arg6 : memref<64xi32, #tpu.memory_space<vmem>>)
      tpu.yield
    }) : () -> ()
    %run_scoped3A_3 = arith.constant 1 : i32
    "tpu.region"() ({
      %run_scoped3A_99 = tpu.sem_alloc : memref<!tpu.dma_semaphore, #tpu.memory_space<semaphore_mem>>
      %dma_start3A_100 = tpu.memref_slice %arg3[%run_scoped3A_3, %mul3A_2] : memref<2x2048xi32, #tpu.memory_space<hbm>> -> memref<1x64xi32, #tpu.memory_space<hbm>>
      %dma_start3A_101 = tpu.memref_squeeze %dma_start3A_100 : memref<1x64xi32, #tpu.memory_space<hbm>> -> memref<64xi32, #tpu.memory_space<hbm>>
      %dma_start3A_102 = tpu.memref_slice %arg3[%run_scoped3A_3, %mul3A_2] : memref<2x2048xi32, #tpu.memory_space<hbm>> -> memref<1x64xi32, #tpu.memory_space<hbm>>
      %dma_start3A_103 = tpu.memref_squeeze %dma_start3A_102 : memref<1x64xi32, #tpu.memory_space<hbm>> -> memref<64xi32, #tpu.memory_space<hbm>>
      tpu.enqueue_dma source(%dma_start3A_103 : memref<64xi32, #tpu.memory_space<hbm>>) target(%arg7 : memref<64xi32, #tpu.memory_space<vmem>>) target_semaphore(%run_scoped3A_99 : memref<!tpu.dma_semaphore, #tpu.memory_space<semaphore_mem>>)
      %dma_wait3A_104 = tpu.memref_slice %arg3[%run_scoped3A_3, %mul3A_2] : memref<2x2048xi32, #tpu.memory_space<hbm>> -> memref<1x64xi32, #tpu.memory_space<hbm>>
      %dma_wait3A_105 = tpu.memref_squeeze %dma_wait3A_104 : memref<1x64xi32, #tpu.memory_space<hbm>> -> memref<64xi32, #tpu.memory_space<hbm>>
      %dma_wait3A_106 = tpu.memref_slice %arg3[%run_scoped3A_3, %mul3A_2] : memref<2x2048xi32, #tpu.memory_space<hbm>> -> memref<1x64xi32, #tpu.memory_space<hbm>>
      %dma_wait3A_107 = tpu.memref_squeeze %dma_wait3A_106 : memref<1x64xi32, #tpu.memory_space<hbm>> -> memref<64xi32, #tpu.memory_space<hbm>>
      tpu.wait_dma2 semaphore(%run_scoped3A_99 : memref<!tpu.dma_semaphore, #tpu.memory_space<semaphore_mem>>) src(%dma_wait3A_107 : memref<64xi32, #tpu.memory_space<hbm>>) dst(%arg7 : memref<64xi32, #tpu.memory_space<vmem>>)
      tpu.yield
    }) : () -> ()
    "tpu.region"() ({
      %run_scoped3A_99 = tpu.sem_alloc : memref<!tpu.dma_semaphore, #tpu.memory_space<semaphore_mem>>
      %dma_start3A_100 = arith.constant 0 : i32
      %dma_start3A_101 = tpu.memref_slice %arg4[%mul3A_2, %dma_start3A_100] : memref<2048x32xf32, #tpu.memory_space<hbm>> -> memref<64x32xf32, #tpu.memory_space<hbm>>
      %dma_start3A_102 = arith.constant 0 : i32
      %dma_start3A_103 = tpu.memref_slice %arg4[%mul3A_2, %dma_start3A_102] : memref<2048x32xf32, #tpu.memory_space<hbm>> -> memref<64x32xf32, #tpu.memory_space<hbm>>
      tpu.enqueue_dma source(%dma_start3A_103 : memref<64x32xf32, #tpu.memory_space<hbm>>) target(%arg8 : memref<64x32xf32, #tpu.memory_space<vmem>>) target_semaphore(%run_scoped3A_99 : memref<!tpu.dma_semaphore, #tpu.memory_space<semaphore_mem>>)
      %dma_wait3A_104 = arith.constant 0 : i32
      %dma_wait3A_105 = tpu.memref_slice %arg4[%mul3A_2, %dma_wait3A_104] : memref<2048x32xf32, #tpu.memory_space<hbm>> -> memref<64x32xf32, #tpu.memory_space<hbm>>
      %dma_wait3A_106 = arith.constant 0 : i32
      %dma_wait3A_107 = tpu.memref_slice %arg4[%mul3A_2, %dma_wait3A_106] : memref<2048x32xf32, #tpu.memory_space<hbm>> -> memref<64x32xf32, #tpu.memory_space<hbm>>
      tpu.wait_dma2 semaphore(%run_scoped3A_99 : memref<!tpu.dma_semaphore, #tpu.memory_space<semaphore_mem>>) src(%dma_wait3A_107 : memref<64x32xf32, #tpu.memory_space<hbm>>) dst(%arg8 : memref<64x32xf32, #tpu.memory_space<vmem>>)
      tpu.yield
    }) : () -> ()
    %dma_start3A = arith.constant 0 : i32
    %dma_start3A_4 = arith.constant 0 : i32
    %dma_start3A_5 = tpu.memref_slice %arg9[%dma_start3A, %dma_start3A_4] : memref<64x768xf32, #tpu.memory_space<vmem>> -> memref<32x768xf32, #tpu.memory_space<vmem>>
    %dma_start3A_6 = arith.constant 0 : i32
    %dma_start3A_7 = tpu.memref_slice %arg6[%dma_start3A_6] : memref<64xi32, #tpu.memory_space<vmem>> -> memref<32xi32, #tpu.memory_space<vmem>>
    %dma_start3A_8 = arith.constant 0 : i32
    %dma_start3A_9 = arith.constant 0 : i32
    %dma_start3A_10 = tpu.memref_slice %arg2[%dma_start3A_8, %dma_start3A_9] : memref<6144x768xf32, #tpu.memory_space<hbm>> -> memref<6144x768xf32, #tpu.memory_space<hbm>>
    tpu.enqueue_indirect_dma source(%dma_start3A_10 : memref<6144x768xf32, #tpu.memory_space<hbm>>) target(%dma_start3A_5 : memref<32x768xf32, #tpu.memory_space<vmem>>) offsets(%dma_start3A_7 : memref<32xi32, #tpu.memory_space<vmem>>) semaphore(%arg11 : memref<!tpu.dma_semaphore, #tpu.memory_space<semaphore_mem>>)
    %dma_start3A_11 = arith.constant 0 : i32
    %dma_start3A_12 = arith.constant 0 : i32
    %dma_start3A_13 = tpu.memref_slice %arg10[%dma_start3A_11, %dma_start3A_12] : memref<64x768xf32, #tpu.memory_space<vmem>> -> memref<32x768xf32, #tpu.memory_space<vmem>>
    %dma_start3A_14 = arith.constant 0 : i32
    %dma_start3A_15 = tpu.memref_slice %arg7[%dma_start3A_14] : memref<64xi32, #tpu.memory_space<vmem>> -> memref<32xi32, #tpu.memory_space<vmem>>
    %dma_start3A_16 = arith.constant 0 : i32
    %dma_start3A_17 = arith.constant 0 : i32
    %dma_start3A_18 = tpu.memref_slice %arg2[%dma_start3A_16, %dma_start3A_17] : memref<6144x768xf32, #tpu.memory_space<hbm>> -> memref<6144x768xf32, #tpu.memory_space<hbm>>
    tpu.enqueue_indirect_dma source(%dma_start3A_18 : memref<6144x768xf32, #tpu.memory_space<hbm>>) target(%dma_start3A_13 : memref<32x768xf32, #tpu.memory_space<vmem>>) offsets(%dma_start3A_15 : memref<32xi32, #tpu.memory_space<vmem>>) semaphore(%arg11 : memref<!tpu.dma_semaphore, #tpu.memory_space<semaphore_mem>>)
    %dma_start3A_19 = arith.constant 32 : i32
    %dma_start3A_20 = arith.constant 0 : i32
    %dma_start3A_21 = tpu.memref_slice %arg9[%dma_start3A_19, %dma_start3A_20] : memref<64x768xf32, #tpu.memory_space<vmem>> -> memref<32x768xf32, #tpu.memory_space<vmem>>
    %dma_start3A_22 = arith.constant 32 : i32
    %dma_start3A_23 = tpu.memref_slice %arg6[%dma_start3A_22] : memref<64xi32, #tpu.memory_space<vmem>> -> memref<32xi32, #tpu.memory_space<vmem>>
    %dma_start3A_24 = arith.constant 0 : i32
    %dma_start3A_25 = arith.constant 0 : i32
    %dma_start3A_26 = tpu.memref_slice %arg2[%dma_start3A_24, %dma_start3A_25] : memref<6144x768xf32, #tpu.memory_space<hbm>> -> memref<6144x768xf32, #tpu.memory_space<hbm>>
    tpu.enqueue_indirect_dma source(%dma_start3A_26 : memref<6144x768xf32, #tpu.memory_space<hbm>>) target(%dma_start3A_21 : memref<32x768xf32, #tpu.memory_space<vmem>>) offsets(%dma_start3A_23 : memref<32xi32, #tpu.memory_space<vmem>>) semaphore(%arg11 : memref<!tpu.dma_semaphore, #tpu.memory_space<semaphore_mem>>)
    %dma_start3A_27 = arith.constant 32 : i32
    %dma_start3A_28 = arith.constant 0 : i32
    %dma_start3A_29 = tpu.memref_slice %arg10[%dma_start3A_27, %dma_start3A_28] : memref<64x768xf32, #tpu.memory_space<vmem>> -> memref<32x768xf32, #tpu.memory_space<vmem>>
    %dma_start3A_30 = arith.constant 32 : i32
    %dma_start3A_31 = tpu.memref_slice %arg7[%dma_start3A_30] : memref<64xi32, #tpu.memory_space<vmem>> -> memref<32xi32, #tpu.memory_space<vmem>>
    %dma_start3A_32 = arith.constant 0 : i32
    %dma_start3A_33 = arith.constant 0 : i32
    %dma_start3A_34 = tpu.memref_slice %arg2[%dma_start3A_32, %dma_start3A_33] : memref<6144x768xf32, #tpu.memory_space<hbm>> -> memref<6144x768xf32, #tpu.memory_space<hbm>>
    tpu.enqueue_indirect_dma source(%dma_start3A_34 : memref<6144x768xf32, #tpu.memory_space<hbm>>) target(%dma_start3A_29 : memref<32x768xf32, #tpu.memory_space<vmem>>) offsets(%dma_start3A_31 : memref<32xi32, #tpu.memory_space<vmem>>) semaphore(%arg11 : memref<!tpu.dma_semaphore, #tpu.memory_space<semaphore_mem>>)
    %dma_wait3A = arith.constant 0 : i32
    %dma_wait3A_35 = arith.constant 0 : i32
    %dma_wait3A_36 = tpu.memref_slice %arg9[%dma_wait3A, %dma_wait3A_35] : memref<64x768xf32, #tpu.memory_space<vmem>> -> memref<32x768xf32, #tpu.memory_space<vmem>>
    %dma_wait3A_37 = arith.constant 0 : i32
    %dma_wait3A_38 = tpu.memref_slice %arg6[%dma_wait3A_37] : memref<64xi32, #tpu.memory_space<vmem>> -> memref<32xi32, #tpu.memory_space<vmem>>
    %dma_wait3A_39 = arith.constant 0 : i32
    %dma_wait3A_40 = arith.constant 0 : i32
    %dma_wait3A_41 = tpu.memref_slice %arg2[%dma_wait3A_39, %dma_wait3A_40] : memref<6144x768xf32, #tpu.memory_space<hbm>> -> memref<6144x768xf32, #tpu.memory_space<hbm>>
    tpu.wait_indirect_dma semaphore(%arg11 : memref<!tpu.dma_semaphore, #tpu.memory_space<semaphore_mem>>) src(%dma_wait3A_41 : memref<6144x768xf32, #tpu.memory_space<hbm>>) dst(%dma_wait3A_36 : memref<32x768xf32, #tpu.memory_space<vmem>>)
    %dma_wait3A_42 = arith.constant 0 : i32
    %dma_wait3A_43 = arith.constant 0 : i32
    %dma_wait3A_44 = tpu.memref_slice %arg10[%dma_wait3A_42, %dma_wait3A_43] : memref<64x768xf32, #tpu.memory_space<vmem>> -> memref<32x768xf32, #tpu.memory_space<vmem>>
    %dma_wait3A_45 = arith.constant 0 : i32
    %dma_wait3A_46 = tpu.memref_slice %arg7[%dma_wait3A_45] : memref<64xi32, #tpu.memory_space<vmem>> -> memref<32xi32, #tpu.memory_space<vmem>>
    %dma_wait3A_47 = arith.constant 0 : i32
    %dma_wait3A_48 = arith.constant 0 : i32
    %dma_wait3A_49 = tpu.memref_slice %arg2[%dma_wait3A_47, %dma_wait3A_48] : memref<6144x768xf32, #tpu.memory_space<hbm>> -> memref<6144x768xf32, #tpu.memory_space<hbm>>
    tpu.wait_indirect_dma semaphore(%arg11 : memref<!tpu.dma_semaphore, #tpu.memory_space<semaphore_mem>>) src(%dma_wait3A_49 : memref<6144x768xf32, #tpu.memory_space<hbm>>) dst(%dma_wait3A_44 : memref<32x768xf32, #tpu.memory_space<vmem>>)
    %scan3A = arith.constant 0 : i32
    %scan3A_50 = arith.constant 0 : i32
    %scan3A_51 = arith.constant 32 : i32
    %scan3A_52 = arith.addi %scan3A_50, %scan3A_51 : i32
    %scan3A_53 = arith.constant 1 : i32
    scf.for %scan3A_99 = %scan3A_50 to %scan3A_52 step %scan3A_53  : i32 {
      %get3A = arith.index_cast %scan3A_99 : i32 to index
      %get3A_100 = arith.constant 0 : index
      %get3A_101 = tpu.vector_load %arg8[%get3A, %get3A_100] {strides = array<i32>} : memref<64x32xf32, #tpu.memory_space<vmem>>, vector<1x16xf32>,
      %get3A_102 = vector.shape_cast %get3A_101 : vector<1x16xf32> to vector<16xf32>
      %get3A_103 = arith.index_cast %scan3A_99 : i32 to index
      %get3A_104 = arith.constant 16 : index
      %get3A_105 = tpu.vector_load %arg8[%get3A_103, %get3A_104] {strides = array<i32>} : memref<64x32xf32, #tpu.memory_space<vmem>>, vector<1x16xf32>,
      %get3A_106 = vector.shape_cast %get3A_105 : vector<1x16xf32> to vector<16xf32>
      %get3A_107 = arith.index_cast %scan3A_99 : i32 to index
      %get3A_108 = arith.constant 0 : index
      %get3A_109 = tpu.vector_load %arg9[%get3A_107, %get3A_108] {strides = array<i32>} : memref<64x768xf32, #tpu.memory_space<vmem>>, vector<1x16xf32>,
      %get3A_110 = vector.shape_cast %get3A_109 : vector<1x16xf32> to vector<16xf32>
      %mul3A_111 = arith.mulf %get3A_110, %get3A_102 : vector<16xf32>
      %get3A_112 = arith.index_cast %scan3A_99 : i32 to index
      %get3A_113 = arith.constant 0 : index
      %get3A_114 = tpu.vector_load %arg10[%get3A_112, %get3A_113] {strides = array<i32>} : memref<64x768xf32, #tpu.memory_space<vmem>>, vector<1x16xf32>,
      %get3A_115 = vector.shape_cast %get3A_114 : vector<1x16xf32> to vector<16xf32>
      %mul3A_116 = arith.mulf %get3A_115, %get3A_106 : vector<16xf32>
      %add3A_117 = arith.addf %mul3A_111, %mul3A_116 : vector<16xf32>
      %swap3A = arith.index_cast %scan3A_99 : i32 to index
      %swap3A_118 = arith.constant 0 : index
      %swap3A_119 = tpu.vector_load %arg9[%swap3A, %swap3A_118] {strides = array<i32>} : memref<64x768xf32, #tpu.memory_space<vmem>>, vector<1x16xf32>,
      %swap3A_120 = vector.shape_cast %swap3A_119 : vector<1x16xf32> to vector<16xf32>
      %swap3A_121 = vector.shape_cast %add3A_117 : vector<16xf32> to vector<1x16xf32>
      tpu.vector_store %arg9[%swap3A, %swap3A_118], %swap3A_121 {strides = array<i32>} : memref<64x768xf32, #tpu.memory_space<vmem>>, vector<1x16xf32>,
      %get3A_122 = arith.index_cast %scan3A_99 : i32 to index
      %get3A_123 = arith.constant 16 : index
      %get3A_124 = tpu.vector_load %arg9[%get3A_122, %get3A_123] {strides = array<i32>} : memref<64x768xf32, #tpu.memory_space<vmem>>, vector<1x16xf32>,
      %get3A_125 = vector.shape_cast %get3A_124 : vector<1x16xf32> to vector<16xf32>
      %mul3A_126 = arith.mulf %get3A_125, %get3A_102 : vector<16xf32>
      %get3A_127 = arith.index_cast %scan3A_99 : i32 to index
      %get3A_128 = arith.constant 16 : index
      %get3A_129 = tpu.vector_load %arg10[%get3A_127, %get3A_128] {strides = array<i32>} : memref<64x768xf32, #tpu.memory_space<vmem>>, vector<1x16xf32>,
      %get3A_130 = vector.shape_cast %get3A_129 : vector<1x16xf32> to vector<16xf32>
      %mul3A_131 = arith.mulf %get3A_130, %get3A_106 : vector<16xf32>
      %add3A_132 = arith.addf %mul3A_126, %mul3A_131 : vector<16xf32>
      %swap3A_133 = arith.index_cast %scan3A_99 : i32 to index
      %swap3A_134 = arith.constant 16 : index
      %swap3A_135 = tpu.vector_load %arg9[%swap3A_133, %swap3A_134] {strides = array<i32>} : memref<64x768xf32, #tpu.memory_space<vmem>>, vector<1x16xf32>,
      %swap3A_136 = vector.shape_cast %swap3A_135 : vector<1x16xf32> to vector<16xf32>
      %swap3A_137 = vector.shape_cast %add3A_132 : vector<16xf32> to vector<1x16xf32>
      tpu.vector_store %arg9[%swap3A_133, %swap3A_134], %swap3A_137 {strides = array<i32>} : memref<64x768xf32, #tpu.memory_space<vmem>>, vector<1x16xf32>,
      %get3A_138 = arith.index_cast %scan3A_99 : i32 to index
      %get3A_139 = arith.constant 32 : index
      %get3A_140 = tpu.vector_load %arg9[%get3A_138, %get3A_139] {strides = array<i32>} : memref<64x768xf32, #tpu.memory_space<vmem>>, vector<1x16xf32>,
      %get3A_141 = vector.shape_cast %get3A_140 : vector<1x16xf32> to vector<16xf32>
      %mul3A_142 = arith.mulf %get3A_141, %get3A_102 : vector<16xf32>
      %get3A_143 = arith.index_cast %scan3A_99 : i32 to index
      %get3A_144 = arith.constant 32 : index
      %get3A_145 = tpu.vector_load %arg10[%get3A_143, %get3A_144] {strides = array<i32>} : memref<64x768xf32, #tpu.memory_space<vmem>>, vector<1x16xf32>,
      %get3A_146 = vector.shape_cast %get3A_145 : vector<1x16xf32> to vector<16xf32>
      %mul3A_147 = arith.mulf %get3A_146, %get3A_106 : vector<16xf32>
      %add3A_148 = arith.addf %mul3A_142, %mul3A_147 : vector<16xf32>
      %swap3A_149 = arith.index_cast %scan3A_99 : i32 to index
      %swap3A_150 = arith.constant 32 : index
      %swap3A_151 = tpu.vector_load %arg9[%swap3A_149, %swap3A_150] {strides = array<i32>} : memref<64x768xf32, #tpu.memory_space<vmem>>, vector<1x16xf32>,
      %swap3A_152 = vector.shape_cast %swap3A_151 : vector<1x16xf32> to vector<16xf32>
      %swap3A_153 = vector.shape_cast %add3A_148 : vector<16xf32> to vector<1x16xf32>
      tpu.vector_store %arg9[%swap3A_149, %swap3A_150], %swap3A_153 {strides = array<i32>} : memref<64x768xf32, #tpu.memory_space<vmem>>, vector<1x16xf32>,
      %get3A_154 = arith.index_cast %scan3A_99 : i32 to index
      %get3A_155 = arith.constant 48 : index
      %get3A_156 = tpu.vector_load %arg9[%get3A_154, %get3A_155] {strides = array<i32>} : memref<64x768xf32, #tpu.memory_space<vmem>>, vector<1x16xf32>,
      %get3A_157 = vector.shape_cast %get3A_156 : vector<1x16xf32> to vector<16xf32>
      %mul3A_158 = arith.mulf %get3A_157, %get3A_102 : vector<16xf32>
      %get3A_159 = arith.index_cast %scan3A_99 : i32 to index
      %get3A_160 = arith.constant 48 : index
      %get3A_161 = tpu.vector_load %arg10[%get3A_159, %get3A_160] {strides = array<i32>} : memref<64x768xf32, #tpu.memory_space<vmem>>, vector<1x16xf32>,
      %get3A_162 = vector.shape_cast %get3A_161 : vector<1x16xf32> to vector<16xf32>
      %mul3A_163 = arith.mulf %get3A_162, %get3A_106 : vector<16xf32>
      %add3A_164 = arith.addf %mul3A_158, %mul3A_163 : vector<16xf32>
      %swap3A_165 = arith.index_cast %scan3A_99 : i32 to index
      %swap3A_166 = arith.constant 48 : index
      %swap3A_167 = tpu.vector_load %arg9[%swap3A_165, %swap3A_166] {strides = array<i32>} : memref<64x768xf32, #tpu.memory_space<vmem>>, vector<1x16xf32>,
      %swap3A_168 = vector.shape_cast %swap3A_167 : vector<1x16xf32> to vector<16xf32>
      %swap3A_169 = vector.shape_cast %add3A_164 : vector<16xf32> to vector<1x16xf32>
      tpu.vector_store %arg9[%swap3A_165, %swap3A_166], %swap3A_169 {strides = array<i32>} : memref<64x768xf32, #tpu.memory_space<vmem>>, vector<1x16xf32>,
      %get3A_170 = arith.index_cast %scan3A_99 : i32 to index
      %get3A_171 = arith.constant 64 : index
      %get3A_172 = tpu.vector_load %arg9[%get3A_170, %get3A_171] {strides = array<i32>} : memref<64x768xf32, #tpu.memory_space<vmem>>, vector<1x16xf32>,
      %get3A_173 = vector.shape_cast %get3A_172 : vector<1x16xf32> to vector<16xf32>
      %mul3A_174 = arith.mulf %get3A_173, %get3A_102 : vector<16xf32>
      %get3A_175 = arith.index_cast %scan3A_99 : i32 to index
      %get3A_176 = arith.constant 64 : index
      %get3A_177 = tpu.vector_load %arg10[%get3A_175, %get3A_176] {strides = array<i32>} : memref<64x768xf32, #tpu.memory_space<vmem>>, vector<1x16xf32>,
      %get3A_178 = vector.shape_cast %get3A_177 : vector<1x16xf32> to vector<16xf32>
      %mul3A_179 = arith.mulf %get3A_178, %get3A_106 : vector<16xf32>
      %add3A_180 = arith.addf %mul3A_174, %mul3A_179 : vector<16xf32>
      %swap3A_181 = arith.index_cast %scan3A_99 : i32 to index
      %swap3A_182 = arith.constant 64 : index
      %swap3A_183 = tpu.vector_load %arg9[%swap3A_181, %swap3A_182] {strides = array<i32>} : memref<64x768xf32, #tpu.memory_space<vmem>>, vector<1x16xf32>,
      %swap3A_184 = vector.shape_cast %swap3A_183 : vector<1x16xf32> to vector<16xf32>
      %swap3A_185 = vector.shape_cast %add3A_180 : vector<16xf32> to vector<1x16xf32>
      tpu.vector_store %arg9[%swap3A_181, %swap3A_182], %swap3A_185 {strides = array<i32>} : memref<64x768xf32, #tpu.memory_space<vmem>>, vector<1x16xf32>,
      %get3A_186 = arith.index_cast %scan3A_99 : i32 to index
      %get3A_187 = arith.constant 80 : index
      %get3A_188 = tpu.vector_load %arg9[%get3A_186, %get3A_187] {strides = array<i32>} : memref<64x768xf32, #tpu.memory_space<vmem>>, vector<1x16xf32>,
      %get3A_189 = vector.shape_cast %get3A_188 : vector<1x16xf32> to vector<16xf32>
      %mul3A_190 = arith.mulf %get3A_189, %get3A_102 : vector<16xf32>
      %get3A_191 = arith.index_cast %scan3A_99 : i32 to index
      %get3A_192 = arith.constant 80 : index
      %get3A_193 = tpu.vector_load %arg10[%get3A_191, %get3A_192] {strides = array<i32>} : memref<64x768xf32, #tpu.memory_space<vmem>>, vector<1x16xf32>,
      %get3A_194 = vector.shape_cast %get3A_193 : vector<1x16xf32> to vector<16xf32>
      %mul3A_195 = arith.mulf %get3A_194, %get3A_106 : vector<16xf32>
      %add3A_196 = arith.addf %mul3A_190, %mul3A_195 : vector<16xf32>
      %swap3A_197 = arith.index_cast %scan3A_99 : i32 to index
      %swap3A_198 = arith.constant 80 : index
      %swap3A_199 = tpu.vector_load %arg9[%swap3A_197, %swap3A_198] {strides = array<i32>} : memref<64x768xf32, #tpu.memory_space<vmem>>, vector<1x16xf32>,
      %swap3A_200 = vector.shape_cast %swap3A_199 : vector<1x16xf32> to vector<16xf32>
      %swap3A_201 = vector.shape_cast %add3A_196 : vector<16xf32> to vector<1x16xf32>
      tpu.vector_store %arg9[%swap3A_197, %swap3A_198], %swap3A_201 {strides = array<i32>} : memref<64x768xf32, #tpu.memory_space<vmem>>, vector<1x16xf32>,
      %get3A_202 = arith.index_cast %scan3A_99 : i32 to index
      %get3A_203 = arith.constant 96 : index
      %get3A_204 = tpu.vector_load %arg9[%get3A_202, %get3A_203] {strides = array<i32>} : memref<64x768xf32, #tpu.memory_space<vmem>>, vector<1x16xf32>,
      %get3A_205 = vector.shape_cast %get3A_204 : vector<1x16xf32> to vector<16xf32>
      %mul3A_206 = arith.mulf %get3A_205, %get3A_102 : vector<16xf32>
      %get3A_207 = arith.index_cast %scan3A_99 : i32 to index
      %get3A_208 = arith.constant 96 : index
      %get3A_209 = tpu.vector_load %arg10[%get3A_207, %get3A_208] {strides = array<i32>} : memref<64x768xf32, #tpu.memory_space<vmem>>, vector<1x16xf32>,
      %get3A_210 = vector.shape_cast %get3A_209 : vector<1x16xf32> to vector<16xf32>
      %mul3A_211 = arith.mulf %get3A_210, %get3A_106 : vector<16xf32>
      %add3A_212 = arith.addf %mul3A_206, %mul3A_211 : vector<16xf32>
      %swap3A_213 = arith.index_cast %scan3A_99 : i32 to index
      %swap3A_214 = arith.constant 96 : index
      %swap3A_215 = tpu.vector_load %arg9[%swap3A_213, %swap3A_214] {strides = array<i32>} : memref<64x768xf32, #tpu.memory_space<vmem>>, vector<1x16xf32>,
      %swap3A_216 = vector.shape_cast %swap3A_215 : vector<1x16xf32> to vector<16xf32>
      %swap3A_217 = vector.shape_cast %add3A_212 : vector<16xf32> to vector<1x16xf32>
      tpu.vector_store %arg9[%swap3A_213, %swap3A_214], %swap3A_217 {strides = array<i32>} : memref<64x768xf32, #tpu.memory_space<vmem>>, vector<1x16xf32>,
      %get3A_218 = arith.index_cast %scan3A_99 : i32 to index
      %get3A_219 = arith.constant 112 : index
      %get3A_220 = tpu.vector_load %arg9[%get3A_218, %get3A_219] {strides = array<i32>} : memref<64x768xf32, #tpu.memory_space<vmem>>, vector<1x16xf32>,
      %get3A_221 = vector.shape_cast %get3A_220 : vector<1x16xf32> to vector<16xf32>
      %mul3A_222 = arith.mulf %get3A_221, %get3A_102 : vector<16xf32>
      %get3A_223 = arith.index_cast %scan3A_99 : i32 to index
      %get3A_224 = arith.constant 112 : index
      %get3A_225 = tpu.vector_load %arg10[%get3A_223, %get3A_224] {strides = array<i32>} : memref<64x768xf32, #tpu.memory_space<vmem>>, vector<1x16xf32>,
      %get3A_226 = vector.shape_cast %get3A_225 : vector<1x16xf32> to vector<16xf32>
      %mul3A_227 = arith.mulf %get3A_226, %get3A_106 : vector<16xf32>
      %add3A_228 = arith.addf %mul3A_222, %mul3A_227 : vector<16xf32>
      %swap3A_229 = arith.index_cast %scan3A_99 : i32 to index
      %swap3A_230 = arith.constant 112 : index
      %swap3A_231 = tpu.vector_load %arg9[%swap3A_229, %swap3A_230] {strides = array<i32>} : memref<64x768xf32, #tpu.memory_space<vmem>>, vector<1x16xf32>,
      %swap3A_232 = vector.shape_cast %swap3A_231 : vector<1x16xf32> to vector<16xf32>
      %swap3A_233 = vector.shape_cast %add3A_228 : vector<16xf32> to vector<1x16xf32>
      tpu.vector_store %arg9[%swap3A_229, %swap3A_230], %swap3A_233 {strides = array<i32>} : memref<64x768xf32, #tpu.memory_space<vmem>>, vector<1x16xf32>,
      %get3A_234 = arith.index_cast %scan3A_99 : i32 to index
      %get3A_235 = arith.constant 128 : index
      %get3A_236 = tpu.vector_load %arg9[%get3A_234, %get3A_235] {strides = array<i32>} : memref<64x768xf32, #tpu.memory_space<vmem>>, vector<1x16xf32>,
      %get3A_237 = vector.shape_cast %get3A_236 : vector<1x16xf32> to vector<16xf32>
      %mul3A_238 = arith.mulf %get3A_237, %get3A_102 : vector<16xf32>
      %get3A_239 = arith.index_cast %scan3A_99 : i32 to index
      %get3A_240 = arith.constant 128 : index
      %get3A_241 = tpu.vector_load %arg10[%get3A_239, %get3A_240] {strides = array<i32>} : memref<64x768xf32, #tpu.memory_space<vmem>>, vector<1x16xf32>,
      %get3A_242 = vector.shape_cast %get3A_241 : vector<1x16xf32> to vector<16xf32>
      %mul3A_243 = arith.mulf %get3A_242, %get3A_106 : vector<16xf32>
      %add3A_244 = arith.addf %mul3A_238, %mul3A_243 : vector<16xf32>
      %swap3A_245 = arith.index_cast %scan3A_99 : i32 to index
      %swap3A_246 = arith.constant 128 : index
      %swap3A_247 = tpu.vector_load %arg9[%swap3A_245, %swap3A_246] {strides = array<i32>} : memref<64x768xf32, #tpu.memory_space<vmem>>, vector<1x16xf32>,
      %swap3A_248 = vector.shape_cast %swap3A_247 : vector<1x16xf32> to vector<16xf32>
      %swap3A_249 = vector.shape_cast %add3A_244 : vector<16xf32> to vector<1x16xf32>
      tpu.vector_store %arg9[%swap3A_245, %swap3A_246], %swap3A_249 {strides = array<i32>} : memref<64x768xf32, #tpu.memory_space<vmem>>, vector<1x16xf32>,
      %get3A_250 = arith.index_cast %scan3A_99 : i32 to index
      %get3A_251 = arith.constant 144 : index
      %get3A_252 = tpu.vector_load %arg9[%get3A_250, %get3A_251] {strides = array<i32>} : memref<64x768xf32, #tpu.memory_space<vmem>>, vector<1x16xf32>,
      %get3A_253 = vector.shape_cast %get3A_252 : vector<1x16xf32> to vector<16xf32>
      %mul3A_254 = arith.mulf %get3A_253, %get3A_102 : vector<16xf32>
      %get3A_255 = arith.index_cast %scan3A_99 : i32 to index
      %get3A_256 = arith.constant 144 : index
      %get3A_257 = tpu.vector_load %arg10[%get3A_255, %get3A_256] {strides = array<i32>} : memref<64x768xf32, #tpu.memory_space<vmem>>, vector<1x16xf32>,
      %get3A_258 = vector.shape_cast %get3A_257 : vector<1x16xf32> to vector<16xf32>
      %mul3A_259 = arith.mulf %get3A_258, %get3A_106 : vector<16xf32>
      %add3A_260 = arith.addf %mul3A_254, %mul3A_259 : vector<16xf32>
      %swap3A_261 = arith.index_cast %scan3A_99 : i32 to index
      %swap3A_262 = arith.constant 144 : index
      %swap3A_263 = tpu.vector_load %arg9[%swap3A_261, %swap3A_262] {strides = array<i32>} : memref<64x768xf32, #tpu.memory_space<vmem>>, vector<1x16xf32>,
      %swap3A_264 = vector.shape_cast %swap3A_263 : vector<1x16xf32> to vector<16xf32>
      %swap3A_265 = vector.shape_cast %add3A_260 : vector<16xf32> to vector<1x16xf32>
      tpu.vector_store %arg9[%swap3A_261, %swap3A_262], %swap3A_265 {strides = array<i32>} : memref<64x768xf32, #tpu.memory_space<vmem>>, vector<1x16xf32>,
      %get3A_266 = arith.index_cast %scan3A_99 : i32 to index
      %get3A_267 = arith.constant 160 : index
      %get3A_268 = tpu.vector_load %arg9[%get3A_266, %get3A_267] {strides = array<i32>} : memref<64x768xf32, #tpu.memory_space<vmem>>, vector<1x16xf32>,
      %get3A_269 = vector.shape_cast %get3A_268 : vector<1x16xf32> to vector<16xf32>
      %mul3A_270 = arith.mulf %get3A_269, %get3A_102 : vector<16xf32>
      %get3A_271 = arith.index_cast %scan3A_99 : i32 to index
      %get3A_272 = arith.constant 160 : index
      %get3A_273 = tpu.vector_load %arg10[%get3A_271, %get3A_272] {strides = array<i32>} : memref<64x768xf32, #tpu.memory_space<vmem>>, vector<1x16xf32>,
      %get3A_274 = vector.shape_cast %get3A_273 : vector<1x16xf32> to vector<16xf32>
      %mul3A_275 = arith.mulf %get3A_274, %get3A_106 : vector<16xf32>
      %add3A_276 = arith.addf %mul3A_270, %mul3A_275 : vector<16xf32>
      %swap3A_277 = arith.index_cast %scan3A_99 : i32 to index
      %swap3A_278 = arith.constant 160 : index
      %swap3A_279 = tpu.vector_load %arg9[%swap3A_277, %swap3A_278] {strides = array<i32>} : memref<64x768xf32, #tpu.memory_space<vmem>>, vector<1x16xf32>,
      %swap3A_280 = vector.shape_cast %swap3A_279 : vector<1x16xf32> to vector<16xf32>
      %swap3A_281 = vector.shape_cast %add3A_276 : vector<16xf32> to vector<1x16xf32>
      tpu.vector_store %arg9[%swap3A_277, %swap3A_278], %swap3A_281 {strides = array<i32>} : memref<64x768xf32, #tpu.memory_space<vmem>>, vector<1x16xf32>,
      %get3A_282 = arith.index_cast %scan3A_99 : i32 to index
      %get3A_283 = arith.constant 176 : index
      %get3A_284 = tpu.vector_load %arg9[%get3A_282, %get3A_283] {strides = array<i32>} : memref<64x768xf32, #tpu.memory_space<vmem>>, vector<1x16xf32>,
      %get3A_285 = vector.shape_cast %get3A_284 : vector<1x16xf32> to vector<16xf32>
      %mul3A_286 = arith.mulf %get3A_285, %get3A_102 : vector<16xf32>
      %get3A_287 = arith.index_cast %scan3A_99 : i32 to index
      %get3A_288 = arith.constant 176 : index
      %get3A_289 = tpu.vector_load %arg10[%get3A_287, %get3A_288] {strides = array<i32>} : memref<64x768xf32, #tpu.memory_space<vmem>>, vector<1x16xf32>,
      %get3A_290 = vector.shape_cast %get3A_289 : vector<1x16xf32> to vector<16xf32>
      %mul3A_291 = arith.mulf %get3A_290, %get3A_106 : vector<16xf32>
      %add3A_292 = arith.addf %mul3A_286, %mul3A_291 : vector<16xf32>
      %swap3A_293 = arith.index_cast %scan3A_99 : i32 to index
      %swap3A_294 = arith.constant 176 : index
      %swap3A_295 = tpu.vector_load %arg9[%swap3A_293, %swap3A_294] {strides = array<i32>} : memref<64x768xf32, #tpu.memory_space<vmem>>, vector<1x16xf32>,
      %swap3A_296 = vector.shape_cast %swap3A_295 : vector<1x16xf32> to vector<16xf32>
      %swap3A_297 = vector.shape_cast %add3A_292 : vector<16xf32> to vector<1x16xf32>
      tpu.vector_store %arg9[%swap3A_293, %swap3A_294], %swap3A_297 {strides = array<i32>} : memref<64x768xf32, #tpu.memory_space<vmem>>, vector<1x16xf32>,
      %get3A_298 = arith.index_cast %scan3A_99 : i32 to index
      %get3A_299 = arith.constant 192 : index
      %get3A_300 = tpu.vector_load %arg9[%get3A_298, %get3A_299] {strides = array<i32>} : memref<64x768xf32, #tpu.memory_space<vmem>>, vector<1x16xf32>,
      %get3A_301 = vector.shape_cast %get3A_300 : vector<1x16xf32> to vector<16xf32>
      %mul3A_302 = arith.mulf %get3A_301, %get3A_102 : vector<16xf32>
      %get3A_303 = arith.index_cast %scan3A_99 : i32 to index
      %get3A_304 = arith.constant 192 : index
      %get3A_305 = tpu.vector_load %arg10[%get3A_303, %get3A_304] {strides = array<i32>} : memref<64x768xf32, #tpu.memory_space<vmem>>, vector<1x16xf32>,
      %get3A_306 = vector.shape_cast %get3A_305 : vector<1x16xf32> to vector<16xf32>
      %mul3A_307 = arith.mulf %get3A_306, %get3A_106 : vector<16xf32>
      %add3A_308 = arith.addf %mul3A_302, %mul3A_307 : vector<16xf32>
      %swap3A_309 = arith.index_cast %scan3A_99 : i32 to index
      %swap3A_310 = arith.constant 192 : index
      %swap3A_311 = tpu.vector_load %arg9[%swap3A_309, %swap3A_310] {strides = array<i32>} : memref<64x768xf32, #tpu.memory_space<vmem>>, vector<1x16xf32>,
      %swap3A_312 = vector.shape_cast %swap3A_311 : vector<1x16xf32> to vector<16xf32>
      %swap3A_313 = vector.shape_cast %add3A_308 : vector<16xf32> to vector<1x16xf32>
      tpu.vector_store %arg9[%swap3A_309, %swap3A_310], %swap3A_313 {strides = array<i32>} : memref<64x768xf32, #tpu.memory_space<vmem>>, vector<1x16xf32>,
      %get3A_314 = arith.index_cast %scan3A_99 : i32 to index
      %get3A_315 = arith.constant 208 : index
      %get3A_316 = tpu.vector_load %arg9[%get3A_314, %get3A_315] {strides = array<i32>} : memref<64x768xf32, #tpu.memory_space<vmem>>, vector<1x16xf32>,
      %get3A_317 = vector.shape_cast %get3A_316 : vector<1x16xf32> to vector<16xf32>
      %mul3A_318 = arith.mulf %get3A_317, %get3A_102 : vector<16xf32>
      %get3A_319 = arith.index_cast %scan3A_99 : i32 to index
      %get3A_320 = arith.constant 208 : index
      %get3A_321 = tpu.vector_load %arg10[%get3A_319, %get3A_320] {strides = array<i32>} : memref<64x768xf32, #tpu.memory_space<vmem>>, vector<1x16xf32>,
      %get3A_322 = vector.shape_cast %get3A_321 : vector<1x16xf32> to vector<16xf32>
      %mul3A_323 = arith.mulf %get3A_322, %get3A_106 : vector<16xf32>
      %add3A_324 = arith.addf %mul3A_318, %mul3A_323 : vector<16xf32>
      %swap3A_325 = arith.index_cast %scan3A_99 : i32 to index
      %swap3A_326 = arith.constant 208 : index
      %swap3A_327 = tpu.vector_load %arg9[%swap3A_325, %swap3A_326] {strides = array<i32>} : memref<64x768xf32, #tpu.memory_space<vmem>>, vector<1x16xf32>,
      %swap3A_328 = vector.shape_cast %swap3A_327 : vector<1x16xf32> to vector<16xf32>
      %swap3A_329 = vector.shape_cast %add3A_324 : vector<16xf32> to vector<1x16xf32>
      tpu.vector_store %arg9[%swap3A_325, %swap3A_326], %swap3A_329 {strides = array<i32>} : memref<64x768xf32, #tpu.memory_space<vmem>>, vector<1x16xf32>,
      %get3A_330 = arith.index_cast %scan3A_99 : i32 to index
      %get3A_331 = arith.constant 224 : index
      %get3A_332 = tpu.vector_load %arg9[%get3A_330, %get3A_331] {strides = array<i32>} : memref<64x768xf32, #tpu.memory_space<vmem>>, vector<1x16xf32>,
      %get3A_333 = vector.shape_cast %get3A_332 : vector<1x16xf32> to vector<16xf32>
      %mul3A_334 = arith.mulf %get3A_333, %get3A_102 : vector<16xf32>
      %get3A_335 = arith.index_cast %scan3A_99 : i32 to index
      %get3A_336 = arith.constant 224 : index
      %get3A_337 = tpu.vector_load %arg10[%get3A_335, %get3A_336] {strides = array<i32>} : memref<64x768xf32, #tpu.memory_space<vmem>>, vector<1x16xf32>,
      %get3A_338 = vector.shape_cast %get3A_337 : vector<1x16xf32> to vector<16xf32>
      %mul3A_339 = arith.mulf %get3A_338, %get3A_106 : vector<16xf32>
      %add3A_340 = arith.addf %mul3A_334, %mul3A_339 : vector<16xf32>
      %swap3A_341 = arith.index_cast %scan3A_99 : i32 to index
      %swap3A_342 = arith.constant 224 : index
      %swap3A_343 = tpu.vector_load %arg9[%swap3A_341, %swap3A_342] {strides = array<i32>} : memref<64x768xf32, #tpu.memory_space<vmem>>, vector<1x16xf32>,
      %swap3A_344 = vector.shape_cast %swap3A_343 : vector<1x16xf32> to vector<16xf32>
      %swap3A_345 = vector.shape_cast %add3A_340 : vector<16xf32> to vector<1x16xf32>
      tpu.vector_store %arg9[%swap3A_341, %swap3A_342], %swap3A_345 {strides = array<i32>} : memref<64x768xf32, #tpu.memory_space<vmem>>, vector<1x16xf32>,
      %get3A_346 = arith.index_cast %scan3A_99 : i32 to index
      %get3A_347 = arith.constant 240 : index
      %get3A_348 = tpu.vector_load %arg9[%get3A_346, %get3A_347] {strides = array<i32>} : memref<64x768xf32, #tpu.memory_space<vmem>>, vector<1x16xf32>,
      %get3A_349 = vector.shape_cast %get3A_348 : vector<1x16xf32> to vector<16xf32>
      %mul3A_350 = arith.mulf %get3A_349, %get3A_102 : vector<16xf32>
      %get3A_351 = arith.index_cast %scan3A_99 : i32 to index
      %get3A_352 = arith.constant 240 : index
      %get3A_353 = tpu.vector_load %arg10[%get3A_351, %get3A_352] {strides = array<i32>} : memref<64x768xf32, #tpu.memory_space<vmem>>, vector<1x16xf32>,
      %get3A_354 = vector.shape_cast %get3A_353 : vector<1x16xf32> to vector<16xf32>
      %mul3A_355 = arith.mulf %get3A_354, %get3A_106 : vector<16xf32>
      %add3A_356 = arith.addf %mul3A_350, %mul3A_355 : vector<16xf32>
      %swap3A_357 = arith.index_cast %scan3A_99 : i32 to index
      %swap3A_358 = arith.constant 240 : index
      %swap3A_359 = tpu.vector_load %arg9[%swap3A_357, %swap3A_358] {strides = array<i32>} : memref<64x768xf32, #tpu.memory_space<vmem>>, vector<1x16xf32>,
      %swap3A_360 = vector.shape_cast %swap3A_359 : vector<1x16xf32> to vector<16xf32>
      %swap3A_361 = vector.shape_cast %add3A_356 : vector<16xf32> to vector<1x16xf32>
      tpu.vector_store %arg9[%swap3A_357, %swap3A_358], %swap3A_361 {strides = array<i32>} : memref<64x768xf32, #tpu.memory_space<vmem>>, vector<1x16xf32>,
      %get3A_362 = arith.index_cast %scan3A_99 : i32 to index
      %get3A_363 = arith.constant 256 : index
      %get3A_364 = tpu.vector_load %arg9[%get3A_362, %get3A_363] {strides = array<i32>} : memref<64x768xf32, #tpu.memory_space<vmem>>, vector<1x16xf32>,
      %get3A_365 = vector.shape_cast %get3A_364 : vector<1x16xf32> to vector<16xf32>
      %mul3A_366 = arith.mulf %get3A_365, %get3A_102 : vector<16xf32>
      %get3A_367 = arith.index_cast %scan3A_99 : i32 to index
      %get3A_368 = arith.constant 256 : index
      %get3A_369 = tpu.vector_load %arg10[%get3A_367, %get3A_368] {strides = array<i32>} : memref<64x768xf32, #tpu.memory_space<vmem>>, vector<1x16xf32>,
      %get3A_370 = vector.shape_cast %get3A_369 : vector<1x16xf32> to vector<16xf32>
      %mul3A_371 = arith.mulf %get3A_370, %get3A_106 : vector<16xf32>
      %add3A_372 = arith.addf %mul3A_366, %mul3A_371 : vector<16xf32>
      %swap3A_373 = arith.index_cast %scan3A_99 : i32 to index
      %swap3A_374 = arith.constant 256 : index
      %swap3A_375 = tpu.vector_load %arg9[%swap3A_373, %swap3A_374] {strides = array<i32>} : memref<64x768xf32, #tpu.memory_space<vmem>>, vector<1x16xf32>,
      %swap3A_376 = vector.shape_cast %swap3A_375 : vector<1x16xf32> to vector<16xf32>
      %swap3A_377 = vector.shape_cast %add3A_372 : vector<16xf32> to vector<1x16xf32>
      tpu.vector_store %arg9[%swap3A_373, %swap3A_374], %swap3A_377 {strides = array<i32>} : memref<64x768xf32, #tpu.memory_space<vmem>>, vector<1x16xf32>,
      %get3A_378 = arith.index_cast %scan3A_99 : i32 to index
      %get3A_379 = arith.constant 272 : index
      %get3A_380 = tpu.vector_load %arg9[%get3A_378, %get3A_379] {strides = array<i32>} : memref<64x768xf32, #tpu.memory_space<vmem>>, vector<1x16xf32>,
      %get3A_381 = vector.shape_cast %get3A_380 : vector<1x16xf32> to vector<16xf32>
      %mul3A_382 = arith.mulf %get3A_381, %get3A_102 : vector<16xf32>
      %get3A_383 = arith.index_cast %scan3A_99 : i32 to index
      %get3A_384 = arith.constant 272 : index
      %get3A_385 = tpu.vector_load %arg10[%get3A_383, %get3A_384] {strides = array<i32>} : memref<64x768xf32, #tpu.memory_space<vmem>>, vector<1x16xf32>,
      %get3A_386 = vector.shape_cast %get3A_385 : vector<1x16xf32> to vector<16xf32>
      %mul3A_387 = arith.mulf %get3A_386, %get3A_106 : vector<16xf32>
      %add3A_388 = arith.addf %mul3A_382, %mul3A_387 : vector<16xf32>
      %swap3A_389 = arith.index_cast %scan3A_99 : i32 to index
      %swap3A_390 = arith.constant 272 : index
      %swap3A_391 = tpu.vector_load %arg9[%swap3A_389, %swap3A_390] {strides = array<i32>} : memref<64x768xf32, #tpu.memory_space<vmem>>, vector<1x16xf32>,
      %swap3A_392 = vector.shape_cast %swap3A_391 : vector<1x16xf32> to vector<16xf32>
      %swap3A_393 = vector.shape_cast %add3A_388 : vector<16xf32> to vector<1x16xf32>
      tpu.vector_store %arg9[%swap3A_389, %swap3A_390], %swap3A_393 {strides = array<i32>} : memref<64x768xf32, #tpu.memory_space<vmem>>, vector<1x16xf32>,
      %get3A_394 = arith.index_cast %scan3A_99 : i32 to index
      %get3A_395 = arith.constant 288 : index
      %get3A_396 = tpu.vector_load %arg9[%get3A_394, %get3A_395] {strides = array<i32>} : memref<64x768xf32, #tpu.memory_space<vmem>>, vector<1x16xf32>,
      %get3A_397 = vector.shape_cast %get3A_396 : vector<1x16xf32> to vector<16xf32>
      %mul3A_398 = arith.mulf %get3A_397, %get3A_102 : vector<16xf32>
      %get3A_399 = arith.index_cast %scan3A_99 : i32 to index
      %get3A_400 = arith.constant 288 : index
      %get3A_401 = tpu.vector_load %arg10[%get3A_399, %get3A_400] {strides = array<i32>} : memref<64x768xf32, #tpu.memory_space<vmem>>, vector<1x16xf32>,
      %get3A_402 = vector.shape_cast %get3A_401 : vector<1x16xf32> to vector<16xf32>
      %mul3A_403 = arith.mulf %get3A_402, %get3A_106 : vector<16xf32>
      %add3A_404 = arith.addf %mul3A_398, %mul3A_403 : vector<16xf32>
      %swap3A_405 = arith.index_cast %scan3A_99 : i32 to index
      %swap3A_406 = arith.constant 288 : index
      %swap3A_407 = tpu.vector_load %arg9[%swap3A_405, %swap3A_406] {strides = array<i32>} : memref<64x768xf32, #tpu.memory_space<vmem>>, vector<1x16xf32>,
      %swap3A_408 = vector.shape_cast %swap3A_407 : vector<1x16xf32> to vector<16xf32>
      %swap3A_409 = vector.shape_cast %add3A_404 : vector<16xf32> to vector<1x16xf32>
      tpu.vector_store %arg9[%swap3A_405, %swap3A_406], %swap3A_409 {strides = array<i32>} : memref<64x768xf32, #tpu.memory_space<vmem>>, vector<1x16xf32>,
      %get3A_410 = arith.index_cast %scan3A_99 : i32 to index
      %get3A_411 = arith.constant 304 : index
      %get3A_412 = tpu.vector_load %arg9[%get3A_410, %get3A_411] {strides = array<i32>} : memref<64x768xf32, #tpu.memory_space<vmem>>, vector<1x16xf32>,
      %get3A_413 = vector.shape_cast %get3A_412 : vector<1x16xf32> to vector<16xf32>
      %mul3A_414 = arith.mulf %get3A_413, %get3A_102 : vector<16xf32>
      %get3A_415 = arith.index_cast %scan3A_99 : i32 to index
      %get3A_416 = arith.constant 304 : index
      %get3A_417 = tpu.vector_load %arg10[%get3A_415, %get3A_416] {strides = array<i32>} : memref<64x768xf32, #tpu.memory_space<vmem>>, vector<1x16xf32>,
      %get3A_418 = vector.shape_cast %get3A_417 : vector<1x16xf32> to vector<16xf32>
      %mul3A_419 = arith.mulf %get3A_418, %get3A_106 : vector<16xf32>
      %add3A_420 = arith.addf %mul3A_414, %mul3A_419 : vector<16xf32>
      %swap3A_421 = arith.index_cast %scan3A_99 : i32 to index
      %swap3A_422 = arith.constant 304 : index
      %swap3A_423 = tpu.vector_load %arg9[%swap3A_421, %swap3A_422] {strides = array<i32>} : memref<64x768xf32, #tpu.memory_space<vmem>>, vector<1x16xf32>,
      %swap3A_424 = vector.shape_cast %swap3A_423 : vector<1x16xf32> to vector<16xf32>
      %swap3A_425 = vector.shape_cast %add3A_420 : vector<16xf32> to vector<1x16xf32>
      tpu.vector_store %arg9[%swap3A_421, %swap3A_422], %swap3A_425 {strides = array<i32>} : memref<64x768xf32, #tpu.memory_space<vmem>>, vector<1x16xf32>,
      %get3A_426 = arith.index_cast %scan3A_99 : i32 to index
      %get3A_427 = arith.constant 320 : index
      %get3A_428 = tpu.vector_load %arg9[%get3A_426, %get3A_427] {strides = array<i32>} : memref<64x768xf32, #tpu.memory_space<vmem>>, vector<1x16xf32>,
      %get3A_429 = vector.shape_cast %get3A_428 : vector<1x16xf32> to vector<16xf32>
      %mul3A_430 = arith.mulf %get3A_429, %get3A_102 : vector<16xf32>
      %get3A_431 = arith.index_cast %scan3A_99 : i32 to index
      %get3A_432 = arith.constant 320 : index
      %get3A_433 = tpu.vector_load %arg10[%get3A_431, %get3A_432] {strides = array<i32>} : memref<64x768xf32, #tpu.memory_space<vmem>>, vector<1x16xf32>,
      %get3A_434 = vector.shape_cast %get3A_433 : vector<1x16xf32> to vector<16xf32>
      %mul3A_435 = arith.mulf %get3A_434, %get3A_106 : vector<16xf32>
      %add3A_436 = arith.addf %mul3A_430, %mul3A_435 : vector<16xf32>
      %swap3A_437 = arith.index_cast %scan3A_99 : i32 to index
      %swap3A_438 = arith.constant 320 : index
      %swap3A_439 = tpu.vector_load %arg9[%swap3A_437, %swap3A_438] {strides = array<i32>} : memref<64x768xf32, #tpu.memory_space<vmem>>, vector<1x16xf32>,
      %swap3A_440 = vector.shape_cast %swap3A_439 : vector<1x16xf32> to vector<16xf32>
      %swap3A_441 = vector.shape_cast %add3A_436 : vector<16xf32> to vector<1x16xf32>
      tpu.vector_store %arg9[%swap3A_437, %swap3A_438], %swap3A_441 {strides = array<i32>} : memref<64x768xf32, #tpu.memory_space<vmem>>, vector<1x16xf32>,
      %get3A_442 = arith.index_cast %scan3A_99 : i32 to index
      %get3A_443 = arith.constant 336 : index
      %get3A_444 = tpu.vector_load %arg9[%get3A_442, %get3A_443] {strides = array<i32>} : memref<64x768xf32, #tpu.memory_space<vmem>>, vector<1x16xf32>,
      %get3A_445 = vector.shape_cast %get3A_444 : vector<1x16xf32> to vector<16xf32>
      %mul3A_446 = arith.mulf %get3A_445, %get3A_102 : vector<16xf32>
      %get3A_447 = arith.index_cast %scan3A_99 : i32 to index
      %get3A_448 = arith.constant 336 : index
      %get3A_449 = tpu.vector_load %arg10[%get3A_447, %get3A_448] {strides = array<i32>} : memref<64x768xf32, #tpu.memory_space<vmem>>, vector<1x16xf32>,
      %get3A_450 = vector.shape_cast %get3A_449 : vector<1x16xf32> to vector<16xf32>
      %mul3A_451 = arith.mulf %get3A_450, %get3A_106 : vector<16xf32>
      %add3A_452 = arith.addf %mul3A_446, %mul3A_451 : vector<16xf32>
      %swap3A_453 = arith.index_cast %scan3A_99 : i32 to index
      %swap3A_454 = arith.constant 336 : index
      %swap3A_455 = tpu.vector_load %arg9[%swap3A_453, %swap3A_454] {strides = array<i32>} : memref<64x768xf32, #tpu.memory_space<vmem>>, vector<1x16xf32>,
      %swap3A_456 = vector.shape_cast %swap3A_455 : vector<1x16xf32> to vector<16xf32>
      %swap3A_457 = vector.shape_cast %add3A_452 : vector<16xf32> to vector<1x16xf32>
      tpu.vector_store %arg9[%swap3A_453, %swap3A_454], %swap3A_457 {strides = array<i32>} : memref<64x768xf32, #tpu.memory_space<vmem>>, vector<1x16xf32>,
      %get3A_458 = arith.index_cast %scan3A_99 : i32 to index
      %get3A_459 = arith.constant 352 : index
      %get3A_460 = tpu.vector_load %arg9[%get3A_458, %get3A_459] {strides = array<i32>} : memref<64x768xf32, #tpu.memory_space<vmem>>, vector<1x16xf32>,
      %get3A_461 = vector.shape_cast %get3A_460 : vector<1x16xf32> to vector<16xf32>
      %mul3A_462 = arith.mulf %get3A_461, %get3A_102 : vector<16xf32>
      %get3A_463 = arith.index_cast %scan3A_99 : i32 to index
      %get3A_464 = arith.constant 352 : index
      %get3A_465 = tpu.vector_load %arg10[%get3A_463, %get3A_464] {strides = array<i32>} : memref<64x768xf32, #tpu.memory_space<vmem>>, vector<1x16xf32>,
      %get3A_466 = vector.shape_cast %get3A_465 : vector<1x16xf32> to vector<16xf32>
      %mul3A_467 = arith.mulf %get3A_466, %get3A_106 : vector<16xf32>
      %add3A_468 = arith.addf %mul3A_462, %mul3A_467 : vector<16xf32>
      %swap3A_469 = arith.index_cast %scan3A_99 : i32 to index
      %swap3A_470 = arith.constant 352 : index
      %swap3A_471 = tpu.vector_load %arg9[%swap3A_469, %swap3A_470] {strides = array<i32>} : memref<64x768xf32, #tpu.memory_space<vmem>>, vector<1x16xf32>,
      %swap3A_472 = vector.shape_cast %swap3A_471 : vector<1x16xf32> to vector<16xf32>
      %swap3A_473 = vector.shape_cast %add3A_468 : vector<16xf32> to vector<1x16xf32>
      tpu.vector_store %arg9[%swap3A_469, %swap3A_470], %swap3A_473 {strides = array<i32>} : memref<64x768xf32, #tpu.memory_space<vmem>>, vector<1x16xf32>,
      %get3A_474 = arith.index_cast %scan3A_99 : i32 to index
      %get3A_475 = arith.constant 368 : index
      %get3A_476 = tpu.vector_load %arg9[%get3A_474, %get3A_475] {strides = array<i32>} : memref<64x768xf32, #tpu.memory_space<vmem>>, vector<1x16xf32>,
      %get3A_477 = vector.shape_cast %get3A_476 : vector<1x16xf32> to vector<16xf32>
      %mul3A_478 = arith.mulf %get3A_477, %get3A_102 : vector<16xf32>
      %get3A_479 = arith.index_cast %scan3A_99 : i32 to index
      %get3A_480 = arith.constant 368 : index
      %get3A_481 = tpu.vector_load %arg10[%get3A_479, %get3A_480] {strides = array<i32>} : memref<64x768xf32, #tpu.memory_space<vmem>>, vector<1x16xf32>,
      %get3A_482 = vector.shape_cast %get3A_481 : vector<1x16xf32> to vector<16xf32>
      %mul3A_483 = arith.mulf %get3A_482, %get3A_106 : vector<16xf32>
      %add3A_484 = arith.addf %mul3A_478, %mul3A_483 : vector<16xf32>
      %swap3A_485 = arith.index_cast %scan3A_99 : i32 to index
      %swap3A_486 = arith.constant 368 : index
      %swap3A_487 = tpu.vector_load %arg9[%swap3A_485, %swap3A_486] {strides = array<i32>} : memref<64x768xf32, #tpu.memory_space<vmem>>, vector<1x16xf32>,
      %swap3A_488 = vector.shape_cast %swap3A_487 : vector<1x16xf32> to vector<16xf32>
      %swap3A_489 = vector.shape_cast %add3A_484 : vector<16xf32> to vector<1x16xf32>
      tpu.vector_store %arg9[%swap3A_485, %swap3A_486], %swap3A_489 {strides = array<i32>} : memref<64x768xf32, #tpu.memory_space<vmem>>, vector<1x16xf32>,
      %get3A_490 = arith.index_cast %scan3A_99 : i32 to index
      %get3A_491 = arith.constant 384 : index
      %get3A_492 = tpu.vector_load %arg9[%get3A_490, %get3A_491] {strides = array<i32>} : memref<64x768xf32, #tpu.memory_space<vmem>>, vector<1x16xf32>,
      %get3A_493 = vector.shape_cast %get3A_492 : vector<1x16xf32> to vector<16xf32>
      %mul3A_494 = arith.mulf %get3A_493, %get3A_102 : vector<16xf32>
      %get3A_495 = arith.index_cast %scan3A_99 : i32 to index
      %get3A_496 = arith.constant 384 : index
      %get3A_497 = tpu.vector_load %arg10[%get3A_495, %get3A_496] {strides = array<i32>} : memref<64x768xf32, #tpu.memory_space<vmem>>, vector<1x16xf32>,
      %get3A_498 = vector.shape_cast %get3A_497 : vector<1x16xf32> to vector<16xf32>
      %mul3A_499 = arith.mulf %get3A_498, %get3A_106 : vector<16xf32>
      %add3A_500 = arith.addf %mul3A_494, %mul3A_499 : vector<16xf32>
      %swap3A_501 = arith.index_cast %scan3A_99 : i32 to index
      %swap3A_502 = arith.constant 384 : index
      %swap3A_503 = tpu.vector_load %arg9[%swap3A_501, %swap3A_502] {strides = array<i32>} : memref<64x768xf32, #tpu.memory_space<vmem>>, vector<1x16xf32>,
      %swap3A_504 = vector.shape_cast %swap3A_503 : vector<1x16xf32> to vector<16xf32>
      %swap3A_505 = vector.shape_cast %add3A_500 : vector<16xf32> to vector<1x16xf32>
      tpu.vector_store %arg9[%swap3A_501, %swap3A_502], %swap3A_505 {strides = array<i32>} : memref<64x768xf32, #tpu.memory_space<vmem>>, vector<1x16xf32>,
      %get3A_506 = arith.index_cast %scan3A_99 : i32 to index
      %get3A_507 = arith.constant 400 : index
      %get3A_508 = tpu.vector_load %arg9[%get3A_506, %get3A_507] {strides = array<i32>} : memref<64x768xf32, #tpu.memory_space<vmem>>, vector<1x16xf32>,
      %get3A_509 = vector.shape_cast %get3A_508 : vector<1x16xf32> to vector<16xf32>
      %mul3A_510 = arith.mulf %get3A_509, %get3A_102 : vector<16xf32>
      %get3A_511 = arith.index_cast %scan3A_99 : i32 to index
      %get3A_512 = arith.constant 400 : index
      %get3A_513 = tpu.vector_load %arg10[%get3A_511, %get3A_512] {strides = array<i32>} : memref<64x768xf32, #tpu.memory_space<vmem>>, vector<1x16xf32>,
      %get3A_514 = vector.shape_cast %get3A_513 : vector<1x16xf32> to vector<16xf32>
      %mul3A_515 = arith.mulf %get3A_514, %get3A_106 : vector<16xf32>
      %add3A_516 = arith.addf %mul3A_510, %mul3A_515 : vector<16xf32>
      %swap3A_517 = arith.index_cast %scan3A_99 : i32 to index
      %swap3A_518 = arith.constant 400 : index
      %swap3A_519 = tpu.vector_load %arg9[%swap3A_517, %swap3A_518] {strides = array<i32>} : memref<64x768xf32, #tpu.memory_space<vmem>>, vector<1x16xf32>,
      %swap3A_520 = vector.shape_cast %swap3A_519 : vector<1x16xf32> to vector<16xf32>
      %swap3A_521 = vector.shape_cast %add3A_516 : vector<16xf32> to vector<1x16xf32>
      tpu.vector_store %arg9[%swap3A_517, %swap3A_518], %swap3A_521 {strides = array<i32>} : memref<64x768xf32, #tpu.memory_space<vmem>>, vector<1x16xf32>,
      %get3A_522 = arith.index_cast %scan3A_99 : i32 to index
      %get3A_523 = arith.constant 416 : index
      %get3A_524 = tpu.vector_load %arg9[%get3A_522, %get3A_523] {strides = array<i32>} : memref<64x768xf32, #tpu.memory_space<vmem>>, vector<1x16xf32>,
      %get3A_525 = vector.shape_cast %get3A_524 : vector<1x16xf32> to vector<16xf32>
      %mul3A_526 = arith.mulf %get3A_525, %get3A_102 : vector<16xf32>
      %get3A_527 = arith.index_cast %scan3A_99 : i32 to index
      %get3A_528 = arith.constant 416 : index
      %get3A_529 = tpu.vector_load %arg10[%get3A_527, %get3A_528] {strides = array<i32>} : memref<64x768xf32, #tpu.memory_space<vmem>>, vector<1x16xf32>,
      %get3A_530 = vector.shape_cast %get3A_529 : vector<1x16xf32> to vector<16xf32>
      %mul3A_531 = arith.mulf %get3A_530, %get3A_106 : vector<16xf32>
      %add3A_532 = arith.addf %mul3A_526, %mul3A_531 : vector<16xf32>
      %swap3A_533 = arith.index_cast %scan3A_99 : i32 to index
      %swap3A_534 = arith.constant 416 : index
      %swap3A_535 = tpu.vector_load %arg9[%swap3A_533, %swap3A_534] {strides = array<i32>} : memref<64x768xf32, #tpu.memory_space<vmem>>, vector<1x16xf32>,
      %swap3A_536 = vector.shape_cast %swap3A_535 : vector<1x16xf32> to vector<16xf32>
      %swap3A_537 = vector.shape_cast %add3A_532 : vector<16xf32> to vector<1x16xf32>
      tpu.vector_store %arg9[%swap3A_533, %swap3A_534], %swap3A_537 {strides = array<i32>} : memref<64x768xf32, #tpu.memory_space<vmem>>, vector<1x16xf32>,
      %get3A_538 = arith.index_cast %scan3A_99 : i32 to index
      %get3A_539 = arith.constant 432 : index
      %get3A_540 = tpu.vector_load %arg9[%get3A_538, %get3A_539] {strides = array<i32>} : memref<64x768xf32, #tpu.memory_space<vmem>>, vector<1x16xf32>,
      %get3A_541 = vector.shape_cast %get3A_540 : vector<1x16xf32> to vector<16xf32>
      %mul3A_542 = arith.mulf %get3A_541, %get3A_102 : vector<16xf32>
      %get3A_543 = arith.index_cast %scan3A_99 : i32 to index
      %get3A_544 = arith.constant 432 : index
      %get3A_545 = tpu.vector_load %arg10[%get3A_543, %get3A_544] {strides = array<i32>} : memref<64x768xf32, #tpu.memory_space<vmem>>, vector<1x16xf32>,
      %get3A_546 = vector.shape_cast %get3A_545 : vector<1x16xf32> to vector<16xf32>
      %mul3A_547 = arith.mulf %get3A_546, %get3A_106 : vector<16xf32>
      %add3A_548 = arith.addf %mul3A_542, %mul3A_547 : vector<16xf32>
      %swap3A_549 = arith.index_cast %scan3A_99 : i32 to index
      %swap3A_550 = arith.constant 432 : index
      %swap3A_551 = tpu.vector_load %arg9[%swap3A_549, %swap3A_550] {strides = array<i32>} : memref<64x768xf32, #tpu.memory_space<vmem>>, vector<1x16xf32>,
      %swap3A_552 = vector.shape_cast %swap3A_551 : vector<1x16xf32> to vector<16xf32>
      %swap3A_553 = vector.shape_cast %add3A_548 : vector<16xf32> to vector<1x16xf32>
      tpu.vector_store %arg9[%swap3A_549, %swap3A_550], %swap3A_553 {strides = array<i32>} : memref<64x768xf32, #tpu.memory_space<vmem>>, vector<1x16xf32>,
      %get3A_554 = arith.index_cast %scan3A_99 : i32 to index
      %get3A_555 = arith.constant 448 : index
      %get3A_556 = tpu.vector_load %arg9[%get3A_554, %get3A_555] {strides = array<i32>} : memref<64x768xf32, #tpu.memory_space<vmem>>, vector<1x16xf32>,
      %get3A_557 = vector.shape_cast %get3A_556 : vector<1x16xf32> to vector<16xf32>
      %mul3A_558 = arith.mulf %get3A_557, %get3A_102 : vector<16xf32>
      %get3A_559 = arith.index_cast %scan3A_99 : i32 to index
      %get3A_560 = arith.constant 448 : index
      %get3A_561 = tpu.vector_load %arg10[%get3A_559, %get3A_560] {strides = array<i32>} : memref<64x768xf32, #tpu.memory_space<vmem>>, vector<1x16xf32>,
      %get3A_562 = vector.shape_cast %get3A_561 : vector<1x16xf32> to vector<16xf32>
      %mul3A_563 = arith.mulf %get3A_562, %get3A_106 : vector<16xf32>
      %add3A_564 = arith.addf %mul3A_558, %mul3A_563 : vector<16xf32>
      %swap3A_565 = arith.index_cast %scan3A_99 : i32 to index
      %swap3A_566 = arith.constant 448 : index
      %swap3A_567 = tpu.vector_load %arg9[%swap3A_565, %swap3A_566] {strides = array<i32>} : memref<64x768xf32, #tpu.memory_space<vmem>>, vector<1x16xf32>,
      %swap3A_568 = vector.shape_cast %swap3A_567 : vector<1x16xf32> to vector<16xf32>
      %swap3A_569 = vector.shape_cast %add3A_564 : vector<16xf32> to vector<1x16xf32>
      tpu.vector_store %arg9[%swap3A_565, %swap3A_566], %swap3A_569 {strides = array<i32>} : memref<64x768xf32, #tpu.memory_space<vmem>>, vector<1x16xf32>,
      %get3A_570 = arith.index_cast %scan3A_99 : i32 to index
      %get3A_571 = arith.constant 464 : index
      %get3A_572 = tpu.vector_load %arg9[%get3A_570, %get3A_571] {strides = array<i32>} : memref<64x768xf32, #tpu.memory_space<vmem>>, vector<1x16xf32>,
      %get3A_573 = vector.shape_cast %get3A_572 : vector<1x16xf32> to vector<16xf32>
      %mul3A_574 = arith.mulf %get3A_573, %get3A_102 : vector<16xf32>
      %get3A_575 = arith.index_cast %scan3A_99 : i32 to index
      %get3A_576 = arith.constant 464 : index
      %get3A_577 = tpu.vector_load %arg10[%get3A_575, %get3A_576] {strides = array<i32>} : memref<64x768xf32, #tpu.memory_space<vmem>>, vector<1x16xf32>,
      %get3A_578 = vector.shape_cast %get3A_577 : vector<1x16xf32> to vector<16xf32>
      %mul3A_579 = arith.mulf %get3A_578, %get3A_106 : vector<16xf32>
      %add3A_580 = arith.addf %mul3A_574, %mul3A_579 : vector<16xf32>
      %swap3A_581 = arith.index_cast %scan3A_99 : i32 to index
      %swap3A_582 = arith.constant 464 : index
      %swap3A_583 = tpu.vector_load %arg9[%swap3A_581, %swap3A_582] {strides = array<i32>} : memref<64x768xf32, #tpu.memory_space<vmem>>, vector<1x16xf32>,
      %swap3A_584 = vector.shape_cast %swap3A_583 : vector<1x16xf32> to vector<16xf32>
      %swap3A_585 = vector.shape_cast %add3A_580 : vector<16xf32> to vector<1x16xf32>
      tpu.vector_store %arg9[%swap3A_581, %swap3A_582], %swap3A_585 {strides = array<i32>} : memref<64x768xf32, #tpu.memory_space<vmem>>, vector<1x16xf32>,
      %get3A_586 = arith.index_cast %scan3A_99 : i32 to index
      %get3A_587 = arith.constant 480 : index
      %get3A_588 = tpu.vector_load %arg9[%get3A_586, %get3A_587] {strides = array<i32>} : memref<64x768xf32, #tpu.memory_space<vmem>>, vector<1x16xf32>,
      %get3A_589 = vector.shape_cast %get3A_588 : vector<1x16xf32> to vector<16xf32>
      %mul3A_590 = arith.mulf %get3A_589, %get3A_102 : vector<16xf32>
      %get3A_591 = arith.index_cast %scan3A_99 : i32 to index
      %get3A_592 = arith.constant 480 : index
      %get3A_593 = tpu.vector_load %arg10[%get3A_591, %get3A_592] {strides = array<i32>} : memref<64x768xf32, #tpu.memory_space<vmem>>, vector<1x16xf32>,
      %get3A_594 = vector.shape_cast %get3A_593 : vector<1x16xf32> to vector<16xf32>
      %mul3A_595 = arith.mulf %get3A_594, %get3A_106 : vector<16xf32>
      %add3A_596 = arith.addf %mul3A_590, %mul3A_595 : vector<16xf32>
      %swap3A_597 = arith.index_cast %scan3A_99 : i32 to index
      %swap3A_598 = arith.constant 480 : index
      %swap3A_599 = tpu.vector_load %arg9[%swap3A_597, %swap3A_598] {strides = array<i32>} : memref<64x768xf32, #tpu.memory_space<vmem>>, vector<1x16xf32>,
      %swap3A_600 = vector.shape_cast %swap3A_599 : vector<1x16xf32> to vector<16xf32>
      %swap3A_601 = vector.shape_cast %add3A_596 : vector<16xf32> to vector<1x16xf32>
      tpu.vector_store %arg9[%swap3A_597, %swap3A_598], %swap3A_601 {strides = array<i32>} : memref<64x768xf32, #tpu.memory_space<vmem>>, vector<1x16xf32>,
      %get3A_602 = arith.index_cast %scan3A_99 : i32 to index
      %get3A_603 = arith.constant 496 : index
      %get3A_604 = tpu.vector_load %arg9[%get3A_602, %get3A_603] {strides = array<i32>} : memref<64x768xf32, #tpu.memory_space<vmem>>, vector<1x16xf32>,
      %get3A_605 = vector.shape_cast %get3A_604 : vector<1x16xf32> to vector<16xf32>
      %mul3A_606 = arith.mulf %get3A_605, %get3A_102 : vector<16xf32>
      %get3A_607 = arith.index_cast %scan3A_99 : i32 to index
      %get3A_608 = arith.constant 496 : index
      %get3A_609 = tpu.vector_load %arg10[%get3A_607, %get3A_608] {strides = array<i32>} : memref<64x768xf32, #tpu.memory_space<vmem>>, vector<1x16xf32>,
      %get3A_610 = vector.shape_cast %get3A_609 : vector<1x16xf32> to vector<16xf32>
      %mul3A_611 = arith.mulf %get3A_610, %get3A_106 : vector<16xf32>
      %add3A_612 = arith.addf %mul3A_606, %mul3A_611 : vector<16xf32>
      %swap3A_613 = arith.index_cast %scan3A_99 : i32 to index
      %swap3A_614 = arith.constant 496 : index
      %swap3A_615 = tpu.vector_load %arg9[%swap3A_613, %swap3A_614] {strides = array<i32>} : memref<64x768xf32, #tpu.memory_space<vmem>>, vector<1x16xf32>,
      %swap3A_616 = vector.shape_cast %swap3A_615 : vector<1x16xf32> to vector<16xf32>
      %swap3A_617 = vector.shape_cast %add3A_612 : vector<16xf32> to vector<1x16xf32>
      tpu.vector_store %arg9[%swap3A_613, %swap3A_614], %swap3A_617 {strides = array<i32>} : memref<64x768xf32, #tpu.memory_space<vmem>>, vector<1x16xf32>,
      %get3A_618 = arith.index_cast %scan3A_99 : i32 to index
      %get3A_619 = arith.constant 512 : index
      %get3A_620 = tpu.vector_load %arg9[%get3A_618, %get3A_619] {strides = array<i32>} : memref<64x768xf32, #tpu.memory_space<vmem>>, vector<1x16xf32>,
      %get3A_621 = vector.shape_cast %get3A_620 : vector<1x16xf32> to vector<16xf32>
      %mul3A_622 = arith.mulf %get3A_621, %get3A_102 : vector<16xf32>
      %get3A_623 = arith.index_cast %scan3A_99 : i32 to index
      %get3A_624 = arith.constant 512 : index
      %get3A_625 = tpu.vector_load %arg10[%get3A_623, %get3A_624] {strides = array<i32>} : memref<64x768xf32, #tpu.memory_space<vmem>>, vector<1x16xf32>,
      %get3A_626 = vector.shape_cast %get3A_625 : vector<1x16xf32> to vector<16xf32>
      %mul3A_627 = arith.mulf %get3A_626, %get3A_106 : vector<16xf32>
      %add3A_628 = arith.addf %mul3A_622, %mul3A_627 : vector<16xf32>
      %swap3A_629 = arith.index_cast %scan3A_99 : i32 to index
      %swap3A_630 = arith.constant 512 : index
      %swap3A_631 = tpu.vector_load %arg9[%swap3A_629, %swap3A_630] {strides = array<i32>} : memref<64x768xf32, #tpu.memory_space<vmem>>, vector<1x16xf32>,
      %swap3A_632 = vector.shape_cast %swap3A_631 : vector<1x16xf32> to vector<16xf32>
      %swap3A_633 = vector.shape_cast %add3A_628 : vector<16xf32> to vector<1x16xf32>
      tpu.vector_store %arg9[%swap3A_629, %swap3A_630], %swap3A_633 {strides = array<i32>} : memref<64x768xf32, #tpu.memory_space<vmem>>, vector<1x16xf32>,
      %get3A_634 = arith.index_cast %scan3A_99 : i32 to index
      %get3A_635 = arith.constant 528 : index
      %get3A_636 = tpu.vector_load %arg9[%get3A_634, %get3A_635] {strides = array<i32>} : memref<64x768xf32, #tpu.memory_space<vmem>>, vector<1x16xf32>,
      %get3A_637 = vector.shape_cast %get3A_636 : vector<1x16xf32> to vector<16xf32>
      %mul3A_638 = arith.mulf %get3A_637, %get3A_102 : vector<16xf32>
      %get3A_639 = arith.index_cast %scan3A_99 : i32 to index
      %get3A_640 = arith.constant 528 : index
      %get3A_641 = tpu.vector_load %arg10[%get3A_639, %get3A_640] {strides = array<i32>} : memref<64x768xf32, #tpu.memory_space<vmem>>, vector<1x16xf32>,
      %get3A_642 = vector.shape_cast %get3A_641 : vector<1x16xf32> to vector<16xf32>
      %mul3A_643 = arith.mulf %get3A_642, %get3A_106 : vector<16xf32>
      %add3A_644 = arith.addf %mul3A_638, %mul3A_643 : vector<16xf32>
      %swap3A_645 = arith.index_cast %scan3A_99 : i32 to index
      %swap3A_646 = arith.constant 528 : index
      %swap3A_647 = tpu.vector_load %arg9[%swap3A_645, %swap3A_646] {strides = array<i32>} : memref<64x768xf32, #tpu.memory_space<vmem>>, vector<1x16xf32>,
      %swap3A_648 = vector.shape_cast %swap3A_647 : vector<1x16xf32> to vector<16xf32>
      %swap3A_649 = vector.shape_cast %add3A_644 : vector<16xf32> to vector<1x16xf32>
      tpu.vector_store %arg9[%swap3A_645, %swap3A_646], %swap3A_649 {strides = array<i32>} : memref<64x768xf32, #tpu.memory_space<vmem>>, vector<1x16xf32>,
      %get3A_650 = arith.index_cast %scan3A_99 : i32 to index
      %get3A_651 = arith.constant 544 : index
      %get3A_652 = tpu.vector_load %arg9[%get3A_650, %get3A_651] {strides = array<i32>} : memref<64x768xf32, #tpu.memory_space<vmem>>, vector<1x16xf32>,
      %get3A_653 = vector.shape_cast %get3A_652 : vector<1x16xf32> to vector<16xf32>
      %mul3A_654 = arith.mulf %get3A_653, %get3A_102 : vector<16xf32>
      %get3A_655 = arith.index_cast %scan3A_99 : i32 to index
      %get3A_656 = arith.constant 544 : index
      %get3A_657 = tpu.vector_load %arg10[%get3A_655, %get3A_656] {strides = array<i32>} : memref<64x768xf32, #tpu.memory_space<vmem>>, vector<1x16xf32>,
      %get3A_658 = vector.shape_cast %get3A_657 : vector<1x16xf32> to vector<16xf32>
      %mul3A_659 = arith.mulf %get3A_658, %get3A_106 : vector<16xf32>
      %add3A_660 = arith.addf %mul3A_654, %mul3A_659 : vector<16xf32>
      %swap3A_661 = arith.index_cast %scan3A_99 : i32 to index
      %swap3A_662 = arith.constant 544 : index
      %swap3A_663 = tpu.vector_load %arg9[%swap3A_661, %swap3A_662] {strides = array<i32>} : memref<64x768xf32, #tpu.memory_space<vmem>>, vector<1x16xf32>,
      %swap3A_664 = vector.shape_cast %swap3A_663 : vector<1x16xf32> to vector<16xf32>
      %swap3A_665 = vector.shape_cast %add3A_660 : vector<16xf32> to vector<1x16xf32>
      tpu.vector_store %arg9[%swap3A_661, %swap3A_662], %swap3A_665 {strides = array<i32>} : memref<64x768xf32, #tpu.memory_space<vmem>>, vector<1x16xf32>,
      %get3A_666 = arith.index_cast %scan3A_99 : i32 to index
      %get3A_667 = arith.constant 560 : index
      %get3A_668 = tpu.vector_load %arg9[%get3A_666, %get3A_667] {strides = array<i32>} : memref<64x768xf32, #tpu.memory_space<vmem>>, vector<1x16xf32>,
      %get3A_669 = vector.shape_cast %get3A_668 : vector<1x16xf32> to vector<16xf32>
      %mul3A_670 = arith.mulf %get3A_669, %get3A_102 : vector<16xf32>
      %get3A_671 = arith.index_cast %scan3A_99 : i32 to index
      %get3A_672 = arith.constant 560 : index
      %get3A_673 = tpu.vector_load %arg10[%get3A_671, %get3A_672] {strides = array<i32>} : memref<64x768xf32, #tpu.memory_space<vmem>>, vector<1x16xf32>,
      %get3A_674 = vector.shape_cast %get3A_673 : vector<1x16xf32> to vector<16xf32>
      %mul3A_675 = arith.mulf %get3A_674, %get3A_106 : vector<16xf32>
      %add3A_676 = arith.addf %mul3A_670, %mul3A_675 : vector<16xf32>
      %swap3A_677 = arith.index_cast %scan3A_99 : i32 to index
      %swap3A_678 = arith.constant 560 : index
      %swap3A_679 = tpu.vector_load %arg9[%swap3A_677, %swap3A_678] {strides = array<i32>} : memref<64x768xf32, #tpu.memory_space<vmem>>, vector<1x16xf32>,
      %swap3A_680 = vector.shape_cast %swap3A_679 : vector<1x16xf32> to vector<16xf32>
      %swap3A_681 = vector.shape_cast %add3A_676 : vector<16xf32> to vector<1x16xf32>
      tpu.vector_store %arg9[%swap3A_677, %swap3A_678], %swap3A_681 {strides = array<i32>} : memref<64x768xf32, #tpu.memory_space<vmem>>, vector<1x16xf32>,
      %get3A_682 = arith.index_cast %scan3A_99 : i32 to index
      %get3A_683 = arith.constant 576 : index
      %get3A_684 = tpu.vector_load %arg9[%get3A_682, %get3A_683] {strides = array<i32>} : memref<64x768xf32, #tpu.memory_space<vmem>>, vector<1x16xf32>,
      %get3A_685 = vector.shape_cast %get3A_684 : vector<1x16xf32> to vector<16xf32>
      %mul3A_686 = arith.mulf %get3A_685, %get3A_102 : vector<16xf32>
      %get3A_687 = arith.index_cast %scan3A_99 : i32 to index
      %get3A_688 = arith.constant 576 : index
      %get3A_689 = tpu.vector_load %arg10[%get3A_687, %get3A_688] {strides = array<i32>} : memref<64x768xf32, #tpu.memory_space<vmem>>, vector<1x16xf32>,
      %get3A_690 = vector.shape_cast %get3A_689 : vector<1x16xf32> to vector<16xf32>
      %mul3A_691 = arith.mulf %get3A_690, %get3A_106 : vector<16xf32>
      %add3A_692 = arith.addf %mul3A_686, %mul3A_691 : vector<16xf32>
      %swap3A_693 = arith.index_cast %scan3A_99 : i32 to index
      %swap3A_694 = arith.constant 576 : index
      %swap3A_695 = tpu.vector_load %arg9[%swap3A_693, %swap3A_694] {strides = array<i32>} : memref<64x768xf32, #tpu.memory_space<vmem>>, vector<1x16xf32>,
      %swap3A_696 = vector.shape_cast %swap3A_695 : vector<1x16xf32> to vector<16xf32>
      %swap3A_697 = vector.shape_cast %add3A_692 : vector<16xf32> to vector<1x16xf32>
      tpu.vector_store %arg9[%swap3A_693, %swap3A_694], %swap3A_697 {strides = array<i32>} : memref<64x768xf32, #tpu.memory_space<vmem>>, vector<1x16xf32>,
      %get3A_698 = arith.index_cast %scan3A_99 : i32 to index
      %get3A_699 = arith.constant 592 : index
      %get3A_700 = tpu.vector_load %arg9[%get3A_698, %get3A_699] {strides = array<i32>} : memref<64x768xf32, #tpu.memory_space<vmem>>, vector<1x16xf32>,
      %get3A_701 = vector.shape_cast %get3A_700 : vector<1x16xf32> to vector<16xf32>
      %mul3A_702 = arith.mulf %get3A_701, %get3A_102 : vector<16xf32>
      %get3A_703 = arith.index_cast %scan3A_99 : i32 to index
      %get3A_704 = arith.constant 592 : index
      %get3A_705 = tpu.vector_load %arg10[%get3A_703, %get3A_704] {strides = array<i32>} : memref<64x768xf32, #tpu.memory_space<vmem>>, vector<1x16xf32>,
      %get3A_706 = vector.shape_cast %get3A_705 : vector<1x16xf32> to vector<16xf32>
      %mul3A_707 = arith.mulf %get3A_706, %get3A_106 : vector<16xf32>
      %add3A_708 = arith.addf %mul3A_702, %mul3A_707 : vector<16xf32>
      %swap3A_709 = arith.index_cast %scan3A_99 : i32 to index
      %swap3A_710 = arith.constant 592 : index
      %swap3A_711 = tpu.vector_load %arg9[%swap3A_709, %swap3A_710] {strides = array<i32>} : memref<64x768xf32, #tpu.memory_space<vmem>>, vector<1x16xf32>,
      %swap3A_712 = vector.shape_cast %swap3A_711 : vector<1x16xf32> to vector<16xf32>
      %swap3A_713 = vector.shape_cast %add3A_708 : vector<16xf32> to vector<1x16xf32>
      tpu.vector_store %arg9[%swap3A_709, %swap3A_710], %swap3A_713 {strides = array<i32>} : memref<64x768xf32, #tpu.memory_space<vmem>>, vector<1x16xf32>,
      %get3A_714 = arith.index_cast %scan3A_99 : i32 to index
      %get3A_715 = arith.constant 608 : index
      %get3A_716 = tpu.vector_load %arg9[%get3A_714, %get3A_715] {strides = array<i32>} : memref<64x768xf32, #tpu.memory_space<vmem>>, vector<1x16xf32>,
      %get3A_717 = vector.shape_cast %get3A_716 : vector<1x16xf32> to vector<16xf32>
      %mul3A_718 = arith.mulf %get3A_717, %get3A_102 : vector<16xf32>
      %get3A_719 = arith.index_cast %scan3A_99 : i32 to index
      %get3A_720 = arith.constant 608 : index
      %get3A_721 = tpu.vector_load %arg10[%get3A_719, %get3A_720] {strides = array<i32>} : memref<64x768xf32, #tpu.memory_space<vmem>>, vector<1x16xf32>,
      %get3A_722 = vector.shape_cast %get3A_721 : vector<1x16xf32> to vector<16xf32>
      %mul3A_723 = arith.mulf %get3A_722, %get3A_106 : vector<16xf32>
      %add3A_724 = arith.addf %mul3A_718, %mul3A_723 : vector<16xf32>
      %swap3A_725 = arith.index_cast %scan3A_99 : i32 to index
      %swap3A_726 = arith.constant 608 : index
      %swap3A_727 = tpu.vector_load %arg9[%swap3A_725, %swap3A_726] {strides = array<i32>} : memref<64x768xf32, #tpu.memory_space<vmem>>, vector<1x16xf32>,
      %swap3A_728 = vector.shape_cast %swap3A_727 : vector<1x16xf32> to vector<16xf32>
      %swap3A_729 = vector.shape_cast %add3A_724 : vector<16xf32> to vector<1x16xf32>
      tpu.vector_store %arg9[%swap3A_725, %swap3A_726], %swap3A_729 {strides = array<i32>} : memref<64x768xf32, #tpu.memory_space<vmem>>, vector<1x16xf32>,
      %get3A_730 = arith.index_cast %scan3A_99 : i32 to index
      %get3A_731 = arith.constant 624 : index
      %get3A_732 = tpu.vector_load %arg9[%get3A_730, %get3A_731] {strides = array<i32>} : memref<64x768xf32, #tpu.memory_space<vmem>>, vector<1x16xf32>,
      %get3A_733 = vector.shape_cast %get3A_732 : vector<1x16xf32> to vector<16xf32>
      %mul3A_734 = arith.mulf %get3A_733, %get3A_102 : vector<16xf32>
      %get3A_735 = arith.index_cast %scan3A_99 : i32 to index
      %get3A_736 = arith.constant 624 : index
      %get3A_737 = tpu.vector_load %arg10[%get3A_735, %get3A_736] {strides = array<i32>} : memref<64x768xf32, #tpu.memory_space<vmem>>, vector<1x16xf32>,
      %get3A_738 = vector.shape_cast %get3A_737 : vector<1x16xf32> to vector<16xf32>
      %mul3A_739 = arith.mulf %get3A_738, %get3A_106 : vector<16xf32>
      %add3A_740 = arith.addf %mul3A_734, %mul3A_739 : vector<16xf32>
      %swap3A_741 = arith.index_cast %scan3A_99 : i32 to index
      %swap3A_742 = arith.constant 624 : index
      %swap3A_743 = tpu.vector_load %arg9[%swap3A_741, %swap3A_742] {strides = array<i32>} : memref<64x768xf32, #tpu.memory_space<vmem>>, vector<1x16xf32>,
      %swap3A_744 = vector.shape_cast %swap3A_743 : vector<1x16xf32> to vector<16xf32>
      %swap3A_745 = vector.shape_cast %add3A_740 : vector<16xf32> to vector<1x16xf32>
      tpu.vector_store %arg9[%swap3A_741, %swap3A_742], %swap3A_745 {strides = array<i32>} : memref<64x768xf32, #tpu.memory_space<vmem>>, vector<1x16xf32>,
      %get3A_746 = arith.index_cast %scan3A_99 : i32 to index
      %get3A_747 = arith.constant 640 : index
      %get3A_748 = tpu.vector_load %arg9[%get3A_746, %get3A_747] {strides = array<i32>} : memref<64x768xf32, #tpu.memory_space<vmem>>, vector<1x16xf32>,
      %get3A_749 = vector.shape_cast %get3A_748 : vector<1x16xf32> to vector<16xf32>
      %mul3A_750 = arith.mulf %get3A_749, %get3A_102 : vector<16xf32>
      %get3A_751 = arith.index_cast %scan3A_99 : i32 to index
      %get3A_752 = arith.constant 640 : index
      %get3A_753 = tpu.vector_load %arg10[%get3A_751, %get3A_752] {strides = array<i32>} : memref<64x768xf32, #tpu.memory_space<vmem>>, vector<1x16xf32>,
      %get3A_754 = vector.shape_cast %get3A_753 : vector<1x16xf32> to vector<16xf32>
      %mul3A_755 = arith.mulf %get3A_754, %get3A_106 : vector<16xf32>
      %add3A_756 = arith.addf %mul3A_750, %mul3A_755 : vector<16xf32>
      %swap3A_757 = arith.index_cast %scan3A_99 : i32 to index
      %swap3A_758 = arith.constant 640 : index
      %swap3A_759 = tpu.vector_load %arg9[%swap3A_757, %swap3A_758] {strides = array<i32>} : memref<64x768xf32, #tpu.memory_space<vmem>>, vector<1x16xf32>,
      %swap3A_760 = vector.shape_cast %swap3A_759 : vector<1x16xf32> to vector<16xf32>
      %swap3A_761 = vector.shape_cast %add3A_756 : vector<16xf32> to vector<1x16xf32>
      tpu.vector_store %arg9[%swap3A_757, %swap3A_758], %swap3A_761 {strides = array<i32>} : memref<64x768xf32, #tpu.memory_space<vmem>>, vector<1x16xf32>,
      %get3A_762 = arith.index_cast %scan3A_99 : i32 to index
      %get3A_763 = arith.constant 656 : index
      %get3A_764 = tpu.vector_load %arg9[%get3A_762, %get3A_763] {strides = array<i32>} : memref<64x768xf32, #tpu.memory_space<vmem>>, vector<1x16xf32>,
      %get3A_765 = vector.shape_cast %get3A_764 : vector<1x16xf32> to vector<16xf32>
      %mul3A_766 = arith.mulf %get3A_765, %get3A_102 : vector<16xf32>
      %get3A_767 = arith.index_cast %scan3A_99 : i32 to index
      %get3A_768 = arith.constant 656 : index
      %get3A_769 = tpu.vector_load %arg10[%get3A_767, %get3A_768] {strides = array<i32>} : memref<64x768xf32, #tpu.memory_space<vmem>>, vector<1x16xf32>,
      %get3A_770 = vector.shape_cast %get3A_769 : vector<1x16xf32> to vector<16xf32>
      %mul3A_771 = arith.mulf %get3A_770, %get3A_106 : vector<16xf32>
      %add3A_772 = arith.addf %mul3A_766, %mul3A_771 : vector<16xf32>
      %swap3A_773 = arith.index_cast %scan3A_99 : i32 to index
      %swap3A_774 = arith.constant 656 : index
      %swap3A_775 = tpu.vector_load %arg9[%swap3A_773, %swap3A_774] {strides = array<i32>} : memref<64x768xf32, #tpu.memory_space<vmem>>, vector<1x16xf32>,
      %swap3A_776 = vector.shape_cast %swap3A_775 : vector<1x16xf32> to vector<16xf32>
      %swap3A_777 = vector.shape_cast %add3A_772 : vector<16xf32> to vector<1x16xf32>
      tpu.vector_store %arg9[%swap3A_773, %swap3A_774], %swap3A_777 {strides = array<i32>} : memref<64x768xf32, #tpu.memory_space<vmem>>, vector<1x16xf32>,
      %get3A_778 = arith.index_cast %scan3A_99 : i32 to index
      %get3A_779 = arith.constant 672 : index
      %get3A_780 = tpu.vector_load %arg9[%get3A_778, %get3A_779] {strides = array<i32>} : memref<64x768xf32, #tpu.memory_space<vmem>>, vector<1x16xf32>,
      %get3A_781 = vector.shape_cast %get3A_780 : vector<1x16xf32> to vector<16xf32>
      %mul3A_782 = arith.mulf %get3A_781, %get3A_102 : vector<16xf32>
      %get3A_783 = arith.index_cast %scan3A_99 : i32 to index
      %get3A_784 = arith.constant 672 : index
      %get3A_785 = tpu.vector_load %arg10[%get3A_783, %get3A_784] {strides = array<i32>} : memref<64x768xf32, #tpu.memory_space<vmem>>, vector<1x16xf32>,
      %get3A_786 = vector.shape_cast %get3A_785 : vector<1x16xf32> to vector<16xf32>
      %mul3A_787 = arith.mulf %get3A_786, %get3A_106 : vector<16xf32>
      %add3A_788 = arith.addf %mul3A_782, %mul3A_787 : vector<16xf32>
      %swap3A_789 = arith.index_cast %scan3A_99 : i32 to index
      %swap3A_790 = arith.constant 672 : index
      %swap3A_791 = tpu.vector_load %arg9[%swap3A_789, %swap3A_790] {strides = array<i32>} : memref<64x768xf32, #tpu.memory_space<vmem>>, vector<1x16xf32>,
      %swap3A_792 = vector.shape_cast %swap3A_791 : vector<1x16xf32> to vector<16xf32>
      %swap3A_793 = vector.shape_cast %add3A_788 : vector<16xf32> to vector<1x16xf32>
      tpu.vector_store %arg9[%swap3A_789, %swap3A_790], %swap3A_793 {strides = array<i32>} : memref<64x768xf32, #tpu.memory_space<vmem>>, vector<1x16xf32>,
      %get3A_794 = arith.index_cast %scan3A_99 : i32 to index
      %get3A_795 = arith.constant 688 : index
      %get3A_796 = tpu.vector_load %arg9[%get3A_794, %get3A_795] {strides = array<i32>} : memref<64x768xf32, #tpu.memory_space<vmem>>, vector<1x16xf32>,
      %get3A_797 = vector.shape_cast %get3A_796 : vector<1x16xf32> to vector<16xf32>
      %mul3A_798 = arith.mulf %get3A_797, %get3A_102 : vector<16xf32>
      %get3A_799 = arith.index_cast %scan3A_99 : i32 to index
      %get3A_800 = arith.constant 688 : index
      %get3A_801 = tpu.vector_load %arg10[%get3A_799, %get3A_800] {strides = array<i32>} : memref<64x768xf32, #tpu.memory_space<vmem>>, vector<1x16xf32>,
      %get3A_802 = vector.shape_cast %get3A_801 : vector<1x16xf32> to vector<16xf32>
      %mul3A_803 = arith.mulf %get3A_802, %get3A_106 : vector<16xf32>
      %add3A_804 = arith.addf %mul3A_798, %mul3A_803 : vector<16xf32>
      %swap3A_805 = arith.index_cast %scan3A_99 : i32 to index
      %swap3A_806 = arith.constant 688 : index
      %swap3A_807 = tpu.vector_load %arg9[%swap3A_805, %swap3A_806] {strides = array<i32>} : memref<64x768xf32, #tpu.memory_space<vmem>>, vector<1x16xf32>,
      %swap3A_808 = vector.shape_cast %swap3A_807 : vector<1x16xf32> to vector<16xf32>
      %swap3A_809 = vector.shape_cast %add3A_804 : vector<16xf32> to vector<1x16xf32>
      tpu.vector_store %arg9[%swap3A_805, %swap3A_806], %swap3A_809 {strides = array<i32>} : memref<64x768xf32, #tpu.memory_space<vmem>>, vector<1x16xf32>,
      %get3A_810 = arith.index_cast %scan3A_99 : i32 to index
      %get3A_811 = arith.constant 704 : index
      %get3A_812 = tpu.vector_load %arg9[%get3A_810, %get3A_811] {strides = array<i32>} : memref<64x768xf32, #tpu.memory_space<vmem>>, vector<1x16xf32>,
      %get3A_813 = vector.shape_cast %get3A_812 : vector<1x16xf32> to vector<16xf32>
      %mul3A_814 = arith.mulf %get3A_813, %get3A_102 : vector<16xf32>
      %get3A_815 = arith.index_cast %scan3A_99 : i32 to index
      %get3A_816 = arith.constant 704 : index
      %get3A_817 = tpu.vector_load %arg10[%get3A_815, %get3A_816] {strides = array<i32>} : memref<64x768xf32, #tpu.memory_space<vmem>>, vector<1x16xf32>,
      %get3A_818 = vector.shape_cast %get3A_817 : vector<1x16xf32> to vector<16xf32>
      %mul3A_819 = arith.mulf %get3A_818, %get3A_106 : vector<16xf32>
      %add3A_820 = arith.addf %mul3A_814, %mul3A_819 : vector<16xf32>
      %swap3A_821 = arith.index_cast %scan3A_99 : i32 to index
      %swap3A_822 = arith.constant 704 : index
      %swap3A_823 = tpu.vector_load %arg9[%swap3A_821, %swap3A_822] {strides = array<i32>} : memref<64x768xf32, #tpu.memory_space<vmem>>, vector<1x16xf32>,
      %swap3A_824 = vector.shape_cast %swap3A_823 : vector<1x16xf32> to vector<16xf32>
      %swap3A_825 = vector.shape_cast %add3A_820 : vector<16xf32> to vector<1x16xf32>
      tpu.vector_store %arg9[%swap3A_821, %swap3A_822], %swap3A_825 {strides = array<i32>} : memref<64x768xf32, #tpu.memory_space<vmem>>, vector<1x16xf32>,
      %get3A_826 = arith.index_cast %scan3A_99 : i32 to index
      %get3A_827 = arith.constant 720 : index
      %get3A_828 = tpu.vector_load %arg9[%get3A_826, %get3A_827] {strides = array<i32>} : memref<64x768xf32, #tpu.memory_space<vmem>>, vector<1x16xf32>,
      %get3A_829 = vector.shape_cast %get3A_828 : vector<1x16xf32> to vector<16xf32>
      %mul3A_830 = arith.mulf %get3A_829, %get3A_102 : vector<16xf32>
      %get3A_831 = arith.index_cast %scan3A_99 : i32 to index
      %get3A_832 = arith.constant 720 : index
      %get3A_833 = tpu.vector_load %arg10[%get3A_831, %get3A_832] {strides = array<i32>} : memref<64x768xf32, #tpu.memory_space<vmem>>, vector<1x16xf32>,
      %get3A_834 = vector.shape_cast %get3A_833 : vector<1x16xf32> to vector<16xf32>
      %mul3A_835 = arith.mulf %get3A_834, %get3A_106 : vector<16xf32>
      %add3A_836 = arith.addf %mul3A_830, %mul3A_835 : vector<16xf32>
      %swap3A_837 = arith.index_cast %scan3A_99 : i32 to index
      %swap3A_838 = arith.constant 720 : index
      %swap3A_839 = tpu.vector_load %arg9[%swap3A_837, %swap3A_838] {strides = array<i32>} : memref<64x768xf32, #tpu.memory_space<vmem>>, vector<1x16xf32>,
      %swap3A_840 = vector.shape_cast %swap3A_839 : vector<1x16xf32> to vector<16xf32>
      %swap3A_841 = vector.shape_cast %add3A_836 : vector<16xf32> to vector<1x16xf32>
      tpu.vector_store %arg9[%swap3A_837, %swap3A_838], %swap3A_841 {strides = array<i32>} : memref<64x768xf32, #tpu.memory_space<vmem>>, vector<1x16xf32>,
      %get3A_842 = arith.index_cast %scan3A_99 : i32 to index
      %get3A_843 = arith.constant 736 : index
      %get3A_844 = tpu.vector_load %arg9[%get3A_842, %get3A_843] {strides = array<i32>} : memref<64x768xf32, #tpu.memory_space<vmem>>, vector<1x16xf32>,
      %get3A_845 = vector.shape_cast %get3A_844 : vector<1x16xf32> to vector<16xf32>
      %mul3A_846 = arith.mulf %get3A_845, %get3A_102 : vector<16xf32>
      %get3A_847 = arith.index_cast %scan3A_99 : i32 to index
      %get3A_848 = arith.constant 736 : index
      %get3A_849 = tpu.vector_load %arg10[%get3A_847, %get3A_848] {strides = array<i32>} : memref<64x768xf32, #tpu.memory_space<vmem>>, vector<1x16xf32>,
      %get3A_850 = vector.shape_cast %get3A_849 : vector<1x16xf32> to vector<16xf32>
      %mul3A_851 = arith.mulf %get3A_850, %get3A_106 : vector<16xf32>
      %add3A_852 = arith.addf %mul3A_846, %mul3A_851 : vector<16xf32>
      %swap3A_853 = arith.index_cast %scan3A_99 : i32 to index
      %swap3A_854 = arith.constant 736 : index
      %swap3A_855 = tpu.vector_load %arg9[%swap3A_853, %swap3A_854] {strides = array<i32>} : memref<64x768xf32, #tpu.memory_space<vmem>>, vector<1x16xf32>,
      %swap3A_856 = vector.shape_cast %swap3A_855 : vector<1x16xf32> to vector<16xf32>
      %swap3A_857 = vector.shape_cast %add3A_852 : vector<16xf32> to vector<1x16xf32>
      tpu.vector_store %arg9[%swap3A_853, %swap3A_854], %swap3A_857 {strides = array<i32>} : memref<64x768xf32, #tpu.memory_space<vmem>>, vector<1x16xf32>,
      %get3A_858 = arith.index_cast %scan3A_99 : i32 to index
      %get3A_859 = arith.constant 752 : index
      %get3A_860 = tpu.vector_load %arg9[%get3A_858, %get3A_859] {strides = array<i32>} : memref<64x768xf32, #tpu.memory_space<vmem>>, vector<1x16xf32>,
      %get3A_861 = vector.shape_cast %get3A_860 : vector<1x16xf32> to vector<16xf32>
      %mul3A_862 = arith.mulf %get3A_861, %get3A_102 : vector<16xf32>
      %get3A_863 = arith.index_cast %scan3A_99 : i32 to index
      %get3A_864 = arith.constant 752 : index
      %get3A_865 = tpu.vector_load %arg10[%get3A_863, %get3A_864] {strides = array<i32>} : memref<64x768xf32, #tpu.memory_space<vmem>>, vector<1x16xf32>,
      %get3A_866 = vector.shape_cast %get3A_865 : vector<1x16xf32> to vector<16xf32>
      %mul3A_867 = arith.mulf %get3A_866, %get3A_106 : vector<16xf32>
      %add3A_868 = arith.addf %mul3A_862, %mul3A_867 : vector<16xf32>
      %swap3A_869 = arith.index_cast %scan3A_99 : i32 to index
      %swap3A_870 = arith.constant 752 : index
      %swap3A_871 = tpu.vector_load %arg9[%swap3A_869, %swap3A_870] {strides = array<i32>} : memref<64x768xf32, #tpu.memory_space<vmem>>, vector<1x16xf32>,
      %swap3A_872 = vector.shape_cast %swap3A_871 : vector<1x16xf32> to vector<16xf32>
      %swap3A_873 = vector.shape_cast %add3A_868 : vector<16xf32> to vector<1x16xf32>
      tpu.vector_store %arg9[%swap3A_869, %swap3A_870], %swap3A_873 {strides = array<i32>} : memref<64x768xf32, #tpu.memory_space<vmem>>, vector<1x16xf32>,
    }
    %scan3A_54 = arith.constant 32 : i32
    %dma_start3A_55 = arith.constant 0 : i32
    %dma_start3A_56 = arith.constant 0 : i32
    %dma_start3A_57 = tpu.memref_slice %arg9[%dma_start3A_55, %dma_start3A_56] : memref<64x768xf32, #tpu.memory_space<vmem>> -> memref<32x768xf32, #tpu.memory_space<vmem>>
    %dma_start3A_58 = arith.constant 0 : i32
    %dma_start3A_59 = tpu.memref_slice %arg5[%mul3A_2, %dma_start3A_58] : memref<2048x768xf32, #tpu.memory_space<hbm>> -> memref<32x768xf32, #tpu.memory_space<hbm>>
    %dma_start3A_60 = arith.constant 0 : i32
    %dma_start3A_61 = tpu.memref_slice %arg5[%mul3A_2, %dma_start3A_60] : memref<2048x768xf32, #tpu.memory_space<hbm>> -> memref<32x768xf32, #tpu.memory_space<hbm>>
    %dma_start3A_62 = arith.constant 0 : i32
    %dma_start3A_63 = arith.constant 0 : i32
    %dma_start3A_64 = tpu.memref_slice %arg9[%dma_start3A_62, %dma_start3A_63] : memref<64x768xf32, #tpu.memory_space<vmem>> -> memref<32x768xf32, #tpu.memory_space<vmem>>
    tpu.enqueue_dma source(%dma_start3A_64 : memref<32x768xf32, #tpu.memory_space<vmem>>) target(%dma_start3A_61 : memref<32x768xf32, #tpu.memory_space<hbm>>) target_semaphore(%arg12 : memref<!tpu.dma_semaphore, #tpu.memory_space<semaphore_mem>>)
    %dma_wait3A_65 = arith.constant 32 : i32
    %dma_wait3A_66 = arith.constant 0 : i32
    %dma_wait3A_67 = tpu.memref_slice %arg9[%dma_wait3A_65, %dma_wait3A_66] : memref<64x768xf32, #tpu.memory_space<vmem>> -> memref<32x768xf32, #tpu.memory_space<vmem>>
    %dma_wait3A_68 = arith.constant 32 : i32
    %dma_wait3A_69 = tpu.memref_slice %arg6[%dma_wait3A_68] : memref<64xi32, #tpu.memory_space<vmem>> -> memref<32xi32, #tpu.memory_space<vmem>>
    %dma_wait3A_70 = arith.constant 0 : i32
    %dma_wait3A_71 = arith.constant 0 : i32
    %dma_wait3A_72 = tpu.memref_slice %arg2[%dma_wait3A_70, %dma_wait3A_71] : memref<6144x768xf32, #tpu.memory_space<hbm>> -> memref<6144x768xf32, #tpu.memory_space<hbm>>
    tpu.wait_indirect_dma semaphore(%arg11 : memref<!tpu.dma_semaphore, #tpu.memory_space<semaphore_mem>>) src(%dma_wait3A_72 : memref<6144x768xf32, #tpu.memory_space<hbm>>) dst(%dma_wait3A_67 : memref<32x768xf32, #tpu.memory_space<vmem>>)
    %dma_wait3A_73 = arith.constant 32 : i32
    %dma_wait3A_74 = arith.constant 0 : i32
    %dma_wait3A_75 = tpu.memref_slice %arg10[%dma_wait3A_73, %dma_wait3A_74] : memref<64x768xf32, #tpu.memory_space<vmem>> -> memref<32x768xf32, #tpu.memory_space<vmem>>
    %dma_wait3A_76 = arith.constant 32 : i32
    %dma_wait3A_77 = tpu.memref_slice %arg7[%dma_wait3A_76] : memref<64xi32, #tpu.memory_space<vmem>> -> memref<32xi32, #tpu.memory_space<vmem>>
    %dma_wait3A_78 = arith.constant 0 : i32
    %dma_wait3A_79 = arith.constant 0 : i32
    %dma_wait3A_80 = tpu.memref_slice %arg2[%dma_wait3A_78, %dma_wait3A_79] : memref<6144x768xf32, #tpu.memory_space<hbm>> -> memref<6144x768xf32, #tpu.memory_space<hbm>>
    tpu.wait_indirect_dma semaphore(%arg11 : memref<!tpu.dma_semaphore, #tpu.memory_space<semaphore_mem>>) src(%dma_wait3A_80 : memref<6144x768xf32, #tpu.memory_space<hbm>>) dst(%dma_wait3A_75 : memref<32x768xf32, #tpu.memory_space<vmem>>)
    %scan3A_81 = arith.constant 0 : i32
    %scan3A_82 = arith.constant 32 : i32
    %scan3A_83 = arith.constant 32 : i32
    %scan3A_84 = arith.addi %scan3A_82, %scan3A_83 : i32
    %scan3A_85 = arith.constant 1 : i32
    scf.for %scan3A_99 = %scan3A_82 to %scan3A_84 step %scan3A_85  : i32 {
      %get3A = arith.index_cast %scan3A_99 : i32 to index
      %get3A_100 = arith.constant 0 : index
      %get3A_101 = tpu.vector_load %arg8[%get3A, %get3A_100] {strides = array<i32>} : memref<64x32xf32, #tpu.memory_space<vmem>>, vector<1x16xf32>,
      %get3A_102 = vector.shape_cast %get3A_101 : vector<1x16xf32> to vector<16xf32>
      %get3A_103 = arith.index_cast %scan3A_99 : i32 to index
      %get3A_104 = arith.constant 16 : index
      %get3A_105 = tpu.vector_load %arg8[%get3A_103, %get3A_104] {strides = array<i32>} : memref<64x32xf32, #tpu.memory_space<vmem>>, vector<1x16xf32>,
      %get3A_106 = vector.shape_cast %get3A_105 : vector<1x16xf32> to vector<16xf32>
      %get3A_107 = arith.index_cast %scan3A_99 : i32 to index
      %get3A_108 = arith.constant 0 : index
      %get3A_109 = tpu.vector_load %arg9[%get3A_107, %get3A_108] {strides = array<i32>} : memref<64x768xf32, #tpu.memory_space<vmem>>, vector<1x16xf32>,
      %get3A_110 = vector.shape_cast %get3A_109 : vector<1x16xf32> to vector<16xf32>
      %mul3A_111 = arith.mulf %get3A_110, %get3A_102 : vector<16xf32>
      %get3A_112 = arith.index_cast %scan3A_99 : i32 to index
      %get3A_113 = arith.constant 0 : index
      %get3A_114 = tpu.vector_load %arg10[%get3A_112, %get3A_113] {strides = array<i32>} : memref<64x768xf32, #tpu.memory_space<vmem>>, vector<1x16xf32>,
      %get3A_115 = vector.shape_cast %get3A_114 : vector<1x16xf32> to vector<16xf32>
      %mul3A_116 = arith.mulf %get3A_115, %get3A_106 : vector<16xf32>
      %add3A_117 = arith.addf %mul3A_111, %mul3A_116 : vector<16xf32>
      %swap3A = arith.index_cast %scan3A_99 : i32 to index
      %swap3A_118 = arith.constant 0 : index
      %swap3A_119 = tpu.vector_load %arg9[%swap3A, %swap3A_118] {strides = array<i32>} : memref<64x768xf32, #tpu.memory_space<vmem>>, vector<1x16xf32>,
      %swap3A_120 = vector.shape_cast %swap3A_119 : vector<1x16xf32> to vector<16xf32>
      %swap3A_121 = vector.shape_cast %add3A_117 : vector<16xf32> to vector<1x16xf32>
      tpu.vector_store %arg9[%swap3A, %swap3A_118], %swap3A_121 {strides = array<i32>} : memref<64x768xf32, #tpu.memory_space<vmem>>, vector<1x16xf32>,
      %get3A_122 = arith.index_cast %scan3A_99 : i32 to index
      %get3A_123 = arith.constant 16 : index
      %get3A_124 = tpu.vector_load %arg9[%get3A_122, %get3A_123] {strides = array<i32>} : memref<64x768xf32, #tpu.memory_space<vmem>>, vector<1x16xf32>,
      %get3A_125 = vector.shape_cast %get3A_124 : vector<1x16xf32> to vector<16xf32>
      %mul3A_126 = arith.mulf %get3A_125, %get3A_102 : vector<16xf32>
      %get3A_127 = arith.index_cast %scan3A_99 : i32 to index
      %get3A_128 = arith.constant 16 : index
      %get3A_129 = tpu.vector_load %arg10[%get3A_127, %get3A_128] {strides = array<i32>} : memref<64x768xf32, #tpu.memory_space<vmem>>, vector<1x16xf32>,
      %get3A_130 = vector.shape_cast %get3A_129 : vector<1x16xf32> to vector<16xf32>
      %mul3A_131 = arith.mulf %get3A_130, %get3A_106 : vector<16xf32>
      %add3A_132 = arith.addf %mul3A_126, %mul3A_131 : vector<16xf32>
      %swap3A_133 = arith.index_cast %scan3A_99 : i32 to index
      %swap3A_134 = arith.constant 16 : index
      %swap3A_135 = tpu.vector_load %arg9[%swap3A_133, %swap3A_134] {strides = array<i32>} : memref<64x768xf32, #tpu.memory_space<vmem>>, vector<1x16xf32>,
      %swap3A_136 = vector.shape_cast %swap3A_135 : vector<1x16xf32> to vector<16xf32>
      %swap3A_137 = vector.shape_cast %add3A_132 : vector<16xf32> to vector<1x16xf32>
      tpu.vector_store %arg9[%swap3A_133, %swap3A_134], %swap3A_137 {strides = array<i32>} : memref<64x768xf32, #tpu.memory_space<vmem>>, vector<1x16xf32>,
      %get3A_138 = arith.index_cast %scan3A_99 : i32 to index
      %get3A_139 = arith.constant 32 : index
      %get3A_140 = tpu.vector_load %arg9[%get3A_138, %get3A_139] {strides = array<i32>} : memref<64x768xf32, #tpu.memory_space<vmem>>, vector<1x16xf32>,
      %get3A_141 = vector.shape_cast %get3A_140 : vector<1x16xf32> to vector<16xf32>
      %mul3A_142 = arith.mulf %get3A_141, %get3A_102 : vector<16xf32>
      %get3A_143 = arith.index_cast %scan3A_99 : i32 to index
      %get3A_144 = arith.constant 32 : index
      %get3A_145 = tpu.vector_load %arg10[%get3A_143, %get3A_144] {strides = array<i32>} : memref<64x768xf32, #tpu.memory_space<vmem>>, vector<1x16xf32>,
      %get3A_146 = vector.shape_cast %get3A_145 : vector<1x16xf32> to vector<16xf32>
      %mul3A_147 = arith.mulf %get3A_146, %get3A_106 : vector<16xf32>
      %add3A_148 = arith.addf %mul3A_142, %mul3A_147 : vector<16xf32>
      %swap3A_149 = arith.index_cast %scan3A_99 : i32 to index
      %swap3A_150 = arith.constant 32 : index
      %swap3A_151 = tpu.vector_load %arg9[%swap3A_149, %swap3A_150] {strides = array<i32>} : memref<64x768xf32, #tpu.memory_space<vmem>>, vector<1x16xf32>,
      %swap3A_152 = vector.shape_cast %swap3A_151 : vector<1x16xf32> to vector<16xf32>
      %swap3A_153 = vector.shape_cast %add3A_148 : vector<16xf32> to vector<1x16xf32>
      tpu.vector_store %arg9[%swap3A_149, %swap3A_150], %swap3A_153 {strides = array<i32>} : memref<64x768xf32, #tpu.memory_space<vmem>>, vector<1x16xf32>,
      %get3A_154 = arith.index_cast %scan3A_99 : i32 to index
      %get3A_155 = arith.constant 48 : index
      %get3A_156 = tpu.vector_load %arg9[%get3A_154, %get3A_155] {strides = array<i32>} : memref<64x768xf32, #tpu.memory_space<vmem>>, vector<1x16xf32>,
      %get3A_157 = vector.shape_cast %get3A_156 : vector<1x16xf32> to vector<16xf32>
      %mul3A_158 = arith.mulf %get3A_157, %get3A_102 : vector<16xf32>
      %get3A_159 = arith.index_cast %scan3A_99 : i32 to index
      %get3A_160 = arith.constant 48 : index
      %get3A_161 = tpu.vector_load %arg10[%get3A_159, %get3A_160] {strides = array<i32>} : memref<64x768xf32, #tpu.memory_space<vmem>>, vector<1x16xf32>,
      %get3A_162 = vector.shape_cast %get3A_161 : vector<1x16xf32> to vector<16xf32>
      %mul3A_163 = arith.mulf %get3A_162, %get3A_106 : vector<16xf32>
      %add3A_164 = arith.addf %mul3A_158, %mul3A_163 : vector<16xf32>
      %swap3A_165 = arith.index_cast %scan3A_99 : i32 to index
      %swap3A_166 = arith.constant 48 : index
      %swap3A_167 = tpu.vector_load %arg9[%swap3A_165, %swap3A_166] {strides = array<i32>} : memref<64x768xf32, #tpu.memory_space<vmem>>, vector<1x16xf32>,
      %swap3A_168 = vector.shape_cast %swap3A_167 : vector<1x16xf32> to vector<16xf32>
      %swap3A_169 = vector.shape_cast %add3A_164 : vector<16xf32> to vector<1x16xf32>
      tpu.vector_store %arg9[%swap3A_165, %swap3A_166], %swap3A_169 {strides = array<i32>} : memref<64x768xf32, #tpu.memory_space<vmem>>, vector<1x16xf32>,
      %get3A_170 = arith.index_cast %scan3A_99 : i32 to index
      %get3A_171 = arith.constant 64 : index
      %get3A_172 = tpu.vector_load %arg9[%get3A_170, %get3A_171] {strides = array<i32>} : memref<64x768xf32, #tpu.memory_space<vmem>>, vector<1x16xf32>,
      %get3A_173 = vector.shape_cast %get3A_172 : vector<1x16xf32> to vector<16xf32>
      %mul3A_174 = arith.mulf %get3A_173, %get3A_102 : vector<16xf32>
      %get3A_175 = arith.index_cast %scan3A_99 : i32 to index
      %get3A_176 = arith.constant 64 : index
      %get3A_177 = tpu.vector_load %arg10[%get3A_175, %get3A_176] {strides = array<i32>} : memref<64x768xf32, #tpu.memory_space<vmem>>, vector<1x16xf32>,
      %get3A_178 = vector.shape_cast %get3A_177 : vector<1x16xf32> to vector<16xf32>
      %mul3A_179 = arith.mulf %get3A_178, %get3A_106 : vector<16xf32>
      %add3A_180 = arith.addf %mul3A_174, %mul3A_179 : vector<16xf32>
      %swap3A_181 = arith.index_cast %scan3A_99 : i32 to index
      %swap3A_182 = arith.constant 64 : index
      %swap3A_183 = tpu.vector_load %arg9[%swap3A_181, %swap3A_182] {strides = array<i32>} : memref<64x768xf32, #tpu.memory_space<vmem>>, vector<1x16xf32>,
      %swap3A_184 = vector.shape_cast %swap3A_183 : vector<1x16xf32> to vector<16xf32>
      %swap3A_185 = vector.shape_cast %add3A_180 : vector<16xf32> to vector<1x16xf32>
      tpu.vector_store %arg9[%swap3A_181, %swap3A_182], %swap3A_185 {strides = array<i32>} : memref<64x768xf32, #tpu.memory_space<vmem>>, vector<1x16xf32>,
      %get3A_186 = arith.index_cast %scan3A_99 : i32 to index
      %get3A_187 = arith.constant 80 : index
      %get3A_188 = tpu.vector_load %arg9[%get3A_186, %get3A_187] {strides = array<i32>} : memref<64x768xf32, #tpu.memory_space<vmem>>, vector<1x16xf32>,
      %get3A_189 = vector.shape_cast %get3A_188 : vector<1x16xf32> to vector<16xf32>
      %mul3A_190 = arith.mulf %get3A_189, %get3A_102 : vector<16xf32>
      %get3A_191 = arith.index_cast %scan3A_99 : i32 to index
      %get3A_192 = arith.constant 80 : index
      %get3A_193 = tpu.vector_load %arg10[%get3A_191, %get3A_192] {strides = array<i32>} : memref<64x768xf32, #tpu.memory_space<vmem>>, vector<1x16xf32>,
      %get3A_194 = vector.shape_cast %get3A_193 : vector<1x16xf32> to vector<16xf32>
      %mul3A_195 = arith.mulf %get3A_194, %get3A_106 : vector<16xf32>
      %add3A_196 = arith.addf %mul3A_190, %mul3A_195 : vector<16xf32>
      %swap3A_197 = arith.index_cast %scan3A_99 : i32 to index
      %swap3A_198 = arith.constant 80 : index
      %swap3A_199 = tpu.vector_load %arg9[%swap3A_197, %swap3A_198] {strides = array<i32>} : memref<64x768xf32, #tpu.memory_space<vmem>>, vector<1x16xf32>,
      %swap3A_200 = vector.shape_cast %swap3A_199 : vector<1x16xf32> to vector<16xf32>
      %swap3A_201 = vector.shape_cast %add3A_196 : vector<16xf32> to vector<1x16xf32>
      tpu.vector_store %arg9[%swap3A_197, %swap3A_198], %swap3A_201 {strides = array<i32>} : memref<64x768xf32, #tpu.memory_space<vmem>>, vector<1x16xf32>,
      %get3A_202 = arith.index_cast %scan3A_99 : i32 to index
      %get3A_203 = arith.constant 96 : index
      %get3A_204 = tpu.vector_load %arg9[%get3A_202, %get3A_203] {strides = array<i32>} : memref<64x768xf32, #tpu.memory_space<vmem>>, vector<1x16xf32>,
      %get3A_205 = vector.shape_cast %get3A_204 : vector<1x16xf32> to vector<16xf32>
      %mul3A_206 = arith.mulf %get3A_205, %get3A_102 : vector<16xf32>
      %get3A_207 = arith.index_cast %scan3A_99 : i32 to index
      %get3A_208 = arith.constant 96 : index
      %get3A_209 = tpu.vector_load %arg10[%get3A_207, %get3A_208] {strides = array<i32>} : memref<64x768xf32, #tpu.memory_space<vmem>>, vector<1x16xf32>,
      %get3A_210 = vector.shape_cast %get3A_209 : vector<1x16xf32> to vector<16xf32>
      %mul3A_211 = arith.mulf %get3A_210, %get3A_106 : vector<16xf32>
      %add3A_212 = arith.addf %mul3A_206, %mul3A_211 : vector<16xf32>
      %swap3A_213 = arith.index_cast %scan3A_99 : i32 to index
      %swap3A_214 = arith.constant 96 : index
      %swap3A_215 = tpu.vector_load %arg9[%swap3A_213, %swap3A_214] {strides = array<i32>} : memref<64x768xf32, #tpu.memory_space<vmem>>, vector<1x16xf32>,
      %swap3A_216 = vector.shape_cast %swap3A_215 : vector<1x16xf32> to vector<16xf32>
      %swap3A_217 = vector.shape_cast %add3A_212 : vector<16xf32> to vector<1x16xf32>
      tpu.vector_store %arg9[%swap3A_213, %swap3A_214], %swap3A_217 {strides = array<i32>} : memref<64x768xf32, #tpu.memory_space<vmem>>, vector<1x16xf32>,
      %get3A_218 = arith.index_cast %scan3A_99 : i32 to index
      %get3A_219 = arith.constant 112 : index
      %get3A_220 = tpu.vector_load %arg9[%get3A_218, %get3A_219] {strides = array<i32>} : memref<64x768xf32, #tpu.memory_space<vmem>>, vector<1x16xf32>,
      %get3A_221 = vector.shape_cast %get3A_220 : vector<1x16xf32> to vector<16xf32>
      %mul3A_222 = arith.mulf %get3A_221, %get3A_102 : vector<16xf32>
      %get3A_223 = arith.index_cast %scan3A_99 : i32 to index
      %get3A_224 = arith.constant 112 : index
      %get3A_225 = tpu.vector_load %arg10[%get3A_223, %get3A_224] {strides = array<i32>} : memref<64x768xf32, #tpu.memory_space<vmem>>, vector<1x16xf32>,
      %get3A_226 = vector.shape_cast %get3A_225 : vector<1x16xf32> to vector<16xf32>
      %mul3A_227 = arith.mulf %get3A_226, %get3A_106 : vector<16xf32>
      %add3A_228 = arith.addf %mul3A_222, %mul3A_227 : vector<16xf32>
      %swap3A_229 = arith.index_cast %scan3A_99 : i32 to index
      %swap3A_230 = arith.constant 112 : index
      %swap3A_231 = tpu.vector_load %arg9[%swap3A_229, %swap3A_230] {strides = array<i32>} : memref<64x768xf32, #tpu.memory_space<vmem>>, vector<1x16xf32>,
      %swap3A_232 = vector.shape_cast %swap3A_231 : vector<1x16xf32> to vector<16xf32>
      %swap3A_233 = vector.shape_cast %add3A_228 : vector<16xf32> to vector<1x16xf32>
      tpu.vector_store %arg9[%swap3A_229, %swap3A_230], %swap3A_233 {strides = array<i32>} : memref<64x768xf32, #tpu.memory_space<vmem>>, vector<1x16xf32>,
      %get3A_234 = arith.index_cast %scan3A_99 : i32 to index
      %get3A_235 = arith.constant 128 : index
      %get3A_236 = tpu.vector_load %arg9[%get3A_234, %get3A_235] {strides = array<i32>} : memref<64x768xf32, #tpu.memory_space<vmem>>, vector<1x16xf32>,
      %get3A_237 = vector.shape_cast %get3A_236 : vector<1x16xf32> to vector<16xf32>
      %mul3A_238 = arith.mulf %get3A_237, %get3A_102 : vector<16xf32>
      %get3A_239 = arith.index_cast %scan3A_99 : i32 to index
      %get3A_240 = arith.constant 128 : index
      %get3A_241 = tpu.vector_load %arg10[%get3A_239, %get3A_240] {strides = array<i32>} : memref<64x768xf32, #tpu.memory_space<vmem>>, vector<1x16xf32>,
      %get3A_242 = vector.shape_cast %get3A_241 : vector<1x16xf32> to vector<16xf32>
      %mul3A_243 = arith.mulf %get3A_242, %get3A_106 : vector<16xf32>
      %add3A_244 = arith.addf %mul3A_238, %mul3A_243 : vector<16xf32>
      %swap3A_245 = arith.index_cast %scan3A_99 : i32 to index
      %swap3A_246 = arith.constant 128 : index
      %swap3A_247 = tpu.vector_load %arg9[%swap3A_245, %swap3A_246] {strides = array<i32>} : memref<64x768xf32, #tpu.memory_space<vmem>>, vector<1x16xf32>,
      %swap3A_248 = vector.shape_cast %swap3A_247 : vector<1x16xf32> to vector<16xf32>
      %swap3A_249 = vector.shape_cast %add3A_244 : vector<16xf32> to vector<1x16xf32>
      tpu.vector_store %arg9[%swap3A_245, %swap3A_246], %swap3A_249 {strides = array<i32>} : memref<64x768xf32, #tpu.memory_space<vmem>>, vector<1x16xf32>,
      %get3A_250 = arith.index_cast %scan3A_99 : i32 to index
      %get3A_251 = arith.constant 144 : index
      %get3A_252 = tpu.vector_load %arg9[%get3A_250, %get3A_251] {strides = array<i32>} : memref<64x768xf32, #tpu.memory_space<vmem>>, vector<1x16xf32>,
      %get3A_253 = vector.shape_cast %get3A_252 : vector<1x16xf32> to vector<16xf32>
      %mul3A_254 = arith.mulf %get3A_253, %get3A_102 : vector<16xf32>
      %get3A_255 = arith.index_cast %scan3A_99 : i32 to index
      %get3A_256 = arith.constant 144 : index
      %get3A_257 = tpu.vector_load %arg10[%get3A_255, %get3A_256] {strides = array<i32>} : memref<64x768xf32, #tpu.memory_space<vmem>>, vector<1x16xf32>,
      %get3A_258 = vector.shape_cast %get3A_257 : vector<1x16xf32> to vector<16xf32>
      %mul3A_259 = arith.mulf %get3A_258, %get3A_106 : vector<16xf32>
      %add3A_260 = arith.addf %mul3A_254, %mul3A_259 : vector<16xf32>
      %swap3A_261 = arith.index_cast %scan3A_99 : i32 to index
      %swap3A_262 = arith.constant 144 : index
      %swap3A_263 = tpu.vector_load %arg9[%swap3A_261, %swap3A_262] {strides = array<i32>} : memref<64x768xf32, #tpu.memory_space<vmem>>, vector<1x16xf32>,
      %swap3A_264 = vector.shape_cast %swap3A_263 : vector<1x16xf32> to vector<16xf32>
      %swap3A_265 = vector.shape_cast %add3A_260 : vector<16xf32> to vector<1x16xf32>
      tpu.vector_store %arg9[%swap3A_261, %swap3A_262], %swap3A_265 {strides = array<i32>} : memref<64x768xf32, #tpu.memory_space<vmem>>, vector<1x16xf32>,
      %get3A_266 = arith.index_cast %scan3A_99 : i32 to index
      %get3A_267 = arith.constant 160 : index
      %get3A_268 = tpu.vector_load %arg9[%get3A_266, %get3A_267] {strides = array<i32>} : memref<64x768xf32, #tpu.memory_space<vmem>>, vector<1x16xf32>,
      %get3A_269 = vector.shape_cast %get3A_268 : vector<1x16xf32> to vector<16xf32>
      %mul3A_270 = arith.mulf %get3A_269, %get3A_102 : vector<16xf32>
      %get3A_271 = arith.index_cast %scan3A_99 : i32 to index
      %get3A_272 = arith.constant 160 : index
      %get3A_273 = tpu.vector_load %arg10[%get3A_271, %get3A_272] {strides = array<i32>} : memref<64x768xf32, #tpu.memory_space<vmem>>, vector<1x16xf32>,
      %get3A_274 = vector.shape_cast %get3A_273 : vector<1x16xf32> to vector<16xf32>
      %mul3A_275 = arith.mulf %get3A_274, %get3A_106 : vector<16xf32>
      %add3A_276 = arith.addf %mul3A_270, %mul3A_275 : vector<16xf32>
      %swap3A_277 = arith.index_cast %scan3A_99 : i32 to index
      %swap3A_278 = arith.constant 160 : index
      %swap3A_279 = tpu.vector_load %arg9[%swap3A_277, %swap3A_278] {strides = array<i32>} : memref<64x768xf32, #tpu.memory_space<vmem>>, vector<1x16xf32>,
      %swap3A_280 = vector.shape_cast %swap3A_279 : vector<1x16xf32> to vector<16xf32>
      %swap3A_281 = vector.shape_cast %add3A_276 : vector<16xf32> to vector<1x16xf32>
      tpu.vector_store %arg9[%swap3A_277, %swap3A_278], %swap3A_281 {strides = array<i32>} : memref<64x768xf32, #tpu.memory_space<vmem>>, vector<1x16xf32>,
      %get3A_282 = arith.index_cast %scan3A_99 : i32 to index
      %get3A_283 = arith.constant 176 : index
      %get3A_284 = tpu.vector_load %arg9[%get3A_282, %get3A_283] {strides = array<i32>} : memref<64x768xf32, #tpu.memory_space<vmem>>, vector<1x16xf32>,
      %get3A_285 = vector.shape_cast %get3A_284 : vector<1x16xf32> to vector<16xf32>
      %mul3A_286 = arith.mulf %get3A_285, %get3A_102 : vector<16xf32>
      %get3A_287 = arith.index_cast %scan3A_99 : i32 to index
      %get3A_288 = arith.constant 176 : index
      %get3A_289 = tpu.vector_load %arg10[%get3A_287, %get3A_288] {strides = array<i32>} : memref<64x768xf32, #tpu.memory_space<vmem>>, vector<1x16xf32>,
      %get3A_290 = vector.shape_cast %get3A_289 : vector<1x16xf32> to vector<16xf32>
      %mul3A_291 = arith.mulf %get3A_290, %get3A_106 : vector<16xf32>
      %add3A_292 = arith.addf %mul3A_286, %mul3A_291 : vector<16xf32>
      %swap3A_293 = arith.index_cast %scan3A_99 : i32 to index
      %swap3A_294 = arith.constant 176 : index
      %swap3A_295 = tpu.vector_load %arg9[%swap3A_293, %swap3A_294] {strides = array<i32>} : memref<64x768xf32, #tpu.memory_space<vmem>>, vector<1x16xf32>,
      %swap3A_296 = vector.shape_cast %swap3A_295 : vector<1x16xf32> to vector<16xf32>
      %swap3A_297 = vector.shape_cast %add3A_292 : vector<16xf32> to vector<1x16xf32>
      tpu.vector_store %arg9[%swap3A_293, %swap3A_294], %swap3A_297 {strides = array<i32>} : memref<64x768xf32, #tpu.memory_space<vmem>>, vector<1x16xf32>,
      %get3A_298 = arith.index_cast %scan3A_99 : i32 to index
      %get3A_299 = arith.constant 192 : index
      %get3A_300 = tpu.vector_load %arg9[%get3A_298, %get3A_299] {strides = array<i32>} : memref<64x768xf32, #tpu.memory_space<vmem>>, vector<1x16xf32>,
      %get3A_301 = vector.shape_cast %get3A_300 : vector<1x16xf32> to vector<16xf32>
      %mul3A_302 = arith.mulf %get3A_301, %get3A_102 : vector<16xf32>
      %get3A_303 = arith.index_cast %scan3A_99 : i32 to index
      %get3A_304 = arith.constant 192 : index
      %get3A_305 = tpu.vector_load %arg10[%get3A_303, %get3A_304] {strides = array<i32>} : memref<64x768xf32, #tpu.memory_space<vmem>>, vector<1x16xf32>,
      %get3A_306 = vector.shape_cast %get3A_305 : vector<1x16xf32> to vector<16xf32>
      %mul3A_307 = arith.mulf %get3A_306, %get3A_106 : vector<16xf32>
      %add3A_308 = arith.addf %mul3A_302, %mul3A_307 : vector<16xf32>
      %swap3A_309 = arith.index_cast %scan3A_99 : i32 to index
      %swap3A_310 = arith.constant 192 : index
      %swap3A_311 = tpu.vector_load %arg9[%swap3A_309, %swap3A_310] {strides = array<i32>} : memref<64x768xf32, #tpu.memory_space<vmem>>, vector<1x16xf32>,
      %swap3A_312 = vector.shape_cast %swap3A_311 : vector<1x16xf32> to vector<16xf32>
      %swap3A_313 = vector.shape_cast %add3A_308 : vector<16xf32> to vector<1x16xf32>
      tpu.vector_store %arg9[%swap3A_309, %swap3A_310], %swap3A_313 {strides = array<i32>} : memref<64x768xf32, #tpu.memory_space<vmem>>, vector<1x16xf32>,
      %get3A_314 = arith.index_cast %scan3A_99 : i32 to index
      %get3A_315 = arith.constant 208 : index
      %get3A_316 = tpu.vector_load %arg9[%get3A_314, %get3A_315] {strides = array<i32>} : memref<64x768xf32, #tpu.memory_space<vmem>>, vector<1x16xf32>,
      %get3A_317 = vector.shape_cast %get3A_316 : vector<1x16xf32> to vector<16xf32>
      %mul3A_318 = arith.mulf %get3A_317, %get3A_102 : vector<16xf32>
      %get3A_319 = arith.index_cast %scan3A_99 : i32 to index
      %get3A_320 = arith.constant 208 : index
      %get3A_321 = tpu.vector_load %arg10[%get3A_319, %get3A_320] {strides = array<i32>} : memref<64x768xf32, #tpu.memory_space<vmem>>, vector<1x16xf32>,
      %get3A_322 = vector.shape_cast %get3A_321 : vector<1x16xf32> to vector<16xf32>
      %mul3A_323 = arith.mulf %get3A_322, %get3A_106 : vector<16xf32>
      %add3A_324 = arith.addf %mul3A_318, %mul3A_323 : vector<16xf32>
      %swap3A_325 = arith.index_cast %scan3A_99 : i32 to index
      %swap3A_326 = arith.constant 208 : index
      %swap3A_327 = tpu.vector_load %arg9[%swap3A_325, %swap3A_326] {strides = array<i32>} : memref<64x768xf32, #tpu.memory_space<vmem>>, vector<1x16xf32>,
      %swap3A_328 = vector.shape_cast %swap3A_327 : vector<1x16xf32> to vector<16xf32>
      %swap3A_329 = vector.shape_cast %add3A_324 : vector<16xf32> to vector<1x16xf32>
      tpu.vector_store %arg9[%swap3A_325, %swap3A_326], %swap3A_329 {strides = array<i32>} : memref<64x768xf32, #tpu.memory_space<vmem>>, vector<1x16xf32>,
      %get3A_330 = arith.index_cast %scan3A_99 : i32 to index
      %get3A_331 = arith.constant 224 : index
      %get3A_332 = tpu.vector_load %arg9[%get3A_330, %get3A_331] {strides = array<i32>} : memref<64x768xf32, #tpu.memory_space<vmem>>, vector<1x16xf32>,
      %get3A_333 = vector.shape_cast %get3A_332 : vector<1x16xf32> to vector<16xf32>
      %mul3A_334 = arith.mulf %get3A_333, %get3A_102 : vector<16xf32>
      %get3A_335 = arith.index_cast %scan3A_99 : i32 to index
      %get3A_336 = arith.constant 224 : index
      %get3A_337 = tpu.vector_load %arg10[%get3A_335, %get3A_336] {strides = array<i32>} : memref<64x768xf32, #tpu.memory_space<vmem>>, vector<1x16xf32>,
      %get3A_338 = vector.shape_cast %get3A_337 : vector<1x16xf32> to vector<16xf32>
      %mul3A_339 = arith.mulf %get3A_338, %get3A_106 : vector<16xf32>
      %add3A_340 = arith.addf %mul3A_334, %mul3A_339 : vector<16xf32>
      %swap3A_341 = arith.index_cast %scan3A_99 : i32 to index
      %swap3A_342 = arith.constant 224 : index
      %swap3A_343 = tpu.vector_load %arg9[%swap3A_341, %swap3A_342] {strides = array<i32>} : memref<64x768xf32, #tpu.memory_space<vmem>>, vector<1x16xf32>,
      %swap3A_344 = vector.shape_cast %swap3A_343 : vector<1x16xf32> to vector<16xf32>
      %swap3A_345 = vector.shape_cast %add3A_340 : vector<16xf32> to vector<1x16xf32>
      tpu.vector_store %arg9[%swap3A_341, %swap3A_342], %swap3A_345 {strides = array<i32>} : memref<64x768xf32, #tpu.memory_space<vmem>>, vector<1x16xf32>,
      %get3A_346 = arith.index_cast %scan3A_99 : i32 to index
      %get3A_347 = arith.constant 240 : index
      %get3A_348 = tpu.vector_load %arg9[%get3A_346, %get3A_347] {strides = array<i32>} : memref<64x768xf32, #tpu.memory_space<vmem>>, vector<1x16xf32>,
      %get3A_349 = vector.shape_cast %get3A_348 : vector<1x16xf32> to vector<16xf32>
      %mul3A_350 = arith.mulf %get3A_349, %get3A_102 : vector<16xf32>
      %get3A_351 = arith.index_cast %scan3A_99 : i32 to index
      %get3A_352 = arith.constant 240 : index
      %get3A_353 = tpu.vector_load %arg10[%get3A_351, %get3A_352] {strides = array<i32>} : memref<64x768xf32, #tpu.memory_space<vmem>>, vector<1x16xf32>,
      %get3A_354 = vector.shape_cast %get3A_353 : vector<1x16xf32> to vector<16xf32>
      %mul3A_355 = arith.mulf %get3A_354, %get3A_106 : vector<16xf32>
      %add3A_356 = arith.addf %mul3A_350, %mul3A_355 : vector<16xf32>
      %swap3A_357 = arith.index_cast %scan3A_99 : i32 to index
      %swap3A_358 = arith.constant 240 : index
      %swap3A_359 = tpu.vector_load %arg9[%swap3A_357, %swap3A_358] {strides = array<i32>} : memref<64x768xf32, #tpu.memory_space<vmem>>, vector<1x16xf32>,
      %swap3A_360 = vector.shape_cast %swap3A_359 : vector<1x16xf32> to vector<16xf32>
      %swap3A_361 = vector.shape_cast %add3A_356 : vector<16xf32> to vector<1x16xf32>
      tpu.vector_store %arg9[%swap3A_357, %swap3A_358], %swap3A_361 {strides = array<i32>} : memref<64x768xf32, #tpu.memory_space<vmem>>, vector<1x16xf32>,
      %get3A_362 = arith.index_cast %scan3A_99 : i32 to index
      %get3A_363 = arith.constant 256 : index
      %get3A_364 = tpu.vector_load %arg9[%get3A_362, %get3A_363] {strides = array<i32>} : memref<64x768xf32, #tpu.memory_space<vmem>>, vector<1x16xf32>,
      %get3A_365 = vector.shape_cast %get3A_364 : vector<1x16xf32> to vector<16xf32>
      %mul3A_366 = arith.mulf %get3A_365, %get3A_102 : vector<16xf32>
      %get3A_367 = arith.index_cast %scan3A_99 : i32 to index
      %get3A_368 = arith.constant 256 : index
      %get3A_369 = tpu.vector_load %arg10[%get3A_367, %get3A_368] {strides = array<i32>} : memref<64x768xf32, #tpu.memory_space<vmem>>, vector<1x16xf32>,
      %get3A_370 = vector.shape_cast %get3A_369 : vector<1x16xf32> to vector<16xf32>
      %mul3A_371 = arith.mulf %get3A_370, %get3A_106 : vector<16xf32>
      %add3A_372 = arith.addf %mul3A_366, %mul3A_371 : vector<16xf32>
      %swap3A_373 = arith.index_cast %scan3A_99 : i32 to index
      %swap3A_374 = arith.constant 256 : index
      %swap3A_375 = tpu.vector_load %arg9[%swap3A_373, %swap3A_374] {strides = array<i32>} : memref<64x768xf32, #tpu.memory_space<vmem>>, vector<1x16xf32>,
      %swap3A_376 = vector.shape_cast %swap3A_375 : vector<1x16xf32> to vector<16xf32>
      %swap3A_377 = vector.shape_cast %add3A_372 : vector<16xf32> to vector<1x16xf32>
      tpu.vector_store %arg9[%swap3A_373, %swap3A_374], %swap3A_377 {strides = array<i32>} : memref<64x768xf32, #tpu.memory_space<vmem>>, vector<1x16xf32>,
      %get3A_378 = arith.index_cast %scan3A_99 : i32 to index
      %get3A_379 = arith.constant 272 : index
      %get3A_380 = tpu.vector_load %arg9[%get3A_378, %get3A_379] {strides = array<i32>} : memref<64x768xf32, #tpu.memory_space<vmem>>, vector<1x16xf32>,
      %get3A_381 = vector.shape_cast %get3A_380 : vector<1x16xf32> to vector<16xf32>
      %mul3A_382 = arith.mulf %get3A_381, %get3A_102 : vector<16xf32>
      %get3A_383 = arith.index_cast %scan3A_99 : i32 to index
      %get3A_384 = arith.constant 272 : index
      %get3A_385 = tpu.vector_load %arg10[%get3A_383, %get3A_384] {strides = array<i32>} : memref<64x768xf32, #tpu.memory_space<vmem>>, vector<1x16xf32>,
      %get3A_386 = vector.shape_cast %get3A_385 : vector<1x16xf32> to vector<16xf32>
      %mul3A_387 = arith.mulf %get3A_386, %get3A_106 : vector<16xf32>
      %add3A_388 = arith.addf %mul3A_382, %mul3A_387 : vector<16xf32>
      %swap3A_389 = arith.index_cast %scan3A_99 : i32 to index
      %swap3A_390 = arith.constant 272 : index
      %swap3A_391 = tpu.vector_load %arg9[%swap3A_389, %swap3A_390] {strides = array<i32>} : memref<64x768xf32, #tpu.memory_space<vmem>>, vector<1x16xf32>,
      %swap3A_392 = vector.shape_cast %swap3A_391 : vector<1x16xf32> to vector<16xf32>
      %swap3A_393 = vector.shape_cast %add3A_388 : vector<16xf32> to vector<1x16xf32>
      tpu.vector_store %arg9[%swap3A_389, %swap3A_390], %swap3A_393 {strides = array<i32>} : memref<64x768xf32, #tpu.memory_space<vmem>>, vector<1x16xf32>,
      %get3A_394 = arith.index_cast %scan3A_99 : i32 to index
      %get3A_395 = arith.constant 288 : index
      %get3A_396 = tpu.vector_load %arg9[%get3A_394, %get3A_395] {strides = array<i32>} : memref<64x768xf32, #tpu.memory_space<vmem>>, vector<1x16xf32>,
      %get3A_397 = vector.shape_cast %get3A_396 : vector<1x16xf32> to vector<16xf32>
      %mul3A_398 = arith.mulf %get3A_397, %get3A_102 : vector<16xf32>
      %get3A_399 = arith.index_cast %scan3A_99 : i32 to index
      %get3A_400 = arith.constant 288 : index
      %get3A_401 = tpu.vector_load %arg10[%get3A_399, %get3A_400] {strides = array<i32>} : memref<64x768xf32, #tpu.memory_space<vmem>>, vector<1x16xf32>,
      %get3A_402 = vector.shape_cast %get3A_401 : vector<1x16xf32> to vector<16xf32>
      %mul3A_403 = arith.mulf %get3A_402, %get3A_106 : vector<16xf32>
      %add3A_404 = arith.addf %mul3A_398, %mul3A_403 : vector<16xf32>
      %swap3A_405 = arith.index_cast %scan3A_99 : i32 to index
      %swap3A_406 = arith.constant 288 : index
      %swap3A_407 = tpu.vector_load %arg9[%swap3A_405, %swap3A_406] {strides = array<i32>} : memref<64x768xf32, #tpu.memory_space<vmem>>, vector<1x16xf32>,
      %swap3A_408 = vector.shape_cast %swap3A_407 : vector<1x16xf32> to vector<16xf32>
      %swap3A_409 = vector.shape_cast %add3A_404 : vector<16xf32> to vector<1x16xf32>
      tpu.vector_store %arg9[%swap3A_405, %swap3A_406], %swap3A_409 {strides = array<i32>} : memref<64x768xf32, #tpu.memory_space<vmem>>, vector<1x16xf32>,
      %get3A_410 = arith.index_cast %scan3A_99 : i32 to index
      %get3A_411 = arith.constant 304 : index
      %get3A_412 = tpu.vector_load %arg9[%get3A_410, %get3A_411] {strides = array<i32>} : memref<64x768xf32, #tpu.memory_space<vmem>>, vector<1x16xf32>,
      %get3A_413 = vector.shape_cast %get3A_412 : vector<1x16xf32> to vector<16xf32>
      %mul3A_414 = arith.mulf %get3A_413, %get3A_102 : vector<16xf32>
      %get3A_415 = arith.index_cast %scan3A_99 : i32 to index
      %get3A_416 = arith.constant 304 : index
      %get3A_417 = tpu.vector_load %arg10[%get3A_415, %get3A_416] {strides = array<i32>} : memref<64x768xf32, #tpu.memory_space<vmem>>, vector<1x16xf32>,
      %get3A_418 = vector.shape_cast %get3A_417 : vector<1x16xf32> to vector<16xf32>
      %mul3A_419 = arith.mulf %get3A_418, %get3A_106 : vector<16xf32>
      %add3A_420 = arith.addf %mul3A_414, %mul3A_419 : vector<16xf32>
      %swap3A_421 = arith.index_cast %scan3A_99 : i32 to index
      %swap3A_422 = arith.constant 304 : index
      %swap3A_423 = tpu.vector_load %arg9[%swap3A_421, %swap3A_422] {strides = array<i32>} : memref<64x768xf32, #tpu.memory_space<vmem>>, vector<1x16xf32>,
      %swap3A_424 = vector.shape_cast %swap3A_423 : vector<1x16xf32> to vector<16xf32>
      %swap3A_425 = vector.shape_cast %add3A_420 : vector<16xf32> to vector<1x16xf32>
      tpu.vector_store %arg9[%swap3A_421, %swap3A_422], %swap3A_425 {strides = array<i32>} : memref<64x768xf32, #tpu.memory_space<vmem>>, vector<1x16xf32>,
      %get3A_426 = arith.index_cast %scan3A_99 : i32 to index
      %get3A_427 = arith.constant 320 : index
      %get3A_428 = tpu.vector_load %arg9[%get3A_426, %get3A_427] {strides = array<i32>} : memref<64x768xf32, #tpu.memory_space<vmem>>, vector<1x16xf32>,
      %get3A_429 = vector.shape_cast %get3A_428 : vector<1x16xf32> to vector<16xf32>
      %mul3A_430 = arith.mulf %get3A_429, %get3A_102 : vector<16xf32>
      %get3A_431 = arith.index_cast %scan3A_99 : i32 to index
      %get3A_432 = arith.constant 320 : index
      %get3A_433 = tpu.vector_load %arg10[%get3A_431, %get3A_432] {strides = array<i32>} : memref<64x768xf32, #tpu.memory_space<vmem>>, vector<1x16xf32>,
      %get3A_434 = vector.shape_cast %get3A_433 : vector<1x16xf32> to vector<16xf32>
      %mul3A_435 = arith.mulf %get3A_434, %get3A_106 : vector<16xf32>
      %add3A_436 = arith.addf %mul3A_430, %mul3A_435 : vector<16xf32>
      %swap3A_437 = arith.index_cast %scan3A_99 : i32 to index
      %swap3A_438 = arith.constant 320 : index
      %swap3A_439 = tpu.vector_load %arg9[%swap3A_437, %swap3A_438] {strides = array<i32>} : memref<64x768xf32, #tpu.memory_space<vmem>>, vector<1x16xf32>,
      %swap3A_440 = vector.shape_cast %swap3A_439 : vector<1x16xf32> to vector<16xf32>
      %swap3A_441 = vector.shape_cast %add3A_436 : vector<16xf32> to vector<1x16xf32>
      tpu.vector_store %arg9[%swap3A_437, %swap3A_438], %swap3A_441 {strides = array<i32>} : memref<64x768xf32, #tpu.memory_space<vmem>>, vector<1x16xf32>,
      %get3A_442 = arith.index_cast %scan3A_99 : i32 to index
      %get3A_443 = arith.constant 336 : index
      %get3A_444 = tpu.vector_load %arg9[%get3A_442, %get3A_443] {strides = array<i32>} : memref<64x768xf32, #tpu.memory_space<vmem>>, vector<1x16xf32>,
      %get3A_445 = vector.shape_cast %get3A_444 : vector<1x16xf32> to vector<16xf32>
      %mul3A_446 = arith.mulf %get3A_445, %get3A_102 : vector<16xf32>
      %get3A_447 = arith.index_cast %scan3A_99 : i32 to index
      %get3A_448 = arith.constant 336 : index
      %get3A_449 = tpu.vector_load %arg10[%get3A_447, %get3A_448] {strides = array<i32>} : memref<64x768xf32, #tpu.memory_space<vmem>>, vector<1x16xf32>,
      %get3A_450 = vector.shape_cast %get3A_449 : vector<1x16xf32> to vector<16xf32>
      %mul3A_451 = arith.mulf %get3A_450, %get3A_106 : vector<16xf32>
      %add3A_452 = arith.addf %mul3A_446, %mul3A_451 : vector<16xf32>
      %swap3A_453 = arith.index_cast %scan3A_99 : i32 to index
      %swap3A_454 = arith.constant 336 : index
      %swap3A_455 = tpu.vector_load %arg9[%swap3A_453, %swap3A_454] {strides = array<i32>} : memref<64x768xf32, #tpu.memory_space<vmem>>, vector<1x16xf32>,
      %swap3A_456 = vector.shape_cast %swap3A_455 : vector<1x16xf32> to vector<16xf32>
      %swap3A_457 = vector.shape_cast %add3A_452 : vector<16xf32> to vector<1x16xf32>
      tpu.vector_store %arg9[%swap3A_453, %swap3A_454], %swap3A_457 {strides = array<i32>} : memref<64x768xf32, #tpu.memory_space<vmem>>, vector<1x16xf32>,
      %get3A_458 = arith.index_cast %scan3A_99 : i32 to index
      %get3A_459 = arith.constant 352 : index
      %get3A_460 = tpu.vector_load %arg9[%get3A_458, %get3A_459] {strides = array<i32>} : memref<64x768xf32, #tpu.memory_space<vmem>>, vector<1x16xf32>,
      %get3A_461 = vector.shape_cast %get3A_460 : vector<1x16xf32> to vector<16xf32>
      %mul3A_462 = arith.mulf %get3A_461, %get3A_102 : vector<16xf32>
      %get3A_463 = arith.index_cast %scan3A_99 : i32 to index
      %get3A_464 = arith.constant 352 : index
      %get3A_465 = tpu.vector_load %arg10[%get3A_463, %get3A_464] {strides = array<i32>} : memref<64x768xf32, #tpu.memory_space<vmem>>, vector<1x16xf32>,
      %get3A_466 = vector.shape_cast %get3A_465 : vector<1x16xf32> to vector<16xf32>
      %mul3A_467 = arith.mulf %get3A_466, %get3A_106 : vector<16xf32>
      %add3A_468 = arith.addf %mul3A_462, %mul3A_467 : vector<16xf32>
      %swap3A_469 = arith.index_cast %scan3A_99 : i32 to index
      %swap3A_470 = arith.constant 352 : index
      %swap3A_471 = tpu.vector_load %arg9[%swap3A_469, %swap3A_470] {strides = array<i32>} : memref<64x768xf32, #tpu.memory_space<vmem>>, vector<1x16xf32>,
      %swap3A_472 = vector.shape_cast %swap3A_471 : vector<1x16xf32> to vector<16xf32>
      %swap3A_473 = vector.shape_cast %add3A_468 : vector<16xf32> to vector<1x16xf32>
      tpu.vector_store %arg9[%swap3A_469, %swap3A_470], %swap3A_473 {strides = array<i32>} : memref<64x768xf32, #tpu.memory_space<vmem>>, vector<1x16xf32>,
      %get3A_474 = arith.index_cast %scan3A_99 : i32 to index
      %get3A_475 = arith.constant 368 : index
      %get3A_476 = tpu.vector_load %arg9[%get3A_474, %get3A_475] {strides = array<i32>} : memref<64x768xf32, #tpu.memory_space<vmem>>, vector<1x16xf32>,
      %get3A_477 = vector.shape_cast %get3A_476 : vector<1x16xf32> to vector<16xf32>
      %mul3A_478 = arith.mulf %get3A_477, %get3A_102 : vector<16xf32>
      %get3A_479 = arith.index_cast %scan3A_99 : i32 to index
      %get3A_480 = arith.constant 368 : index
      %get3A_481 = tpu.vector_load %arg10[%get3A_479, %get3A_480] {strides = array<i32>} : memref<64x768xf32, #tpu.memory_space<vmem>>, vector<1x16xf32>,
      %get3A_482 = vector.shape_cast %get3A_481 : vector<1x16xf32> to vector<16xf32>
      %mul3A_483 = arith.mulf %get3A_482, %get3A_106 : vector<16xf32>
      %add3A_484 = arith.addf %mul3A_478, %mul3A_483 : vector<16xf32>
      %swap3A_485 = arith.index_cast %scan3A_99 : i32 to index
      %swap3A_486 = arith.constant 368 : index
      %swap3A_487 = tpu.vector_load %arg9[%swap3A_485, %swap3A_486] {strides = array<i32>} : memref<64x768xf32, #tpu.memory_space<vmem>>, vector<1x16xf32>,
      %swap3A_488 = vector.shape_cast %swap3A_487 : vector<1x16xf32> to vector<16xf32>
      %swap3A_489 = vector.shape_cast %add3A_484 : vector<16xf32> to vector<1x16xf32>
      tpu.vector_store %arg9[%swap3A_485, %swap3A_486], %swap3A_489 {strides = array<i32>} : memref<64x768xf32, #tpu.memory_space<vmem>>, vector<1x16xf32>,
      %get3A_490 = arith.index_cast %scan3A_99 : i32 to index
      %get3A_491 = arith.constant 384 : index
      %get3A_492 = tpu.vector_load %arg9[%get3A_490, %get3A_491] {strides = array<i32>} : memref<64x768xf32, #tpu.memory_space<vmem>>, vector<1x16xf32>,
      %get3A_493 = vector.shape_cast %get3A_492 : vector<1x16xf32> to vector<16xf32>
      %mul3A_494 = arith.mulf %get3A_493, %get3A_102 : vector<16xf32>
      %get3A_495 = arith.index_cast %scan3A_99 : i32 to index
      %get3A_496 = arith.constant 384 : index
      %get3A_497 = tpu.vector_load %arg10[%get3A_495, %get3A_496] {strides = array<i32>} : memref<64x768xf32, #tpu.memory_space<vmem>>, vector<1x16xf32>,
      %get3A_498 = vector.shape_cast %get3A_497 : vector<1x16xf32> to vector<16xf32>
      %mul3A_499 = arith.mulf %get3A_498, %get3A_106 : vector<16xf32>
      %add3A_500 = arith.addf %mul3A_494, %mul3A_499 : vector<16xf32>
      %swap3A_501 = arith.index_cast %scan3A_99 : i32 to index
      %swap3A_502 = arith.constant 384 : index
      %swap3A_503 = tpu.vector_load %arg9[%swap3A_501, %swap3A_502] {strides = array<i32>} : memref<64x768xf32, #tpu.memory_space<vmem>>, vector<1x16xf32>,
      %swap3A_504 = vector.shape_cast %swap3A_503 : vector<1x16xf32> to vector<16xf32>
      %swap3A_505 = vector.shape_cast %add3A_500 : vector<16xf32> to vector<1x16xf32>
      tpu.vector_store %arg9[%swap3A_501, %swap3A_502], %swap3A_505 {strides = array<i32>} : memref<64x768xf32, #tpu.memory_space<vmem>>, vector<1x16xf32>,
      %get3A_506 = arith.index_cast %scan3A_99 : i32 to index
      %get3A_507 = arith.constant 400 : index
      %get3A_508 = tpu.vector_load %arg9[%get3A_506, %get3A_507] {strides = array<i32>} : memref<64x768xf32, #tpu.memory_space<vmem>>, vector<1x16xf32>,
      %get3A_509 = vector.shape_cast %get3A_508 : vector<1x16xf32> to vector<16xf32>
      %mul3A_510 = arith.mulf %get3A_509, %get3A_102 : vector<16xf32>
      %get3A_511 = arith.index_cast %scan3A_99 : i32 to index
      %get3A_512 = arith.constant 400 : index
      %get3A_513 = tpu.vector_load %arg10[%get3A_511, %get3A_512] {strides = array<i32>} : memref<64x768xf32, #tpu.memory_space<vmem>>, vector<1x16xf32>,
      %get3A_514 = vector.shape_cast %get3A_513 : vector<1x16xf32> to vector<16xf32>
      %mul3A_515 = arith.mulf %get3A_514, %get3A_106 : vector<16xf32>
      %add3A_516 = arith.addf %mul3A_510, %mul3A_515 : vector<16xf32>
      %swap3A_517 = arith.index_cast %scan3A_99 : i32 to index
      %swap3A_518 = arith.constant 400 : index
      %swap3A_519 = tpu.vector_load %arg9[%swap3A_517, %swap3A_518] {strides = array<i32>} : memref<64x768xf32, #tpu.memory_space<vmem>>, vector<1x16xf32>,
      %swap3A_520 = vector.shape_cast %swap3A_519 : vector<1x16xf32> to vector<16xf32>
      %swap3A_521 = vector.shape_cast %add3A_516 : vector<16xf32> to vector<1x16xf32>
      tpu.vector_store %arg9[%swap3A_517, %swap3A_518], %swap3A_521 {strides = array<i32>} : memref<64x768xf32, #tpu.memory_space<vmem>>, vector<1x16xf32>,
      %get3A_522 = arith.index_cast %scan3A_99 : i32 to index
      %get3A_523 = arith.constant 416 : index
      %get3A_524 = tpu.vector_load %arg9[%get3A_522, %get3A_523] {strides = array<i32>} : memref<64x768xf32, #tpu.memory_space<vmem>>, vector<1x16xf32>,
      %get3A_525 = vector.shape_cast %get3A_524 : vector<1x16xf32> to vector<16xf32>
      %mul3A_526 = arith.mulf %get3A_525, %get3A_102 : vector<16xf32>
      %get3A_527 = arith.index_cast %scan3A_99 : i32 to index
      %get3A_528 = arith.constant 416 : index
      %get3A_529 = tpu.vector_load %arg10[%get3A_527, %get3A_528] {strides = array<i32>} : memref<64x768xf32, #tpu.memory_space<vmem>>, vector<1x16xf32>,
      %get3A_530 = vector.shape_cast %get3A_529 : vector<1x16xf32> to vector<16xf32>
      %mul3A_531 = arith.mulf %get3A_530, %get3A_106 : vector<16xf32>
      %add3A_532 = arith.addf %mul3A_526, %mul3A_531 : vector<16xf32>
      %swap3A_533 = arith.index_cast %scan3A_99 : i32 to index
      %swap3A_534 = arith.constant 416 : index
      %swap3A_535 = tpu.vector_load %arg9[%swap3A_533, %swap3A_534] {strides = array<i32>} : memref<64x768xf32, #tpu.memory_space<vmem>>, vector<1x16xf32>,
      %swap3A_536 = vector.shape_cast %swap3A_535 : vector<1x16xf32> to vector<16xf32>
      %swap3A_537 = vector.shape_cast %add3A_532 : vector<16xf32> to vector<1x16xf32>
      tpu.vector_store %arg9[%swap3A_533, %swap3A_534], %swap3A_537 {strides = array<i32>} : memref<64x768xf32, #tpu.memory_space<vmem>>, vector<1x16xf32>,
      %get3A_538 = arith.index_cast %scan3A_99 : i32 to index
      %get3A_539 = arith.constant 432 : index
      %get3A_540 = tpu.vector_load %arg9[%get3A_538, %get3A_539] {strides = array<i32>} : memref<64x768xf32, #tpu.memory_space<vmem>>, vector<1x16xf32>,
      %get3A_541 = vector.shape_cast %get3A_540 : vector<1x16xf32> to vector<16xf32>
      %mul3A_542 = arith.mulf %get3A_541, %get3A_102 : vector<16xf32>
      %get3A_543 = arith.index_cast %scan3A_99 : i32 to index
      %get3A_544 = arith.constant 432 : index
      %get3A_545 = tpu.vector_load %arg10[%get3A_543, %get3A_544] {strides = array<i32>} : memref<64x768xf32, #tpu.memory_space<vmem>>, vector<1x16xf32>,
      %get3A_546 = vector.shape_cast %get3A_545 : vector<1x16xf32> to vector<16xf32>
      %mul3A_547 = arith.mulf %get3A_546, %get3A_106 : vector<16xf32>
      %add3A_548 = arith.addf %mul3A_542, %mul3A_547 : vector<16xf32>
      %swap3A_549 = arith.index_cast %scan3A_99 : i32 to index
      %swap3A_550 = arith.constant 432 : index
      %swap3A_551 = tpu.vector_load %arg9[%swap3A_549, %swap3A_550] {strides = array<i32>} : memref<64x768xf32, #tpu.memory_space<vmem>>, vector<1x16xf32>,
      %swap3A_552 = vector.shape_cast %swap3A_551 : vector<1x16xf32> to vector<16xf32>
      %swap3A_553 = vector.shape_cast %add3A_548 : vector<16xf32> to vector<1x16xf32>
      tpu.vector_store %arg9[%swap3A_549, %swap3A_550], %swap3A_553 {strides = array<i32>} : memref<64x768xf32, #tpu.memory_space<vmem>>, vector<1x16xf32>,
      %get3A_554 = arith.index_cast %scan3A_99 : i32 to index
      %get3A_555 = arith.constant 448 : index
      %get3A_556 = tpu.vector_load %arg9[%get3A_554, %get3A_555] {strides = array<i32>} : memref<64x768xf32, #tpu.memory_space<vmem>>, vector<1x16xf32>,
      %get3A_557 = vector.shape_cast %get3A_556 : vector<1x16xf32> to vector<16xf32>
      %mul3A_558 = arith.mulf %get3A_557, %get3A_102 : vector<16xf32>
      %get3A_559 = arith.index_cast %scan3A_99 : i32 to index
      %get3A_560 = arith.constant 448 : index
      %get3A_561 = tpu.vector_load %arg10[%get3A_559, %get3A_560] {strides = array<i32>} : memref<64x768xf32, #tpu.memory_space<vmem>>, vector<1x16xf32>,
      %get3A_562 = vector.shape_cast %get3A_561 : vector<1x16xf32> to vector<16xf32>
      %mul3A_563 = arith.mulf %get3A_562, %get3A_106 : vector<16xf32>
      %add3A_564 = arith.addf %mul3A_558, %mul3A_563 : vector<16xf32>
      %swap3A_565 = arith.index_cast %scan3A_99 : i32 to index
      %swap3A_566 = arith.constant 448 : index
      %swap3A_567 = tpu.vector_load %arg9[%swap3A_565, %swap3A_566] {strides = array<i32>} : memref<64x768xf32, #tpu.memory_space<vmem>>, vector<1x16xf32>,
      %swap3A_568 = vector.shape_cast %swap3A_567 : vector<1x16xf32> to vector<16xf32>
      %swap3A_569 = vector.shape_cast %add3A_564 : vector<16xf32> to vector<1x16xf32>
      tpu.vector_store %arg9[%swap3A_565, %swap3A_566], %swap3A_569 {strides = array<i32>} : memref<64x768xf32, #tpu.memory_space<vmem>>, vector<1x16xf32>,
      %get3A_570 = arith.index_cast %scan3A_99 : i32 to index
      %get3A_571 = arith.constant 464 : index
      %get3A_572 = tpu.vector_load %arg9[%get3A_570, %get3A_571] {strides = array<i32>} : memref<64x768xf32, #tpu.memory_space<vmem>>, vector<1x16xf32>,
      %get3A_573 = vector.shape_cast %get3A_572 : vector<1x16xf32> to vector<16xf32>
      %mul3A_574 = arith.mulf %get3A_573, %get3A_102 : vector<16xf32>
      %get3A_575 = arith.index_cast %scan3A_99 : i32 to index
      %get3A_576 = arith.constant 464 : index
      %get3A_577 = tpu.vector_load %arg10[%get3A_575, %get3A_576] {strides = array<i32>} : memref<64x768xf32, #tpu.memory_space<vmem>>, vector<1x16xf32>,
      %get3A_578 = vector.shape_cast %get3A_577 : vector<1x16xf32> to vector<16xf32>
      %mul3A_579 = arith.mulf %get3A_578, %get3A_106 : vector<16xf32>
      %add3A_580 = arith.addf %mul3A_574, %mul3A_579 : vector<16xf32>
      %swap3A_581 = arith.index_cast %scan3A_99 : i32 to index
      %swap3A_582 = arith.constant 464 : index
      %swap3A_583 = tpu.vector_load %arg9[%swap3A_581, %swap3A_582] {strides = array<i32>} : memref<64x768xf32, #tpu.memory_space<vmem>>, vector<1x16xf32>,
      %swap3A_584 = vector.shape_cast %swap3A_583 : vector<1x16xf32> to vector<16xf32>
      %swap3A_585 = vector.shape_cast %add3A_580 : vector<16xf32> to vector<1x16xf32>
      tpu.vector_store %arg9[%swap3A_581, %swap3A_582], %swap3A_585 {strides = array<i32>} : memref<64x768xf32, #tpu.memory_space<vmem>>, vector<1x16xf32>,
      %get3A_586 = arith.index_cast %scan3A_99 : i32 to index
      %get3A_587 = arith.constant 480 : index
      %get3A_588 = tpu.vector_load %arg9[%get3A_586, %get3A_587] {strides = array<i32>} : memref<64x768xf32, #tpu.memory_space<vmem>>, vector<1x16xf32>,
      %get3A_589 = vector.shape_cast %get3A_588 : vector<1x16xf32> to vector<16xf32>
      %mul3A_590 = arith.mulf %get3A_589, %get3A_102 : vector<16xf32>
      %get3A_591 = arith.index_cast %scan3A_99 : i32 to index
      %get3A_592 = arith.constant 480 : index
      %get3A_593 = tpu.vector_load %arg10[%get3A_591, %get3A_592] {strides = array<i32>} : memref<64x768xf32, #tpu.memory_space<vmem>>, vector<1x16xf32>,
      %get3A_594 = vector.shape_cast %get3A_593 : vector<1x16xf32> to vector<16xf32>
      %mul3A_595 = arith.mulf %get3A_594, %get3A_106 : vector<16xf32>
      %add3A_596 = arith.addf %mul3A_590, %mul3A_595 : vector<16xf32>
      %swap3A_597 = arith.index_cast %scan3A_99 : i32 to index
      %swap3A_598 = arith.constant 480 : index
      %swap3A_599 = tpu.vector_load %arg9[%swap3A_597, %swap3A_598] {strides = array<i32>} : memref<64x768xf32, #tpu.memory_space<vmem>>, vector<1x16xf32>,
      %swap3A_600 = vector.shape_cast %swap3A_599 : vector<1x16xf32> to vector<16xf32>
      %swap3A_601 = vector.shape_cast %add3A_596 : vector<16xf32> to vector<1x16xf32>
      tpu.vector_store %arg9[%swap3A_597, %swap3A_598], %swap3A_601 {strides = array<i32>} : memref<64x768xf32, #tpu.memory_space<vmem>>, vector<1x16xf32>,
      %get3A_602 = arith.index_cast %scan3A_99 : i32 to index
      %get3A_603 = arith.constant 496 : index
      %get3A_604 = tpu.vector_load %arg9[%get3A_602, %get3A_603] {strides = array<i32>} : memref<64x768xf32, #tpu.memory_space<vmem>>, vector<1x16xf32>,
      %get3A_605 = vector.shape_cast %get3A_604 : vector<1x16xf32> to vector<16xf32>
      %mul3A_606 = arith.mulf %get3A_605, %get3A_102 : vector<16xf32>
      %get3A_607 = arith.index_cast %scan3A_99 : i32 to index
      %get3A_608 = arith.constant 496 : index
      %get3A_609 = tpu.vector_load %arg10[%get3A_607, %get3A_608] {strides = array<i32>} : memref<64x768xf32, #tpu.memory_space<vmem>>, vector<1x16xf32>,
      %get3A_610 = vector.shape_cast %get3A_609 : vector<1x16xf32> to vector<16xf32>
      %mul3A_611 = arith.mulf %get3A_610, %get3A_106 : vector<16xf32>
      %add3A_612 = arith.addf %mul3A_606, %mul3A_611 : vector<16xf32>
      %swap3A_613 = arith.index_cast %scan3A_99 : i32 to index
      %swap3A_614 = arith.constant 496 : index
      %swap3A_615 = tpu.vector_load %arg9[%swap3A_613, %swap3A_614] {strides = array<i32>} : memref<64x768xf32, #tpu.memory_space<vmem>>, vector<1x16xf32>,
      %swap3A_616 = vector.shape_cast %swap3A_615 : vector<1x16xf32> to vector<16xf32>
      %swap3A_617 = vector.shape_cast %add3A_612 : vector<16xf32> to vector<1x16xf32>
      tpu.vector_store %arg9[%swap3A_613, %swap3A_614], %swap3A_617 {strides = array<i32>} : memref<64x768xf32, #tpu.memory_space<vmem>>, vector<1x16xf32>,
      %get3A_618 = arith.index_cast %scan3A_99 : i32 to index
      %get3A_619 = arith.constant 512 : index
      %get3A_620 = tpu.vector_load %arg9[%get3A_618, %get3A_619] {strides = array<i32>} : memref<64x768xf32, #tpu.memory_space<vmem>>, vector<1x16xf32>,
      %get3A_621 = vector.shape_cast %get3A_620 : vector<1x16xf32> to vector<16xf32>
      %mul3A_622 = arith.mulf %get3A_621, %get3A_102 : vector<16xf32>
      %get3A_623 = arith.index_cast %scan3A_99 : i32 to index
      %get3A_624 = arith.constant 512 : index
      %get3A_625 = tpu.vector_load %arg10[%get3A_623, %get3A_624] {strides = array<i32>} : memref<64x768xf32, #tpu.memory_space<vmem>>, vector<1x16xf32>,
      %get3A_626 = vector.shape_cast %get3A_625 : vector<1x16xf32> to vector<16xf32>
      %mul3A_627 = arith.mulf %get3A_626, %get3A_106 : vector<16xf32>
      %add3A_628 = arith.addf %mul3A_622, %mul3A_627 : vector<16xf32>
      %swap3A_629 = arith.index_cast %scan3A_99 : i32 to index
      %swap3A_630 = arith.constant 512 : index
      %swap3A_631 = tpu.vector_load %arg9[%swap3A_629, %swap3A_630] {strides = array<i32>} : memref<64x768xf32, #tpu.memory_space<vmem>>, vector<1x16xf32>,
      %swap3A_632 = vector.shape_cast %swap3A_631 : vector<1x16xf32> to vector<16xf32>
      %swap3A_633 = vector.shape_cast %add3A_628 : vector<16xf32> to vector<1x16xf32>
      tpu.vector_store %arg9[%swap3A_629, %swap3A_630], %swap3A_633 {strides = array<i32>} : memref<64x768xf32, #tpu.memory_space<vmem>>, vector<1x16xf32>,
      %get3A_634 = arith.index_cast %scan3A_99 : i32 to index
      %get3A_635 = arith.constant 528 : index
      %get3A_636 = tpu.vector_load %arg9[%get3A_634, %get3A_635] {strides = array<i32>} : memref<64x768xf32, #tpu.memory_space<vmem>>, vector<1x16xf32>,
      %get3A_637 = vector.shape_cast %get3A_636 : vector<1x16xf32> to vector<16xf32>
      %mul3A_638 = arith.mulf %get3A_637, %get3A_102 : vector<16xf32>
      %get3A_639 = arith.index_cast %scan3A_99 : i32 to index
      %get3A_640 = arith.constant 528 : index
      %get3A_641 = tpu.vector_load %arg10[%get3A_639, %get3A_640] {strides = array<i32>} : memref<64x768xf32, #tpu.memory_space<vmem>>, vector<1x16xf32>,
      %get3A_642 = vector.shape_cast %get3A_641 : vector<1x16xf32> to vector<16xf32>
      %mul3A_643 = arith.mulf %get3A_642, %get3A_106 : vector<16xf32>
      %add3A_644 = arith.addf %mul3A_638, %mul3A_643 : vector<16xf32>
      %swap3A_645 = arith.index_cast %scan3A_99 : i32 to index
      %swap3A_646 = arith.constant 528 : index
      %swap3A_647 = tpu.vector_load %arg9[%swap3A_645, %swap3A_646] {strides = array<i32>} : memref<64x768xf32, #tpu.memory_space<vmem>>, vector<1x16xf32>,
      %swap3A_648 = vector.shape_cast %swap3A_647 : vector<1x16xf32> to vector<16xf32>
      %swap3A_649 = vector.shape_cast %add3A_644 : vector<16xf32> to vector<1x16xf32>
      tpu.vector_store %arg9[%swap3A_645, %swap3A_646], %swap3A_649 {strides = array<i32>} : memref<64x768xf32, #tpu.memory_space<vmem>>, vector<1x16xf32>,
      %get3A_650 = arith.index_cast %scan3A_99 : i32 to index
      %get3A_651 = arith.constant 544 : index
      %get3A_652 = tpu.vector_load %arg9[%get3A_650, %get3A_651] {strides = array<i32>} : memref<64x768xf32, #tpu.memory_space<vmem>>, vector<1x16xf32>,
      %get3A_653 = vector.shape_cast %get3A_652 : vector<1x16xf32> to vector<16xf32>
      %mul3A_654 = arith.mulf %get3A_653, %get3A_102 : vector<16xf32>
      %get3A_655 = arith.index_cast %scan3A_99 : i32 to index
      %get3A_656 = arith.constant 544 : index
      %get3A_657 = tpu.vector_load %arg10[%get3A_655, %get3A_656] {strides = array<i32>} : memref<64x768xf32, #tpu.memory_space<vmem>>, vector<1x16xf32>,
      %get3A_658 = vector.shape_cast %get3A_657 : vector<1x16xf32> to vector<16xf32>
      %mul3A_659 = arith.mulf %get3A_658, %get3A_106 : vector<16xf32>
      %add3A_660 = arith.addf %mul3A_654, %mul3A_659 : vector<16xf32>
      %swap3A_661 = arith.index_cast %scan3A_99 : i32 to index
      %swap3A_662 = arith.constant 544 : index
      %swap3A_663 = tpu.vector_load %arg9[%swap3A_661, %swap3A_662] {strides = array<i32>} : memref<64x768xf32, #tpu.memory_space<vmem>>, vector<1x16xf32>,
      %swap3A_664 = vector.shape_cast %swap3A_663 : vector<1x16xf32> to vector<16xf32>
      %swap3A_665 = vector.shape_cast %add3A_660 : vector<16xf32> to vector<1x16xf32>
      tpu.vector_store %arg9[%swap3A_661, %swap3A_662], %swap3A_665 {strides = array<i32>} : memref<64x768xf32, #tpu.memory_space<vmem>>, vector<1x16xf32>,
      %get3A_666 = arith.index_cast %scan3A_99 : i32 to index
      %get3A_667 = arith.constant 560 : index
      %get3A_668 = tpu.vector_load %arg9[%get3A_666, %get3A_667] {strides = array<i32>} : memref<64x768xf32, #tpu.memory_space<vmem>>, vector<1x16xf32>,
      %get3A_669 = vector.shape_cast %get3A_668 : vector<1x16xf32> to vector<16xf32>
      %mul3A_670 = arith.mulf %get3A_669, %get3A_102 : vector<16xf32>
      %get3A_671 = arith.index_cast %scan3A_99 : i32 to index
      %get3A_672 = arith.constant 560 : index
      %get3A_673 = tpu.vector_load %arg10[%get3A_671, %get3A_672] {strides = array<i32>} : memref<64x768xf32, #tpu.memory_space<vmem>>, vector<1x16xf32>,
      %get3A_674 = vector.shape_cast %get3A_673 : vector<1x16xf32> to vector<16xf32>
      %mul3A_675 = arith.mulf %get3A_674, %get3A_106 : vector<16xf32>
      %add3A_676 = arith.addf %mul3A_670, %mul3A_675 : vector<16xf32>
      %swap3A_677 = arith.index_cast %scan3A_99 : i32 to index
      %swap3A_678 = arith.constant 560 : index
      %swap3A_679 = tpu.vector_load %arg9[%swap3A_677, %swap3A_678] {strides = array<i32>} : memref<64x768xf32, #tpu.memory_space<vmem>>, vector<1x16xf32>,
      %swap3A_680 = vector.shape_cast %swap3A_679 : vector<1x16xf32> to vector<16xf32>
      %swap3A_681 = vector.shape_cast %add3A_676 : vector<16xf32> to vector<1x16xf32>
      tpu.vector_store %arg9[%swap3A_677, %swap3A_678], %swap3A_681 {strides = array<i32>} : memref<64x768xf32, #tpu.memory_space<vmem>>, vector<1x16xf32>,
      %get3A_682 = arith.index_cast %scan3A_99 : i32 to index
      %get3A_683 = arith.constant 576 : index
      %get3A_684 = tpu.vector_load %arg9[%get3A_682, %get3A_683] {strides = array<i32>} : memref<64x768xf32, #tpu.memory_space<vmem>>, vector<1x16xf32>,
      %get3A_685 = vector.shape_cast %get3A_684 : vector<1x16xf32> to vector<16xf32>
      %mul3A_686 = arith.mulf %get3A_685, %get3A_102 : vector<16xf32>
      %get3A_687 = arith.index_cast %scan3A_99 : i32 to index
      %get3A_688 = arith.constant 576 : index
      %get3A_689 = tpu.vector_load %arg10[%get3A_687, %get3A_688] {strides = array<i32>} : memref<64x768xf32, #tpu.memory_space<vmem>>, vector<1x16xf32>,
      %get3A_690 = vector.shape_cast %get3A_689 : vector<1x16xf32> to vector<16xf32>
      %mul3A_691 = arith.mulf %get3A_690, %get3A_106 : vector<16xf32>
      %add3A_692 = arith.addf %mul3A_686, %mul3A_691 : vector<16xf32>
      %swap3A_693 = arith.index_cast %scan3A_99 : i32 to index
      %swap3A_694 = arith.constant 576 : index
      %swap3A_695 = tpu.vector_load %arg9[%swap3A_693, %swap3A_694] {strides = array<i32>} : memref<64x768xf32, #tpu.memory_space<vmem>>, vector<1x16xf32>,
      %swap3A_696 = vector.shape_cast %swap3A_695 : vector<1x16xf32> to vector<16xf32>
      %swap3A_697 = vector.shape_cast %add3A_692 : vector<16xf32> to vector<1x16xf32>
      tpu.vector_store %arg9[%swap3A_693, %swap3A_694], %swap3A_697 {strides = array<i32>} : memref<64x768xf32, #tpu.memory_space<vmem>>, vector<1x16xf32>,
      %get3A_698 = arith.index_cast %scan3A_99 : i32 to index
      %get3A_699 = arith.constant 592 : index
      %get3A_700 = tpu.vector_load %arg9[%get3A_698, %get3A_699] {strides = array<i32>} : memref<64x768xf32, #tpu.memory_space<vmem>>, vector<1x16xf32>,
      %get3A_701 = vector.shape_cast %get3A_700 : vector<1x16xf32> to vector<16xf32>
      %mul3A_702 = arith.mulf %get3A_701, %get3A_102 : vector<16xf32>
      %get3A_703 = arith.index_cast %scan3A_99 : i32 to index
      %get3A_704 = arith.constant 592 : index
      %get3A_705 = tpu.vector_load %arg10[%get3A_703, %get3A_704] {strides = array<i32>} : memref<64x768xf32, #tpu.memory_space<vmem>>, vector<1x16xf32>,
      %get3A_706 = vector.shape_cast %get3A_705 : vector<1x16xf32> to vector<16xf32>
      %mul3A_707 = arith.mulf %get3A_706, %get3A_106 : vector<16xf32>
      %add3A_708 = arith.addf %mul3A_702, %mul3A_707 : vector<16xf32>
      %swap3A_709 = arith.index_cast %scan3A_99 : i32 to index
      %swap3A_710 = arith.constant 592 : index
      %swap3A_711 = tpu.vector_load %arg9[%swap3A_709, %swap3A_710] {strides = array<i32>} : memref<64x768xf32, #tpu.memory_space<vmem>>, vector<1x16xf32>,
      %swap3A_712 = vector.shape_cast %swap3A_711 : vector<1x16xf32> to vector<16xf32>
      %swap3A_713 = vector.shape_cast %add3A_708 : vector<16xf32> to vector<1x16xf32>
      tpu.vector_store %arg9[%swap3A_709, %swap3A_710], %swap3A_713 {strides = array<i32>} : memref<64x768xf32, #tpu.memory_space<vmem>>, vector<1x16xf32>,
      %get3A_714 = arith.index_cast %scan3A_99 : i32 to index
      %get3A_715 = arith.constant 608 : index
      %get3A_716 = tpu.vector_load %arg9[%get3A_714, %get3A_715] {strides = array<i32>} : memref<64x768xf32, #tpu.memory_space<vmem>>, vector<1x16xf32>,
      %get3A_717 = vector.shape_cast %get3A_716 : vector<1x16xf32> to vector<16xf32>
      %mul3A_718 = arith.mulf %get3A_717, %get3A_102 : vector<16xf32>
      %get3A_719 = arith.index_cast %scan3A_99 : i32 to index
      %get3A_720 = arith.constant 608 : index
      %get3A_721 = tpu.vector_load %arg10[%get3A_719, %get3A_720] {strides = array<i32>} : memref<64x768xf32, #tpu.memory_space<vmem>>, vector<1x16xf32>,
      %get3A_722 = vector.shape_cast %get3A_721 : vector<1x16xf32> to vector<16xf32>
      %mul3A_723 = arith.mulf %get3A_722, %get3A_106 : vector<16xf32>
      %add3A_724 = arith.addf %mul3A_718, %mul3A_723 : vector<16xf32>
      %swap3A_725 = arith.index_cast %scan3A_99 : i32 to index
      %swap3A_726 = arith.constant 608 : index
      %swap3A_727 = tpu.vector_load %arg9[%swap3A_725, %swap3A_726] {strides = array<i32>} : memref<64x768xf32, #tpu.memory_space<vmem>>, vector<1x16xf32>,
      %swap3A_728 = vector.shape_cast %swap3A_727 : vector<1x16xf32> to vector<16xf32>
      %swap3A_729 = vector.shape_cast %add3A_724 : vector<16xf32> to vector<1x16xf32>
      tpu.vector_store %arg9[%swap3A_725, %swap3A_726], %swap3A_729 {strides = array<i32>} : memref<64x768xf32, #tpu.memory_space<vmem>>, vector<1x16xf32>,
      %get3A_730 = arith.index_cast %scan3A_99 : i32 to index
      %get3A_731 = arith.constant 624 : index
      %get3A_732 = tpu.vector_load %arg9[%get3A_730, %get3A_731] {strides = array<i32>} : memref<64x768xf32, #tpu.memory_space<vmem>>, vector<1x16xf32>,
      %get3A_733 = vector.shape_cast %get3A_732 : vector<1x16xf32> to vector<16xf32>
      %mul3A_734 = arith.mulf %get3A_733, %get3A_102 : vector<16xf32>
      %get3A_735 = arith.index_cast %scan3A_99 : i32 to index
      %get3A_736 = arith.constant 624 : index
      %get3A_737 = tpu.vector_load %arg10[%get3A_735, %get3A_736] {strides = array<i32>} : memref<64x768xf32, #tpu.memory_space<vmem>>, vector<1x16xf32>,
      %get3A_738 = vector.shape_cast %get3A_737 : vector<1x16xf32> to vector<16xf32>
      %mul3A_739 = arith.mulf %get3A_738, %get3A_106 : vector<16xf32>
      %add3A_740 = arith.addf %mul3A_734, %mul3A_739 : vector<16xf32>
      %swap3A_741 = arith.index_cast %scan3A_99 : i32 to index
      %swap3A_742 = arith.constant 624 : index
      %swap3A_743 = tpu.vector_load %arg9[%swap3A_741, %swap3A_742] {strides = array<i32>} : memref<64x768xf32, #tpu.memory_space<vmem>>, vector<1x16xf32>,
      %swap3A_744 = vector.shape_cast %swap3A_743 : vector<1x16xf32> to vector<16xf32>
      %swap3A_745 = vector.shape_cast %add3A_740 : vector<16xf32> to vector<1x16xf32>
      tpu.vector_store %arg9[%swap3A_741, %swap3A_742], %swap3A_745 {strides = array<i32>} : memref<64x768xf32, #tpu.memory_space<vmem>>, vector<1x16xf32>,
      %get3A_746 = arith.index_cast %scan3A_99 : i32 to index
      %get3A_747 = arith.constant 640 : index
      %get3A_748 = tpu.vector_load %arg9[%get3A_746, %get3A_747] {strides = array<i32>} : memref<64x768xf32, #tpu.memory_space<vmem>>, vector<1x16xf32>,
      %get3A_749 = vector.shape_cast %get3A_748 : vector<1x16xf32> to vector<16xf32>
      %mul3A_750 = arith.mulf %get3A_749, %get3A_102 : vector<16xf32>
      %get3A_751 = arith.index_cast %scan3A_99 : i32 to index
      %get3A_752 = arith.constant 640 : index
      %get3A_753 = tpu.vector_load %arg10[%get3A_751, %get3A_752] {strides = array<i32>} : memref<64x768xf32, #tpu.memory_space<vmem>>, vector<1x16xf32>,
      %get3A_754 = vector.shape_cast %get3A_753 : vector<1x16xf32> to vector<16xf32>
      %mul3A_755 = arith.mulf %get3A_754, %get3A_106 : vector<16xf32>
      %add3A_756 = arith.addf %mul3A_750, %mul3A_755 : vector<16xf32>
      %swap3A_757 = arith.index_cast %scan3A_99 : i32 to index
      %swap3A_758 = arith.constant 640 : index
      %swap3A_759 = tpu.vector_load %arg9[%swap3A_757, %swap3A_758] {strides = array<i32>} : memref<64x768xf32, #tpu.memory_space<vmem>>, vector<1x16xf32>,
      %swap3A_760 = vector.shape_cast %swap3A_759 : vector<1x16xf32> to vector<16xf32>
      %swap3A_761 = vector.shape_cast %add3A_756 : vector<16xf32> to vector<1x16xf32>
      tpu.vector_store %arg9[%swap3A_757, %swap3A_758], %swap3A_761 {strides = array<i32>} : memref<64x768xf32, #tpu.memory_space<vmem>>, vector<1x16xf32>,
      %get3A_762 = arith.index_cast %scan3A_99 : i32 to index
      %get3A_763 = arith.constant 656 : index
      %get3A_764 = tpu.vector_load %arg9[%get3A_762, %get3A_763] {strides = array<i32>} : memref<64x768xf32, #tpu.memory_space<vmem>>, vector<1x16xf32>,
      %get3A_765 = vector.shape_cast %get3A_764 : vector<1x16xf32> to vector<16xf32>
      %mul3A_766 = arith.mulf %get3A_765, %get3A_102 : vector<16xf32>
      %get3A_767 = arith.index_cast %scan3A_99 : i32 to index
      %get3A_768 = arith.constant 656 : index
      %get3A_769 = tpu.vector_load %arg10[%get3A_767, %get3A_768] {strides = array<i32>} : memref<64x768xf32, #tpu.memory_space<vmem>>, vector<1x16xf32>,
      %get3A_770 = vector.shape_cast %get3A_769 : vector<1x16xf32> to vector<16xf32>
      %mul3A_771 = arith.mulf %get3A_770, %get3A_106 : vector<16xf32>
      %add3A_772 = arith.addf %mul3A_766, %mul3A_771 : vector<16xf32>
      %swap3A_773 = arith.index_cast %scan3A_99 : i32 to index
      %swap3A_774 = arith.constant 656 : index
      %swap3A_775 = tpu.vector_load %arg9[%swap3A_773, %swap3A_774] {strides = array<i32>} : memref<64x768xf32, #tpu.memory_space<vmem>>, vector<1x16xf32>,
      %swap3A_776 = vector.shape_cast %swap3A_775 : vector<1x16xf32> to vector<16xf32>
      %swap3A_777 = vector.shape_cast %add3A_772 : vector<16xf32> to vector<1x16xf32>
      tpu.vector_store %arg9[%swap3A_773, %swap3A_774], %swap3A_777 {strides = array<i32>} : memref<64x768xf32, #tpu.memory_space<vmem>>, vector<1x16xf32>,
      %get3A_778 = arith.index_cast %scan3A_99 : i32 to index
      %get3A_779 = arith.constant 672 : index
      %get3A_780 = tpu.vector_load %arg9[%get3A_778, %get3A_779] {strides = array<i32>} : memref<64x768xf32, #tpu.memory_space<vmem>>, vector<1x16xf32>,
      %get3A_781 = vector.shape_cast %get3A_780 : vector<1x16xf32> to vector<16xf32>
      %mul3A_782 = arith.mulf %get3A_781, %get3A_102 : vector<16xf32>
      %get3A_783 = arith.index_cast %scan3A_99 : i32 to index
      %get3A_784 = arith.constant 672 : index
      %get3A_785 = tpu.vector_load %arg10[%get3A_783, %get3A_784] {strides = array<i32>} : memref<64x768xf32, #tpu.memory_space<vmem>>, vector<1x16xf32>,
      %get3A_786 = vector.shape_cast %get3A_785 : vector<1x16xf32> to vector<16xf32>
      %mul3A_787 = arith.mulf %get3A_786, %get3A_106 : vector<16xf32>
      %add3A_788 = arith.addf %mul3A_782, %mul3A_787 : vector<16xf32>
      %swap3A_789 = arith.index_cast %scan3A_99 : i32 to index
      %swap3A_790 = arith.constant 672 : index
      %swap3A_791 = tpu.vector_load %arg9[%swap3A_789, %swap3A_790] {strides = array<i32>} : memref<64x768xf32, #tpu.memory_space<vmem>>, vector<1x16xf32>,
      %swap3A_792 = vector.shape_cast %swap3A_791 : vector<1x16xf32> to vector<16xf32>
      %swap3A_793 = vector.shape_cast %add3A_788 : vector<16xf32> to vector<1x16xf32>
      tpu.vector_store %arg9[%swap3A_789, %swap3A_790], %swap3A_793 {strides = array<i32>} : memref<64x768xf32, #tpu.memory_space<vmem>>, vector<1x16xf32>,
      %get3A_794 = arith.index_cast %scan3A_99 : i32 to index
      %get3A_795 = arith.constant 688 : index
      %get3A_796 = tpu.vector_load %arg9[%get3A_794, %get3A_795] {strides = array<i32>} : memref<64x768xf32, #tpu.memory_space<vmem>>, vector<1x16xf32>,
      %get3A_797 = vector.shape_cast %get3A_796 : vector<1x16xf32> to vector<16xf32>
      %mul3A_798 = arith.mulf %get3A_797, %get3A_102 : vector<16xf32>
      %get3A_799 = arith.index_cast %scan3A_99 : i32 to index
      %get3A_800 = arith.constant 688 : index
      %get3A_801 = tpu.vector_load %arg10[%get3A_799, %get3A_800] {strides = array<i32>} : memref<64x768xf32, #tpu.memory_space<vmem>>, vector<1x16xf32>,
      %get3A_802 = vector.shape_cast %get3A_801 : vector<1x16xf32> to vector<16xf32>
      %mul3A_803 = arith.mulf %get3A_802, %get3A_106 : vector<16xf32>
      %add3A_804 = arith.addf %mul3A_798, %mul3A_803 : vector<16xf32>
      %swap3A_805 = arith.index_cast %scan3A_99 : i32 to index
      %swap3A_806 = arith.constant 688 : index
      %swap3A_807 = tpu.vector_load %arg9[%swap3A_805, %swap3A_806] {strides = array<i32>} : memref<64x768xf32, #tpu.memory_space<vmem>>, vector<1x16xf32>,
      %swap3A_808 = vector.shape_cast %swap3A_807 : vector<1x16xf32> to vector<16xf32>
      %swap3A_809 = vector.shape_cast %add3A_804 : vector<16xf32> to vector<1x16xf32>
      tpu.vector_store %arg9[%swap3A_805, %swap3A_806], %swap3A_809 {strides = array<i32>} : memref<64x768xf32, #tpu.memory_space<vmem>>, vector<1x16xf32>,
      %get3A_810 = arith.index_cast %scan3A_99 : i32 to index
      %get3A_811 = arith.constant 704 : index
      %get3A_812 = tpu.vector_load %arg9[%get3A_810, %get3A_811] {strides = array<i32>} : memref<64x768xf32, #tpu.memory_space<vmem>>, vector<1x16xf32>,
      %get3A_813 = vector.shape_cast %get3A_812 : vector<1x16xf32> to vector<16xf32>
      %mul3A_814 = arith.mulf %get3A_813, %get3A_102 : vector<16xf32>
      %get3A_815 = arith.index_cast %scan3A_99 : i32 to index
      %get3A_816 = arith.constant 704 : index
      %get3A_817 = tpu.vector_load %arg10[%get3A_815, %get3A_816] {strides = array<i32>} : memref<64x768xf32, #tpu.memory_space<vmem>>, vector<1x16xf32>,
      %get3A_818 = vector.shape_cast %get3A_817 : vector<1x16xf32> to vector<16xf32>
      %mul3A_819 = arith.mulf %get3A_818, %get3A_106 : vector<16xf32>
      %add3A_820 = arith.addf %mul3A_814, %mul3A_819 : vector<16xf32>
      %swap3A_821 = arith.index_cast %scan3A_99 : i32 to index
      %swap3A_822 = arith.constant 704 : index
      %swap3A_823 = tpu.vector_load %arg9[%swap3A_821, %swap3A_822] {strides = array<i32>} : memref<64x768xf32, #tpu.memory_space<vmem>>, vector<1x16xf32>,
      %swap3A_824 = vector.shape_cast %swap3A_823 : vector<1x16xf32> to vector<16xf32>
      %swap3A_825 = vector.shape_cast %add3A_820 : vector<16xf32> to vector<1x16xf32>
      tpu.vector_store %arg9[%swap3A_821, %swap3A_822], %swap3A_825 {strides = array<i32>} : memref<64x768xf32, #tpu.memory_space<vmem>>, vector<1x16xf32>,
      %get3A_826 = arith.index_cast %scan3A_99 : i32 to index
      %get3A_827 = arith.constant 720 : index
      %get3A_828 = tpu.vector_load %arg9[%get3A_826, %get3A_827] {strides = array<i32>} : memref<64x768xf32, #tpu.memory_space<vmem>>, vector<1x16xf32>,
      %get3A_829 = vector.shape_cast %get3A_828 : vector<1x16xf32> to vector<16xf32>
      %mul3A_830 = arith.mulf %get3A_829, %get3A_102 : vector<16xf32>
      %get3A_831 = arith.index_cast %scan3A_99 : i32 to index
      %get3A_832 = arith.constant 720 : index
      %get3A_833 = tpu.vector_load %arg10[%get3A_831, %get3A_832] {strides = array<i32>} : memref<64x768xf32, #tpu.memory_space<vmem>>, vector<1x16xf32>,
      %get3A_834 = vector.shape_cast %get3A_833 : vector<1x16xf32> to vector<16xf32>
      %mul3A_835 = arith.mulf %get3A_834, %get3A_106 : vector<16xf32>
      %add3A_836 = arith.addf %mul3A_830, %mul3A_835 : vector<16xf32>
      %swap3A_837 = arith.index_cast %scan3A_99 : i32 to index
      %swap3A_838 = arith.constant 720 : index
      %swap3A_839 = tpu.vector_load %arg9[%swap3A_837, %swap3A_838] {strides = array<i32>} : memref<64x768xf32, #tpu.memory_space<vmem>>, vector<1x16xf32>,
      %swap3A_840 = vector.shape_cast %swap3A_839 : vector<1x16xf32> to vector<16xf32>
      %swap3A_841 = vector.shape_cast %add3A_836 : vector<16xf32> to vector<1x16xf32>
      tpu.vector_store %arg9[%swap3A_837, %swap3A_838], %swap3A_841 {strides = array<i32>} : memref<64x768xf32, #tpu.memory_space<vmem>>, vector<1x16xf32>,
      %get3A_842 = arith.index_cast %scan3A_99 : i32 to index
      %get3A_843 = arith.constant 736 : index
      %get3A_844 = tpu.vector_load %arg9[%get3A_842, %get3A_843] {strides = array<i32>} : memref<64x768xf32, #tpu.memory_space<vmem>>, vector<1x16xf32>,
      %get3A_845 = vector.shape_cast %get3A_844 : vector<1x16xf32> to vector<16xf32>
      %mul3A_846 = arith.mulf %get3A_845, %get3A_102 : vector<16xf32>
      %get3A_847 = arith.index_cast %scan3A_99 : i32 to index
      %get3A_848 = arith.constant 736 : index
      %get3A_849 = tpu.vector_load %arg10[%get3A_847, %get3A_848] {strides = array<i32>} : memref<64x768xf32, #tpu.memory_space<vmem>>, vector<1x16xf32>,
      %get3A_850 = vector.shape_cast %get3A_849 : vector<1x16xf32> to vector<16xf32>
      %mul3A_851 = arith.mulf %get3A_850, %get3A_106 : vector<16xf32>
      %add3A_852 = arith.addf %mul3A_846, %mul3A_851 : vector<16xf32>
      %swap3A_853 = arith.index_cast %scan3A_99 : i32 to index
      %swap3A_854 = arith.constant 736 : index
      %swap3A_855 = tpu.vector_load %arg9[%swap3A_853, %swap3A_854] {strides = array<i32>} : memref<64x768xf32, #tpu.memory_space<vmem>>, vector<1x16xf32>,
      %swap3A_856 = vector.shape_cast %swap3A_855 : vector<1x16xf32> to vector<16xf32>
      %swap3A_857 = vector.shape_cast %add3A_852 : vector<16xf32> to vector<1x16xf32>
      tpu.vector_store %arg9[%swap3A_853, %swap3A_854], %swap3A_857 {strides = array<i32>} : memref<64x768xf32, #tpu.memory_space<vmem>>, vector<1x16xf32>,
      %get3A_858 = arith.index_cast %scan3A_99 : i32 to index
      %get3A_859 = arith.constant 752 : index
      %get3A_860 = tpu.vector_load %arg9[%get3A_858, %get3A_859] {strides = array<i32>} : memref<64x768xf32, #tpu.memory_space<vmem>>, vector<1x16xf32>,
      %get3A_861 = vector.shape_cast %get3A_860 : vector<1x16xf32> to vector<16xf32>
      %mul3A_862 = arith.mulf %get3A_861, %get3A_102 : vector<16xf32>
      %get3A_863 = arith.index_cast %scan3A_99 : i32 to index
      %get3A_864 = arith.constant 752 : index
      %get3A_865 = tpu.vector_load %arg10[%get3A_863, %get3A_864] {strides = array<i32>} : memref<64x768xf32, #tpu.memory_space<vmem>>, vector<1x16xf32>,
      %get3A_866 = vector.shape_cast %get3A_865 : vector<1x16xf32> to vector<16xf32>
      %mul3A_867 = arith.mulf %get3A_866, %get3A_106 : vector<16xf32>
      %add3A_868 = arith.addf %mul3A_862, %mul3A_867 : vector<16xf32>
      %swap3A_869 = arith.index_cast %scan3A_99 : i32 to index
      %swap3A_870 = arith.constant 752 : index
      %swap3A_871 = tpu.vector_load %arg9[%swap3A_869, %swap3A_870] {strides = array<i32>} : memref<64x768xf32, #tpu.memory_space<vmem>>, vector<1x16xf32>,
      %swap3A_872 = vector.shape_cast %swap3A_871 : vector<1x16xf32> to vector<16xf32>
      %swap3A_873 = vector.shape_cast %add3A_868 : vector<16xf32> to vector<1x16xf32>
      tpu.vector_store %arg9[%swap3A_869, %swap3A_870], %swap3A_873 {strides = array<i32>} : memref<64x768xf32, #tpu.memory_space<vmem>>, vector<1x16xf32>,
    }
    %scan3A_86 = arith.constant 32 : i32
    %add3A_87 = arith.constant 32 : i32
    %add3A_88 = arith.addi %mul3A_2, %add3A_87 : i32
    "tpu.region"() ({
      %run_scoped3A_99 = tpu.sem_alloc : memref<!tpu.dma_semaphore, #tpu.memory_space<semaphore_mem>>
      %dma_start3A_100 = arith.constant 32 : i32
      %dma_start3A_101 = arith.constant 0 : i32
      %dma_start3A_102 = tpu.memref_slice %arg9[%dma_start3A_100, %dma_start3A_101] : memref<64x768xf32, #tpu.memory_space<vmem>> -> memref<32x768xf32, #tpu.memory_space<vmem>>
      %dma_start3A_103 = arith.constant 0 : i32
      %dma_start3A_104 = tpu.memref_slice %arg5[%add3A_88, %dma_start3A_103] : memref<2048x768xf32, #tpu.memory_space<hbm>> -> memref<32x768xf32, #tpu.memory_space<hbm>>
      %dma_start3A_105 = arith.constant 0 : i32
      %dma_start3A_106 = tpu.memref_slice %arg5[%add3A_88, %dma_start3A_105] : memref<2048x768xf32, #tpu.memory_space<hbm>> -> memref<32x768xf32, #tpu.memory_space<hbm>>
      %dma_start3A_107 = arith.constant 32 : i32
      %dma_start3A_108 = arith.constant 0 : i32
      %dma_start3A_109 = tpu.memref_slice %arg9[%dma_start3A_107, %dma_start3A_108] : memref<64x768xf32, #tpu.memory_space<vmem>> -> memref<32x768xf32, #tpu.memory_space<vmem>>
      tpu.enqueue_dma source(%dma_start3A_109 : memref<32x768xf32, #tpu.memory_space<vmem>>) target(%dma_start3A_106 : memref<32x768xf32, #tpu.memory_space<hbm>>) target_semaphore(%run_scoped3A_99 : memref<!tpu.dma_semaphore, #tpu.memory_space<semaphore_mem>>)
      %dma_wait3A_110 = arith.constant 32 : i32
      %dma_wait3A_111 = arith.constant 0 : i32
      %dma_wait3A_112 = tpu.memref_slice %arg9[%dma_wait3A_110, %dma_wait3A_111] : memref<64x768xf32, #tpu.memory_space<vmem>> -> memref<32x768xf32, #tpu.memory_space<vmem>>
      %dma_wait3A_113 = arith.constant 0 : i32
      %dma_wait3A_114 = tpu.memref_slice %arg5[%add3A_88, %dma_wait3A_113] : memref<2048x768xf32, #tpu.memory_space<hbm>> -> memref<32x768xf32, #tpu.memory_space<hbm>>
      %dma_wait3A_115 = arith.constant 0 : i32
      %dma_wait3A_116 = tpu.memref_slice %arg5[%add3A_88, %dma_wait3A_115] : memref<2048x768xf32, #tpu.memory_space<hbm>> -> memref<32x768xf32, #tpu.memory_space<hbm>>
      %dma_wait3A_117 = arith.constant 32 : i32
      %dma_wait3A_118 = arith.constant 0 : i32
      %dma_wait3A_119 = tpu.memref_slice %arg9[%dma_wait3A_117, %dma_wait3A_118] : memref<64x768xf32, #tpu.memory_space<vmem>> -> memref<32x768xf32, #tpu.memory_space<vmem>>
      tpu.wait_dma2 semaphore(%run_scoped3A_99 : memref<!tpu.dma_semaphore, #tpu.memory_space<semaphore_mem>>) src(%dma_wait3A_119 : memref<32x768xf32, #tpu.memory_space<vmem>>) dst(%dma_wait3A_116 : memref<32x768xf32, #tpu.memory_space<hbm>>)
      tpu.yield
    }) : () -> ()
    %dma_wait3A_89 = arith.constant 0 : i32
    %dma_wait3A_90 = arith.constant 0 : i32
    %dma_wait3A_91 = tpu.memref_slice %arg9[%dma_wait3A_89, %dma_wait3A_90] : memref<64x768xf32, #tpu.memory_space<vmem>> -> memref<32x768xf32, #tpu.memory_space<vmem>>
    %dma_wait3A_92 = arith.constant 0 : i32
    %dma_wait3A_93 = tpu.memref_slice %arg5[%mul3A_2, %dma_wait3A_92] : memref<2048x768xf32, #tpu.memory_space<hbm>> -> memref<32x768xf32, #tpu.memory_space<hbm>>
    %dma_wait3A_94 = arith.constant 0 : i32
    %dma_wait3A_95 = tpu.memref_slice %arg5[%mul3A_2, %dma_wait3A_94] : memref<2048x768xf32, #tpu.memory_space<hbm>> -> memref<32x768xf32, #tpu.memory_space<hbm>>
    %dma_wait3A_96 = arith.constant 0 : i32
    %dma_wait3A_97 = arith.constant 0 : i32
    %dma_wait3A_98 = tpu.memref_slice %arg9[%dma_wait3A_96, %dma_wait3A_97] : memref<64x768xf32, #tpu.memory_space<vmem>> -> memref<32x768xf32, #tpu.memory_space<vmem>>
    tpu.wait_dma2 semaphore(%arg12 : memref<!tpu.dma_semaphore, #tpu.memory_space<semaphore_mem>>) src(%dma_wait3A_98 : memref<32x768xf32, #tpu.memory_space<vmem>>) dst(%dma_wait3A_95 : memref<32x768xf32, #tpu.memory_space<hbm>>)
    return
  }
}

module attributes {stable_mosaic.version = 14 : i64} {
  func.func @_routing_body(%arg0: memref<2048x768xf32, #tpu.memory_space<vmem>>, %arg1: memref<768x8xf32, #tpu.memory_space<vmem>>, %arg2: memref<2x2048xi32, #tpu.memory_space<vmem>>, %arg3: memref<2048x32xf32, #tpu.memory_space<vmem>>, %arg4: memref<2x12xi32, #tpu.memory_space<vmem>>) attributes {dimension_semantics = [], scalar_prefetch = 0 : i64, scratch_operands = 0 : i64, tpu.core_type = #tpu.core_type<tc>} {
    %get3A = arith.constant 0 : index
    %get3A_0 = arith.constant 0 : index
    %get3A_1 = vector.load %arg0[%get3A, %get3A_0] : memref<2048x768xf32, #tpu.memory_space<vmem>>, vector<2048x768xf32>
    %get3A_2 = arith.constant 0 : index
    %get3A_3 = arith.constant 0 : index
    %get3A_4 = vector.load %arg1[%get3A_2, %get3A_3] : memref<768x8xf32, #tpu.memory_space<vmem>>, vector<768x8xf32>
    %dot_general3A = arith.constant dense<0.000000e+00> : vector<2048x8xf32>
    %dot_general3A_5 = tpu.matmul %get3A_1, %get3A_4, %dot_general3A {dimension_numbers = #tpu.dot_dimension_numbers<[1], [0], [0], [1], [0, 0, 1, 1], [], []>, transpose_lhs_hint = false} : vector<2048x768xf32>, vector<768x8xf32>, vector<2048x8xf32> -> vector<2048x8xf32>
    %reduce_max3A = arith.constant dense<0xFF800000> : vector<2048xf32>
    %reduce_max3A_6 = vector.multi_reduction <maximumf>, %dot_general3A_5, %reduce_max3A [1] : vector<2048x8xf32> to vector<2048xf32>
    %broadcast_in_dim3A = vector.shape_cast %reduce_max3A_6 : vector<2048xf32> to vector<2048x1xf32>
    %sub3A = vector.broadcast %broadcast_in_dim3A : vector<2048x1xf32> to vector<2048x8xf32>
    %sub3A_7 = arith.subf %dot_general3A_5, %sub3A : vector<2048x8xf32>
    %exp3A = math.exp %sub3A_7 : vector<2048x8xf32>
    %reduce_sum3A = arith.constant dense<0.000000e+00> : vector<2048xf32>
    %reduce_sum3A_8 = vector.multi_reduction <add>, %exp3A, %reduce_sum3A [1] : vector<2048x8xf32> to vector<2048xf32>
    %broadcast_in_dim3A_9 = vector.shape_cast %reduce_sum3A_8 : vector<2048xf32> to vector<2048x1xf32>
    %div3A = vector.broadcast %broadcast_in_dim3A_9 : vector<2048x1xf32> to vector<2048x8xf32>
    %div3A_10 = arith.divf %exp3A, %div3A : vector<2048x8xf32>
    %iota3A = tpu.iota {dimensions = array<i32: 1>} : vector<2048x8xi32>
    %lt3A = arith.constant 4 : i32
    %lt3A_11 = vector.broadcast %lt3A : i32 to vector<2048x8xi32>
    %lt3A_12 = arith.cmpi slt, %iota3A, %lt3A_11 : vector<2048x8xi32>
    %jit3A = arith.constant -1.000000e+00 : f32
    %broadcast_in_dim3A_13 = vector.broadcast %jit3A : f32 to vector<2048x8xf32>
    %select_n3A = arith.select %lt3A_12, %div3A_10, %broadcast_in_dim3A_13 : vector<2048x8xi1>, vector<2048x8xf32>
    %reduce_max3A_14 = arith.constant dense<0xFF800000> : vector<2048xf32>
    %reduce_max3A_15 = vector.multi_reduction <maximumf>, %select_n3A, %reduce_max3A_14 [1] : vector<2048x8xf32> to vector<2048xf32>
    %broadcast_in_dim3A_16 = vector.shape_cast %reduce_max3A_15 : vector<2048xf32> to vector<2048x1xf32>
    %jit3A_17 = arith.constant -1.000000e+00 : f32
    %broadcast_in_dim3A_18 = vector.broadcast %jit3A_17 : f32 to vector<2048x8xf32>
    %select_n3A_19 = arith.select %lt3A_12, %broadcast_in_dim3A_18, %div3A_10 : vector<2048x8xi1>, vector<2048x8xf32>
    %reduce_max3A_20 = arith.constant dense<0xFF800000> : vector<2048xf32>
    %reduce_max3A_21 = vector.multi_reduction <maximumf>, %select_n3A_19, %reduce_max3A_20 [1] : vector<2048x8xf32> to vector<2048xf32>
    %broadcast_in_dim3A_22 = vector.shape_cast %reduce_max3A_21 : vector<2048xf32> to vector<2048x1xf32>
    %eq3A = vector.broadcast %broadcast_in_dim3A_16 : vector<2048x1xf32> to vector<2048x8xf32>
    %eq3A_23 = arith.cmpf oeq, %div3A_10, %eq3A : vector<2048x8xf32>
    %and3A = arith.andi %lt3A_12, %eq3A_23 : vector<2048x8xi1>
    %jit3A_24 = arith.constant 8 : i32
    %broadcast_in_dim3A_25 = vector.broadcast %jit3A_24 : i32 to vector<2048x8xi32>
    %select_n3A_26 = arith.select %and3A, %iota3A, %broadcast_in_dim3A_25 : vector<2048x8xi1>, vector<2048x8xi32>
    %reduce_min3A = arith.constant dense<2147483647> : vector<2048xi32>
    %reduce_min3A_27 = vector.multi_reduction <minsi>, %select_n3A_26, %reduce_min3A [1] : vector<2048x8xi32> to vector<2048xi32>
    %broadcast_in_dim3A_28 = vector.shape_cast %reduce_min3A_27 : vector<2048xi32> to vector<2048x1xi32>
    %not3A = arith.constant dense<true> : vector<2048x8xi1>
    %not3A_29 = arith.xori %lt3A_12, %not3A : vector<2048x8xi1>
    %eq3A_30 = vector.broadcast %broadcast_in_dim3A_22 : vector<2048x1xf32> to vector<2048x8xf32>
    %eq3A_31 = arith.cmpf oeq, %div3A_10, %eq3A_30 : vector<2048x8xf32>
    %and3A_32 = arith.andi %not3A_29, %eq3A_31 : vector<2048x8xi1>
    %jit3A_33 = arith.constant 8 : i32
    %broadcast_in_dim3A_34 = vector.broadcast %jit3A_33 : i32 to vector<2048x8xi32>
    %select_n3A_35 = arith.select %and3A_32, %iota3A, %broadcast_in_dim3A_34 : vector<2048x8xi1>, vector<2048x8xi32>
    %reduce_min3A_36 = arith.constant dense<2147483647> : vector<2048xi32>
    %reduce_min3A_37 = vector.multi_reduction <minsi>, %select_n3A_35, %reduce_min3A_36 [1] : vector<2048x8xi32> to vector<2048xi32>
    %broadcast_in_dim3A_38 = vector.shape_cast %reduce_min3A_37 : vector<2048xi32> to vector<2048x1xi32>
    %add3A = arith.addf %broadcast_in_dim3A_16, %broadcast_in_dim3A_22 : vector<2048x1xf32>
    %eq3A_39 = vector.broadcast %broadcast_in_dim3A_28 : vector<2048x1xi32> to vector<2048x8xi32>
    %eq3A_40 = arith.cmpi eq, %iota3A, %eq3A_39 : vector<2048x8xi32>
    %convert_element_type3A = arith.extui %eq3A_40 : vector<2048x8xi1> to vector<2048x8xi32>
    %convert_element_type3A_41 = arith.sitofp %convert_element_type3A : vector<2048x8xi32> to vector<2048x8xf32>
    %eq3A_42 = vector.broadcast %broadcast_in_dim3A_38 : vector<2048x1xi32> to vector<2048x8xi32>
    %eq3A_43 = arith.cmpi eq, %iota3A, %eq3A_42 : vector<2048x8xi32>
    %convert_element_type3A_44 = arith.extui %eq3A_43 : vector<2048x8xi1> to vector<2048x8xi32>
    %convert_element_type3A_45 = arith.sitofp %convert_element_type3A_44 : vector<2048x8xi32> to vector<2048x8xf32>
    %add3A_46 = arith.addf %convert_element_type3A_41, %convert_element_type3A_45 : vector<2048x8xf32>
    %iota3A_47 = tpu.iota {dimensions = array<i32: 0>} : vector<256x256xi32>
    %iota3A_48 = tpu.iota {dimensions = array<i32: 1>} : vector<256x256xi32>
    %ge3A = arith.cmpi sge, %iota3A_47, %iota3A_48 : vector<256x256xi32>
    %convert_element_type3A_49 = arith.extui %ge3A : vector<256x256xi1> to vector<256x256xi32>
    %convert_element_type3A_50 = arith.sitofp %convert_element_type3A_49 : vector<256x256xi32> to vector<256x256xf32>
    %broadcast_in_dim3A_51 = arith.constant 0.000000e+00 : f32
    %broadcast_in_dim3A_52 = vector.broadcast %broadcast_in_dim3A_51 : f32 to vector<1x8xf32>
    %slice3A = vector.extract_strided_slice %add3A_46 {offsets = [0, 0], sizes = [256, 8], strides = [1, 1]} : vector<2048x8xf32> to vector<256x8xf32>
    %dot_general3A_53 = arith.constant dense<0.000000e+00> : vector<256x8xf32>
    %dot_general3A_54 = tpu.matmul %convert_element_type3A_50, %slice3A, %dot_general3A_53 {dimension_numbers = #tpu.dot_dimension_numbers<[1], [0], [0], [1], [0, 0, 1, 1], [], []>, transpose_lhs_hint = false} : vector<256x256xf32>, vector<256x8xf32>, vector<256x8xf32> -> vector<256x8xf32>
    %add3A_55 = vector.broadcast %broadcast_in_dim3A_52 : vector<1x8xf32> to vector<256x8xf32>
    %add3A_56 = arith.addf %dot_general3A_54, %add3A_55 : vector<256x8xf32>
    %sub3A_57 = arith.subf %add3A_56, %slice3A : vector<256x8xf32>
    %reduce_sum3A_58 = arith.constant dense<0.000000e+00> : vector<8xf32>
    %reduce_sum3A_59 = vector.multi_reduction <add>, %slice3A, %reduce_sum3A_58 [0] : vector<256x8xf32> to vector<8xf32>
    %broadcast_in_dim3A_60 = vector.shape_cast %reduce_sum3A_59 : vector<8xf32> to vector<1x8xf32>
    %add3A_61 = arith.addf %broadcast_in_dim3A_52, %broadcast_in_dim3A_60 : vector<1x8xf32>
    %slice3A_62 = vector.extract_strided_slice %add3A_46 {offsets = [256, 0], sizes = [256, 8], strides = [1, 1]} : vector<2048x8xf32> to vector<256x8xf32>
    %dot_general3A_63 = arith.constant dense<0.000000e+00> : vector<256x8xf32>
    %dot_general3A_64 = tpu.matmul %convert_element_type3A_50, %slice3A_62, %dot_general3A_63 {dimension_numbers = #tpu.dot_dimension_numbers<[1], [0], [0], [1], [0, 0, 1, 1], [], []>, transpose_lhs_hint = false} : vector<256x256xf32>, vector<256x8xf32>, vector<256x8xf32> -> vector<256x8xf32>
    %add3A_65 = vector.broadcast %add3A_61 : vector<1x8xf32> to vector<256x8xf32>
    %add3A_66 = arith.addf %dot_general3A_64, %add3A_65 : vector<256x8xf32>
    %sub3A_67 = arith.subf %add3A_66, %slice3A_62 : vector<256x8xf32>
    %reduce_sum3A_68 = arith.constant dense<0.000000e+00> : vector<8xf32>
    %reduce_sum3A_69 = vector.multi_reduction <add>, %slice3A_62, %reduce_sum3A_68 [0] : vector<256x8xf32> to vector<8xf32>
    %broadcast_in_dim3A_70 = vector.shape_cast %reduce_sum3A_69 : vector<8xf32> to vector<1x8xf32>
    %add3A_71 = arith.addf %add3A_61, %broadcast_in_dim3A_70 : vector<1x8xf32>
    %slice3A_72 = vector.extract_strided_slice %add3A_46 {offsets = [512, 0], sizes = [256, 8], strides = [1, 1]} : vector<2048x8xf32> to vector<256x8xf32>
    %dot_general3A_73 = arith.constant dense<0.000000e+00> : vector<256x8xf32>
    %dot_general3A_74 = tpu.matmul %convert_element_type3A_50, %slice3A_72, %dot_general3A_73 {dimension_numbers = #tpu.dot_dimension_numbers<[1], [0], [0], [1], [0, 0, 1, 1], [], []>, transpose_lhs_hint = false} : vector<256x256xf32>, vector<256x8xf32>, vector<256x8xf32> -> vector<256x8xf32>
    %add3A_75 = vector.broadcast %add3A_71 : vector<1x8xf32> to vector<256x8xf32>
    %add3A_76 = arith.addf %dot_general3A_74, %add3A_75 : vector<256x8xf32>
    %sub3A_77 = arith.subf %add3A_76, %slice3A_72 : vector<256x8xf32>
    %reduce_sum3A_78 = arith.constant dense<0.000000e+00> : vector<8xf32>
    %reduce_sum3A_79 = vector.multi_reduction <add>, %slice3A_72, %reduce_sum3A_78 [0] : vector<256x8xf32> to vector<8xf32>
    %broadcast_in_dim3A_80 = vector.shape_cast %reduce_sum3A_79 : vector<8xf32> to vector<1x8xf32>
    %add3A_81 = arith.addf %add3A_71, %broadcast_in_dim3A_80 : vector<1x8xf32>
    %slice3A_82 = vector.extract_strided_slice %add3A_46 {offsets = [768, 0], sizes = [256, 8], strides = [1, 1]} : vector<2048x8xf32> to vector<256x8xf32>
    %dot_general3A_83 = arith.constant dense<0.000000e+00> : vector<256x8xf32>
    %dot_general3A_84 = tpu.matmul %convert_element_type3A_50, %slice3A_82, %dot_general3A_83 {dimension_numbers = #tpu.dot_dimension_numbers<[1], [0], [0], [1], [0, 0, 1, 1], [], []>, transpose_lhs_hint = false} : vector<256x256xf32>, vector<256x8xf32>, vector<256x8xf32> -> vector<256x8xf32>
    %add3A_85 = vector.broadcast %add3A_81 : vector<1x8xf32> to vector<256x8xf32>
    %add3A_86 = arith.addf %dot_general3A_84, %add3A_85 : vector<256x8xf32>
    %sub3A_87 = arith.subf %add3A_86, %slice3A_82 : vector<256x8xf32>
    %reduce_sum3A_88 = arith.constant dense<0.000000e+00> : vector<8xf32>
    %reduce_sum3A_89 = vector.multi_reduction <add>, %slice3A_82, %reduce_sum3A_88 [0] : vector<256x8xf32> to vector<8xf32>
    %broadcast_in_dim3A_90 = vector.shape_cast %reduce_sum3A_89 : vector<8xf32> to vector<1x8xf32>
    %add3A_91 = arith.addf %add3A_81, %broadcast_in_dim3A_90 : vector<1x8xf32>
    %slice3A_92 = vector.extract_strided_slice %add3A_46 {offsets = [1024, 0], sizes = [256, 8], strides = [1, 1]} : vector<2048x8xf32> to vector<256x8xf32>
    %dot_general3A_93 = arith.constant dense<0.000000e+00> : vector<256x8xf32>
    %dot_general3A_94 = tpu.matmul %convert_element_type3A_50, %slice3A_92, %dot_general3A_93 {dimension_numbers = #tpu.dot_dimension_numbers<[1], [0], [0], [1], [0, 0, 1, 1], [], []>, transpose_lhs_hint = false} : vector<256x256xf32>, vector<256x8xf32>, vector<256x8xf32> -> vector<256x8xf32>
    %add3A_95 = vector.broadcast %add3A_91 : vector<1x8xf32> to vector<256x8xf32>
    %add3A_96 = arith.addf %dot_general3A_94, %add3A_95 : vector<256x8xf32>
    %sub3A_97 = arith.subf %add3A_96, %slice3A_92 : vector<256x8xf32>
    %reduce_sum3A_98 = arith.constant dense<0.000000e+00> : vector<8xf32>
    %reduce_sum3A_99 = vector.multi_reduction <add>, %slice3A_92, %reduce_sum3A_98 [0] : vector<256x8xf32> to vector<8xf32>
    %broadcast_in_dim3A_100 = vector.shape_cast %reduce_sum3A_99 : vector<8xf32> to vector<1x8xf32>
    %add3A_101 = arith.addf %add3A_91, %broadcast_in_dim3A_100 : vector<1x8xf32>
    %slice3A_102 = vector.extract_strided_slice %add3A_46 {offsets = [1280, 0], sizes = [256, 8], strides = [1, 1]} : vector<2048x8xf32> to vector<256x8xf32>
    %dot_general3A_103 = arith.constant dense<0.000000e+00> : vector<256x8xf32>
    %dot_general3A_104 = tpu.matmul %convert_element_type3A_50, %slice3A_102, %dot_general3A_103 {dimension_numbers = #tpu.dot_dimension_numbers<[1], [0], [0], [1], [0, 0, 1, 1], [], []>, transpose_lhs_hint = false} : vector<256x256xf32>, vector<256x8xf32>, vector<256x8xf32> -> vector<256x8xf32>
    %add3A_105 = vector.broadcast %add3A_101 : vector<1x8xf32> to vector<256x8xf32>
    %add3A_106 = arith.addf %dot_general3A_104, %add3A_105 : vector<256x8xf32>
    %sub3A_107 = arith.subf %add3A_106, %slice3A_102 : vector<256x8xf32>
    %reduce_sum3A_108 = arith.constant dense<0.000000e+00> : vector<8xf32>
    %reduce_sum3A_109 = vector.multi_reduction <add>, %slice3A_102, %reduce_sum3A_108 [0] : vector<256x8xf32> to vector<8xf32>
    %broadcast_in_dim3A_110 = vector.shape_cast %reduce_sum3A_109 : vector<8xf32> to vector<1x8xf32>
    %add3A_111 = arith.addf %add3A_101, %broadcast_in_dim3A_110 : vector<1x8xf32>
    %slice3A_112 = vector.extract_strided_slice %add3A_46 {offsets = [1536, 0], sizes = [256, 8], strides = [1, 1]} : vector<2048x8xf32> to vector<256x8xf32>
    %dot_general3A_113 = arith.constant dense<0.000000e+00> : vector<256x8xf32>
    %dot_general3A_114 = tpu.matmul %convert_element_type3A_50, %slice3A_112, %dot_general3A_113 {dimension_numbers = #tpu.dot_dimension_numbers<[1], [0], [0], [1], [0, 0, 1, 1], [], []>, transpose_lhs_hint = false} : vector<256x256xf32>, vector<256x8xf32>, vector<256x8xf32> -> vector<256x8xf32>
    %add3A_115 = vector.broadcast %add3A_111 : vector<1x8xf32> to vector<256x8xf32>
    %add3A_116 = arith.addf %dot_general3A_114, %add3A_115 : vector<256x8xf32>
    %sub3A_117 = arith.subf %add3A_116, %slice3A_112 : vector<256x8xf32>
    %reduce_sum3A_118 = arith.constant dense<0.000000e+00> : vector<8xf32>
    %reduce_sum3A_119 = vector.multi_reduction <add>, %slice3A_112, %reduce_sum3A_118 [0] : vector<256x8xf32> to vector<8xf32>
    %broadcast_in_dim3A_120 = vector.shape_cast %reduce_sum3A_119 : vector<8xf32> to vector<1x8xf32>
    %add3A_121 = arith.addf %add3A_111, %broadcast_in_dim3A_120 : vector<1x8xf32>
    %slice3A_122 = vector.extract_strided_slice %add3A_46 {offsets = [1792, 0], sizes = [256, 8], strides = [1, 1]} : vector<2048x8xf32> to vector<256x8xf32>
    %dot_general3A_123 = arith.constant dense<0.000000e+00> : vector<256x8xf32>
    %dot_general3A_124 = tpu.matmul %convert_element_type3A_50, %slice3A_122, %dot_general3A_123 {dimension_numbers = #tpu.dot_dimension_numbers<[1], [0], [0], [1], [0, 0, 1, 1], [], []>, transpose_lhs_hint = false} : vector<256x256xf32>, vector<256x8xf32>, vector<256x8xf32> -> vector<256x8xf32>
    %add3A_125 = vector.broadcast %add3A_121 : vector<1x8xf32> to vector<256x8xf32>
    %add3A_126 = arith.addf %dot_general3A_124, %add3A_125 : vector<256x8xf32>
    %sub3A_127 = arith.subf %add3A_126, %slice3A_122 : vector<256x8xf32>
    %reduce_sum3A_128 = arith.constant dense<0.000000e+00> : vector<8xf32>
    %reduce_sum3A_129 = vector.multi_reduction <add>, %slice3A_122, %reduce_sum3A_128 [0] : vector<256x8xf32> to vector<8xf32>
    %broadcast_in_dim3A_130 = vector.shape_cast %reduce_sum3A_129 : vector<8xf32> to vector<1x8xf32>
    %add3A_131 = arith.addf %add3A_121, %broadcast_in_dim3A_130 : vector<1x8xf32>
    %concatenate3A = tpu.concatenate %sub3A_57, %sub3A_67, %sub3A_77, %sub3A_87, %sub3A_97, %sub3A_107, %sub3A_117, %sub3A_127 in 0 : vector<256x8xf32>, vector<256x8xf32>, vector<256x8xf32>, vector<256x8xf32>, vector<256x8xf32>, vector<256x8xf32>, vector<256x8xf32>, vector<256x8xf32> -> vector<2048x8xf32>
    %div3A_132 = arith.constant 2.560000e+02 : f32
    %div3A_133 = vector.broadcast %div3A_132 : f32 to vector<1x8xf32>
    %div3A_134 = arith.divf %add3A_131, %div3A_133 : vector<1x8xf32>
    %floor3A = math.floor %div3A_134 : vector<1x8xf32>
    %jit3A_135 = arith.constant 256 : i32
    %convert_element_type3A_136 = arith.sitofp %jit3A_135 : i32 to f32
    %rem3A = vector.broadcast %convert_element_type3A_136 : f32 to vector<1x8xf32>
    %rem3A_137 = arith.remf %add3A_131, %rem3A : vector<1x8xf32>
    %ne3A = arith.constant 0.000000e+00 : f32
    %ne3A_138 = vector.broadcast %ne3A : f32 to vector<1x8xf32>
    %ne3A_139 = arith.cmpf one, %rem3A_137, %ne3A_138 : vector<1x8xf32>
    %lt3A_140 = arith.constant 0.000000e+00 : f32
    %lt3A_141 = vector.broadcast %lt3A_140 : f32 to vector<1x8xf32>
    %lt3A_142 = arith.cmpf olt, %rem3A_137, %lt3A_141 : vector<1x8xf32>
    %lt3A_143 = arith.constant 0.000000e+00 : f32
    %lt3A_144 = arith.cmpf olt, %convert_element_type3A_136, %lt3A_143 : f32
    %ne3A_145 = vector.broadcast %lt3A_144 : i1 to vector<1x8xi1>
    %ne3A_146 = vector.broadcast %ne3A_145 : vector<1x8xi1> to vector<1x8xi1>
    %ne3A_147 = arith.xori %lt3A_142, %ne3A_146 : vector<1x8xi1>
    %and3A_148 = arith.andi %ne3A_147, %ne3A_139 : vector<1x8xi1>
    %add3A_149 = vector.broadcast %convert_element_type3A_136 : f32 to vector<1x8xf32>
    %add3A_150 = arith.addf %rem3A_137, %add3A_149 : vector<1x8xf32>
    %select_n3A_151 = arith.select %and3A_148, %add3A_150, %rem3A_137 : vector<1x8xi1>, vector<1x8xf32>
    %gt3A = arith.constant 0.000000e+00 : f32
    %gt3A_152 = vector.broadcast %gt3A : f32 to vector<1x8xf32>
    %gt3A_153 = arith.cmpf ogt, %select_n3A_151, %gt3A_152 : vector<1x8xf32>
    %jit3A_154 = arith.constant 1.000000e+00 : f32
    %jit3A_155 = arith.constant 0.000000e+00 : f32
    %broadcast_in_dim3A_156 = vector.broadcast %jit3A_154 : f32 to vector<1x8xf32>
    %broadcast_in_dim3A_157 = vector.broadcast %jit3A_155 : f32 to vector<1x8xf32>
    %select_n3A_158 = arith.select %gt3A_153, %broadcast_in_dim3A_156, %broadcast_in_dim3A_157 : vector<1x8xi1>, vector<1x8xf32>
    %add3A_159 = arith.addf %floor3A, %select_n3A_158 : vector<1x8xf32>
    %mul3A = arith.constant 2.560000e+02 : f32
    %mul3A_160 = vector.broadcast %mul3A : f32 to vector<1x8xf32>
    %mul3A_161 = arith.mulf %add3A_159, %mul3A_160 : vector<1x8xf32>
    %iota3A_162 = tpu.iota {dimensions = array<i32: 0>} : vector<8x8xi32>
    %iota3A_163 = tpu.iota {dimensions = array<i32: 1>} : vector<8x8xi32>
    %jit3A_164 = arith.constant 4 : i32
    %div3A_165 = vector.broadcast %jit3A_164 : i32 to vector<8x8xi32>
    %div3A_166 = arith.divsi %iota3A_162, %div3A_165 : vector<8x8xi32>
    %sign3A = arith.constant 0 : i32
    %sign3A_167 = vector.broadcast %sign3A : i32 to vector<8x8xi32>
    %sign3A_168 = arith.cmpi sgt, %iota3A_162, %sign3A_167 : vector<8x8xi32>
    %sign3A_169 = arith.extui %sign3A_168 : vector<8x8xi1> to vector<8x8xi32>
    %sign3A_170 = arith.constant 0 : i32
    %sign3A_171 = vector.broadcast %sign3A_170 : i32 to vector<8x8xi32>
    %sign3A_172 = arith.cmpi slt, %iota3A_162, %sign3A_171 : vector<8x8xi32>
    %sign3A_173 = arith.extui %sign3A_172 : vector<8x8xi1> to vector<8x8xi32>
    %sign3A_174 = arith.subi %sign3A_169, %sign3A_173 : vector<8x8xi32>
    %sign3A_175 = arith.constant 0 : i32
    %sign3A_176 = arith.cmpi sgt, %jit3A_164, %sign3A_175 : i32
    %sign3A_177 = arith.extui %sign3A_176 : i1 to i32
    %sign3A_178 = arith.constant 0 : i32
    %sign3A_179 = arith.cmpi slt, %jit3A_164, %sign3A_178 : i32
    %sign3A_180 = arith.extui %sign3A_179 : i1 to i32
    %sign3A_181 = arith.subi %sign3A_177, %sign3A_180 : i32
    %ne3A_182 = vector.broadcast %sign3A_181 : i32 to vector<8x8xi32>
    %ne3A_183 = arith.cmpi ne, %sign3A_174, %ne3A_182 : vector<8x8xi32>
    %rem3A_184 = vector.broadcast %jit3A_164 : i32 to vector<8x8xi32>
    %rem3A_185 = arith.remsi %iota3A_162, %rem3A_184 : vector<8x8xi32>
    %ne3A_186 = arith.constant 0 : i32
    %ne3A_187 = vector.broadcast %ne3A_186 : i32 to vector<8x8xi32>
    %ne3A_188 = arith.cmpi ne, %rem3A_185, %ne3A_187 : vector<8x8xi32>
    %and3A_189 = arith.andi %ne3A_183, %ne3A_188 : vector<8x8xi1>
    %sub3A_190 = arith.constant 1 : i32
    %sub3A_191 = vector.broadcast %sub3A_190 : i32 to vector<8x8xi32>
    %sub3A_192 = arith.subi %div3A_166, %sub3A_191 : vector<8x8xi32>
    %select_n3A_193 = arith.select %and3A_189, %sub3A_192, %div3A_166 : vector<8x8xi1>, vector<8x8xi32>
    %jit3A_194 = arith.constant 4 : i32
    %div3A_195 = vector.broadcast %jit3A_194 : i32 to vector<8x8xi32>
    %div3A_196 = arith.divsi %iota3A_163, %div3A_195 : vector<8x8xi32>
    %sign3A_197 = arith.constant 0 : i32
    %sign3A_198 = vector.broadcast %sign3A_197 : i32 to vector<8x8xi32>
    %sign3A_199 = arith.cmpi sgt, %iota3A_163, %sign3A_198 : vector<8x8xi32>
    %sign3A_200 = arith.extui %sign3A_199 : vector<8x8xi1> to vector<8x8xi32>
    %sign3A_201 = arith.constant 0 : i32
    %sign3A_202 = vector.broadcast %sign3A_201 : i32 to vector<8x8xi32>
    %sign3A_203 = arith.cmpi slt, %iota3A_163, %sign3A_202 : vector<8x8xi32>
    %sign3A_204 = arith.extui %sign3A_203 : vector<8x8xi1> to vector<8x8xi32>
    %sign3A_205 = arith.subi %sign3A_200, %sign3A_204 : vector<8x8xi32>
    %sign3A_206 = arith.constant 0 : i32
    %sign3A_207 = arith.cmpi sgt, %jit3A_194, %sign3A_206 : i32
    %sign3A_208 = arith.extui %sign3A_207 : i1 to i32
    %sign3A_209 = arith.constant 0 : i32
    %sign3A_210 = arith.cmpi slt, %jit3A_194, %sign3A_209 : i32
    %sign3A_211 = arith.extui %sign3A_210 : i1 to i32
    %sign3A_212 = arith.subi %sign3A_208, %sign3A_211 : i32
    %ne3A_213 = vector.broadcast %sign3A_212 : i32 to vector<8x8xi32>
    %ne3A_214 = arith.cmpi ne, %sign3A_205, %ne3A_213 : vector<8x8xi32>
    %rem3A_215 = vector.broadcast %jit3A_194 : i32 to vector<8x8xi32>
    %rem3A_216 = arith.remsi %iota3A_163, %rem3A_215 : vector<8x8xi32>
    %ne3A_217 = arith.constant 0 : i32
    %ne3A_218 = vector.broadcast %ne3A_217 : i32 to vector<8x8xi32>
    %ne3A_219 = arith.cmpi ne, %rem3A_216, %ne3A_218 : vector<8x8xi32>
    %and3A_220 = arith.andi %ne3A_214, %ne3A_219 : vector<8x8xi1>
    %sub3A_221 = arith.constant 1 : i32
    %sub3A_222 = vector.broadcast %sub3A_221 : i32 to vector<8x8xi32>
    %sub3A_223 = arith.subi %div3A_196, %sub3A_222 : vector<8x8xi32>
    %select_n3A_224 = arith.select %and3A_220, %sub3A_223, %div3A_196 : vector<8x8xi1>, vector<8x8xi32>
    %eq3A_225 = arith.cmpi eq, %select_n3A_193, %select_n3A_224 : vector<8x8xi32>
    %lt3A_226 = arith.cmpi slt, %iota3A_162, %iota3A_163 : vector<8x8xi32>
    %and3A_227 = arith.andi %eq3A_225, %lt3A_226 : vector<8x8xi1>
    %convert_element_type3A_228 = arith.extui %and3A_227 : vector<8x8xi1> to vector<8x8xi32>
    %convert_element_type3A_229 = arith.sitofp %convert_element_type3A_228 : vector<8x8xi32> to vector<8x8xf32>
    %dot_general3A_230 = arith.constant dense<0.000000e+00> : vector<1x8xf32>
    %dot_general3A_231 = tpu.matmul %mul3A_161, %convert_element_type3A_229, %dot_general3A_230 {dimension_numbers = #tpu.dot_dimension_numbers<[1], [0], [0], [1], [0, 0, 1, 1], [], []>, transpose_lhs_hint = false} : vector<1x8xf32>, vector<8x8xf32>, vector<1x8xf32> -> vector<1x8xf32>
    %add3A_232 = vector.broadcast %dot_general3A_231 : vector<1x8xf32> to vector<2048x8xf32>
    %add3A_233 = arith.addf %add3A_232, %concatenate3A : vector<2048x8xf32>
    %mul3A_234 = arith.mulf %add3A_46, %add3A_233 : vector<2048x8xf32>
    %reduce_sum3A_235 = arith.constant dense<0.000000e+00> : vector<2048xf32>
    %reduce_sum3A_236 = vector.multi_reduction <add>, %mul3A_234, %reduce_sum3A_235 [1] : vector<2048x8xf32> to vector<2048xf32>
    %broadcast_in_dim3A_237 = vector.shape_cast %reduce_sum3A_236 : vector<2048xf32> to vector<2048x1xf32>
    %add3A_238 = vector.broadcast %dot_general3A_231 : vector<1x8xf32> to vector<2048x8xf32>
    %add3A_239 = arith.addf %add3A_238, %concatenate3A : vector<2048x8xf32>
    %mul3A_240 = arith.mulf %convert_element_type3A_41, %add3A_239 : vector<2048x8xf32>
    %reduce_sum3A_241 = arith.constant dense<0.000000e+00> : vector<2048xf32>
    %reduce_sum3A_242 = vector.multi_reduction <add>, %mul3A_240, %reduce_sum3A_241 [1] : vector<2048x8xf32> to vector<2048xf32>
    %broadcast_in_dim3A_243 = vector.shape_cast %reduce_sum3A_242 : vector<2048xf32> to vector<2048x1xf32>
    %sub3A_244 = arith.subf %broadcast_in_dim3A_237, %broadcast_in_dim3A_243 : vector<2048x1xf32>
    %add3A_245 = arith.constant 3.072000e+03 : f32
    %add3A_246 = vector.broadcast %add3A_245 : f32 to vector<2048x1xf32>
    %add3A_247 = arith.addf %sub3A_244, %add3A_246 : vector<2048x1xf32>
    %concatenate3A_248 = tpu.concatenate %broadcast_in_dim3A_243, %add3A_247 in 1 : vector<2048x1xf32>, vector<2048x1xf32> -> vector<2048x2xf32>
    %transpose3A = tpu.transpose %concatenate3A_248, [1, 0] : vector<2048x2xf32> -> vector<2x2048xf32>
    %convert_element_type3A_249 = arith.fptosi %transpose3A : vector<2x2048xf32> to vector<2x2048xi32>
    %swap3A = arith.constant 0 : index
    %swap3A_250 = arith.constant 0 : index
    %swap3A_251 = vector.load %arg2[%swap3A, %swap3A_250] : memref<2x2048xi32, #tpu.memory_space<vmem>>, vector<2x2048xi32>
    tpu.vector_store %arg2[%swap3A, %swap3A_250], %convert_element_type3A_249 {strides = array<i32>} : memref<2x2048xi32, #tpu.memory_space<vmem>>, vector<2x2048xi32>,
    %iota3A_252 = tpu.iota {dimensions = array<i32: 1>} : vector<2048x32xi32>
    %lt3A_253 = arith.constant 16 : i32
    %lt3A_254 = vector.broadcast %lt3A_253 : i32 to vector<2048x32xi32>
    %lt3A_255 = arith.cmpi slt, %iota3A_252, %lt3A_254 : vector<2048x32xi32>
    %div3A_256 = arith.divf %broadcast_in_dim3A_16, %add3A : vector<2048x1xf32>
    %div3A_257 = arith.divf %broadcast_in_dim3A_22, %add3A : vector<2048x1xf32>
    %broadcast_in_dim3A_258 = vector.shape_cast %div3A_256 : vector<2048x1xf32> to vector<2048x1xf32>
    %broadcast_in_dim3A_259 = vector.broadcast %broadcast_in_dim3A_258 : vector<2048x1xf32> to vector<2048x32xf32>
    %broadcast_in_dim3A_260 = vector.shape_cast %div3A_257 : vector<2048x1xf32> to vector<2048x1xf32>
    %broadcast_in_dim3A_261 = vector.broadcast %broadcast_in_dim3A_260 : vector<2048x1xf32> to vector<2048x32xf32>
    %select_n3A_262 = arith.select %lt3A_255, %broadcast_in_dim3A_259, %broadcast_in_dim3A_261 : vector<2048x32xi1>, vector<2048x32xf32>
    %swap3A_263 = arith.constant 0 : index
    %swap3A_264 = arith.constant 0 : index
    %swap3A_265 = vector.load %arg3[%swap3A_263, %swap3A_264] : memref<2048x32xf32, #tpu.memory_space<vmem>>, vector<2048x32xf32>
    tpu.vector_store %arg3[%swap3A_263, %swap3A_264], %select_n3A_262 {strides = array<i32>} : memref<2048x32xf32, #tpu.memory_space<vmem>>, vector<2048x32xf32>,
    %le3A = arith.cmpi sle, %iota3A_162, %iota3A_163 : vector<8x8xi32>
    %and3A_266 = arith.andi %eq3A_225, %le3A : vector<8x8xi1>
    %convert_element_type3A_267 = arith.extui %and3A_266 : vector<8x8xi1> to vector<8x8xi32>
    %convert_element_type3A_268 = arith.sitofp %convert_element_type3A_267 : vector<8x8xi32> to vector<8x8xf32>
    %dot_general3A_269 = arith.constant dense<0.000000e+00> : vector<1x8xf32>
    %dot_general3A_270 = tpu.matmul %mul3A_161, %convert_element_type3A_268, %dot_general3A_269 {dimension_numbers = #tpu.dot_dimension_numbers<[1], [0], [0], [1], [0, 0, 1, 1], [], []>, transpose_lhs_hint = false} : vector<1x8xf32>, vector<8x8xf32>, vector<1x8xf32> -> vector<1x8xf32>
    %iota3A_271 = tpu.iota {dimensions = array<i32: 0>} : vector<12x8xi32>
    %mul3A_272 = arith.constant 256 : i32
    %mul3A_273 = vector.broadcast %mul3A_272 : i32 to vector<12x8xi32>
    %mul3A_274 = arith.muli %iota3A_271, %mul3A_273 : vector<12x8xi32>
    %convert_element_type3A_275 = arith.sitofp %mul3A_274 : vector<12x8xi32> to vector<12x8xf32>
    %ge3A_276 = vector.broadcast %dot_general3A_270 : vector<1x8xf32> to vector<12x8xf32>
    %ge3A_277 = arith.cmpf oge, %convert_element_type3A_275, %ge3A_276 : vector<12x8xf32>
    %convert_element_type3A_278 = arith.extui %ge3A_277 : vector<12x8xi1> to vector<12x8xi32>
    %convert_element_type3A_279 = arith.sitofp %convert_element_type3A_278 : vector<12x8xi32> to vector<12x8xf32>
    %slice3A_280 = vector.extract_strided_slice %iota3A {offsets = [0, 0], sizes = [12, 8], strides = [1, 1]} : vector<2048x8xi32> to vector<12x8xi32>
    %lt3A_281 = arith.constant 4 : i32
    %lt3A_282 = vector.broadcast %lt3A_281 : i32 to vector<12x8xi32>
    %lt3A_283 = arith.cmpi slt, %slice3A_280, %lt3A_282 : vector<12x8xi32>
    %convert_element_type3A_284 = arith.extui %lt3A_283 : vector<12x8xi1> to vector<12x8xi32>
    %convert_element_type3A_285 = arith.sitofp %convert_element_type3A_284 : vector<12x8xi32> to vector<12x8xf32>
    %mul3A_286 = arith.mulf %convert_element_type3A_279, %convert_element_type3A_285 : vector<12x8xf32>
    %reduce_sum3A_287 = arith.constant dense<0.000000e+00> : vector<12xf32>
    %reduce_sum3A_288 = vector.multi_reduction <add>, %mul3A_286, %reduce_sum3A_287 [1] : vector<12x8xf32> to vector<12xf32>
    %broadcast_in_dim3A_289 = vector.shape_cast %reduce_sum3A_288 : vector<12xf32> to vector<12x1xf32>
    %sub3A_290 = arith.constant 1.000000e+00 : f32
    %sub3A_291 = vector.broadcast %sub3A_290 : f32 to vector<12x8xf32>
    %sub3A_292 = arith.subf %sub3A_291, %convert_element_type3A_285 : vector<12x8xf32>
    %mul3A_293 = arith.mulf %convert_element_type3A_279, %sub3A_292 : vector<12x8xf32>
    %reduce_sum3A_294 = arith.constant dense<0.000000e+00> : vector<12xf32>
    %reduce_sum3A_295 = vector.multi_reduction <add>, %mul3A_293, %reduce_sum3A_294 [1] : vector<12x8xf32> to vector<12xf32>
    %broadcast_in_dim3A_296 = vector.shape_cast %reduce_sum3A_295 : vector<12xf32> to vector<12x1xf32>
    %gt3A_297 = arith.constant 3.000000e+00 : f32
    %gt3A_298 = vector.broadcast %gt3A_297 : f32 to vector<12x1xf32>
    %gt3A_299 = arith.cmpf ogt, %broadcast_in_dim3A_289, %gt3A_298 : vector<12x1xf32>
    %jit3A_300 = arith.constant -1.000000e+00 : f32
    %broadcast_in_dim3A_301 = vector.broadcast %jit3A_300 : f32 to vector<12x1xf32>
    %select_n3A_302 = arith.select %gt3A_299, %broadcast_in_dim3A_301, %broadcast_in_dim3A_289 : vector<12x1xi1>, vector<12x1xf32>
    %gt3A_303 = arith.constant 3.000000e+00 : f32
    %gt3A_304 = vector.broadcast %gt3A_303 : f32 to vector<12x1xf32>
    %gt3A_305 = arith.cmpf ogt, %broadcast_in_dim3A_296, %gt3A_304 : vector<12x1xf32>
    %add3A_306 = arith.constant 4.000000e+00 : f32
    %add3A_307 = vector.broadcast %add3A_306 : f32 to vector<12x1xf32>
    %add3A_308 = arith.addf %broadcast_in_dim3A_296, %add3A_307 : vector<12x1xf32>
    %jit3A_309 = arith.constant -1.000000e+00 : f32
    %broadcast_in_dim3A_310 = vector.broadcast %jit3A_309 : f32 to vector<12x1xf32>
    %select_n3A_311 = arith.select %gt3A_305, %broadcast_in_dim3A_310, %add3A_308 : vector<12x1xi1>, vector<12x1xf32>
    %concatenate3A_312 = tpu.concatenate %select_n3A_302, %select_n3A_311 in 1 : vector<12x1xf32>, vector<12x1xf32> -> vector<12x2xf32>
    %transpose3A_313 = tpu.transpose %concatenate3A_312, [1, 0] : vector<12x2xf32> -> vector<2x12xf32>
    %convert_element_type3A_314 = arith.fptosi %transpose3A_313 : vector<2x12xf32> to vector<2x12xi32>
    %swap3A_315 = arith.constant 0 : index
    %swap3A_316 = arith.constant 0 : index
    %swap3A_317 = vector.load %arg4[%swap3A_315, %swap3A_316] : memref<2x12xi32, #tpu.memory_space<vmem>>, vector<2x12xi32>
    tpu.vector_store %arg4[%swap3A_315, %swap3A_316], %convert_element_type3A_314 {strides = array<i32>} : memref<2x12xi32, #tpu.memory_space<vmem>>, vector<2x12xi32>,
    return
  }
}

module attributes {stable_mosaic.version = 14 : i64} {
  func.func @_ffn_body(%arg0: i32, %arg1: memref<24xi32, #tpu.memory_space<smem>>, %arg2: memref<256x768xf32, #tpu.memory_space<vmem>>, %arg3: memref<8x768x1024xf32, #tpu.memory_space<vmem>>, %arg4: memref<8x512x768xf32, #tpu.memory_space<vmem>>, %arg5: memref<256x768xf32, #tpu.memory_space<vmem>>) attributes {dimension_semantics = [#tpu.dimension_semantics<arbitrary>], iteration_bounds = array<i64: 24>, scalar_prefetch = 1 : i64, scratch_operands = 0 : i64, tpu.core_type = #tpu.core_type<tc>, window_params = [{transform_indices = @transform_0, window_bounds = array<i64: 256, 768>}, {pipeline_mode = #tpu.pipeline_mode<synchronous>, transform_indices = @transform_1, window_bounds = array<i64: 8, 768, 1024>}, {pipeline_mode = #tpu.pipeline_mode<synchronous>, transform_indices = @transform_2, window_bounds = array<i64: 8, 512, 768>}, {transform_indices = @transform_3, window_bounds = array<i64: 256, 768>}]} {
    %get3A = arith.index_cast %arg0 : i32 to index
    %get3A_0 = memref.load %arg1[%get3A] : memref<24xi32, #tpu.memory_space<smem>>
    %ge3A = arith.constant 0 : i32
    %ge3A_1 = arith.cmpi sge, %get3A_0, %ge3A : i32
    %convert_element_type3A = arith.extui %ge3A_1 : i1 to i32
    %cond3A = arith.constant 0 : i32
    %cond3A_2 = arith.cmpi ne, %convert_element_type3A, %cond3A : i32
    scf.if %cond3A_2 {
      %get3A_3 = arith.constant 0 : index
      %get3A_4 = arith.constant 0 : index
      %get3A_5 = vector.load %arg2[%get3A_3, %get3A_4] : memref<256x768xf32, #tpu.memory_space<vmem>>, vector<256x768xf32>
      %max3A = arith.constant 0 : i32
      %max3A_6 = arith.maxsi %get3A_0, %max3A : i32
      %get3A_7 = arith.index_cast %max3A_6 : i32 to index
      %get3A_8 = arith.constant 0 : index
      %get3A_9 = arith.constant 0 : index
      %get3A_10 = vector.load %arg3[%get3A_7, %get3A_8, %get3A_9] : memref<8x768x1024xf32, #tpu.memory_space<vmem>>, vector<1x768x1024xf32>
      %get3A_11 = vector.shape_cast %get3A_10 : vector<1x768x1024xf32> to vector<768x1024xf32>
      %dot_general3A = arith.constant dense<0.000000e+00> : vector<256x1024xf32>
      %dot_general3A_12 = tpu.matmul %get3A_5, %get3A_11, %dot_general3A {dimension_numbers = #tpu.dot_dimension_numbers<[1], [0], [0], [1], [0, 0, 1, 1], [], []>, transpose_lhs_hint = false} : vector<256x768xf32>, vector<768x1024xf32>, vector<256x1024xf32> -> vector<256x1024xf32>
      %slice3A = vector.extract_strided_slice %dot_general3A_12 {offsets = [0, 0], sizes = [256, 512], strides = [1, 1]} : vector<256x1024xf32> to vector<256x512xf32>
      %slice3A_13 = vector.extract_strided_slice %dot_general3A_12 {offsets = [0, 512], sizes = [256, 512], strides = [1, 1]} : vector<256x1024xf32> to vector<256x512xf32>
      %neg3A = arith.constant 0.000000e+00 : f32
      %neg3A_14 = vector.broadcast %neg3A : f32 to vector<256x512xf32>
      %neg3A_15 = arith.subf %neg3A_14, %slice3A : vector<256x512xf32>
      %exp3A = math.exp %neg3A_15 : vector<256x512xf32>
      %add3A = arith.constant 1.000000e+00 : f32
      %add3A_16 = vector.broadcast %add3A : f32 to vector<256x512xf32>
      %add3A_17 = arith.addf %add3A_16, %exp3A : vector<256x512xf32>
      %div3A = arith.constant 1.000000e+00 : f32
      %div3A_18 = vector.broadcast %div3A : f32 to vector<256x512xf32>
      %div3A_19 = arith.divf %div3A_18, %add3A_17 : vector<256x512xf32>
      %mul3A = arith.mulf %slice3A, %div3A_19 : vector<256x512xf32>
      %mul3A_20 = arith.mulf %mul3A, %slice3A_13 : vector<256x512xf32>
      %max3A_21 = arith.constant 0 : i32
      %max3A_22 = arith.maxsi %get3A_0, %max3A_21 : i32
      %get3A_23 = arith.index_cast %max3A_22 : i32 to index
      %get3A_24 = arith.constant 0 : index
      %get3A_25 = arith.constant 0 : index
      %get3A_26 = vector.load %arg4[%get3A_23, %get3A_24, %get3A_25] : memref<8x512x768xf32, #tpu.memory_space<vmem>>, vector<1x512x768xf32>
      %get3A_27 = vector.shape_cast %get3A_26 : vector<1x512x768xf32> to vector<512x768xf32>
      %dot_general3A_28 = arith.constant dense<0.000000e+00> : vector<256x768xf32>
      %dot_general3A_29 = tpu.matmul %mul3A_20, %get3A_27, %dot_general3A_28 {dimension_numbers = #tpu.dot_dimension_numbers<[1], [0], [0], [1], [0, 0, 1, 1], [], []>, transpose_lhs_hint = false} : vector<256x512xf32>, vector<512x768xf32>, vector<256x768xf32> -> vector<256x768xf32>
      %swap3A = arith.constant 0 : index
      %swap3A_30 = arith.constant 0 : index
      %swap3A_31 = vector.load %arg5[%swap3A, %swap3A_30] : memref<256x768xf32, #tpu.memory_space<vmem>>, vector<256x768xf32>
      tpu.vector_store %arg5[%swap3A, %swap3A_30], %dot_general3A_29 {strides = array<i32>} : memref<256x768xf32, #tpu.memory_space<vmem>>, vector<256x768xf32>,
    } else {
    }
    return
  }
  func.func @transform_0(%arg0: i32, %arg1: memref<24xi32, #tpu.memory_space<smem>>) -> (i32, i32) {
    %c0_i32 = arith.constant 0 : i32
    %c0_i32_0 = arith.constant 0 : i32
    return %arg0, %c0_i32 : i32, i32
  }
  func.func @transform_1(%arg0: i32, %arg1: memref<24xi32, #tpu.memory_space<smem>>) -> (i32, i32, i32) {
    %c0_i32 = arith.constant 0 : i32
    %c0_i32_0 = arith.constant 0 : i32
    %c0_i32_1 = arith.constant 0 : i32
    %c0_i32_2 = arith.constant 0 : i32
    return %c0_i32, %c0_i32_0, %c0_i32_1 : i32, i32, i32
  }
  func.func @transform_2(%arg0: i32, %arg1: memref<24xi32, #tpu.memory_space<smem>>) -> (i32, i32, i32) {
    %c0_i32 = arith.constant 0 : i32
    %c0_i32_0 = arith.constant 0 : i32
    %c0_i32_1 = arith.constant 0 : i32
    %c0_i32_2 = arith.constant 0 : i32
    return %c0_i32, %c0_i32_0, %c0_i32_1 : i32, i32, i32
  }
  func.func @transform_3(%arg0: i32, %arg1: memref<24xi32, #tpu.memory_space<smem>>) -> (i32, i32) {
    %c0_i32 = arith.constant 0 : i32
    %c0_i32_0 = arith.constant 0 : i32
    return %arg0, %c0_i32 : i32, i32
  }
}

</mosaic_0001>

<sc_bundles>
// kernel: kernel.6.cloned.1.call-start
scs
__scs_entry_jumppad:
0x0: {  	(pc) =	sbr.rel $0x88, $3  }
0x1: {  	(tag) =	ssettag $0x0;
	lr =	simm.s32 $0x1  }
0x2: {  	[smem:$0x3F9D] =	sst lr;
	_ =	strace $0xD0000000  }
0x3: {  	_ = 	snop  }
0x4: {  	_ = 	snop  }
0x5: {  	_ = 	snop  }
0x6: {  	_ = 	snop  }
0x7: {  	_ = 	snop  }
__scs_overlays_trampoline_lowered:
0x8: {  	[smem:$0x3FAC] =	sst s0  }
0x9: {  	[smem:$0x3FAD] =	sst s1  }
0xa: {  	[smem:$0x3FAE] =	sst s2  }
0xb: {  	[smem:$0x3FAF] =	sst s3  }
0xc: {  	[smem:$0x3FB0] =	sst s4  }
0xd: {  	[smem:$0x3FB1] =	sst s5  }
0xe: {  	[smem:$0x3FB2] =	sst s6  }
0xf: {  	[smem:$0x3FB3] =	sst s7  }
0x10: {  	[smem:$0x3FB4] =	sst s8  }
0x11: {  	[smem:$0x3FB5] =	sst s9;
	s0 =	simm.s32 @!p0 $0x0  }
0x12: {  	s1 =	sld [smem:$0x3F9B];
	s0 =	simm.s32 @p0 $0x1  }
0x13: {  	[smem:$0x3FB6] =	sst s0;
	s0 =	simm.s32 @!p1 $0x0  }
0x14: {  	s2 =	sld [smem:$0x3F9A];
	s0 =	simm.s32 @p1 $0x1  }
0x15: {  	[smem:$0x3FB7] =	sst s0;
	s0 =	simm.s32 @!p2 $0x0  }
0x16: {  	s3 =	sld [smem:$0x3FDB];
	s0 =	simm.s32 @p2 $0x1  }
0x17: {  	s4 =	simm.s32 $0x1BF5;
	[smem:$0x3FB9] =	sst s0  }
0x18: {  	s0 =	sld [smem:$0x3F9C];
	_ =	swait.ge [sflag:s4], $0x0  }
0x19: {  	s7 =	sld [smem:$0x3F9D]  }
0x1a: {  	s8 =	sadd.s32 $0xFFFFE003, lr  }
0x1b: {  	s9 =	sadd.s32 $0xFFFFFEF7, lr;
	s5 =	simm.s32 $0xFFFFFFFF;
	p2 =	slt.u32 s8, $0xFFFFF086  }
0x1c: {  	p1 =	slt.u32 s9, $0xF7A;
	s5 =	simm.s32 @!p2 $0x0  }
0x1d: {  	s5 =	simm.s32 @p1 $0x1;
	p0 =	seq.s32 s7, s2  }
0x1e: {  	s7 =	smul.u32 @!p0 $0xF7A, s2;
	p2 =	seq.s32 @!p0 s5, $0x0  }
0x1f: {  	s9 =	smul.u32 $0xF7A, s1;
	s8 =	simm.s32 @!p0 $0x1BF5;
	p2 =	por !p2, p0  }
0x20: {  	[sflag:s8] =	ssyncset.s32 @!p0 $0xFFFFF086;
	s6 =	sadd.s32 @!p0 s3, s7;
	s7 =	simm.s32 @!p0 $0x108  }
0x21: {  	s3 =	sadd.s32 s3, s9;
	s6 =	sadd.s32 @!p0 $0x88, s6;
	s7 =	simm.s32 @p2 $0x1082  }
0x22: {  	[simem:s7], [sflag:s8] =	dma.local @!p0 [hbm:s6], $0xF7A  }
0x23: {  	s9 =	sor.u32 $0xD0000000, s2;
	s6 =	simm.s32 $0x108;
	_ =	swait.ge @!p0 [sflag:s8], $0x0  }
0x24: {  	s3 =	sadd.s32 $0x88, s3;
	s6 =	simm.s32 @!p1 $0x1082;
	[sflag:s4] =	ssyncset.s32 $0xFFFFF086  }
0x25: {  	[simem:s6], [sflag:s4] =	dma.local [hbm:s3], $0xF7A  }
0x26: {  	[smem:$0x3F9D] =	sst s1;
	(tag) =	ssettag s2;
	_ =	strace s9  }
0x27: {  	s1 =	sld [smem:$0x3FAD]  }
0x28: {  	s2 =	sld [smem:$0x3FAE]  }
0x29: {  	s4 =	sld [smem:$0x3FB0]  }
0x2a: {  	p0 =	seq.s32 s5, $0x0;
	s5 =	sld [smem:$0x3FB1]  }
0x2b: {  	s6 =	sld [smem:$0x3FB2]  }
0x2c: {  	s7 =	sld [smem:$0x3FB3]  }
0x2d: {  	s3 =	simm.s32 $0x108;
	s8 =	sld [smem:$0x3FB4]  }
0x2e: {  	s3 =	simm.s32 @!p0 $0x1082;
	s9 =	sld [smem:$0x3FB5]  }
0x2f: {  	lr =	sadd.s32 s0, s3;
	s0 =	sld [smem:$0x3FAC]  }
0x30: {  	s3 =	sld [smem:$0x3FAF]  }
0x31: {  	[smem:$0x3FB8] =	sst s10  }
0x32: {  	s10 =	sld [smem:$0x3FB6];
	_ =	sdelay $0x3  }
0x33: {  	p0 =	seq.s32 s10, $0x1;
	s10 =	sld [smem:$0x3FB8];
	_ =	sdelay $0x3  }
0x34: {  	[smem:$0x3FB8] =	sst s10  }
0x35: {  	s10 =	sld [smem:$0x3FB7];
	_ =	sdelay $0x3  }
0x36: {  	p1 =	seq.s32 s10, $0x1;
	s10 =	sld [smem:$0x3FB8];
	_ =	sdelay $0x3  }
0x37: {  	[smem:$0x3FB8] =	sst s10  }
0x38: {  	s10 =	sld [smem:$0x3FB9]  }
0x39: {  	_ = 	snop;
	(pc) =	sbr.ind lr, $3  }
0x3a: {  	_ = 	snop  }
0x3b: {  	_ = 	snop  }
0x3c: {  	p2 =	seq.s32 s10, $0x1;
	s10 =	sld [smem:$0x3FB8]  }
0x3d: {  	_ =	shalt  }
0x3e: {  	_ =	shalt  }
0x3f: {  	_ =	shalt  }
0x40: {  	_ =	shalt  }
0x41: {  	_ =	shalt  }
0x42: {  	_ =	shalt  }
0x43: {  	_ =	shalt  }
0x44: {  	_ =	shalt  }
0x45: {  	_ =	shalt  }
0x46: {  	_ =	shalt  }
0x47: {  	_ =	shalt  }
0x48: {  	_ =	shalt  }
0x49: {  	_ =	shalt  }
0x4a: {  	_ =	shalt  }
0x4b: {  	_ =	shalt  }
0x4c: {  	_ =	shalt  }
0x4d: {  	_ =	shalt  }
0x4e: {  	_ =	shalt  }
0x4f: {  	_ =	shalt  }
0x50: {  	_ =	shalt  }
0x51: {  	_ =	shalt  }
0x52: {  	_ =	shalt  }
0x53: {  	_ =	shalt  }
0x54: {  	_ =	shalt  }
0x55: {  	_ =	shalt  }
0x56: {  	_ =	shalt  }
0x57: {  	_ =	shalt  }
0x58: {  	_ =	shalt  }
0x59: {  	_ =	shalt  }
0x5a: {  	_ =	shalt  }
0x5b: {  	_ =	shalt  }
0x5c: {  	_ =	shalt  }
0x5d: {  	_ =	shalt  }
0x5e: {  	_ =	shalt  }
0x5f: {  	_ =	shalt  }
0x60: {  	_ =	shalt  }
0x61: {  	_ =	shalt  }
0x62: {  	_ =	shalt  }
0x63: {  	_ =	shalt  }
0x64: {  	_ =	shalt  }
0x65: {  	_ =	shalt  }
0x66: {  	_ =	shalt  }
0x67: {  	_ =	shalt  }
0x68: {  	_ =	shalt  }
0x69: {  	_ =	shalt  }
0x6a: {  	_ =	shalt  }
0x6b: {  	_ =	shalt  }
0x6c: {  	_ =	shalt  }
0x6d: {  	_ =	shalt  }
0x6e: {  	_ =	shalt  }
0x6f: {  	_ =	shalt  }
0x70: {  	_ =	shalt  }
0x71: {  	_ =	shalt  }
0x72: {  	_ =	shalt  }
0x73: {  	_ =	shalt  }
0x74: {  	_ =	shalt  }
0x75: {  	_ =	shalt  }
0x76: {  	_ =	shalt  }
0x77: {  	_ =	shalt  }
0x78: {  	_ =	shalt  }
0x79: {  	_ =	shalt  }
0x7a: {  	_ =	shalt  }
0x7b: {  	_ =	shalt  }
0x7c: {  	_ =	shalt  }
0x7d: {  	_ =	shalt  }
0x7e: {  	_ =	shalt  }
0x7f: {  	_ =	shalt  }
0x80: {  	_ =	shalt  }
0x81: {  	_ =	shalt  }
0x82: {  	_ =	shalt  }
0x83: {  	_ =	shalt  }
0x84: {  	_ =	shalt  }
0x85: {  	_ =	shalt  }
0x86: {  	_ =	shalt  }
0x87: {  	_ =	shalt  }
.Lfunc_end0:
.L_simem_size_0:
called_computation_lowered:
.L_overlay_start_0:
0x88: {  	s2 =	sld [smem:$0x3FD9]  }
0x89: {  	s3 =	sld [smem:$0x3FFE];
	_ =	sdelay $0x1  }
0x8a: {  	s1 =	srdreg.scid  }
0x8b: {  	s0 =	sand.u32 $0x1, s1  }
0x8c: {  	s17 =	sshll.u32 s0, $0xA;
	s2 =	sadd.s32 s3, s2  }
0x8d: {  	s2 =	sadd.s32 s2, s17  }
0x8e: {  	[smem:$0x3FC4] =	sst s2  }
0x8f: {  	_ = 	snop  }
0x90: {  	s2 =	sld [smem:$0x3FC9];
	(tm) =	ssettm $0x1  }
0x91: {  	s18 =	sld [smem:$0x3FFB];
	_ =	sdelay $0x3  }
0x92: {  	_ =	strace s18  }
0x93: {  	s3 =	sld [smem:$0x3FFC];
	_ =	sdelay $0x3  }
0x94: {  	_ =	strace s3  }
0x95: {  	s3 =	sld [smem:$0x3FFD];
	_ =	sdelay $0x3  }
0x96: {  	_ =	strace s3  }
0x97: {  	_ =	strace $0x8FFFFFFF  }
0x98: {  	s19 =	sld [smem:$0x3FDB];
	_ =	sdelay $0x1  }
0x99: {  	s4 =	simm.s32 $_scs_section_size  }
0x9a: {  	s5 =	simm.s32 $_size__tile_overlayer_lowered;
	s6 =	simm.s32 $_tile_overlayer_lowered  }
0x9b: {  	s22 =	simm.s32 $0x1BFF;
	s21 =	sshll.u32 s6, $0x1;
	s3 =	sadd.s32 s4, s19  }
0x9c: {  	s7 =	simm.s32 $0x0;
	s20 =	sshll.u32 s5, $0x1;
	s5 =	sadd.s32 s21, s3  }
0x9d: {  	[timem:s7], [sflag:s22] =	dma.local [hbm:s5], s20  }
0x9e: {  	_ =	swait.ge [sflag:s22], s20  }
0x9f: {  	s4 =	ssub.s32 $0x0, s20;
	[sflag:s22] =	ssyncset.done $0x0  }
0xa0: {  	[sflag:s22] =	ssyncadd.s32 s4;
	_ =	sdelay $0x1  }
0xa1: {  	s23 =	simm.s32 $0x1B8B  }
0xa2: {  	_ =	swait.ge [sflag:s23], $0x1  }
0xa3: {  	[sflag:s23] =	ssyncset.done $0x0  }
0xa4: {  	s25 =	simm.s32 $0x1B8E;
	s24 =	sld [smem:$0x3FFE];
	[sflag:s23] =	ssyncadd.s32 $0xFFFFFFFF  }
0xa5: {  	s26 =	simm.s32 $execute0_lowered;
	[smem:$0x3FD2] =	sst s25  }
0xa6: {  	s5 =	sshll.u32 s26, $0x1;
	_ =	strace $0x80000046;
	[dreg:$0x1] =	wrdreg $0xFFFFFFFF  }
0xa7: {  	s28 =	simm.s32 $_size_execute0_lowered;
	s3 =	sadd.s32 s3, s5;
	[dreg:$0x0] =	wrdreg $0x0  }
0xa8: {  	s5 =	sshll.u32 s28, $0x1;
	[dreg:$0x2] =	wrdreg s3  }
0xa9: {  	[dreg:$0x3] =	wrdreg s5  }
0xaa: {  	[dreg:$0x4] =	wrdreg $0xC0  }
0xab: {  	_ =	task [dreg:s7], $0x5FFFF  }
0xac: {  	[dreg:$0x1] =	wrdreg $0xFFFFFFFF  }
0xad: {  	[dreg:$0x0] =	wrdreg $0x60  }
0xae: {  	[dreg:$0x2] =	wrdreg s2  }
0xaf: {  	[dreg:$0x3] =	wrdreg s24  }
0xb0: {  	[dreg:$0x4] =	wrdreg $0x9  }
0xb1: {  	_ =	task.clear_ibuf [dreg:s7], $0x5FFFF;
	_ =	strace $0x90000046  }
0xb2: {  	s29 =	simm.s32 $0x9;
	_ =	strace $0x80000048  }
0xb3: {  	_ =	swait.ge [sflag:s29], $0x1  }
0xb4: {  	[sflag:s29] =	ssyncadd.s32 $0xFFFFFFFF  }
0xb5: {  	_ =	strace $0x90000048  }
0xb6: {  	_ =	sfence  }
0xb7: {  	s30 =	sld [smem:$0x0];
	_ =	sdelay $0x2  }
0xb8: {  	s31 =	sshll.u32 s1, $0xD;
	s1 =	sshrl.u32 s1, $0x2  }
0xb9: {  	s3 =	sand.u32 $0x4000, s31;
	s1 =	sadd.s32 s1, s30  }
0xba: {  	s0 =	sor.u32 s3, s0;
	s1 =	sshll.u32 s1, $0x11  }
0xbb: {  	s0 =	sor.u32 s1, s0  }
0xbc: {  	s0 =	sadd.s32 $0x8F2B, s0  }
0xbd: {  	[sflag:s0] =	ssyncadd.remote.s32 $0x1  }
0xbe: {  	_ =	sfence.sel $0xFFFF  }
0xbf: {  	[dreg:$0x0] =	wrdreg $0xFFFFFFFF;
	(pc) =	sbr.abs _section_cstart, $3  }
0xc0: {  	[dreg:$0x1] =	wrdreg $0xFFFFFFFF  }
0xc1: {  	_ =	task.clear_ibuf [dreg:s7], $0x2FFFF;
	_ =	strace $0x9FFFFFFF  }
0xc2: {  	(tm) =	ssettm $0x7FFFFFFF  }
0xc3: {  	_ =	shalt  }
tec
execute0_lowered:
.L_overlay_start_1:
0x0: {  	(tag) =	ssettag $0x1  }
0x1: {  	s0 =	rddreg [dreg:$0x0]  }
0x2: {  	s1 =	rddreg [dreg:$0x1]  }
0x3: {  	s2 =	srdreg.scid;
	s3 =	stileid.u32;
	s26 =	simm.s32 $0x80  }
0x4: {  	s12 =	simm.s32 $0x1900;
	s13 =	simm.s32 $0x2100;
	s14 =	simm.s32 $0x2900  }
0x5: {  	s15 =	simm.s32 $0x3100;
	s16 =	simm.s32 $0x3900;
	s17 =	simm.s32 $0x4100  }
0x6: {  	s18 =	simm.s32 $0x4900;
	s19 =	simm.s32 $0x5100;
	s20 =	simm.s32 $0x5900  }
0x7: {  	s21 =	simm.s32 $0x6100;
	s22 =	simm.s32 $0x6900;
	s28 =	simm.s32 $0x9100  }
0x8: {  	s29 =	simm.s32 $0x9900;
	s30 =	simm.s32 $0xA100;
	s31 =	simm.s32 $0xA900  }
0x9: {  	s4 =	sand.u32 $0x1, s2;
	s2 =	simm.s32 $0x0;
	s3 =	sshll.u32 s3, $0x7  }
0xa: {  	s8 =	sadd.s32 $0x9C00, s1;
	s5 =	sshll.u32 s4, $0x6;
	[smem:$0x7FF] =	sst s2  }
0xb: {  	s4 =	ssub.s32 $0x2, s4;
	s6 =	sor.u32 s5, s3;
	_ =	strace $0x80000047  }
0xc: {  	s3 =	sadd.s32 $0x9E00, s1;
	s24 =	sshrl.u32 s4, $0x1;
	[dreg:$0x6] =	wrdreg s26  }
0xd: {  	s26 =	simm.s32 $0x8900;
	s7 =	sshll.u32 s6, $0x1;
	s6 =	sshrl.u32 s6, $0x3  }
0xe: {  	s25 =	ssub.s32 s4, s24;
	s4 =	sadd.s32 $0x9F00, s1;
	s9 =	sand.u32 $0xF00, s7  }
0xf: {  	s6 =	smul.u32 $0x300, s6;
	s9 =	sor.u32 s5, s9;
	s5 =	sor.u32 s5, s7  }
0x10: {  	s24 =	simm.s32 $0x7900;
	s23 =	sshrl.u32 s9, $0x3;
	s5 =	sshrl.u32 s5, $0x3  }
0x11: {  	s0 =	sadd.s32 s0, s6;
	s6 =	smax.u32 s25, $0x1;
	s9 =	simm.s32 $0x2  }
0x12: {  	s25 =	simm.s32 $0x8100;
	s7 =	sadd.s32 s8, s23;
	[dreg:$0x5] =	wrdreg s0  }
0x13: {  	v2 =	vlaneseq.u32;
	s5 =	sor.u32 $0x10, s5;
	s23 =	simm.s32 $0x7100;
	[dreg:$0x3] =	wrdreg s7  }
0x14: {  	vm0 =	vmmov $0xffff;
	v1 =	vshrl.u32 v2, $0x3;
	s5 =	sadd.s32 s8, s5;
	s7 =	simm.s32 $0x3;
	s8 =	simm.s32 $0xB900  }
0x15: {  	v0 =	vand.u32 $0x7, v2;
	v2 =	vor.u32 $0x8, v2;
	v1 =	vmul.u32 $0x8, v1;
	[dreg:$0x4] =	wrdreg s5;
	s5 =	sadd.s32 $0xA000, s1;
	s1 =	simm.s32 $0x100  }
.LBB2_1:
0x16: {  	s10 =	rddreg [dreg:$0x3]  }
0x17: {  	[tilespmem:s2], [sflag:$0x3] =	stream.linear.gather [hbm4b:s10+s2], $0x40, $0x38;
	[tilespmem:$0xC100] =	vst v63  }
0x18: {  	_ =	swait.ge [sflag:s7], $0x40  }
0x19: {  	s0 =	rddreg [dreg:$0x4];
	[sflag:s7] =	ssyncset.done $0x0  }
0x1a: {  	s11 =	rddreg [dreg:$0x6];
	[sflag:s7] =	ssyncadd.s32 $0xFFFFFFC0  }
0x1b: {  	[tilespmem:s11], [sflag:$0x3] =	stream.linear.gather [hbm4b:s0+s2], $0x40, $0x38;
	[tilespmem:$0xC100] =	vst v63  }
0x1c: {  	_ =	swait.ge [sflag:s7], $0x40  }
0x1d: {  	[sflag:s7] =	ssyncset.done $0x0  }
0x1e: {  	s0 =	rddreg [dreg:$0x5];
	[sflag:s7] =	ssyncadd.s32 $0xFFFFFFC0  }
0x1f: {  	[tilespmem:s1], [sflag:$0x3] =	stream.linear.gather [hbm4b:s0+s2], $0xC000, $0x38;
	[tilespmem:$0xC100] =	vst v63  }
0x20: {  	_ =	swait.ge [sflag:s7], $0xC000  }
0x21: {  	[sflag:s7] =	ssyncset.done $0x0  }
0x22: {  	[sflag:s7] =	ssyncadd.s32 $0xFFFF4000  }
0x23: {  	v3 =	vld [tilespmem:$0x0];
	_ =	sdelay $0x4  }
0x24: {  	v4 =	vshrl.u32 v3, $0x3  }
0x25: {  	v4 =	vmul.u32 $0x30, v4  }
0x26: {  	v3 =	vand.u32 $0x7, v3  }
0x27: {  	v3 =	vor.u32 v3, v4  }
0x28: {  	v4 =	vperm.xlane v3, v0;
	_ =	sdelay $0x1  }
0x29: {  	v4 =	vadd.s32 v1, v4;
	_ =	sdelay $0x3  }
0x2a: {  	v3 =	vperm.xlane v3, v2  }
0x2b: {  	[hbm4b:s3+s2] =	stream.indirect_vreg.scatter [tilespmem:s1], [sflag:$0x1], $0x80, v4, vm0, $0xb8;
	[tilespmem:$0xC100] =	vst v63  }
0x2c: {  	s10 =	simm.s32 $0x900;
	v3 =	vadd.s32 v1, v3  }
0x2d: {  	[hbm4b:s4+s2] =	stream.indirect_vreg.scatter [tilespmem:s10], [sflag:$0x1], $0x80, v4, vm0, $0xb8;
	[tilespmem:$0xC100] =	vst v63  }
0x2e: {  	s11 =	simm.s32 $0x1100  }
0x2f: {  	[hbm4b:s5+s2] =	stream.indirect_vreg.scatter [tilespmem:s11], [sflag:$0x1], $0x80, v4, vm0, $0xb8;
	[tilespmem:$0xC100] =	vst v63  }
0x30: {  	_ = 	snop  }
0x31: {  	[hbm4b:s3+s2] =	stream.indirect_vreg.scatter [tilespmem:s12], [sflag:$0x1], $0x80, v3, vm0, $0xb8;
	[tilespmem:$0xC100] =	vst v63  }
0x32: {  	_ = 	snop  }
0x33: {  	[hbm4b:s4+s2] =	stream.indirect_vreg.scatter [tilespmem:s13], [sflag:$0x1], $0x80, v3, vm0, $0xb8;
	[tilespmem:$0xC100] =	vst v63  }
0x34: {  	_ = 	snop  }
0x35: {  	[hbm4b:s5+s2] =	stream.indirect_vreg.scatter [tilespmem:s14], [sflag:$0x1], $0x80, v3, vm0, $0xb8;
	[tilespmem:$0xC100] =	vst v63  }
0x36: {  	v3 =	vld [tilespmem:$0x10];
	_ =	sdelay $0x4  }
0x37: {  	v57 =	vshrl.u32 v3, $0x3  }
0x38: {  	v4 =	vmul.u32 $0x30, v57  }
0x39: {  	v3 =	vand.u32 $0x7, v3  }
0x3a: {  	v3 =	vor.u32 v3, v4  }
0x3b: {  	v4 =	vperm.xlane v3, v0;
	_ =	sdelay $0x1  }
0x3c: {  	v4 =	vadd.s32 v1, v4;
	_ =	sdelay $0x3  }
0x3d: {  	v3 =	vperm.xlane v3, v2  }
0x3e: {  	[hbm4b:s3+s2] =	stream.indirect_vreg.scatter [tilespmem:s15], [sflag:$0x1], $0x80, v4, vm0, $0xb8;
	[tilespmem:$0xC100] =	vst v63  }
0x3f: {  	v3 =	vadd.s32 v1, v3  }
0x40: {  	[hbm4b:s4+s2] =	stream.indirect_vreg.scatter [tilespmem:s16], [sflag:$0x1], $0x80, v4, vm0, $0xb8;
	[tilespmem:$0xC100] =	vst v63  }
0x41: {  	_ = 	snop  }
0x42: {  	[hbm4b:s5+s2] =	stream.indirect_vreg.scatter [tilespmem:s17], [sflag:$0x1], $0x80, v4, vm0, $0xb8;
	[tilespmem:$0xC100] =	vst v63  }
0x43: {  	_ = 	snop  }
0x44: {  	[hbm4b:s3+s2] =	stream.indirect_vreg.scatter [tilespmem:s18], [sflag:$0x1], $0x80, v3, vm0, $0xb8;
	[tilespmem:$0xC100] =	vst v63  }
0x45: {  	_ = 	snop  }
0x46: {  	[hbm4b:s4+s2] =	stream.indirect_vreg.scatter [tilespmem:s19], [sflag:$0x1], $0x80, v3, vm0, $0xb8;
	[tilespmem:$0xC100] =	vst v63  }
0x47: {  	_ = 	snop  }
0x48: {  	[hbm4b:s5+s2] =	stream.indirect_vreg.scatter [tilespmem:s20], [sflag:$0x1], $0x80, v3, vm0, $0xb8;
	[tilespmem:$0xC100] =	vst v63  }
0x49: {  	v3 =	vld [tilespmem:$0x20];
	_ =	sdelay $0x4  }
0x4a: {  	v58 =	vshrl.u32 v3, $0x3  }
0x4b: {  	v4 =	vmul.u32 $0x30, v58  }
0x4c: {  	v3 =	vand.u32 $0x7, v3  }
0x4d: {  	v3 =	vor.u32 v3, v4  }
0x4e: {  	v4 =	vperm.xlane v3, v0;
	_ =	sdelay $0x1  }
0x4f: {  	v4 =	vadd.s32 v1, v4;
	_ =	sdelay $0x3  }
0x50: {  	v3 =	vperm.xlane v3, v2  }
0x51: {  	[hbm4b:s3+s2] =	stream.indirect_vreg.scatter [tilespmem:s21], [sflag:$0x1], $0x80, v4, vm0, $0xb8;
	[tilespmem:$0xC100] =	vst v63  }
0x52: {  	v3 =	vadd.s32 v1, v3  }
0x53: {  	[hbm4b:s4+s2] =	stream.indirect_vreg.scatter [tilespmem:s22], [sflag:$0x1], $0x80, v4, vm0, $0xb8;
	[tilespmem:$0xC100] =	vst v63  }
0x54: {  	_ = 	snop  }
0x55: {  	[hbm4b:s5+s2] =	stream.indirect_vreg.scatter [tilespmem:s23], [sflag:$0x1], $0x80, v4, vm0, $0xb8;
	[tilespmem:$0xC100] =	vst v63  }
0x56: {  	_ = 	snop  }
0x57: {  	[hbm4b:s3+s2] =	stream.indirect_vreg.scatter [tilespmem:s24], [sflag:$0x1], $0x80, v3, vm0, $0xb8;
	[tilespmem:$0xC100] =	vst v63  }
0x58: {  	_ = 	snop  }
0x59: {  	[hbm4b:s4+s2] =	stream.indirect_vreg.scatter [tilespmem:s25], [sflag:$0x1], $0x80, v3, vm0, $0xb8;
	[tilespmem:$0xC100] =	vst v63  }
0x5a: {  	_ = 	snop  }
0x5b: {  	[hbm4b:s5+s2] =	stream.indirect_vreg.scatter [tilespmem:s26], [sflag:$0x1], $0x80, v3, vm0, $0xb8;
	[tilespmem:$0xC100] =	vst v63  }
0x5c: {  	v3 =	vld [tilespmem:$0x30];
	_ =	sdelay $0x4  }
0x5d: {  	v59 =	vshrl.u32 v3, $0x3  }
0x5e: {  	v4 =	vmul.u32 $0x30, v59  }
0x5f: {  	v3 =	vand.u32 $0x7, v3  }
0x60: {  	v3 =	vor.u32 v3, v4  }
0x61: {  	v4 =	vperm.xlane v3, v0;
	_ =	sdelay $0x1  }
0x62: {  	v4 =	vadd.s32 v1, v4;
	_ =	sdelay $0x3  }
0x63: {  	v3 =	vperm.xlane v3, v2  }
0x64: {  	[hbm4b:s3+s2] =	stream.indirect_vreg.scatter [tilespmem:s28], [sflag:$0x1], $0x80, v4, vm0, $0xb8;
	[tilespmem:$0xC100] =	vst v63  }
0x65: {  	v3 =	vadd.s32 v1, v3  }
0x66: {  	[hbm4b:s4+s2] =	stream.indirect_vreg.scatter [tilespmem:s29], [sflag:$0x1], $0x80, v4, vm0, $0xb8;
	[tilespmem:$0xC100] =	vst v63  }
0x67: {  	_ = 	snop  }
0x68: {  	[hbm4b:s5+s2] =	stream.indirect_vreg.scatter [tilespmem:s30], [sflag:$0x1], $0x80, v4, vm0, $0xb8;
	[tilespmem:$0xC100] =	vst v63  }
0x69: {  	_ = 	snop  }
0x6a: {  	[hbm4b:s3+s2] =	stream.indirect_vreg.scatter [tilespmem:s31], [sflag:$0x1], $0x80, v3, vm0, $0xb8;
	[tilespmem:$0xC100] =	vst v63  }
0x6b: {  	s0 =	simm.s32 $0xB100  }
0x6c: {  	[hbm4b:s4+s2] =	stream.indirect_vreg.scatter [tilespmem:s0], [sflag:$0x1], $0x80, v3, vm0, $0xb8;
	[tilespmem:$0xC100] =	vst v63  }
0x6d: {  	_ = 	snop  }
0x6e: {  	[hbm4b:s5+s2] =	stream.indirect_vreg.scatter [tilespmem:s8], [sflag:$0x1], $0x80, v3, vm0, $0xb8;
	[tilespmem:$0xC100] =	vst v63  }
0x6f: {  	v3 =	vld [tilespmem:$0x80];
	_ =	sdelay $0x4  }
0x70: {  	v60 =	vshrl.u32 v3, $0x3  }
0x71: {  	v4 =	vmul.u32 $0x30, v60  }
0x72: {  	v3 =	vand.u32 $0x7, v3  }
0x73: {  	v3 =	vor.u32 v3, v4  }
0x74: {  	v4 =	vperm.xlane v3, v0;
	_ =	sdelay $0x1  }
0x75: {  	v4 =	vadd.s32 v1, v4;
	_ =	sdelay $0x3  }
0x76: {  	v3 =	vperm.xlane v3, v2  }
0x77: {  	[hbm4b:s3+s2] =	stream.indirect_vreg.scatter [tilespmem:s1], [sflag:$0x2], $0x80, v4, vm0, $0xb8;
	[tilespmem:$0xC100] =	vst v63  }
0x78: {  	v3 =	vadd.s32 v1, v3  }
0x79: {  	[hbm4b:s4+s2] =	stream.indirect_vreg.scatter [tilespmem:s10], [sflag:$0x2], $0x80, v4, vm0, $0xb8;
	[tilespmem:$0xC100] =	vst v63  }
0x7a: {  	_ = 	snop  }
0x7b: {  	[hbm4b:s5+s2] =	stream.indirect_vreg.scatter [tilespmem:s11], [sflag:$0x2], $0x80, v4, vm0, $0xb8;
	[tilespmem:$0xC100] =	vst v63  }
0x7c: {  	_ = 	snop  }
0x7d: {  	[hbm4b:s3+s2] =	stream.indirect_vreg.scatter [tilespmem:s12], [sflag:$0x2], $0x80, v3, vm0, $0xb8;
	[tilespmem:$0xC100] =	vst v63  }
0x7e: {  	_ = 	snop  }
0x7f: {  	[hbm4b:s4+s2] =	stream.indirect_vreg.scatter [tilespmem:s13], [sflag:$0x2], $0x80, v3, vm0, $0xb8;
	[tilespmem:$0xC100] =	vst v63  }
0x80: {  	_ = 	snop  }
0x81: {  	[hbm4b:s5+s2] =	stream.indirect_vreg.scatter [tilespmem:s14], [sflag:$0x2], $0x80, v3, vm0, $0xb8;
	[tilespmem:$0xC100] =	vst v63  }
0x82: {  	v3 =	vld [tilespmem:$0x90];
	_ =	sdelay $0x4  }
0x83: {  	v61 =	vshrl.u32 v3, $0x3  }
0x84: {  	v4 =	vmul.u32 $0x30, v61  }
0x85: {  	v3 =	vand.u32 $0x7, v3  }
0x86: {  	v3 =	vor.u32 v3, v4  }
0x87: {  	v4 =	vperm.xlane v3, v0;
	_ =	sdelay $0x1  }
0x88: {  	v4 =	vadd.s32 v1, v4;
	_ =	sdelay $0x3  }
0x89: {  	v3 =	vperm.xlane v3, v2  }
0x8a: {  	[hbm4b:s3+s2] =	stream.indirect_vreg.scatter [tilespmem:s15], [sflag:$0x2], $0x80, v4, vm0, $0xb8;
	[tilespmem:$0xC100] =	vst v63  }
0x8b: {  	v3 =	vadd.s32 v1, v3  }
0x8c: {  	[hbm4b:s4+s2] =	stream.indirect_vreg.scatter [tilespmem:s16], [sflag:$0x2], $0x80, v4, vm0, $0xb8;
	[tilespmem:$0xC100] =	vst v63  }
0x8d: {  	_ = 	snop  }
0x8e: {  	[hbm4b:s5+s2] =	stream.indirect_vreg.scatter [tilespmem:s17], [sflag:$0x2], $0x80, v4, vm0, $0xb8;
	[tilespmem:$0xC100] =	vst v63  }
0x8f: {  	_ = 	snop  }
0x90: {  	[hbm4b:s3+s2] =	stream.indirect_vreg.scatter [tilespmem:s18], [sflag:$0x2], $0x80, v3, vm0, $0xb8;
	[tilespmem:$0xC100] =	vst v63  }
0x91: {  	_ = 	snop  }
0x92: {  	[hbm4b:s4+s2] =	stream.indirect_vreg.scatter [tilespmem:s19], [sflag:$0x2], $0x80, v3, vm0, $0xb8;
	[tilespmem:$0xC100] =	vst v63  }
0x93: {  	_ = 	snop  }
0x94: {  	[hbm4b:s5+s2] =	stream.indirect_vreg.scatter [tilespmem:s20], [sflag:$0x2], $0x80, v3, vm0, $0xb8;
	[tilespmem:$0xC100] =	vst v63  }
0x95: {  	v3 =	vld [tilespmem:$0xA0];
	_ =	sdelay $0x4  }
0x96: {  	v62 =	vshrl.u32 v3, $0x3  }
0x97: {  	v4 =	vmul.u32 $0x30, v62  }
0x98: {  	v3 =	vand.u32 $0x7, v3  }
0x99: {  	v3 =	vor.u32 v3, v4  }
0x9a: {  	v4 =	vperm.xlane v3, v0;
	_ =	sdelay $0x1  }
0x9b: {  	v4 =	vadd.s32 v1, v4;
	_ =	sdelay $0x3  }
0x9c: {  	v3 =	vperm.xlane v3, v2  }
0x9d: {  	[hbm4b:s3+s2] =	stream.indirect_vreg.scatter [tilespmem:s21], [sflag:$0x2], $0x80, v4, vm0, $0xb8;
	[tilespmem:$0xC100] =	vst v63  }
0x9e: {  	v3 =	vadd.s32 v1, v3  }
0x9f: {  	[hbm4b:s4+s2] =	stream.indirect_vreg.scatter [tilespmem:s22], [sflag:$0x2], $0x80, v4, vm0, $0xb8;
	[tilespmem:$0xC100] =	vst v63  }
0xa0: {  	_ = 	snop  }
0xa1: {  	[hbm4b:s5+s2] =	stream.indirect_vreg.scatter [tilespmem:s23], [sflag:$0x2], $0x80, v4, vm0, $0xb8;
	[tilespmem:$0xC100] =	vst v63  }
0xa2: {  	_ = 	snop  }
0xa3: {  	[hbm4b:s3+s2] =	stream.indirect_vreg.scatter [tilespmem:s24], [sflag:$0x2], $0x80, v3, vm0, $0xb8;
	[tilespmem:$0xC100] =	vst v63  }
0xa4: {  	_ = 	snop  }
0xa5: {  	[hbm4b:s4+s2] =	stream.indirect_vreg.scatter [tilespmem:s25], [sflag:$0x2], $0x80, v3, vm0, $0xb8;
	[tilespmem:$0xC100] =	vst v63  }
0xa6: {  	_ = 	snop  }
0xa7: {  	[hbm4b:s5+s2] =	stream.indirect_vreg.scatter [tilespmem:s26], [sflag:$0x2], $0x80, v3, vm0, $0xb8;
	[tilespmem:$0xC100] =	vst v63  }
0xa8: {  	v3 =	vld [tilespmem:$0xB0];
	_ =	sdelay $0x4  }
0xa9: {  	v63 =	vshrl.u32 v3, $0x3  }
0xaa: {  	v4 =	vmul.u32 $0x30, v63  }
0xab: {  	v3 =	vand.u32 $0x7, v3  }
0xac: {  	v3 =	vor.u32 v3, v4  }
0xad: {  	v4 =	vperm.xlane v3, v0;
	_ =	sdelay $0x1  }
0xae: {  	v4 =	vadd.s32 v1, v4;
	_ =	sdelay $0x3  }
0xaf: {  	v3 =	vperm.xlane v3, v2  }
0xb0: {  	[hbm4b:s3+s2] =	stream.indirect_vreg.scatter [tilespmem:s28], [sflag:$0x2], $0x80, v4, vm0, $0xb8;
	[tilespmem:$0xC100] =	vst v63  }
0xb1: {  	v3 =	vadd.s32 v1, v3  }
0xb2: {  	[hbm4b:s4+s2] =	stream.indirect_vreg.scatter [tilespmem:s29], [sflag:$0x2], $0x80, v4, vm0, $0xb8;
	[tilespmem:$0xC100] =	vst v63  }
0xb3: {  	_ = 	snop  }
0xb4: {  	[hbm4b:s5+s2] =	stream.indirect_vreg.scatter [tilespmem:s30], [sflag:$0x2], $0x80, v4, vm0, $0xb8;
	[tilespmem:$0xC100] =	vst v63  }
0xb5: {  	_ = 	snop  }
0xb6: {  	[hbm4b:s3+s2] =	stream.indirect_vreg.scatter [tilespmem:s31], [sflag:$0x2], $0x80, v3, vm0, $0xb8;
	[tilespmem:$0xC100] =	vst v63  }
0xb7: {  	_ = 	snop  }
0xb8: {  	[hbm4b:s4+s2] =	stream.indirect_vreg.scatter [tilespmem:s0], [sflag:$0x2], $0x80, v3, vm0, $0xb8;
	[tilespmem:$0xC100] =	vst v63  }
0xb9: {  	s11 =	simm.s32 $0x1  }
0xba: {  	[hbm4b:s5+s2] =	stream.indirect_vreg.scatter [tilespmem:s8], [sflag:$0x2], $0x80, v3, vm0, $0xb8;
	[tilespmem:$0xC100] =	vst v63  }
0xbb: {  	p0 =	sne.s32 s6, $0x1;
	_ =	swait.ge [sflag:s11], $0xC000  }
.Ltmp0:
0xbc: {  	[sflag:s11] =	ssyncset.done $0x0;
	(pc) =	sbr.rel @p0 .LBB2_1-.Ltmp0, $4  }
0xbd: {  	[sflag:s11] =	ssyncadd.s32 $0xFFFF4000  }
0xbe: {  	_ =	swait.ge [sflag:s9], $0xC000  }
0xbf: {  	[sflag:s9] =	ssyncset.done $0x0  }
0xc0: {  	s6 =	sadd.s32 $0xFFFFFFFF, s6;
	[sflag:s9] =	ssyncadd.s32 $0xFFFF4000  }
0xc1: {  	_ =	sfence.sel $0x180000  }
0xc2: {  	[bflag:$0x0] =	sbarrier.arrive $0xFFFF  }
0xc3: {  	_ =	strace $0x90000047  }
0xc4: {  	s0 =	stileid.u32;
	[bflag:$0x2] =	sbarrier.arrive $0xFFFF  }
0xc5: {  	p0 =	sne.s32 s0, $0x0;
	s0 =	rddreg [dreg:$0x2]  }
0xc6: {  	s0 =	sadd.s32 @!p0 $0x100000, s0  }
0xc7: {  	[sflag:s0] =	ssyncadd.tile.s32 @!p0 $0x1;
	_ =	shalt  }
.Lfunc_end2:
_tile_overlayer_lowered:
.L_overlay_start_2:
0xc8: {  	(tag) =	ssettag $0x2  }
0xc9: {  	s0 =	rddreg [dreg:$0x0];
	s2 =	stileid.u32  }
0xca: {  	s1 =	rddreg [dreg:$0x1];
	p0 =	sne.s32 s2, $0x0  }
0xcb: {  	s3 =	rddreg [dreg:$0x2];
	[bflag:$0x3] =	sbarrier.arrive $0xFFFF;
	s2 =	simm.s32 @!p0 $0x1C03  }
0xcc: {  	[timem:s3], [sflag:s2] =	dma.local @!p0 [hbm:s0], s1  }
0xcd: {  	s0 =	simm.s32 @!p0 $0x3  }
0xce: {  	_ =	swait.ge @!p0 [sflag:s0], s1  }
0xcf: {  	s1 =	ssub.s32 @!p0 $0x0, s1;
	[sflag:s0] =	ssyncset.done @!p0 $0x0  }
0xd0: {  	[sflag:s0] =	ssyncadd.s32 @!p0 s1  }
0xd1: {  	[bflag:$0x3] =	sbarrier.arrive $0xFFFF  }
0xd2: {  	_ =	shalt  }

// kernel: kernel.9.cloned.1.call-start
scs
__scs_entry_jumppad:
0x0: {  	(pc) =	sbr.rel $0x88, $3  }
0x1: {  	(tag) =	ssettag $0x0;
	lr =	simm.s32 $0x1  }
0x2: {  	[smem:$0x3F9D] =	sst lr;
	_ =	strace $0xD0000000  }
0x3: {  	_ = 	snop  }
0x4: {  	_ = 	snop  }
0x5: {  	_ = 	snop  }
0x6: {  	_ = 	snop  }
0x7: {  	_ = 	snop  }
__scs_overlays_trampoline_lowered:
0x8: {  	[smem:$0x3FAC] =	sst s0  }
0x9: {  	[smem:$0x3FAD] =	sst s1  }
0xa: {  	[smem:$0x3FAE] =	sst s2  }
0xb: {  	[smem:$0x3FAF] =	sst s3  }
0xc: {  	[smem:$0x3FB0] =	sst s4  }
0xd: {  	[smem:$0x3FB1] =	sst s5  }
0xe: {  	[smem:$0x3FB2] =	sst s6  }
0xf: {  	[smem:$0x3FB3] =	sst s7  }
0x10: {  	[smem:$0x3FB4] =	sst s8  }
0x11: {  	[smem:$0x3FB5] =	sst s9;
	s0 =	simm.s32 @!p0 $0x0  }
0x12: {  	s1 =	sld [smem:$0x3F9B];
	s0 =	simm.s32 @p0 $0x1  }
0x13: {  	[smem:$0x3FB6] =	sst s0;
	s0 =	simm.s32 @!p1 $0x0  }
0x14: {  	s2 =	sld [smem:$0x3F9A];
	s0 =	simm.s32 @p1 $0x1  }
0x15: {  	[smem:$0x3FB7] =	sst s0;
	s0 =	simm.s32 @!p2 $0x0  }
0x16: {  	s3 =	sld [smem:$0x3FDB];
	s0 =	simm.s32 @p2 $0x1  }
0x17: {  	s4 =	simm.s32 $0x1BF5;
	[smem:$0x3FB9] =	sst s0  }
0x18: {  	s0 =	sld [smem:$0x3F9C];
	_ =	swait.ge [sflag:s4], $0x0  }
0x19: {  	s7 =	sld [smem:$0x3F9D]  }
0x1a: {  	s8 =	sadd.s32 $0xFFFFE003, lr  }
0x1b: {  	s9 =	sadd.s32 $0xFFFFFEF7, lr;
	s5 =	simm.s32 $0xFFFFFFFF;
	p2 =	slt.u32 s8, $0xFFFFF086  }
0x1c: {  	p1 =	slt.u32 s9, $0xF7A;
	s5 =	simm.s32 @!p2 $0x0  }
0x1d: {  	s5 =	simm.s32 @p1 $0x1;
	p0 =	seq.s32 s7, s2  }
0x1e: {  	s7 =	smul.u32 @!p0 $0xF7A, s2;
	p2 =	seq.s32 @!p0 s5, $0x0  }
0x1f: {  	s9 =	smul.u32 $0xF7A, s1;
	s8 =	simm.s32 @!p0 $0x1BF5;
	p2 =	por !p2, p0  }
0x20: {  	[sflag:s8] =	ssyncset.s32 @!p0 $0xFFFFF086;
	s6 =	sadd.s32 @!p0 s3, s7;
	s7 =	simm.s32 @!p0 $0x108  }
0x21: {  	s3 =	sadd.s32 s3, s9;
	s6 =	sadd.s32 @!p0 $0x88, s6;
	s7 =	simm.s32 @p2 $0x1082  }
0x22: {  	[simem:s7], [sflag:s8] =	dma.local @!p0 [hbm:s6], $0xF7A  }
0x23: {  	s9 =	sor.u32 $0xD0000000, s2;
	s6 =	simm.s32 $0x108;
	_ =	swait.ge @!p0 [sflag:s8], $0x0  }
0x24: {  	s3 =	sadd.s32 $0x88, s3;
	s6 =	simm.s32 @!p1 $0x1082;
	[sflag:s4] =	ssyncset.s32 $0xFFFFF086  }
0x25: {  	[simem:s6], [sflag:s4] =	dma.local [hbm:s3], $0xF7A  }
0x26: {  	[smem:$0x3F9D] =	sst s1;
	(tag) =	ssettag s2;
	_ =	strace s9  }
0x27: {  	s1 =	sld [smem:$0x3FAD]  }
0x28: {  	s2 =	sld [smem:$0x3FAE]  }
0x29: {  	s4 =	sld [smem:$0x3FB0]  }
0x2a: {  	p0 =	seq.s32 s5, $0x0;
	s5 =	sld [smem:$0x3FB1]  }
0x2b: {  	s6 =	sld [smem:$0x3FB2]  }
0x2c: {  	s7 =	sld [smem:$0x3FB3]  }
0x2d: {  	s3 =	simm.s32 $0x108;
	s8 =	sld [smem:$0x3FB4]  }
0x2e: {  	s3 =	simm.s32 @!p0 $0x1082;
	s9 =	sld [smem:$0x3FB5]  }
0x2f: {  	lr =	sadd.s32 s0, s3;
	s0 =	sld [smem:$0x3FAC]  }
0x30: {  	s3 =	sld [smem:$0x3FAF]  }
0x31: {  	[smem:$0x3FB8] =	sst s10  }
0x32: {  	s10 =	sld [smem:$0x3FB6];
	_ =	sdelay $0x3  }
0x33: {  	p0 =	seq.s32 s10, $0x1;
	s10 =	sld [smem:$0x3FB8];
	_ =	sdelay $0x3  }
0x34: {  	[smem:$0x3FB8] =	sst s10  }
0x35: {  	s10 =	sld [smem:$0x3FB7];
	_ =	sdelay $0x3  }
0x36: {  	p1 =	seq.s32 s10, $0x1;
	s10 =	sld [smem:$0x3FB8];
	_ =	sdelay $0x3  }
0x37: {  	[smem:$0x3FB8] =	sst s10  }
0x38: {  	s10 =	sld [smem:$0x3FB9]  }
0x39: {  	_ = 	snop;
	(pc) =	sbr.ind lr, $3  }
0x3a: {  	_ = 	snop  }
0x3b: {  	_ = 	snop  }
0x3c: {  	p2 =	seq.s32 s10, $0x1;
	s10 =	sld [smem:$0x3FB8]  }
0x3d: {  	_ =	shalt  }
0x3e: {  	_ =	shalt  }
0x3f: {  	_ =	shalt  }
0x40: {  	_ =	shalt  }
0x41: {  	_ =	shalt  }
0x42: {  	_ =	shalt  }
0x43: {  	_ =	shalt  }
0x44: {  	_ =	shalt  }
0x45: {  	_ =	shalt  }
0x46: {  	_ =	shalt  }
0x47: {  	_ =	shalt  }
0x48: {  	_ =	shalt  }
0x49: {  	_ =	shalt  }
0x4a: {  	_ =	shalt  }
0x4b: {  	_ =	shalt  }
0x4c: {  	_ =	shalt  }
0x4d: {  	_ =	shalt  }
0x4e: {  	_ =	shalt  }
0x4f: {  	_ =	shalt  }
0x50: {  	_ =	shalt  }
0x51: {  	_ =	shalt  }
0x52: {  	_ =	shalt  }
0x53: {  	_ =	shalt  }
0x54: {  	_ =	shalt  }
0x55: {  	_ =	shalt  }
0x56: {  	_ =	shalt  }
0x57: {  	_ =	shalt  }
0x58: {  	_ =	shalt  }
0x59: {  	_ =	shalt  }
0x5a: {  	_ =	shalt  }
0x5b: {  	_ =	shalt  }
0x5c: {  	_ =	shalt  }
0x5d: {  	_ =	shalt  }
0x5e: {  	_ =	shalt  }
0x5f: {  	_ =	shalt  }
0x60: {  	_ =	shalt  }
0x61: {  	_ =	shalt  }
0x62: {  	_ =	shalt  }
0x63: {  	_ =	shalt  }
0x64: {  	_ =	shalt  }
0x65: {  	_ =	shalt  }
0x66: {  	_ =	shalt  }
0x67: {  	_ =	shalt  }
0x68: {  	_ =	shalt  }
0x69: {  	_ =	shalt  }
0x6a: {  	_ =	shalt  }
0x6b: {  	_ =	shalt  }
0x6c: {  	_ =	shalt  }
0x6d: {  	_ =	shalt  }
0x6e: {  	_ =	shalt  }
0x6f: {  	_ =	shalt  }
0x70: {  	_ =	shalt  }
0x71: {  	_ =	shalt  }
0x72: {  	_ =	shalt  }
0x73: {  	_ =	shalt  }
0x74: {  	_ =	shalt  }
0x75: {  	_ =	shalt  }
0x76: {  	_ =	shalt  }
0x77: {  	_ =	shalt  }
0x78: {  	_ =	shalt  }
0x79: {  	_ =	shalt  }
0x7a: {  	_ =	shalt  }
0x7b: {  	_ =	shalt  }
0x7c: {  	_ =	shalt  }
0x7d: {  	_ =	shalt  }
0x7e: {  	_ =	shalt  }
0x7f: {  	_ =	shalt  }
0x80: {  	_ =	shalt  }
0x81: {  	_ =	shalt  }
0x82: {  	_ =	shalt  }
0x83: {  	_ =	shalt  }
0x84: {  	_ =	shalt  }
0x85: {  	_ =	shalt  }
0x86: {  	_ =	shalt  }
0x87: {  	_ =	shalt  }
.Lfunc_end0:
.L_simem_size_0:
called_computation.1_lowered:
.L_overlay_start_0:
0x88: {  	s2 =	sld [smem:$0x3FD9]  }
0x89: {  	s3 =	sld [smem:$0x3FFE];
	_ =	sdelay $0x1  }
0x8a: {  	s1 =	srdreg.scid  }
0x8b: {  	s0 =	sand.u32 $0x1, s1  }
0x8c: {  	s17 =	sshll.u32 s0, $0xA;
	s2 =	sadd.s32 s3, s2  }
0x8d: {  	s2 =	sadd.s32 s2, s17  }
0x8e: {  	[smem:$0x3FC4] =	sst s2  }
0x8f: {  	_ = 	snop  }
0x90: {  	s2 =	sld [smem:$0x3FD0];
	(tm) =	ssettm $0x1  }
0x91: {  	s18 =	sld [smem:$0x3FFB];
	_ =	sdelay $0x3  }
0x92: {  	_ =	strace s18  }
0x93: {  	s3 =	sld [smem:$0x3FFC];
	_ =	sdelay $0x3  }
0x94: {  	_ =	strace s3  }
0x95: {  	s3 =	sld [smem:$0x3FFD];
	_ =	sdelay $0x3  }
0x96: {  	_ =	strace s3  }
0x97: {  	_ =	strace $0x8FFFFFFF  }
0x98: {  	s19 =	sld [smem:$0x3FDB];
	_ =	sdelay $0x1  }
0x99: {  	s4 =	simm.s32 $_scs_section_size  }
0x9a: {  	s5 =	simm.s32 $_size__tile_overlayer_lowered;
	s6 =	simm.s32 $_tile_overlayer_lowered  }
0x9b: {  	s22 =	simm.s32 $0x1BFF;
	s21 =	sshll.u32 s6, $0x1;
	s3 =	sadd.s32 s4, s19  }
0x9c: {  	s7 =	simm.s32 $0x0;
	s20 =	sshll.u32 s5, $0x1;
	s5 =	sadd.s32 s21, s3  }
0x9d: {  	[timem:s7], [sflag:s22] =	dma.local [hbm:s5], s20  }
0x9e: {  	_ =	swait.ge [sflag:s22], s20  }
0x9f: {  	s4 =	ssub.s32 $0x0, s20;
	[sflag:s22] =	ssyncset.done $0x0  }
0xa0: {  	[sflag:s22] =	ssyncadd.s32 s4;
	_ =	sdelay $0x1  }
0xa1: {  	s23 =	simm.s32 $0x1B8B  }
0xa2: {  	_ =	swait.ge [sflag:s23], $0x1  }
0xa3: {  	[sflag:s23] =	ssyncset.done $0x0  }
0xa4: {  	s25 =	simm.s32 $0x1B8E;
	s24 =	sld [smem:$0x3FFE];
	[sflag:s23] =	ssyncadd.s32 $0xFFFFFFFF  }
0xa5: {  	s26 =	simm.s32 $execute0_lowered;
	[smem:$0x3FD2] =	sst s25  }
0xa6: {  	s5 =	sshll.u32 s26, $0x1;
	_ =	strace $0x80000049;
	[dreg:$0x1] =	wrdreg $0xFFFFFFFF  }
0xa7: {  	s28 =	simm.s32 $_size_execute0_lowered;
	s3 =	sadd.s32 s3, s5;
	[dreg:$0x0] =	wrdreg $0x0  }
0xa8: {  	s5 =	sshll.u32 s28, $0x1;
	[dreg:$0x2] =	wrdreg s3  }
0xa9: {  	[dreg:$0x3] =	wrdreg s5  }
0xaa: {  	[dreg:$0x4] =	wrdreg $0xC0  }
0xab: {  	_ =	task [dreg:s7], $0x5FFFF  }
0xac: {  	[dreg:$0x1] =	wrdreg $0xFFFFFFFF  }
0xad: {  	[dreg:$0x0] =	wrdreg $0x60  }
0xae: {  	[dreg:$0x2] =	wrdreg s24  }
0xaf: {  	[dreg:$0x3] =	wrdreg s2  }
0xb0: {  	[dreg:$0x4] =	wrdreg $0x9  }
0xb1: {  	_ =	task.clear_ibuf [dreg:s7], $0x5FFFF;
	_ =	strace $0x90000049  }
0xb2: {  	s29 =	simm.s32 $0x9;
	_ =	strace $0x8000004B  }
0xb3: {  	_ =	swait.ge [sflag:s29], $0x1  }
0xb4: {  	[sflag:s29] =	ssyncadd.s32 $0xFFFFFFFF  }
0xb5: {  	_ =	strace $0x9000004B  }
0xb6: {  	_ =	sfence  }
0xb7: {  	s30 =	sld [smem:$0x0];
	_ =	sdelay $0x2  }
0xb8: {  	s31 =	sshll.u32 s1, $0xD;
	s1 =	sshrl.u32 s1, $0x2  }
0xb9: {  	s3 =	sand.u32 $0x4000, s31;
	s1 =	sadd.s32 s1, s30  }
0xba: {  	s0 =	sor.u32 s3, s0;
	s1 =	sshll.u32 s1, $0x11  }
0xbb: {  	s0 =	sor.u32 s1, s0  }
0xbc: {  	s0 =	sadd.s32 $0x8F2B, s0  }
0xbd: {  	[sflag:s0] =	ssyncadd.remote.s32 $0x1  }
0xbe: {  	_ =	sfence.sel $0xFFFF  }
0xbf: {  	[dreg:$0x0] =	wrdreg $0xFFFFFFFF;
	(pc) =	sbr.abs _section_cstart, $3  }
0xc0: {  	[dreg:$0x1] =	wrdreg $0xFFFFFFFF  }
0xc1: {  	_ =	task.clear_ibuf [dreg:s7], $0x2FFFF;
	_ =	strace $0x9FFFFFFF  }
0xc2: {  	(tm) =	ssettm $0x7FFFFFFF  }
0xc3: {  	_ =	shalt  }
tec
execute0_lowered:
.L_overlay_start_1:
0x0: {  	(tag) =	ssettag $0x1  }
0x1: {  	s0 =	rddreg [dreg:$0x0]  }
0x2: {  	s1 =	rddreg [dreg:$0x1]  }
0x3: {  	s3 =	srdreg.scid;
	s2 =	simm.s32 $0x0;
	s5 =	stileid.u32  }
0x4: {  	s15 =	simm.s32 $0x2100;
	s20 =	simm.s32 $0x8100;
	s16 =	simm.s32 $0x15900  }
0x5: {  	s17 =	simm.s32 $0x16100;
	s18 =	simm.s32 $0x16900;
	s19 =	simm.s32 $0x17100  }
0x6: {  	s21 =	simm.s32 $0x17900;
	s28 =	simm.s32 $0x2;
	s29 =	simm.s32 $0x0  }
0x7: {  	s4 =	sand.u32 $0x1, s3;
	[smem:$0x7FF] =	sst s2;
	s22 =	sshll.u32 s5, $0x7  }
0x8: {  	s3 =	sadd.s32 $0x99E00, s0;
	s7 =	sadd.s32 $0x9C00, s0;
	s23 =	sshll.u32 s4, $0x6  }
0x9: {  	_ =	strace $0x8000004A;
	s4 =	ssub.s32 $0x2, s4;
	s6 =	sor.u32 s23, s22  }
0xa: {  	s10 =	sshrl.u32 s4, $0x1;
	s22 =	simm.s32 $0x18100;
	s8 =	sshll.u32 s6, $0x4  }
0xb: {  	s9 =	sshll.u32 s6, $0x1;
	s24 =	sshrl.u32 s6, $0x3;
	s12 =	ssub.s32 s4, s10  }
0xc: {  	s8 =	sadd.s32 s8, s0;
	s11 =	sand.u32 $0xF00, s9;
	s26 =	smul.u32 $0x1800, s24  }
0xd: {  	s9 =	sor.u32 s23, s9;
	s30 =	smul.u32 $0x300, s24;
	s24 =	simm.s32 $0x19100  }
0xe: {  	s5 =	sor.u32 s23, s11;
	s9 =	sshrl.u32 s9, $0x3;
	s6 =	sadd.s32 $0x1C00, s8  }
0xf: {  	s8 =	sadd.s32 $0x9A000, s0;
	s11 =	smax.u32 s12, $0x1;
	s12 =	simm.s32 $0x3  }
0x10: {  	s23 =	simm.s32 $0x18900;
	s5 =	sshrl.u32 s5, $0x3;
	s25 =	sor.u32 $0x10, s9  }
0x11: {  	v2 =	vlaneseq.u32;
	s9 =	sshrl.u32 s26, $0x3;
	s26 =	simm.s32 $0x1;
	s4 =	sadd.s32 s7, s5  }
0x12: {  	vm0 =	vmmov $0xffff;
	v1 =	vshrl.u32 v2, $0x3;
	s5 =	sadd.s32 s7, s25;
	s7 =	sadd.s32 $0x99F00, s0;
	s31 =	sadd.s32 s1, s9  }
0x13: {  	v0 =	vand.u32 $0x7, v2;
	v2 =	vor.u32 $0x8, v2;
	v1 =	vmul.u32 $0x8, v1;
	s9 =	sadd.s32 s1, s30;
	s25 =	simm.s32 $0x19900;
	s10 =	sadd.s32 $0xC00, s31  }
.LBB2_1:
0x14: {  	[tilespmem:s2], [sflag:$0x3] =	stream.linear.gather [hbm4b:s4+s2], $0x40, $0x38;
	[tilespmem:$0x1A100] =	vst v63  }
0x15: {  	_ =	swait.ge [sflag:s12], $0x40  }
0x16: {  	[sflag:s12] =	ssyncset.done $0x0  }
0x17: {  	s0 =	simm.s32 $0x80;
	[sflag:s12] =	ssyncadd.s32 $0xFFFFFFC0  }
0x18: {  	[tilespmem:s0], [sflag:$0x3] =	stream.linear.gather [hbm4b:s5+s2], $0x40, $0x38;
	[tilespmem:$0x1A100] =	vst v63  }
0x19: {  	_ =	swait.ge [sflag:s12], $0x40  }
0x1a: {  	[sflag:s12] =	ssyncset.done $0x0  }
0x1b: {  	s14 =	simm.s32 $0x100;
	[sflag:s12] =	ssyncadd.s32 $0xFFFFFFC0  }
0x1c: {  	[tilespmem:s14], [sflag:$0x3] =	stream.linear.gather [hbm4b:s6+s2], $0x2000, $0x38;
	[tilespmem:$0x1A100] =	vst v63  }
0x1d: {  	_ =	swait.ge [sflag:s12], $0x2000  }
0x1e: {  	[sflag:s12] =	ssyncset.done $0x0  }
0x1f: {  	[sflag:s12] =	ssyncadd.s32 $0xFFFFE000  }
0x20: {  	v3 =	vld [tilespmem:$0x0];
	_ =	sdelay $0x4  }
0x21: {  	v4 =	vshrl.u32 v3, $0x3  }
0x22: {  	v4 =	vmul.u32 $0x30, v4  }
0x23: {  	v3 =	vand.u32 $0x7, v3  }
0x24: {  	v3 =	vor.u32 v3, v4  }
0x25: {  	v4 =	vperm.xlane v3, v0;
	_ =	sdelay $0x1  }
0x26: {  	v4 =	vadd.s32 v1, v4;
	_ =	sdelay $0x3  }
0x27: {  	v3 =	vperm.xlane v3, v2  }
0x28: {  	[tilespmem:s15], [sflag:$0x1] =	stream.indirect_vreg.gather [hbm4b:s3+s2], $0x80, v4, vm0, $0xb8;
	[tilespmem:$0x1A100] =	vst v63  }
0x29: {  	s1 =	simm.s32 $0x2900;
	v3 =	vadd.s32 v1, v3  }
0x2a: {  	[tilespmem:s1], [sflag:$0x1] =	stream.indirect_vreg.gather [hbm4b:s7+s2], $0x80, v4, vm0, $0xb8;
	[tilespmem:$0x1A100] =	vst v63  }
0x2b: {  	s13 =	simm.s32 $0x3100  }
0x2c: {  	[tilespmem:s13], [sflag:$0x1] =	stream.indirect_vreg.gather [hbm4b:s8+s2], $0x80, v4, vm0, $0xb8;
	[tilespmem:$0x1A100] =	vst v63  }
0x2d: {  	s14 =	simm.s32 $0x3900  }
0x2e: {  	[tilespmem:s14], [sflag:$0x1] =	stream.indirect_vreg.gather [hbm4b:s3+s2], $0x80, v3, vm0, $0xb8;
	[tilespmem:$0x1A100] =	vst v63  }
0x2f: {  	s1 =	simm.s32 $0x4100  }
0x30: {  	[tilespmem:s1], [sflag:$0x1] =	stream.indirect_vreg.gather [hbm4b:s7+s2], $0x80, v3, vm0, $0xb8;
	[tilespmem:$0x1A100] =	vst v63  }
0x31: {  	s13 =	simm.s32 $0x4900  }
0x32: {  	[tilespmem:s13], [sflag:$0x1] =	stream.indirect_vreg.gather [hbm4b:s8+s2], $0x80, v3, vm0, $0xb8;
	[tilespmem:$0x1A100] =	vst v63  }
0x33: {  	v3 =	vld [tilespmem:$0x10];
	_ =	sdelay $0x4  }
0x34: {  	v4 =	vshrl.u32 v3, $0x3  }
0x35: {  	v4 =	vmul.u32 $0x30, v4  }
0x36: {  	v3 =	vand.u32 $0x7, v3  }
0x37: {  	v3 =	vor.u32 v3, v4  }
0x38: {  	v4 =	vperm.xlane v3, v0;
	_ =	sdelay $0x1  }
0x39: {  	v4 =	vadd.s32 v1, v4;
	_ =	sdelay $0x3  }
0x3a: {  	s14 =	simm.s32 $0x5100;
	v3 =	vperm.xlane v3, v2  }
0x3b: {  	[tilespmem:s14], [sflag:$0x1] =	stream.indirect_vreg.gather [hbm4b:s3+s2], $0x80, v4, vm0, $0xb8;
	[tilespmem:$0x1A100] =	vst v63  }
0x3c: {  	s1 =	simm.s32 $0x5900;
	v3 =	vadd.s32 v1, v3  }
0x3d: {  	[tilespmem:s1], [sflag:$0x1] =	stream.indirect_vreg.gather [hbm4b:s7+s2], $0x80, v4, vm0, $0xb8;
	[tilespmem:$0x1A100] =	vst v63  }
0x3e: {  	s13 =	simm.s32 $0x6100  }
0x3f: {  	[tilespmem:s13], [sflag:$0x1] =	stream.indirect_vreg.gather [hbm4b:s8+s2], $0x80, v4, vm0, $0xb8;
	[tilespmem:$0x1A100] =	vst v63  }
0x40: {  	s14 =	simm.s32 $0x6900  }
0x41: {  	[tilespmem:s14], [sflag:$0x1] =	stream.indirect_vreg.gather [hbm4b:s3+s2], $0x80, v3, vm0, $0xb8;
	[tilespmem:$0x1A100] =	vst v63  }
0x42: {  	s1 =	simm.s32 $0x7100  }
0x43: {  	[tilespmem:s1], [sflag:$0x1] =	stream.indirect_vreg.gather [hbm4b:s7+s2], $0x80, v3, vm0, $0xb8;
	[tilespmem:$0x1A100] =	vst v63  }
0x44: {  	s13 =	simm.s32 $0x7900  }
0x45: {  	[tilespmem:s13], [sflag:$0x1] =	stream.indirect_vreg.gather [hbm4b:s8+s2], $0x80, v3, vm0, $0xb8;
	[tilespmem:$0x1A100] =	vst v63  }
0x46: {  	v3 =	vld [tilespmem:$0x80];
	_ =	sdelay $0x4  }
0x47: {  	v4 =	vshrl.u32 v3, $0x3  }
0x48: {  	v4 =	vmul.u32 $0x30, v4  }
0x49: {  	v3 =	vand.u32 $0x7, v3  }
0x4a: {  	v3 =	vor.u32 v3, v4  }
0x4b: {  	v4 =	vperm.xlane v3, v0;
	_ =	sdelay $0x1  }
0x4c: {  	v4 =	vadd.s32 v1, v4;
	_ =	sdelay $0x3  }
0x4d: {  	s14 =	simm.s32 $0xE100;
	v3 =	vperm.xlane v3, v2  }
0x4e: {  	[tilespmem:s14], [sflag:$0x1] =	stream.indirect_vreg.gather [hbm4b:s3+s2], $0x80, v4, vm0, $0xb8;
	[tilespmem:$0x1A100] =	vst v63  }
0x4f: {  	s1 =	simm.s32 $0xE900;
	v3 =	vadd.s32 v1, v3  }
0x50: {  	[tilespmem:s1], [sflag:$0x1] =	stream.indirect_vreg.gather [hbm4b:s7+s2], $0x80, v4, vm0, $0xb8;
	[tilespmem:$0x1A100] =	vst v63  }
0x51: {  	s13 =	simm.s32 $0xF100  }
0x52: {  	[tilespmem:s13], [sflag:$0x1] =	stream.indirect_vreg.gather [hbm4b:s8+s2], $0x80, v4, vm0, $0xb8;
	[tilespmem:$0x1A100] =	vst v63  }
0x53: {  	s14 =	simm.s32 $0xF900  }
0x54: {  	[tilespmem:s14], [sflag:$0x1] =	stream.indirect_vreg.gather [hbm4b:s3+s2], $0x80, v3, vm0, $0xb8;
	[tilespmem:$0x1A100] =	vst v63  }
0x55: {  	s1 =	simm.s32 $0x10100  }
0x56: {  	[tilespmem:s1], [sflag:$0x1] =	stream.indirect_vreg.gather [hbm4b:s7+s2], $0x80, v3, vm0, $0xb8;
	[tilespmem:$0x1A100] =	vst v63  }
0x57: {  	s13 =	simm.s32 $0x10900  }
0x58: {  	[tilespmem:s13], [sflag:$0x1] =	stream.indirect_vreg.gather [hbm4b:s8+s2], $0x80, v3, vm0, $0xb8;
	[tilespmem:$0x1A100] =	vst v63  }
0x59: {  	v3 =	vld [tilespmem:$0x90];
	_ =	sdelay $0x4  }
0x5a: {  	v4 =	vshrl.u32 v3, $0x3  }
0x5b: {  	v4 =	vmul.u32 $0x30, v4  }
0x5c: {  	v3 =	vand.u32 $0x7, v3  }
0x5d: {  	v3 =	vor.u32 v3, v4  }
0x5e: {  	v4 =	vperm.xlane v3, v0;
	_ =	sdelay $0x1  }
0x5f: {  	v4 =	vadd.s32 v1, v4;
	_ =	sdelay $0x3  }
0x60: {  	s14 =	simm.s32 $0x11100;
	v3 =	vperm.xlane v3, v2  }
0x61: {  	[tilespmem:s14], [sflag:$0x1] =	stream.indirect_vreg.gather [hbm4b:s3+s2], $0x80, v4, vm0, $0xb8;
	[tilespmem:$0x1A100] =	vst v63  }
0x62: {  	s1 =	simm.s32 $0x11900;
	v3 =	vadd.s32 v1, v3  }
0x63: {  	[tilespmem:s1], [sflag:$0x1] =	stream.indirect_vreg.gather [hbm4b:s7+s2], $0x80, v4, vm0, $0xb8;
	[tilespmem:$0x1A100] =	vst v63  }
0x64: {  	s13 =	simm.s32 $0x12100  }
0x65: {  	[tilespmem:s13], [sflag:$0x1] =	stream.indirect_vreg.gather [hbm4b:s8+s2], $0x80, v4, vm0, $0xb8;
	[tilespmem:$0x1A100] =	vst v63  }
0x66: {  	s14 =	simm.s32 $0x12900  }
0x67: {  	[tilespmem:s14], [sflag:$0x1] =	stream.indirect_vreg.gather [hbm4b:s3+s2], $0x80, v3, vm0, $0xb8;
	[tilespmem:$0x1A100] =	vst v63  }
0x68: {  	s1 =	simm.s32 $0x13100  }
0x69: {  	[tilespmem:s1], [sflag:$0x1] =	stream.indirect_vreg.gather [hbm4b:s7+s2], $0x80, v3, vm0, $0xb8;
	[tilespmem:$0x1A100] =	vst v63  }
0x6a: {  	s13 =	simm.s32 $0x13900  }
0x6b: {  	[tilespmem:s13], [sflag:$0x1] =	stream.indirect_vreg.gather [hbm4b:s8+s2], $0x80, v3, vm0, $0xb8;
	[tilespmem:$0x1A100] =	vst v63  }
0x6c: {  	v3 =	vld [tilespmem:$0x20];
	_ =	sdelay $0x4  }
0x6d: {  	v4 =	vshrl.u32 v3, $0x3  }
0x6e: {  	v4 =	vmul.u32 $0x30, v4  }
0x6f: {  	v3 =	vand.u32 $0x7, v3  }
0x70: {  	v3 =	vor.u32 v3, v4  }
0x71: {  	v4 =	vperm.xlane v3, v0;
	_ =	sdelay $0x1  }
0x72: {  	v4 =	vadd.s32 v1, v4;
	_ =	sdelay $0x3  }
0x73: {  	v3 =	vperm.xlane v3, v2  }
0x74: {  	[tilespmem:s20], [sflag:$0x1] =	stream.indirect_vreg.gather [hbm4b:s3+s2], $0x80, v4, vm0, $0xb8;
	[tilespmem:$0x1A100] =	vst v63  }
0x75: {  	s14 =	simm.s32 $0x8900;
	v3 =	vadd.s32 v1, v3  }
0x76: {  	[tilespmem:s14], [sflag:$0x1] =	stream.indirect_vreg.gather [hbm4b:s7+s2], $0x80, v4, vm0, $0xb8;
	[tilespmem:$0x1A100] =	vst v63  }
0x77: {  	s1 =	simm.s32 $0x9100  }
0x78: {  	[tilespmem:s1], [sflag:$0x1] =	stream.indirect_vreg.gather [hbm4b:s8+s2], $0x80, v4, vm0, $0xb8;
	[tilespmem:$0x1A100] =	vst v63  }
0x79: {  	s13 =	simm.s32 $0x9900  }
0x7a: {  	[tilespmem:s13], [sflag:$0x1] =	stream.indirect_vreg.gather [hbm4b:s3+s2], $0x80, v3, vm0, $0xb8;
	[tilespmem:$0x1A100] =	vst v63  }
0x7b: {  	s14 =	simm.s32 $0xA100  }
0x7c: {  	[tilespmem:s14], [sflag:$0x1] =	stream.indirect_vreg.gather [hbm4b:s7+s2], $0x80, v3, vm0, $0xb8;
	[tilespmem:$0x1A100] =	vst v63  }
0x7d: {  	s1 =	simm.s32 $0xA900  }
0x7e: {  	[tilespmem:s1], [sflag:$0x1] =	stream.indirect_vreg.gather [hbm4b:s8+s2], $0x80, v3, vm0, $0xb8;
	[tilespmem:$0x1A100] =	vst v63  }
0x7f: {  	v3 =	vld [tilespmem:$0x30];
	_ =	sdelay $0x4  }
0x80: {  	v4 =	vshrl.u32 v3, $0x3  }
0x81: {  	v4 =	vmul.u32 $0x30, v4  }
0x82: {  	v3 =	vand.u32 $0x7, v3  }
0x83: {  	v3 =	vor.u32 v3, v4  }
0x84: {  	v4 =	vperm.xlane v3, v0;
	_ =	sdelay $0x1  }
0x85: {  	v4 =	vadd.s32 v1, v4;
	_ =	sdelay $0x3  }
0x86: {  	s13 =	simm.s32 $0xB100;
	v3 =	vperm.xlane v3, v2  }
0x87: {  	[tilespmem:s13], [sflag:$0x1] =	stream.indirect_vreg.gather [hbm4b:s3+s2], $0x80, v4, vm0, $0xb8;
	[tilespmem:$0x1A100] =	vst v63  }
0x88: {  	s14 =	simm.s32 $0xB900;
	v3 =	vadd.s32 v1, v3  }
0x89: {  	[tilespmem:s14], [sflag:$0x1] =	stream.indirect_vreg.gather [hbm4b:s7+s2], $0x80, v4, vm0, $0xb8;
	[tilespmem:$0x1A100] =	vst v63  }
0x8a: {  	s1 =	simm.s32 $0xC100  }
0x8b: {  	[tilespmem:s1], [sflag:$0x1] =	stream.indirect_vreg.gather [hbm4b:s8+s2], $0x80, v4, vm0, $0xb8;
	[tilespmem:$0x1A100] =	vst v63  }
0x8c: {  	s13 =	simm.s32 $0xC900  }
0x8d: {  	[tilespmem:s13], [sflag:$0x1] =	stream.indirect_vreg.gather [hbm4b:s3+s2], $0x80, v3, vm0, $0xb8;
	[tilespmem:$0x1A100] =	vst v63  }
0x8e: {  	s14 =	simm.s32 $0xD100  }
0x8f: {  	[tilespmem:s14], [sflag:$0x1] =	stream.indirect_vreg.gather [hbm4b:s7+s2], $0x80, v3, vm0, $0xb8;
	[tilespmem:$0x1A100] =	vst v63  }
0x90: {  	s1 =	simm.s32 $0xD900  }
0x91: {  	[tilespmem:s1], [sflag:$0x1] =	stream.indirect_vreg.gather [hbm4b:s8+s2], $0x80, v3, vm0, $0xb8;
	[tilespmem:$0x1A100] =	vst v63  }
0x92: {  	v3 =	vld [tilespmem:$0xA0];
	_ =	sdelay $0x4  }
0x93: {  	v4 =	vshrl.u32 v3, $0x3  }
0x94: {  	v4 =	vmul.u32 $0x30, v4  }
0x95: {  	v3 =	vand.u32 $0x7, v3  }
0x96: {  	v3 =	vor.u32 v3, v4  }
0x97: {  	v4 =	vperm.xlane v3, v0;
	_ =	sdelay $0x1  }
0x98: {  	v4 =	vadd.s32 v1, v4;
	_ =	sdelay $0x3  }
0x99: {  	s13 =	simm.s32 $0x14100;
	v3 =	vperm.xlane v3, v2  }
0x9a: {  	[tilespmem:s13], [sflag:$0x1] =	stream.indirect_vreg.gather [hbm4b:s3+s2], $0x80, v4, vm0, $0xb8;
	[tilespmem:$0x1A100] =	vst v63  }
0x9b: {  	s14 =	simm.s32 $0x14900;
	v3 =	vadd.s32 v1, v3  }
0x9c: {  	[tilespmem:s14], [sflag:$0x1] =	stream.indirect_vreg.gather [hbm4b:s7+s2], $0x80, v4, vm0, $0xb8;
	[tilespmem:$0x1A100] =	vst v63  }
0x9d: {  	s1 =	simm.s32 $0x15100  }
0x9e: {  	[tilespmem:s1], [sflag:$0x1] =	stream.indirect_vreg.gather [hbm4b:s8+s2], $0x80, v4, vm0, $0xb8;
	[tilespmem:$0x1A100] =	vst v63  }
0x9f: {  	_ = 	snop  }
0xa0: {  	[tilespmem:s16], [sflag:$0x1] =	stream.indirect_vreg.gather [hbm4b:s3+s2], $0x80, v3, vm0, $0xb8;
	[tilespmem:$0x1A100] =	vst v63  }
0xa1: {  	_ = 	snop  }
0xa2: {  	[tilespmem:s17], [sflag:$0x1] =	stream.indirect_vreg.gather [hbm4b:s7+s2], $0x80, v3, vm0, $0xb8;
	[tilespmem:$0x1A100] =	vst v63  }
0xa3: {  	_ = 	snop  }
0xa4: {  	[tilespmem:s18], [sflag:$0x1] =	stream.indirect_vreg.gather [hbm4b:s8+s2], $0x80, v3, vm0, $0xb8;
	[tilespmem:$0x1A100] =	vst v63  }
0xa5: {  	v3 =	vld [tilespmem:$0xB0];
	_ =	sdelay $0x4  }
0xa6: {  	v4 =	vshrl.u32 v3, $0x3  }
0xa7: {  	v4 =	vmul.u32 $0x30, v4  }
0xa8: {  	v3 =	vand.u32 $0x7, v3  }
0xa9: {  	v3 =	vor.u32 v3, v4  }
0xaa: {  	v4 =	vperm.xlane v3, v0;
	_ =	sdelay $0x1  }
0xab: {  	v4 =	vadd.s32 v1, v4;
	_ =	sdelay $0x3  }
0xac: {  	v3 =	vperm.xlane v3, v2  }
0xad: {  	[tilespmem:s19], [sflag:$0x1] =	stream.indirect_vreg.gather [hbm4b:s3+s2], $0x80, v4, vm0, $0xb8;
	[tilespmem:$0x1A100] =	vst v63  }
0xae: {  	v3 =	vadd.s32 v1, v3  }
0xaf: {  	[tilespmem:s21], [sflag:$0x1] =	stream.indirect_vreg.gather [hbm4b:s7+s2], $0x80, v4, vm0, $0xb8;
	[tilespmem:$0x1A100] =	vst v63  }
0xb0: {  	_ = 	snop  }
0xb1: {  	[tilespmem:s22], [sflag:$0x1] =	stream.indirect_vreg.gather [hbm4b:s8+s2], $0x80, v4, vm0, $0xb8;
	[tilespmem:$0x1A100] =	vst v63  }
0xb2: {  	_ = 	snop  }
0xb3: {  	[tilespmem:s23], [sflag:$0x1] =	stream.indirect_vreg.gather [hbm4b:s3+s2], $0x80, v3, vm0, $0xb8;
	[tilespmem:$0x1A100] =	vst v63  }
0xb4: {  	_ = 	snop  }
0xb5: {  	[tilespmem:s24], [sflag:$0x1] =	stream.indirect_vreg.gather [hbm4b:s7+s2], $0x80, v3, vm0, $0xb8;
	[tilespmem:$0x1A100] =	vst v63  }
0xb6: {  	_ = 	snop  }
0xb7: {  	[tilespmem:s25], [sflag:$0x1] =	stream.indirect_vreg.gather [hbm4b:s8+s2], $0x80, v3, vm0, $0xb8;
	[tilespmem:$0x1A100] =	vst v63  }
0xb8: {  	_ =	swait.ge [sflag:s26], $0x6000  }
0xb9: {  	[sflag:s26] =	ssyncset.done $0x0  }
0xba: {  	s13 =	simm.s32 $0x0;
	[sflag:s26] =	ssyncadd.s32 $0xFFFFA000  }
0xbb: {  	s0 =	smul.u32 $0x1800, s13;
	_ =	swait.ge [sflag:s26], $0x6000  }
0xbc: {  	s1 =	sand.u32 $0x380, s2;
	[sflag:s26] =	ssyncset.done $0x0  }
0xbd: {  	s1 =	sor.u32 s1, s0;
	[sflag:s26] =	ssyncadd.s32 $0xFFFFA000  }
0xbe: {  	v4 =	vld [tilespmem:s1+$0x2110]  }
0xbf: {  	v3 =	vld [tilespmem:s1+$0xE110]  }
0xc0: {  	v6 =	vld [tilespmem:s1+$0x2120]  }
0xc1: {  	v5 =	vld [tilespmem:s1+$0xE120]  }
0xc2: {  	v10 =	vld [tilespmem:s1+$0x2130]  }
0xc3: {  	v7 =	vld [tilespmem:s1+$0xE130]  }
0xc4: {  	v12 =	vld [tilespmem:s1+$0x2140]  }
0xc5: {  	v11 =	vld [tilespmem:s1+$0xE140]  }
0xc6: {  	v13 =	vld [tilespmem:s1+$0x2160]  }
0xc7: {  	v14 =	vld [tilespmem:s1+$0x2170]  }
0xc8: {  	v15 =	vld [tilespmem:s1+$0x2500]  }
0xc9: {  	v16 =	vld [tilespmem:s1+$0x2510]  }
0xca: {  	v17 =	vld [tilespmem:s1+$0x2520]  }
0xcb: {  	v18 =	vld [tilespmem:s1+$0x2530]  }
0xcc: {  	v19 =	vld [tilespmem:s1+$0x2540]  }
0xcd: {  	v20 =	vld [tilespmem:s1+$0x2550]  }
0xce: {  	v21 =	vld [tilespmem:s1+$0x2560]  }
0xcf: {  	v22 =	vld [tilespmem:s1+$0x2570]  }
0xd0: {  	v23 =	vld [tilespmem:s1+$0x2900]  }
0xd1: {  	v24 =	vld [tilespmem:s1+$0x2910]  }
0xd2: {  	v25 =	vld [tilespmem:s1+$0x2920]  }
0xd3: {  	v26 =	vld [tilespmem:s1+$0x2930]  }
0xd4: {  	v27 =	vld [tilespmem:s1+$0x2940]  }
0xd5: {  	v28 =	vld [tilespmem:s1+$0x2950]  }
0xd6: {  	v29 =	vld [tilespmem:s1+$0x2960]  }
0xd7: {  	v30 =	vld [tilespmem:s1+$0x2970]  }
0xd8: {  	v31 =	vld [tilespmem:s1+$0x2D00]  }
0xd9: {  	v32 =	vld [tilespmem:s1+$0x2D10]  }
0xda: {  	v33 =	vld [tilespmem:s1+$0x2D20]  }
0xdb: {  	v34 =	vld [tilespmem:s1+$0x2D30]  }
0xdc: {  	v35 =	vld [tilespmem:s1+$0x2D40]  }
0xdd: {  	v36 =	vld [tilespmem:s1+$0x2D50]  }
0xde: {  	v37 =	vld [tilespmem:s1+$0x2D60]  }
0xdf: {  	v38 =	vld [tilespmem:s1+$0x2D70]  }
0xe0: {  	v39 =	vld [tilespmem:s1+$0x3100]  }
0xe1: {  	v40 =	vld [tilespmem:s1+$0x3110]  }
0xe2: {  	v41 =	vld [tilespmem:s1+$0x3120]  }
0xe3: {  	v42 =	vld [tilespmem:s1+$0x3130]  }
0xe4: {  	v43 =	vld [tilespmem:s1+$0x3140]  }
0xe5: {  	v44 =	vld [tilespmem:s1+$0x3150]  }
0xe6: {  	v45 =	vld [tilespmem:s1+$0x3160]  }
0xe7: {  	v46 =	vld [tilespmem:s1+$0x3500]  }
0xe8: {  	v47 =	vld [tilespmem:s1+$0x3510]  }
0xe9: {  	v48 =	vld [tilespmem:s1+$0xF510]  }
0xea: {  	v49 =	vld [tilespmem:s1+$0xF530]  }
0xeb: {  	v50 =	vld [tilespmem:s1+$0x3530]  }
0xec: {  	s31 =	simm.s32 $0x110;
	v51 =	vld [tilespmem:s1+$0x3520]  }
0xed: {  	v8 =	vld [tilespmem:s31+$0xFFFFFFF0]  }
0xee: {  	v9 =	vld [tilespmem:s31+$0x0]  }
0xef: {  	v52 =	vld [tilespmem:s1+$0xF520]  }
0xf0: {  	v53 =	vld [tilespmem:s1+$0xF500]  }
0xf1: {  	v54 =	vld [tilespmem:s1+$0x3170]  }
0xf2: {  	v55 =	vld [tilespmem:s1+$0xF170];
	v50 =	vmul.f32 v50, v8  }
0xf3: {  	v56 =	vld [tilespmem:s1+$0xF160];
	v49 =	vmul.f32 v49, v9;
	v51 =	vmul.f32 v51, v8  }
0xf4: {  	v61 =	vld [tilespmem:s1+$0xF100];
	v52 =	vmul.f32 v52, v9;
	v47 =	vmul.f32 v47, v8  }
0xf5: {  	v57 =	vld [tilespmem:s1+$0xF150];
	v48 =	vmul.f32 v48, v9;
	v46 =	vmul.f32 v46, v8;
	v49 =	vadd.f32 v49, v50  }
0xf6: {  	v58 =	vld [tilespmem:s1+$0xF140];
	v62 =	vmul.f32 v53, v9;
	v63 =	vmul.f32 v54, v8;
	v51 =	vadd.f32 v52, v51  }
0xf7: {  	v53 =	vld [tilespmem:s1+$0xF130];
	v59 =	vmul.f32 v55, v9;
	v45 =	vmul.f32 v45, v8;
	v47 =	vadd.f32 v48, v47;
	[tilespmem:s1+$0x3530] =	vst v49  }
0xf8: {  	v60 =	vmul.f32 v56, v9;
	v56 =	vld [tilespmem:s1+$0xED60];
	v39 =	vmul.f32 v39, v8;
	v46 =	vadd.f32 v62, v46;
	[tilespmem:s1+$0x3520] =	vst v51  }
0xf9: {  	v61 =	vmul.f32 v61, v9;
	v55 =	vld [tilespmem:s1+$0xE970];
	v12 =	vmul.f32 v12, v8;
	v52 =	vadd.f32 v59, v63;
	[tilespmem:s1+$0x3510] =	vst v47  }
0xfa: {  	v11 =	vmul.f32 v11, v9;
	v10 =	vmul.f32 v10, v8;
	v48 =	vld [tilespmem:s1+$0xF120];
	v45 =	vadd.f32 v60, v45;
	[tilespmem:s1+$0x3500] =	vst v46  }
0xfb: {  	v7 =	vmul.f32 v7, v9;
	v63 =	vmul.f32 v58, v9;
	v58 =	vld [tilespmem:s1+$0xED50];
	v39 =	vadd.f32 v61, v39;
	[tilespmem:s1+$0x3170] =	vst v52  }
0xfc: {  	v44 =	vmul.f32 v44, v8;
	v62 =	vmul.f32 v57, v9;
	v59 =	vld [tilespmem:s1+$0xED40];
	v11 =	vadd.f32 v11, v12;
	[tilespmem:s1+$0x3160] =	vst v45  }
0xfd: {  	v43 =	vmul.f32 v43, v8;
	v60 =	vld [tilespmem:s1+$0xED30];
	v7 =	vadd.f32 v7, v10;
	[tilespmem:s1+$0x3100] =	vst v39  }
0xfe: {  	v42 =	vmul.f32 v42, v8;
	v61 =	vld [tilespmem:s1+$0xE910];
	v44 =	vadd.f32 v62, v44;
	[tilespmem:s1+$0x2140] =	vst v11;
	v57 =	vmul.f32 v53, v9  }
0xff: {  	v37 =	vmul.f32 v37, v8;
	v49 =	vld [tilespmem:s1+$0xF110];
	v43 =	vadd.f32 v63, v43;
	[tilespmem:s1+$0x2130] =	vst v7;
	v46 =	vmul.f32 v56, v9  }
0x100: {  	v41 =	vmul.f32 v41, v8;
	v47 =	vld [tilespmem:s1+$0xED70];
	[tilespmem:s1+$0x3150] =	vst v44;
	v48 =	vmul.f32 v48, v9;
	v42 =	vadd.f32 v57, v42  }
0x101: {  	v36 =	vmul.f32 v36, v8;
	v62 =	vld [tilespmem:s1+$0xED20];
	[tilespmem:s1+$0x3140] =	vst v43;
	v54 =	vmul.f32 v58, v9;
	v37 =	vadd.f32 v46, v37  }
0x102: {  	v35 =	vmul.f32 v35, v8;
	v63 =	vld [tilespmem:s1+$0xED10];
	v45 =	vmul.f32 v59, v9;
	v41 =	vadd.f32 v48, v41;
	[tilespmem:s1+$0x3130] =	vst v42  }
0x103: {  	v34 =	vmul.f32 v34, v8;
	v56 =	vld [tilespmem:s1+$0xE960];
	v44 =	vmul.f32 v60, v9;
	v36 =	vadd.f32 v54, v36;
	[tilespmem:s1+$0x2D60] =	vst v37  }
0x104: {  	v40 =	vmul.f32 v40, v8;
	v53 =	vld [tilespmem:s1+$0xED00];
	v49 =	vmul.f32 v49, v9;
	v35 =	vadd.f32 v45, v35;
	[tilespmem:s1+$0x3120] =	vst v41  }
0x105: {  	v38 =	vmul.f32 v38, v8;
	v12 =	vld [tilespmem:s1+$0x3560];
	v47 =	vmul.f32 v47, v9;
	v34 =	vadd.f32 v44, v34;
	[tilespmem:s1+$0x2D50] =	vst v36  }
0x106: {  	v33 =	vmul.f32 v33, v8;
	v58 =	vld [tilespmem:s1+$0xE940];
	v43 =	vmul.f32 v62, v9;
	v40 =	vadd.f32 v49, v40;
	[tilespmem:s1+$0x2D40] =	vst v35  }
0x107: {  	v32 =	vmul.f32 v32, v8;
	v57 =	vld [tilespmem:s1+$0xE950];
	v42 =	vmul.f32 v63, v9;
	v38 =	vadd.f32 v47, v38;
	[tilespmem:s1+$0x2D30] =	vst v34  }
0x108: {  	v29 =	vmul.f32 v29, v8;
	v60 =	vld [tilespmem:s1+$0xE920];
	v39 =	vmul.f32 v56, v9;
	v33 =	vadd.f32 v43, v33;
	[tilespmem:s1+$0x3110] =	vst v40  }
0x109: {  	v31 =	vmul.f32 v31, v8;
	v59 =	vld [tilespmem:s1+$0xE930];
	v41 =	vmul.f32 v53, v9;
	v32 =	vadd.f32 v42, v32;
	[tilespmem:s1+$0x2D70] =	vst v38  }
0x10a: {  	v24 =	vmul.f32 v24, v8;
	v62 =	vld [tilespmem:s1+$0xE900];
	v34 =	vmul.f32 v61, v9;
	v29 =	vadd.f32 v39, v29;
	[tilespmem:s1+$0x2D20] =	vst v33  }
0x10b: {  	v27 =	vmul.f32 v27, v8;
	v63 =	vld [tilespmem:s1+$0xE570];
	v37 =	vmul.f32 v58, v9;
	v31 =	vadd.f32 v41, v31;
	[tilespmem:s1+$0x2D10] =	vst v32  }
0x10c: {  	v30 =	vmul.f32 v30, v8;
	v40 =	vmul.f32 v55, v9;
	v24 =	vadd.f32 v34, v24;
	[tilespmem:s1+$0x2960] =	vst v29;
	v29 =	vld [tilespmem:s1+$0xE540]  }
0x10d: {  	v25 =	vmul.f32 v25, v8;
	v35 =	vmul.f32 v60, v9;
	v27 =	vadd.f32 v37, v27;
	[tilespmem:s1+$0x2D00] =	vst v31;
	v31 =	vld [tilespmem:s1+$0xE560]  }
0x10e: {  	v28 =	vmul.f32 v28, v8;
	v38 =	vmul.f32 v57, v9;
	v30 =	vadd.f32 v40, v30;
	[tilespmem:s1+$0x2910] =	vst v24;
	v24 =	vld [tilespmem:s1+$0xE170]  }
0x10f: {  	v23 =	vmul.f32 v23, v8;
	v33 =	vmul.f32 v62, v9;
	v25 =	vadd.f32 v35, v25;
	[tilespmem:s1+$0x2940] =	vst v27;
	v27 =	vld [tilespmem:s1+$0xE520]  }
0x110: {  	v26 =	vmul.f32 v26, v8;
	v36 =	vmul.f32 v59, v9;
	v28 =	vadd.f32 v38, v28;
	[tilespmem:s1+$0x2970] =	vst v30;
	v30 =	vld [tilespmem:s1+$0xE550]  }
0x111: {  	v22 =	vmul.f32 v22, v8;
	v32 =	vmul.f32 v63, v9;
	v23 =	vadd.f32 v33, v23;
	[tilespmem:s1+$0x2920] =	vst v25;
	v25 =	vld [tilespmem:s1+$0xE500]  }
0x112: {  	v19 =	vmul.f32 v19, v8;
	v26 =	vadd.f32 v36, v26;
	[tilespmem:s1+$0x2950] =	vst v28;
	v28 =	vld [tilespmem:s1+$0xE530];
	v29 =	vmul.f32 v29, v9  }
0x113: {  	v21 =	vmul.f32 v21, v8;
	v22 =	vadd.f32 v32, v22;
	[tilespmem:s1+$0x2900] =	vst v23;
	v23 =	vld [tilespmem:s1+$0xE160];
	v31 =	vmul.f32 v31, v9  }
0x114: {  	v17 =	vmul.f32 v17, v8;
	[tilespmem:s1+$0x2930] =	vst v26;
	v26 =	vld [tilespmem:s1+$0xE510];
	v27 =	vmul.f32 v27, v9;
	v19 =	vadd.f32 v29, v19  }
0x115: {  	v20 =	vmul.f32 v20, v8;
	[tilespmem:s1+$0x2570] =	vst v22;
	v22 =	vld [tilespmem:s1+$0x2150];
	v30 =	vmul.f32 v30, v9;
	v21 =	vadd.f32 v31, v21  }
0x116: {  	v15 =	vmul.f32 v15, v8;
	v25 =	vmul.f32 v25, v9;
	v17 =	vadd.f32 v27, v17;
	[tilespmem:s1+$0x2540] =	vst v19;
	v19 =	vld [tilespmem:s1+$0xF550]  }
0x117: {  	v18 =	vmul.f32 v18, v8;
	v28 =	vmul.f32 v28, v9;
	v20 =	vadd.f32 v30, v20;
	[tilespmem:s1+$0x2560] =	vst v21;
	v21 =	vld [tilespmem:s1+$0xE150]  }
0x118: {  	v13 =	vmul.f32 v13, v8;
	v23 =	vmul.f32 v23, v9;
	v15 =	vadd.f32 v25, v15;
	[tilespmem:s1+$0x2520] =	vst v17;
	v17 =	vld [tilespmem:s1+$0x3540]  }
0x119: {  	v6 =	vmul.f32 v6, v8;
	v5 =	vmul.f32 v5, v9;
	v18 =	vadd.f32 v28, v18;
	[tilespmem:s1+$0x2550] =	vst v20;
	v20 =	vld [tilespmem:s1+$0xF540]  }
0x11a: {  	v14 =	vmul.f32 v14, v8;
	v24 =	vmul.f32 v24, v9;
	v13 =	vadd.f32 v23, v13;
	[tilespmem:s1+$0x2500] =	vst v15;
	v15 =	vld [tilespmem:s1+$0x3550]  }
0x11b: {  	v4 =	vmul.f32 v4, v8;
	v3 =	vmul.f32 v3, v9;
	v5 =	vadd.f32 v5, v6;
	[tilespmem:s1+$0x2530] =	vst v18;
	v18 =	vld [tilespmem:s1+$0xF560]  }
0x11c: {  	v6 =	vld [tilespmem:s1+$0x2100];
	v14 =	vadd.f32 v24, v14;
	v10 =	vmul.f32 v22, v8;
	[tilespmem:s1+$0x2160] =	vst v13;
	v13 =	vmul.f32 v21, v9  }
0x11d: {  	s14 =	simm.s32 $0x0;
	v16 =	vmul.f32 v16, v8;
	v3 =	vadd.f32 v3, v4;
	v7 =	vld [tilespmem:s1+$0xE100];
	[tilespmem:s1+$0x2120] =	vst v5;
	v26 =	vmul.f32 v26, v9  }
0x11e: {  	s30 =	smul.u32 $0x1800, s14;
	s0 =	simm.s32 $0x80;
	[tilespmem:s1+$0x2170] =	vst v14;
	v14 =	vld [tilespmem:s1+$0x3570];
	v11 =	vmul.f32 v17, v8;
	v17 =	vmul.f32 v20, v9;
	v4 =	vadd.f32 v13, v10  }
0x11f: {  	s13 =	sand.u32 $0x380, s0;
	[tilespmem:s1+$0x2110] =	vst v3;
	v16 =	vadd.f32 v26, v16;
	v5 =	vmul.f32 v15, v8;
	v10 =	vmul.f32 v19, v9  }
0x120: {  	s30 =	sor.u32 s13, s30;
	v11 =	vadd.f32 v17, v11;
	[tilespmem:s1+$0x2150] =	vst v4;
	v4 =	vmul.f32 v12, v8;
	v12 =	vmul.f32 v18, v9  }
0x121: {  	v3 =	vld [tilespmem:s30+$0x2110];
	[tilespmem:s1+$0x2510] =	vst v16;
	v5 =	vadd.f32 v10, v5  }
0x122: {  	v7 =	vmul.f32 v7, v9;
	v16 =	vld [tilespmem:s1+$0xF570];
	[tilespmem:s1+$0x3540] =	vst v11;
	v12 =	vadd.f32 v12, v4  }
0x123: {  	v10 =	vmul.f32 v14, v8;
	v8 =	vmul.f32 v6, v8;
	v4 =	vld [tilespmem:s30+$0xE110];
	[tilespmem:s1+$0x3550] =	vst v5  }
0x124: {  	v6 =	vld [tilespmem:s30+$0x2120];
	[tilespmem:s1+$0x3560] =	vst v12  }
0x125: {  	v7 =	vadd.f32 v7, v8;
	v5 =	vld [tilespmem:s30+$0xE120]  }
0x126: {  	v8 =	vld [tilespmem:s30+$0x2130]  }
0x127: {  	[tilespmem:s1+$0x2100] =	vst v7;
	v18 =	vld [tilespmem:s30+$0x2530]  }
0x128: {  	v11 =	vmul.f32 v16, v9;
	v26 =	vld [tilespmem:s30+$0x2930]  }
0x129: {  	v36 =	vld [tilespmem:s30+$0x2D30]  }
0x12a: {  	v9 =	vadd.f32 v11, v10;
	v44 =	vld [tilespmem:s30+$0x3130]  }
0x12b: {  	v48 =	vld [tilespmem:s30+$0x3500]  }
0x12c: {  	[tilespmem:s1+$0x3570] =	vst v9;
	v50 =	vld [tilespmem:s30+$0x3510]  }
0x12d: {  	v7 =	vld [tilespmem:s30+$0xE130]  }
0x12e: {  	v10 =	vld [tilespmem:s30+$0x2140]  }
0x12f: {  	v9 =	vld [tilespmem:s30+$0xE140]  }
0x130: {  	v12 =	vld [tilespmem:s30+$0x2150]  }
0x131: {  	v11 =	vld [tilespmem:s30+$0xE150]  }
0x132: {  	v13 =	vld [tilespmem:s30+$0x2160]  }
0x133: {  	v14 =	vld [tilespmem:s30+$0x2170]  }
0x134: {  	v15 =	vld [tilespmem:s30+$0x2500]  }
0x135: {  	v16 =	vld [tilespmem:s30+$0x2510]  }
0x136: {  	v17 =	vld [tilespmem:s30+$0x2520]  }
0x137: {  	v19 =	vld [tilespmem:s30+$0x2540]  }
0x138: {  	v20 =	vld [tilespmem:s30+$0x2550]  }
0x139: {  	v21 =	vld [tilespmem:s30+$0x2560]  }
0x13a: {  	v22 =	vld [tilespmem:s30+$0x2570]  }
0x13b: {  	v23 =	vld [tilespmem:s30+$0x2900]  }
0x13c: {  	v24 =	vld [tilespmem:s30+$0x2910]  }
0x13d: {  	v25 =	vld [tilespmem:s30+$0x2920]  }
0x13e: {  	v27 =	vld [tilespmem:s30+$0x2940]  }
0x13f: {  	v28 =	vld [tilespmem:s30+$0x2950]  }
0x140: {  	v29 =	vld [tilespmem:s30+$0x2960]  }
0x141: {  	v30 =	vld [tilespmem:s30+$0x2970]  }
0x142: {  	v32 =	vld [tilespmem:s30+$0x2D00]  }
0x143: {  	v34 =	vld [tilespmem:s30+$0x2D10]  }
0x144: {  	v35 =	vld [tilespmem:s30+$0x2D20]  }
0x145: {  	v37 =	vld [tilespmem:s30+$0x2D40]  }
0x146: {  	v38 =	vld [tilespmem:s30+$0x2D50]  }
0x147: {  	v39 =	vld [tilespmem:s30+$0x2D60]  }
0x148: {  	v40 =	vld [tilespmem:s30+$0x2D70]  }
0x149: {  	v41 =	vld [tilespmem:s30+$0x3100]  }
0x14a: {  	v42 =	vld [tilespmem:s30+$0x3110]  }
0x14b: {  	v43 =	vld [tilespmem:s30+$0x3120]  }
0x14c: {  	v45 =	vld [tilespmem:s30+$0x3140]  }
0x14d: {  	v46 =	vld [tilespmem:s30+$0x3150]  }
0x14e: {  	v47 =	vld [tilespmem:s30+$0x3160]  }
0x14f: {  	v49 =	vld [tilespmem:s30+$0xF510]  }
0x150: {  	s1 =	simm.s32 $0x2;
	v51 =	vld [tilespmem:s30+$0xF530]  }
.LBB2_2:
0x151: {  	p0 =	sne.s32 s1, $0x1F;
	v52 =	vld [tilespmem:s30+$0x3530]  }
0x152: {  	s31 =	sadd.s32 $0x80, s31;
	v53 =	vld [tilespmem:s30+$0x3520]  }
0x153: {  	v33 =	vld [tilespmem:s31+$0xFFFFFFF0]  }
0x154: {  	v31 =	vld [tilespmem:s31+$0x0]  }
0x155: {  	v54 =	vld [tilespmem:s30+$0xF520]  }
0x156: {  	v55 =	vld [tilespmem:s30+$0xF500]  }
0x157: {  	v56 =	vld [tilespmem:s30+$0x3170]  }
0x158: {  	v57 =	vld [tilespmem:s30+$0xF170];
	v50 =	vmul.f32 v50, v33;
	v53 =	vmul.f32 v53, v33  }
0x159: {  	v52 =	vmul.f32 v52, v33;
	v58 =	vld [tilespmem:s30+$0xF160];
	v51 =	vmul.f32 v51, v31  }
0x15a: {  	v49 =	vmul.f32 v49, v31;
	v59 =	vld [tilespmem:s30+$0xF150];
	v54 =	vmul.f32 v54, v31  }
0x15b: {  	v48 =	vmul.f32 v48, v33;
	v60 =	vld [tilespmem:s30+$0xF140];
	v55 =	vmul.f32 v55, v31;
	v51 =	vadd.f32 v51, v52  }
0x15c: {  	v49 =	vadd.f32 v49, v50;
	v52 =	vld [tilespmem:s30+$0xF130];
	v56 =	vmul.f32 v56, v33;
	v50 =	vadd.f32 v54, v53  }
0x15d: {  	v47 =	vmul.f32 v47, v33;
	v53 =	vld [tilespmem:s30+$0xF120];
	v54 =	vmul.f32 v57, v31;
	v48 =	vadd.f32 v55, v48;
	[tilespmem:s30+$0x3530] =	vst v51  }
0x15e: {  	v46 =	vmul.f32 v46, v33;
	v51 =	vld [tilespmem:s30+$0xF110];
	v55 =	vmul.f32 v58, v31;
	[tilespmem:s30+$0x3520] =	vst v50  }
0x15f: {  	v45 =	vmul.f32 v45, v33;
	v50 =	vld [tilespmem:s30+$0xF100];
	v57 =	vmul.f32 v59, v31;
	v54 =	vadd.f32 v54, v56;
	[tilespmem:s30+$0x3510] =	vst v49  }
0x160: {  	v44 =	vmul.f32 v44, v33;
	v49 =	vld [tilespmem:s30+$0xED70];
	v56 =	vmul.f32 v60, v31;
	v47 =	vadd.f32 v55, v47;
	[tilespmem:s30+$0x3500] =	vst v48  }
0x161: {  	v43 =	vmul.f32 v43, v33;
	v48 =	vld [tilespmem:s30+$0xED60];
	v52 =	vmul.f32 v52, v31;
	v46 =	vadd.f32 v57, v46;
	[tilespmem:s30+$0x3170] =	vst v54  }
0x162: {  	v42 =	vmul.f32 v42, v33;
	v54 =	vld [tilespmem:s30+$0xED50];
	v53 =	vmul.f32 v53, v31;
	v45 =	vadd.f32 v56, v45;
	[tilespmem:s30+$0x3160] =	vst v47  }
0x163: {  	v41 =	vmul.f32 v41, v33;
	v47 =	vld [tilespmem:s30+$0xED40];
	v51 =	vmul.f32 v51, v31;
	v44 =	vadd.f32 v52, v44;
	[tilespmem:s30+$0x3150] =	vst v46  }
0x164: {  	v40 =	vmul.f32 v40, v33;
	v46 =	vld [tilespmem:s30+$0xED30];
	v50 =	vmul.f32 v50, v31;
	v43 =	vadd.f32 v53, v43;
	[tilespmem:s30+$0x3140] =	vst v45  }
0x165: {  	v39 =	vmul.f32 v39, v33;
	v45 =	vld [tilespmem:s30+$0xED20];
	v49 =	vmul.f32 v49, v31;
	v42 =	vadd.f32 v51, v42;
	[tilespmem:s30+$0x3130] =	vst v44  }
0x166: {  	v38 =	vmul.f32 v38, v33;
	v44 =	vld [tilespmem:s30+$0xED10];
	v48 =	vmul.f32 v48, v31;
	v41 =	vadd.f32 v50, v41;
	[tilespmem:s30+$0x3120] =	vst v43  }
0x167: {  	v37 =	vmul.f32 v37, v33;
	v43 =	vld [tilespmem:s30+$0xED00];
	v50 =	vmul.f32 v54, v31;
	v40 =	vadd.f32 v49, v40;
	[tilespmem:s30+$0x3110] =	vst v42  }
0x168: {  	v36 =	vmul.f32 v36, v33;
	v42 =	vld [tilespmem:s30+$0xE970];
	v47 =	vmul.f32 v47, v31;
	v39 =	vadd.f32 v48, v39;
	[tilespmem:s30+$0x3100] =	vst v41  }
0x169: {  	v35 =	vmul.f32 v35, v33;
	v41 =	vld [tilespmem:s30+$0xE960];
	v46 =	vmul.f32 v46, v31;
	v38 =	vadd.f32 v50, v38;
	[tilespmem:s30+$0x2D70] =	vst v40  }
0x16a: {  	v34 =	vmul.f32 v34, v33;
	v40 =	vld [tilespmem:s30+$0xE950];
	v45 =	vmul.f32 v45, v31;
	v37 =	vadd.f32 v47, v37;
	[tilespmem:s30+$0x2D60] =	vst v39  }
0x16b: {  	v32 =	vmul.f32 v32, v33;
	v39 =	vld [tilespmem:s30+$0xE940];
	v44 =	vmul.f32 v44, v31;
	v36 =	vadd.f32 v46, v36;
	[tilespmem:s30+$0x2D50] =	vst v38  }
0x16c: {  	v30 =	vmul.f32 v30, v33;
	v38 =	vld [tilespmem:s30+$0xE930];
	v43 =	vmul.f32 v43, v31;
	v35 =	vadd.f32 v45, v35;
	[tilespmem:s30+$0x2D40] =	vst v37  }
0x16d: {  	v29 =	vmul.f32 v29, v33;
	v37 =	vld [tilespmem:s30+$0xE920];
	v42 =	vmul.f32 v42, v31;
	v34 =	vadd.f32 v44, v34;
	[tilespmem:s30+$0x2D30] =	vst v36  }
0x16e: {  	v28 =	vmul.f32 v28, v33;
	v36 =	vld [tilespmem:s30+$0xE910];
	v41 =	vmul.f32 v41, v31;
	v32 =	vadd.f32 v43, v32;
	[tilespmem:s30+$0x2D20] =	vst v35  }
0x16f: {  	v27 =	vmul.f32 v27, v33;
	v35 =	vld [tilespmem:s30+$0xE900];
	v40 =	vmul.f32 v40, v31;
	v30 =	vadd.f32 v42, v30;
	[tilespmem:s30+$0x2D10] =	vst v34  }
0x170: {  	v26 =	vmul.f32 v26, v33;
	v34 =	vld [tilespmem:s30+$0xE570];
	v39 =	vmul.f32 v39, v31;
	v29 =	vadd.f32 v41, v29;
	[tilespmem:s30+$0x2D00] =	vst v32  }
0x171: {  	v25 =	vmul.f32 v25, v33;
	v32 =	vld [tilespmem:s30+$0xE560];
	v38 =	vmul.f32 v38, v31;
	v28 =	vadd.f32 v40, v28;
	[tilespmem:s30+$0x2970] =	vst v30  }
0x172: {  	v24 =	vmul.f32 v24, v33;
	v30 =	vld [tilespmem:s30+$0xE550];
	v37 =	vmul.f32 v37, v31;
	v27 =	vadd.f32 v39, v27;
	[tilespmem:s30+$0x2960] =	vst v29  }
0x173: {  	v23 =	vmul.f32 v23, v33;
	v29 =	vld [tilespmem:s30+$0xE540];
	v36 =	vmul.f32 v36, v31;
	v26 =	vadd.f32 v38, v26;
	[tilespmem:s30+$0x2950] =	vst v28  }
0x174: {  	v22 =	vmul.f32 v22, v33;
	v28 =	vld [tilespmem:s30+$0xE530];
	v35 =	vmul.f32 v35, v31;
	v25 =	vadd.f32 v37, v25;
	[tilespmem:s30+$0x2940] =	vst v27  }
0x175: {  	v21 =	vmul.f32 v21, v33;
	v27 =	vld [tilespmem:s30+$0xE520];
	v34 =	vmul.f32 v34, v31;
	v24 =	vadd.f32 v36, v24;
	[tilespmem:s30+$0x2930] =	vst v26  }
0x176: {  	v20 =	vmul.f32 v20, v33;
	v26 =	vld [tilespmem:s30+$0xE510];
	v32 =	vmul.f32 v32, v31;
	v23 =	vadd.f32 v35, v23;
	[tilespmem:s30+$0x2920] =	vst v25  }
0x177: {  	v19 =	vmul.f32 v19, v33;
	v25 =	vld [tilespmem:s30+$0xE500];
	v30 =	vmul.f32 v30, v31;
	v22 =	vadd.f32 v34, v22;
	[tilespmem:s30+$0x2910] =	vst v24  }
0x178: {  	v18 =	vmul.f32 v18, v33;
	v24 =	vld [tilespmem:s30+$0xE170];
	v29 =	vmul.f32 v29, v31;
	v21 =	vadd.f32 v32, v21;
	[tilespmem:s30+$0x2900] =	vst v23  }
0x179: {  	v17 =	vmul.f32 v17, v33;
	v23 =	vld [tilespmem:s30+$0xE160];
	v28 =	vmul.f32 v28, v31;
	v20 =	vadd.f32 v30, v20;
	[tilespmem:s30+$0x2570] =	vst v22  }
0x17a: {  	v16 =	vmul.f32 v16, v33;
	v22 =	vmul.f32 v27, v31;
	v19 =	vadd.f32 v29, v19;
	[tilespmem:s30+$0x2560] =	vst v21;
	v21 =	vld [tilespmem:s30+$0xF540]  }
0x17b: {  	v15 =	vmul.f32 v15, v33;
	v26 =	vmul.f32 v26, v31;
	v18 =	vadd.f32 v28, v18;
	[tilespmem:s30+$0x2550] =	vst v20;
	v20 =	vld [tilespmem:s30+$0xF550]  }
0x17c: {  	v14 =	vmul.f32 v14, v33;
	v25 =	vmul.f32 v25, v31;
	v17 =	vadd.f32 v22, v17;
	[tilespmem:s30+$0x2540] =	vst v19;
	v19 =	vld [tilespmem:s30+$0xF560]  }
0x17d: {  	v13 =	vmul.f32 v13, v33;
	v22 =	vmul.f32 v24, v31;
	v16 =	vadd.f32 v26, v16;
	[tilespmem:s30+$0x2530] =	vst v18;
	v18 =	vld [tilespmem:s30+$0xF570]  }
0x17e: {  	v12 =	vmul.f32 v12, v33;
	v23 =	vmul.f32 v23, v31;
	v15 =	vadd.f32 v25, v15;
	[tilespmem:s30+$0x2520] =	vst v17;
	v17 =	vld [tilespmem:s30+$0x3540]  }
0x17f: {  	v10 =	vmul.f32 v10, v33;
	v11 =	vmul.f32 v11, v31;
	v14 =	vadd.f32 v22, v14;
	[tilespmem:s30+$0x2510] =	vst v16;
	v16 =	vld [tilespmem:s30+$0x3550]  }
0x180: {  	v8 =	vmul.f32 v8, v33;
	v9 =	vmul.f32 v9, v31;
	v13 =	vadd.f32 v23, v13;
	[tilespmem:s30+$0x2500] =	vst v15;
	v15 =	vld [tilespmem:s30+$0x3560]  }
0x181: {  	v6 =	vmul.f32 v6, v33;
	v7 =	vmul.f32 v7, v31;
	v11 =	vadd.f32 v11, v12;
	[tilespmem:s30+$0x2170] =	vst v14;
	v12 =	vld [tilespmem:s30+$0x3570]  }
0x182: {  	v3 =	vmul.f32 v3, v33;
	v5 =	vmul.f32 v5, v31;
	v9 =	vadd.f32 v9, v10;
	v14 =	vld [tilespmem:s30+$0x2100];
	[tilespmem:s30+$0x2160] =	vst v13  }
0x183: {  	v4 =	vmul.f32 v4, v31;
	v7 =	vadd.f32 v7, v8;
	v10 =	vld [tilespmem:s30+$0xE100];
	[tilespmem:s30+$0x2150] =	vst v11;
	v8 =	vmul.f32 v17, v33  }
0x184: {  	s13 =	sshrl.u32 s1, $0x3;
	v5 =	vadd.f32 v5, v6;
	v6 =	vmul.f32 v21, v31;
	[tilespmem:s30+$0x2140] =	vst v9;
	v9 =	vmul.f32 v16, v33  }
0x185: {  	s0 =	sadd.s32 $0x80, s0;
	s13 =	smul.u32 $0x1800, s13;
	v3 =	vadd.f32 v4, v3;
	v4 =	vmul.f32 v20, v31;
	[tilespmem:s30+$0x2130] =	vst v7;
	v7 =	vmul.f32 v15, v33  }
0x186: {  	s14 =	sand.u32 $0x380, s0;
	[tilespmem:s30+$0x2120] =	vst v5;
	v5 =	vadd.f32 v6, v8;
	v6 =	vmul.f32 v19, v31;
	v8 =	vmul.f32 v12, v33  }
0x187: {  	s13 =	sor.u32 s14, s13;
	v9 =	vadd.f32 v4, v9;
	v12 =	vmul.f32 v18, v31;
	v11 =	vmul.f32 v14, v33;
	[tilespmem:s30+$0x2110] =	vst v3  }
0x188: {  	v3 =	vld [tilespmem:s13+$0x2110];
	v10 =	vmul.f32 v10, v31;
	[tilespmem:s30+$0x3540] =	vst v5;
	v5 =	vadd.f32 v6, v7  }
0x189: {  	v7 =	vadd.f32 v12, v8;
	v4 =	vld [tilespmem:s13+$0xE110];
	[tilespmem:s30+$0x3550] =	vst v9  }
0x18a: {  	v6 =	vld [tilespmem:s13+$0x2120];
	v9 =	vadd.f32 v10, v11;
	[tilespmem:s30+$0x3560] =	vst v5  }
0x18b: {  	v5 =	vld [tilespmem:s13+$0xE120];
	[tilespmem:s30+$0x3570] =	vst v7  }
0x18c: {  	v8 =	vld [tilespmem:s13+$0x2130];
	[tilespmem:s30+$0x2100] =	vst v9;
	s30 =	smov.u32 s13  }
0x18d: {  	v7 =	vld [tilespmem:s30+$0xE130]  }
0x18e: {  	v10 =	vld [tilespmem:s30+$0x2140]  }
0x18f: {  	v9 =	vld [tilespmem:s30+$0xE140]  }
0x190: {  	v12 =	vld [tilespmem:s30+$0x2150]  }
0x191: {  	v11 =	vld [tilespmem:s30+$0xE150]  }
0x192: {  	v13 =	vld [tilespmem:s30+$0x2160]  }
0x193: {  	v14 =	vld [tilespmem:s30+$0x2170]  }
0x194: {  	v15 =	vld [tilespmem:s30+$0x2500]  }
0x195: {  	v16 =	vld [tilespmem:s30+$0x2510]  }
0x196: {  	v17 =	vld [tilespmem:s30+$0x2520]  }
0x197: {  	v18 =	vld [tilespmem:s30+$0x2530]  }
0x198: {  	v19 =	vld [tilespmem:s30+$0x2540]  }
0x199: {  	v20 =	vld [tilespmem:s30+$0x2550]  }
0x19a: {  	v21 =	vld [tilespmem:s30+$0x2560]  }
0x19b: {  	v22 =	vld [tilespmem:s30+$0x2570]  }
0x19c: {  	v23 =	vld [tilespmem:s30+$0x2900]  }
0x19d: {  	v24 =	vld [tilespmem:s30+$0x2910]  }
0x19e: {  	v25 =	vld [tilespmem:s30+$0x2920]  }
0x19f: {  	v26 =	vld [tilespmem:s30+$0x2930]  }
0x1a0: {  	v27 =	vld [tilespmem:s30+$0x2940]  }
0x1a1: {  	v28 =	vld [tilespmem:s30+$0x2950]  }
0x1a2: {  	v29 =	vld [tilespmem:s30+$0x2960]  }
0x1a3: {  	v30 =	vld [tilespmem:s30+$0x2970]  }
0x1a4: {  	v32 =	vld [tilespmem:s30+$0x2D00]  }
0x1a5: {  	v34 =	vld [tilespmem:s30+$0x2D10]  }
0x1a6: {  	v35 =	vld [tilespmem:s30+$0x2D20]  }
0x1a7: {  	v36 =	vld [tilespmem:s30+$0x2D30]  }
0x1a8: {  	v37 =	vld [tilespmem:s30+$0x2D40]  }
0x1a9: {  	v38 =	vld [tilespmem:s30+$0x2D50]  }
0x1aa: {  	v39 =	vld [tilespmem:s30+$0x2D60]  }
0x1ab: {  	v40 =	vld [tilespmem:s30+$0x2D70]  }
0x1ac: {  	v41 =	vld [tilespmem:s30+$0x3100]  }
0x1ad: {  	v42 =	vld [tilespmem:s30+$0x3110]  }
0x1ae: {  	v43 =	vld [tilespmem:s30+$0x3120]  }
0x1af: {  	v44 =	vld [tilespmem:s30+$0x3130]  }
0x1b0: {  	v45 =	vld [tilespmem:s30+$0x3140]  }
0x1b1: {  	v46 =	vld [tilespmem:s30+$0x3150]  }
.Ltmp0:
0x1b2: {  	v47 =	vld [tilespmem:s30+$0x3160];
	(pc) =	sbr.rel @p0 .LBB2_2-.Ltmp0, $4  }
0x1b3: {  	v48 =	vld [tilespmem:s30+$0x3500]  }
0x1b4: {  	v50 =	vld [tilespmem:s30+$0x3510]  }
0x1b5: {  	v49 =	vld [tilespmem:s30+$0xF510]  }
0x1b6: {  	s1 =	sadd.s32 $0x1, s1;
	v51 =	vld [tilespmem:s30+$0xF530]  }
0x1b7: {  	v52 =	vld [tilespmem:s30+$0x3530]  }
0x1b8: {  	v53 =	vld [tilespmem:s30+$0x3520];
	s0 =	sadd.s32 $0x80, s31  }
0x1b9: {  	v31 =	vld [tilespmem:s0+$0xFFFFFFF0]  }
0x1ba: {  	v33 =	vld [tilespmem:s0+$0x0]  }
0x1bb: {  	v54 =	vld [tilespmem:s30+$0xF520]  }
0x1bc: {  	v55 =	vld [tilespmem:s30+$0xF500]  }
0x1bd: {  	v56 =	vld [tilespmem:s30+$0x3170]  }
0x1be: {  	v57 =	vld [tilespmem:s30+$0xF170];
	v52 =	vmul.f32 v52, v31  }
0x1bf: {  	v58 =	vld [tilespmem:s30+$0xF160];
	v51 =	vmul.f32 v51, v33;
	v53 =	vmul.f32 v53, v31  }
0x1c0: {  	v54 =	vmul.f32 v54, v33;
	v50 =	vmul.f32 v50, v31  }
0x1c1: {  	v49 =	vmul.f32 v49, v33;
	v48 =	vmul.f32 v48, v31  }
0x1c2: {  	v59 =	vld [tilespmem:s30+$0xF150];
	v62 =	vmul.f32 v55, v33;
	v63 =	vmul.f32 v56, v31  }
0x1c3: {  	v60 =	vld [tilespmem:s30+$0xF140];
	v57 =	vmul.f32 v57, v33;
	v47 =	vmul.f32 v47, v31;
	v51 =	vadd.f32 v51, v52  }
0x1c4: {  	v61 =	vld [tilespmem:s30+$0xF120];
	v58 =	vmul.f32 v58, v33;
	v46 =	vmul.f32 v46, v31;
	v53 =	vadd.f32 v54, v53  }
0x1c5: {  	v45 =	vmul.f32 v45, v31;
	v44 =	vmul.f32 v44, v31;
	v52 =	vld [tilespmem:s30+$0xF130];
	v49 =	vadd.f32 v49, v50;
	[tilespmem:s30+$0x3530] =	vst v51  }
0x1c6: {  	v43 =	vmul.f32 v43, v31;
	v42 =	vmul.f32 v42, v31;
	v50 =	vld [tilespmem:s30+$0xF100];
	v48 =	vadd.f32 v62, v48;
	[tilespmem:s30+$0x3520] =	vst v53  }
0x1c7: {  	v41 =	vmul.f32 v41, v31;
	v62 =	vmul.f32 v59, v33;
	v47 =	vadd.f32 v58, v47;
	v59 =	vld [tilespmem:s30+$0xED20];
	[tilespmem:s30+$0x3510] =	vst v49  }
0x1c8: {  	v40 =	vmul.f32 v40, v31;
	v51 =	vld [tilespmem:s30+$0xF110];
	v53 =	vadd.f32 v57, v63;
	[tilespmem:s30+$0x3500] =	vst v48;
	v63 =	vmul.f32 v60, v33  }
0x1c9: {  	v39 =	vmul.f32 v39, v31;
	v58 =	vmul.f32 v61, v33;
	v49 =	vld [tilespmem:s30+$0xED70];
	v46 =	vadd.f32 v62, v46;
	[tilespmem:s30+$0x3160] =	vst v47  }
0x1ca: {  	v38 =	vmul.f32 v38, v31;
	v48 =	vld [tilespmem:s30+$0xED60];
	[tilespmem:s30+$0x3170] =	vst v53;
	v45 =	vadd.f32 v63, v45;
	v52 =	vmul.f32 v52, v33  }
0x1cb: {  	v37 =	vmul.f32 v37, v31;
	v47 =	vld [tilespmem:s30+$0xED40];
	v43 =	vadd.f32 v58, v43;
	[tilespmem:s30+$0x3150] =	vst v46;
	v50 =	vmul.f32 v50, v33  }
0x1cc: {  	v35 =	vmul.f32 v35, v31;
	v57 =	vld [tilespmem:s30+$0xED30];
	[tilespmem:s30+$0x3140] =	vst v45;
	v45 =	vmul.f32 v59, v33;
	v44 =	vadd.f32 v52, v44  }
0x1cd: {  	v36 =	vmul.f32 v36, v31;
	v53 =	vld [tilespmem:s30+$0xED50];
	[tilespmem:s30+$0x3120] =	vst v43;
	v51 =	vmul.f32 v51, v33;
	v41 =	vadd.f32 v50, v41  }
0x1ce: {  	v34 =	vmul.f32 v34, v31;
	v60 =	vld [tilespmem:s30+$0xED10];
	v49 =	vmul.f32 v49, v33;
	v35 =	vadd.f32 v45, v35;
	[tilespmem:s30+$0x3130] =	vst v44  }
0x1cf: {  	v30 =	vmul.f32 v30, v31;
	v63 =	vld [tilespmem:s30+$0xE960];
	v48 =	vmul.f32 v48, v33;
	v42 =	vadd.f32 v51, v42;
	[tilespmem:s30+$0x3100] =	vst v41  }
0x1d0: {  	v29 =	vmul.f32 v29, v31;
	v58 =	vld [tilespmem:s30+$0xE900];
	v47 =	vmul.f32 v47, v33;
	v40 =	vadd.f32 v49, v40;
	[tilespmem:s30+$0x2D20] =	vst v35  }
0x1d1: {  	v28 =	vmul.f32 v28, v31;
	v62 =	vld [tilespmem:s30+$0xE970];
	v46 =	vmul.f32 v57, v33;
	v39 =	vadd.f32 v48, v39;
	[tilespmem:s30+$0x3110] =	vst v42  }
0x1d2: {  	v27 =	vmul.f32 v27, v31;
	v54 =	vld [tilespmem:s30+$0xE940];
	v52 =	vmul.f32 v53, v33;
	v37 =	vadd.f32 v47, v37;
	[tilespmem:s30+$0x2D70] =	vst v40  }
0x1d3: {  	v26 =	vmul.f32 v26, v31;
	v53 =	vld [tilespmem:s30+$0xE950];
	v36 =	vadd.f32 v46, v36;
	v44 =	vmul.f32 v60, v33;
	[tilespmem:s30+$0x2D60] =	vst v39  }
0x1d4: {  	v25 =	vmul.f32 v25, v31;
	v57 =	vld [tilespmem:s30+$0xE910];
	v41 =	vmul.f32 v63, v33;
	v38 =	vadd.f32 v52, v38;
	[tilespmem:s30+$0x2D40] =	vst v37  }
0x1d5: {  	v55 =	vld [tilespmem:s30+$0xE930];
	v23 =	vmul.f32 v23, v31;
	v35 =	vmul.f32 v58, v33;
	[tilespmem:s30+$0x2D30] =	vst v36;
	v34 =	vadd.f32 v44, v34  }
0x1d6: {  	v24 =	vmul.f32 v24, v31;
	v59 =	vld [tilespmem:s30+$0xE570];
	v42 =	vmul.f32 v62, v33;
	v29 =	vadd.f32 v41, v29;
	[tilespmem:s30+$0x2D50] =	vst v38  }
0x1d7: {  	v56 =	vld [tilespmem:s30+$0xE920];
	v22 =	vmul.f32 v22, v31;
	v39 =	vmul.f32 v54, v33;
	v23 =	vadd.f32 v35, v23;
	[tilespmem:s30+$0x2D10] =	vst v34  }
0x1d8: {  	v21 =	vmul.f32 v21, v31;
	v60 =	vld [tilespmem:s30+$0xE560];
	v30 =	vadd.f32 v42, v30;
	[tilespmem:s30+$0x2960] =	vst v29;
	v40 =	vmul.f32 v53, v33  }
0x1d9: {  	v20 =	vmul.f32 v20, v31;
	v36 =	vmul.f32 v57, v33;
	v29 =	vld [tilespmem:s30+$0xE540];
	v27 =	vadd.f32 v39, v27;
	[tilespmem:s30+$0x2900] =	vst v23  }
0x1da: {  	v19 =	vmul.f32 v19, v31;
	v38 =	vmul.f32 v55, v33;
	[tilespmem:s30+$0x2970] =	vst v30;
	v30 =	vld [tilespmem:s30+$0xE550];
	v28 =	vadd.f32 v40, v28  }
0x1db: {  	v10 =	vmul.f32 v10, v31;
	v61 =	vld [tilespmem:s30+$0xED00];
	v34 =	vmul.f32 v59, v33;
	v24 =	vadd.f32 v36, v24;
	[tilespmem:s30+$0x2940] =	vst v27  }
0x1dc: {  	v9 =	vmul.f32 v9, v33;
	v37 =	vmul.f32 v56, v33;
	v26 =	vadd.f32 v38, v26;
	[tilespmem:s30+$0x2950] =	vst v28;
	v28 =	vld [tilespmem:s30+$0xE530]  }
0x1dd: {  	v12 =	vmul.f32 v12, v31;
	v11 =	vmul.f32 v11, v33;
	v27 =	vld [tilespmem:s30+$0xE520];
	v22 =	vadd.f32 v34, v22;
	[tilespmem:s30+$0x2910] =	vst v24  }
0x1de: {  	v9 =	vadd.f32 v9, v10;
	v10 =	vld [tilespmem:s30+$0xE100];
	v25 =	vadd.f32 v37, v25;
	v24 =	vmul.f32 v60, v33;
	[tilespmem:s30+$0x2930] =	vst v26  }
0x1df: {  	v11 =	vadd.f32 v11, v12;
	v26 =	vld [tilespmem:s30+$0xE510];
	[tilespmem:s30+$0x2570] =	vst v22;
	v22 =	vmul.f32 v29, v33;
	v23 =	vmul.f32 v30, v33  }
0x1e0: {  	v18 =	vmul.f32 v18, v31;
	v43 =	vmul.f32 v61, v33;
	[tilespmem:s30+$0x2920] =	vst v25;
	v25 =	vld [tilespmem:s30+$0xE500];
	v21 =	vadd.f32 v24, v21  }
0x1e1: {  	[tilespmem:s30+$0x2150] =	vst v11;
	v61 =	vld [tilespmem:s30+$0xE170];
	v19 =	vadd.f32 v22, v19;
	v20 =	vadd.f32 v23, v20;
	v23 =	vmul.f32 v28, v33  }
0x1e2: {  	v17 =	vmul.f32 v17, v31;
	v24 =	vld [tilespmem:s30+$0xE160];
	[tilespmem:s30+$0x2560] =	vst v21;
	v22 =	vmul.f32 v27, v33  }
0x1e3: {  	v21 =	vld [tilespmem:s30+$0xF540];
	[tilespmem:s30+$0x2540] =	vst v19;
	v18 =	vadd.f32 v23, v18  }
0x1e4: {  	v16 =	vmul.f32 v16, v31;
	v19 =	vld [tilespmem:s30+$0xF560];
	v17 =	vadd.f32 v22, v17;
	[tilespmem:s30+$0x2550] =	vst v20;
	v23 =	vmul.f32 v26, v33  }
0x1e5: {  	v15 =	vmul.f32 v15, v31;
	v22 =	vld [tilespmem:s30+$0xF570];
	[tilespmem:s30+$0x2530] =	vst v18;
	v18 =	vmul.f32 v25, v33  }
0x1e6: {  	v14 =	vmul.f32 v14, v31;
	v20 =	vld [tilespmem:s30+$0xF550];
	[tilespmem:s30+$0x2520] =	vst v17;
	v17 =	vmul.f32 v61, v33;
	v16 =	vadd.f32 v23, v16  }
0x1e7: {  	v8 =	vmul.f32 v8, v31;
	v7 =	vmul.f32 v7, v33;
	[tilespmem:s30+$0x2140] =	vst v9;
	v15 =	vadd.f32 v18, v15;
	v18 =	vld [tilespmem:s30+$0x3540]  }
0x1e8: {  	v6 =	vmul.f32 v6, v31;
	v5 =	vmul.f32 v5, v33;
	v14 =	vadd.f32 v17, v14;
	[tilespmem:s30+$0x2510] =	vst v16;
	v16 =	vld [tilespmem:s30+$0x3550]  }
0x1e9: {  	v3 =	vmul.f32 v3, v31;
	v4 =	vmul.f32 v4, v33;
	v7 =	vadd.f32 v7, v8;
	[tilespmem:s30+$0x2500] =	vst v15;
	v15 =	vld [tilespmem:s30+$0x3560]  }
0x1ea: {  	v32 =	vmul.f32 v32, v31;
	v5 =	vadd.f32 v5, v6;
	[tilespmem:s30+$0x2170] =	vst v14;
	v14 =	vld [tilespmem:s30+$0x3570]  }
0x1eb: {  	v13 =	vmul.f32 v13, v31;
	v12 =	vld [tilespmem:s30+$0x2100];
	v3 =	vadd.f32 v4, v3;
	[tilespmem:s30+$0x2130] =	vst v7;
	v23 =	vmul.f32 v24, v33  }
0x1ec: {  	[tilespmem:s30+$0x2120] =	vst v5;
	v32 =	vadd.f32 v43, v32;
	v6 =	vmul.f32 v21, v33;
	v8 =	vmul.f32 v18, v31  }
0x1ed: {  	[tilespmem:s30+$0x2110] =	vst v3;
	v13 =	vadd.f32 v23, v13;
	v4 =	vmul.f32 v20, v33;
	v9 =	vmul.f32 v16, v31  }
0x1ee: {  	[tilespmem:s30+$0x2D00] =	vst v32;
	v7 =	vmul.f32 v15, v31;
	v5 =	vadd.f32 v6, v8;
	v6 =	vmul.f32 v19, v33  }
0x1ef: {  	[tilespmem:s30+$0x2160] =	vst v13;
	v8 =	vmul.f32 v14, v31;
	v3 =	vadd.f32 v4, v9;
	v4 =	vmul.f32 v22, v33  }
0x1f0: {  	v10 =	vmul.f32 v10, v33;
	v9 =	vmul.f32 v12, v31;
	[tilespmem:s30+$0x3540] =	vst v5;
	v5 =	vadd.f32 v6, v7  }
0x1f1: {  	[tilespmem:s30+$0x3550] =	vst v3;
	v3 =	vadd.f32 v4, v8  }
0x1f2: {  	v4 =	vadd.f32 v10, v9;
	[tilespmem:s30+$0x3560] =	vst v5  }
0x1f3: {  	[tilespmem:s30+$0x3570] =	vst v3  }
0x1f4: {  	[tilespmem:s30+$0x2100] =	vst v4  }
0x1f5: {  	[hbm4b:s9+s2] =	stream.linear.scatter [tilespmem:s15], [sflag:$0x2], $0x6000, $0x38;
	[tilespmem:$0x1A100] =	vst v63  }
0x1f6: {  	_ =	swait.ge [sflag:s26], $0x6000  }
0x1f7: {  	[sflag:s26] =	ssyncset.done $0x0  }
0x1f8: {  	s13 =	simm.s32 $0x4;
	[sflag:s26] =	ssyncadd.s32 $0xFFFFA000  }
0x1f9: {  	s1 =	simm.s32 $0x1000;
	s0 =	smul.u32 $0x1800, s13;
	_ =	swait.ge [sflag:s26], $0x6000  }
0x1fa: {  	s1 =	sand.u32 $0x380, s1;
	[sflag:s26] =	ssyncset.done $0x0  }
0x1fb: {  	s0 =	sor.u32 s1, s0;
	[sflag:s26] =	ssyncadd.s32 $0xFFFFA000  }
0x1fc: {  	v4 =	vld [tilespmem:s0+$0x2110]  }
0x1fd: {  	v3 =	vld [tilespmem:s0+$0xE110]  }
0x1fe: {  	v6 =	vld [tilespmem:s0+$0x2120]  }
0x1ff: {  	v5 =	vld [tilespmem:s0+$0xE120]  }
0x200: {  	v10 =	vld [tilespmem:s0+$0x2130]  }
0x201: {  	v7 =	vld [tilespmem:s0+$0xE130]  }
0x202: {  	v12 =	vld [tilespmem:s0+$0x2140]  }
0x203: {  	v11 =	vld [tilespmem:s0+$0xE140]  }
0x204: {  	v13 =	vld [tilespmem:s0+$0x2160]  }
0x205: {  	v14 =	vld [tilespmem:s0+$0x2170]  }
0x206: {  	v15 =	vld [tilespmem:s0+$0x2500]  }
0x207: {  	v16 =	vld [tilespmem:s0+$0x2510]  }
0x208: {  	v17 =	vld [tilespmem:s0+$0x2520]  }
0x209: {  	v18 =	vld [tilespmem:s0+$0x2530]  }
0x20a: {  	v19 =	vld [tilespmem:s0+$0x2540]  }
0x20b: {  	v20 =	vld [tilespmem:s0+$0x2550]  }
0x20c: {  	v21 =	vld [tilespmem:s0+$0x2560]  }
0x20d: {  	v22 =	vld [tilespmem:s0+$0x2570]  }
0x20e: {  	v23 =	vld [tilespmem:s0+$0x2900]  }
0x20f: {  	v24 =	vld [tilespmem:s0+$0x2910]  }
0x210: {  	v25 =	vld [tilespmem:s0+$0x2920]  }
0x211: {  	v26 =	vld [tilespmem:s0+$0x2930]  }
0x212: {  	v27 =	vld [tilespmem:s0+$0x2940]  }
0x213: {  	v28 =	vld [tilespmem:s0+$0x2950]  }
0x214: {  	v29 =	vld [tilespmem:s0+$0x2960]  }
0x215: {  	v30 =	vld [tilespmem:s0+$0x2970]  }
0x216: {  	v31 =	vld [tilespmem:s0+$0x2D00]  }
0x217: {  	v32 =	vld [tilespmem:s0+$0x2D10]  }
0x218: {  	v33 =	vld [tilespmem:s0+$0x2D20]  }
0x219: {  	v34 =	vld [tilespmem:s0+$0x2D30]  }
0x21a: {  	v35 =	vld [tilespmem:s0+$0x2D40]  }
0x21b: {  	v36 =	vld [tilespmem:s0+$0x2D50]  }
0x21c: {  	v37 =	vld [tilespmem:s0+$0x2D60]  }
0x21d: {  	v38 =	vld [tilespmem:s0+$0x2D70]  }
0x21e: {  	v39 =	vld [tilespmem:s0+$0x3100]  }
0x21f: {  	v40 =	vld [tilespmem:s0+$0x3110]  }
0x220: {  	v41 =	vld [tilespmem:s0+$0x3120]  }
0x221: {  	v42 =	vld [tilespmem:s0+$0x3130]  }
0x222: {  	v43 =	vld [tilespmem:s0+$0x3140]  }
0x223: {  	v44 =	vld [tilespmem:s0+$0x3150]  }
0x224: {  	v45 =	vld [tilespmem:s0+$0x3160]  }
0x225: {  	v46 =	vld [tilespmem:s0+$0x3500]  }
0x226: {  	v47 =	vld [tilespmem:s0+$0x3510]  }
0x227: {  	v48 =	vld [tilespmem:s0+$0xF510]  }
0x228: {  	v49 =	vld [tilespmem:s0+$0xF530]  }
0x229: {  	v50 =	vld [tilespmem:s0+$0x3530]  }
0x22a: {  	s31 =	simm.s32 $0x1110;
	v51 =	vld [tilespmem:s0+$0x3520]  }
0x22b: {  	v8 =	vld [tilespmem:s31+$0xFFFFFFF0]  }
0x22c: {  	v9 =	vld [tilespmem:s31+$0x0]  }
0x22d: {  	v52 =	vld [tilespmem:s0+$0xF520]  }
0x22e: {  	v62 =	vld [tilespmem:s0+$0xF500]  }
0x22f: {  	v63 =	vld [tilespmem:s0+$0x3170]  }
0x230: {  	v60 =	vld [tilespmem:s0+$0xF170];
	v50 =	vmul.f32 v50, v8  }
0x231: {  	v61 =	vld [tilespmem:s0+$0xF160];
	v49 =	vmul.f32 v49, v9;
	v51 =	vmul.f32 v51, v8  }
0x232: {  	v57 =	vld [tilespmem:s0+$0xF150];
	v52 =	vmul.f32 v52, v9;
	v47 =	vmul.f32 v47, v8  }
0x233: {  	v58 =	vld [tilespmem:s0+$0xF140];
	v48 =	vmul.f32 v48, v9;
	v46 =	vmul.f32 v46, v8;
	v49 =	vadd.f32 v49, v50  }
0x234: {  	v53 =	vld [tilespmem:s0+$0xF130];
	v62 =	vmul.f32 v62, v9;
	v63 =	vmul.f32 v63, v8;
	v51 =	vadd.f32 v52, v51  }
0x235: {  	v56 =	vld [tilespmem:s0+$0xED60];
	v59 =	vmul.f32 v60, v9;
	v45 =	vmul.f32 v45, v8;
	v47 =	vadd.f32 v48, v47;
	[tilespmem:s0+$0x3530] =	vst v49  }
0x236: {  	v55 =	vld [tilespmem:s0+$0xE970];
	v60 =	vmul.f32 v61, v9;
	v44 =	vmul.f32 v44, v8;
	v46 =	vadd.f32 v62, v46;
	[tilespmem:s0+$0x3520] =	vst v51  }
0x237: {  	v61 =	vld [tilespmem:s0+$0xF100];
	v12 =	vmul.f32 v12, v8;
	v11 =	vmul.f32 v11, v9;
	v52 =	vadd.f32 v59, v63;
	[tilespmem:s0+$0x3510] =	vst v47  }
0x238: {  	v10 =	vmul.f32 v10, v8;
	v7 =	vmul.f32 v7, v9;
	v48 =	vld [tilespmem:s0+$0xF120];
	v45 =	vadd.f32 v60, v45;
	[tilespmem:s0+$0x3500] =	vst v46  }
0x239: {  	v62 =	vmul.f32 v57, v9;
	v63 =	vmul.f32 v58, v9;
	v58 =	vld [tilespmem:s0+$0xED50];
	v11 =	vadd.f32 v11, v12;
	[tilespmem:s0+$0x3170] =	vst v52  }
0x23a: {  	v43 =	vmul.f32 v43, v8;
	v59 =	vld [tilespmem:s0+$0xED40];
	v7 =	vadd.f32 v7, v10;
	[tilespmem:s0+$0x3160] =	vst v45  }
0x23b: {  	v42 =	vmul.f32 v42, v8;
	v57 =	vmul.f32 v53, v9;
	v60 =	vld [tilespmem:s0+$0xED30];
	v44 =	vadd.f32 v62, v44;
	[tilespmem:s0+$0x2140] =	vst v11  }
0x23c: {  	v37 =	vmul.f32 v37, v8;
	v53 =	vld [tilespmem:s0+$0xED00];
	v43 =	vadd.f32 v63, v43;
	v46 =	vmul.f32 v56, v9;
	[tilespmem:s0+$0x2130] =	vst v7  }
0x23d: {  	v39 =	vmul.f32 v39, v8;
	v49 =	vld [tilespmem:s0+$0xF110];
	v42 =	vadd.f32 v57, v42;
	v61 =	vmul.f32 v61, v9;
	[tilespmem:s0+$0x3150] =	vst v44  }
0x23e: {  	v41 =	vmul.f32 v41, v8;
	v47 =	vld [tilespmem:s0+$0xED70];
	[tilespmem:s0+$0x3140] =	vst v43;
	v37 =	vadd.f32 v46, v37;
	v48 =	vmul.f32 v48, v9  }
0x23f: {  	v36 =	vmul.f32 v36, v8;
	v62 =	vld [tilespmem:s0+$0xED20];
	[tilespmem:s0+$0x3130] =	vst v42;
	v39 =	vadd.f32 v61, v39;
	v54 =	vmul.f32 v58, v9  }
0x240: {  	v35 =	vmul.f32 v35, v8;
	v63 =	vld [tilespmem:s0+$0xED10];
	v45 =	vmul.f32 v59, v9;
	[tilespmem:s0+$0x2D60] =	vst v37;
	v41 =	vadd.f32 v48, v41  }
0x241: {  	v34 =	vmul.f32 v34, v8;
	v56 =	vld [tilespmem:s0+$0xE960];
	v44 =	vmul.f32 v60, v9;
	[tilespmem:s0+$0x3100] =	vst v39;
	v36 =	vadd.f32 v54, v36  }
0x242: {  	v40 =	vmul.f32 v40, v8;
	v12 =	vld [tilespmem:s0+$0x3560];
	v49 =	vmul.f32 v49, v9;
	v35 =	vadd.f32 v45, v35;
	[tilespmem:s0+$0x3120] =	vst v41  }
0x243: {  	v38 =	vmul.f32 v38, v8;
	v58 =	vld [tilespmem:s0+$0xE940];
	v47 =	vmul.f32 v47, v9;
	v34 =	vadd.f32 v44, v34;
	[tilespmem:s0+$0x2D50] =	vst v36  }
0x244: {  	v33 =	vmul.f32 v33, v8;
	v59 =	vld [tilespmem:s0+$0xE930];
	v43 =	vmul.f32 v62, v9;
	v40 =	vadd.f32 v49, v40;
	[tilespmem:s0+$0x2D40] =	vst v35  }
0x245: {  	v32 =	vmul.f32 v32, v8;
	v57 =	vld [tilespmem:s0+$0xE950];
	v42 =	vmul.f32 v63, v9;
	v38 =	vadd.f32 v47, v38;
	[tilespmem:s0+$0x2D30] =	vst v34  }
0x246: {  	v29 =	vmul.f32 v29, v8;
	v60 =	vld [tilespmem:s0+$0xE920];
	v39 =	vmul.f32 v56, v9;
	v33 =	vadd.f32 v43, v33;
	[tilespmem:s0+$0x3110] =	vst v40  }
0x247: {  	v31 =	vmul.f32 v31, v8;
	v61 =	vld [tilespmem:s0+$0xE910];
	v41 =	vmul.f32 v53, v9;
	v32 =	vadd.f32 v42, v32;
	[tilespmem:s0+$0x2D70] =	vst v38  }
0x248: {  	v27 =	vmul.f32 v27, v8;
	v62 =	vld [tilespmem:s0+$0xE900];
	v29 =	vadd.f32 v39, v29;
	v37 =	vmul.f32 v58, v9;
	[tilespmem:s0+$0x2D20] =	vst v33  }
0x249: {  	v26 =	vmul.f32 v26, v8;
	v63 =	vld [tilespmem:s0+$0xE570];
	v36 =	vmul.f32 v59, v9;
	v31 =	vadd.f32 v41, v31;
	[tilespmem:s0+$0x2D10] =	vst v32  }
0x24a: {  	v30 =	vmul.f32 v30, v8;
	v40 =	vmul.f32 v55, v9;
	[tilespmem:s0+$0x2960] =	vst v29;
	v29 =	vld [tilespmem:s0+$0xE540];
	v27 =	vadd.f32 v37, v27  }
0x24b: {  	v25 =	vmul.f32 v25, v8;
	v35 =	vmul.f32 v60, v9;
	v26 =	vadd.f32 v36, v26;
	[tilespmem:s0+$0x2D00] =	vst v31;
	v31 =	vld [tilespmem:s0+$0xE560]  }
0x24c: {  	v28 =	vmul.f32 v28, v8;
	v38 =	vmul.f32 v57, v9;
	v30 =	vadd.f32 v40, v30;
	[tilespmem:s0+$0x2940] =	vst v27;
	v27 =	vld [tilespmem:s0+$0xE520]  }
0x24d: {  	v23 =	vmul.f32 v23, v8;
	v33 =	vmul.f32 v62, v9;
	v25 =	vadd.f32 v35, v25;
	[tilespmem:s0+$0x2930] =	vst v26;
	v26 =	vld [tilespmem:s0+$0xE510]  }
0x24e: {  	v24 =	vmul.f32 v24, v8;
	v34 =	vmul.f32 v61, v9;
	v28 =	vadd.f32 v38, v28;
	[tilespmem:s0+$0x2970] =	vst v30;
	v30 =	vld [tilespmem:s0+$0xE550]  }
0x24f: {  	v22 =	vmul.f32 v22, v8;
	v32 =	vmul.f32 v63, v9;
	v23 =	vadd.f32 v33, v23;
	[tilespmem:s0+$0x2920] =	vst v25;
	v25 =	vld [tilespmem:s0+$0xE500]  }
0x250: {  	v19 =	vmul.f32 v19, v8;
	v24 =	vadd.f32 v34, v24;
	[tilespmem:s0+$0x2950] =	vst v28;
	v28 =	vld [tilespmem:s0+$0xE530];
	v29 =	vmul.f32 v29, v9  }
0x251: {  	v21 =	vmul.f32 v21, v8;
	v22 =	vadd.f32 v32, v22;
	[tilespmem:s0+$0x2900] =	vst v23;
	v23 =	vld [tilespmem:s0+$0xE160];
	v31 =	vmul.f32 v31, v9  }
0x252: {  	v17 =	vmul.f32 v17, v8;
	[tilespmem:s0+$0x2910] =	vst v24;
	v24 =	vld [tilespmem:s0+$0xE170];
	v19 =	vadd.f32 v29, v19;
	v27 =	vmul.f32 v27, v9  }
0x253: {  	v20 =	vmul.f32 v20, v8;
	[tilespmem:s0+$0x2570] =	vst v22;
	v22 =	vld [tilespmem:s0+$0x2150];
	v30 =	vmul.f32 v30, v9;
	v21 =	vadd.f32 v31, v21  }
0x254: {  	v15 =	vmul.f32 v15, v8;
	v25 =	vmul.f32 v25, v9;
	[tilespmem:s0+$0x2540] =	vst v19;
	v19 =	vld [tilespmem:s0+$0xF550];
	v17 =	vadd.f32 v27, v17  }
0x255: {  	v18 =	vmul.f32 v18, v8;
	v28 =	vmul.f32 v28, v9;
	v20 =	vadd.f32 v30, v20;
	[tilespmem:s0+$0x2560] =	vst v21;
	v21 =	vld [tilespmem:s0+$0xE150]  }
0x256: {  	v13 =	vmul.f32 v13, v8;
	v23 =	vmul.f32 v23, v9;
	v15 =	vadd.f32 v25, v15;
	[tilespmem:s0+$0x2520] =	vst v17;
	v17 =	vld [tilespmem:s0+$0x3540]  }
0x257: {  	v6 =	vmul.f32 v6, v8;
	v5 =	vmul.f32 v5, v9;
	v18 =	vadd.f32 v28, v18;
	[tilespmem:s0+$0x2550] =	vst v20;
	v20 =	vld [tilespmem:s0+$0xF540]  }
0x258: {  	v14 =	vmul.f32 v14, v8;
	v24 =	vmul.f32 v24, v9;
	v13 =	vadd.f32 v23, v13;
	[tilespmem:s0+$0x2500] =	vst v15;
	v15 =	vld [tilespmem:s0+$0x3550]  }
0x259: {  	v4 =	vmul.f32 v4, v8;
	v3 =	vmul.f32 v3, v9;
	v5 =	vadd.f32 v5, v6;
	[tilespmem:s0+$0x2530] =	vst v18;
	v18 =	vld [tilespmem:s0+$0xF560]  }
0x25a: {  	v6 =	vld [tilespmem:s0+$0x2100];
	v14 =	vadd.f32 v24, v14;
	v10 =	vmul.f32 v22, v8;
	[tilespmem:s0+$0x2160] =	vst v13;
	v13 =	vmul.f32 v21, v9  }
0x25b: {  	s14 =	simm.s32 $0x4;
	v16 =	vmul.f32 v16, v8;
	v3 =	vadd.f32 v3, v4;
	v7 =	vld [tilespmem:s0+$0xE100];
	[tilespmem:s0+$0x2120] =	vst v5;
	v26 =	vmul.f32 v26, v9  }
0x25c: {  	s13 =	simm.s32 $0x1080;
	s1 =	smul.u32 $0x1800, s14;
	[tilespmem:s0+$0x2170] =	vst v14;
	v14 =	vld [tilespmem:s0+$0x3570];
	v11 =	vmul.f32 v17, v8;
	v17 =	vmul.f32 v20, v9;
	v4 =	vadd.f32 v13, v10  }
0x25d: {  	s13 =	sand.u32 $0x380, s13;
	[tilespmem:s0+$0x2110] =	vst v3;
	v16 =	vadd.f32 v26, v16;
	v5 =	vmul.f32 v15, v8;
	v10 =	vmul.f32 v19, v9  }
0x25e: {  	s30 =	sor.u32 s13, s1;
	v11 =	vadd.f32 v17, v11;
	[tilespmem:s0+$0x2150] =	vst v4;
	v4 =	vmul.f32 v12, v8;
	v12 =	vmul.f32 v18, v9  }
0x25f: {  	v3 =	vld [tilespmem:s30+$0x2110];
	[tilespmem:s0+$0x2510] =	vst v16;
	v5 =	vadd.f32 v10, v5  }
0x260: {  	v7 =	vmul.f32 v7, v9;
	v16 =	vld [tilespmem:s0+$0xF570];
	[tilespmem:s0+$0x3540] =	vst v11;
	v12 =	vadd.f32 v12, v4  }
0x261: {  	v10 =	vmul.f32 v14, v8;
	v8 =	vmul.f32 v6, v8;
	v4 =	vld [tilespmem:s30+$0xE110];
	[tilespmem:s0+$0x3550] =	vst v5  }
0x262: {  	v6 =	vld [tilespmem:s30+$0x2120];
	[tilespmem:s0+$0x3560] =	vst v12  }
0x263: {  	v7 =	vadd.f32 v7, v8;
	v5 =	vld [tilespmem:s30+$0xE120]  }
0x264: {  	v8 =	vld [tilespmem:s30+$0x2130]  }
0x265: {  	[tilespmem:s0+$0x2100] =	vst v7;
	v18 =	vld [tilespmem:s30+$0x2530]  }
0x266: {  	v11 =	vmul.f32 v16, v9;
	v26 =	vld [tilespmem:s30+$0x2930]  }
0x267: {  	v36 =	vld [tilespmem:s30+$0x2D30]  }
0x268: {  	v9 =	vadd.f32 v11, v10;
	v44 =	vld [tilespmem:s30+$0x3130]  }
0x269: {  	v48 =	vld [tilespmem:s30+$0x3500]  }
0x26a: {  	[tilespmem:s0+$0x3570] =	vst v9;
	v50 =	vld [tilespmem:s30+$0x3510]  }
0x26b: {  	v7 =	vld [tilespmem:s30+$0xE130]  }
0x26c: {  	v10 =	vld [tilespmem:s30+$0x2140]  }
0x26d: {  	v9 =	vld [tilespmem:s30+$0xE140]  }
0x26e: {  	v12 =	vld [tilespmem:s30+$0x2150]  }
0x26f: {  	v11 =	vld [tilespmem:s30+$0xE150]  }
0x270: {  	v13 =	vld [tilespmem:s30+$0x2160]  }
0x271: {  	v14 =	vld [tilespmem:s30+$0x2170]  }
0x272: {  	v15 =	vld [tilespmem:s30+$0x2500]  }
0x273: {  	v16 =	vld [tilespmem:s30+$0x2510]  }
0x274: {  	v17 =	vld [tilespmem:s30+$0x2520]  }
0x275: {  	v19 =	vld [tilespmem:s30+$0x2540]  }
0x276: {  	v20 =	vld [tilespmem:s30+$0x2550]  }
0x277: {  	v21 =	vld [tilespmem:s30+$0x2560]  }
0x278: {  	v22 =	vld [tilespmem:s30+$0x2570]  }
0x279: {  	v23 =	vld [tilespmem:s30+$0x2900]  }
0x27a: {  	v24 =	vld [tilespmem:s30+$0x2910]  }
0x27b: {  	v25 =	vld [tilespmem:s30+$0x2920]  }
0x27c: {  	v27 =	vld [tilespmem:s30+$0x2940]  }
0x27d: {  	v28 =	vld [tilespmem:s30+$0x2950]  }
0x27e: {  	v29 =	vld [tilespmem:s30+$0x2960]  }
0x27f: {  	v30 =	vld [tilespmem:s30+$0x2970]  }
0x280: {  	v31 =	vld [tilespmem:s30+$0x2D00]  }
0x281: {  	v34 =	vld [tilespmem:s30+$0x2D10]  }
0x282: {  	v35 =	vld [tilespmem:s30+$0x2D20]  }
0x283: {  	v37 =	vld [tilespmem:s30+$0x2D40]  }
0x284: {  	v38 =	vld [tilespmem:s30+$0x2D50]  }
0x285: {  	v39 =	vld [tilespmem:s30+$0x2D60]  }
0x286: {  	v40 =	vld [tilespmem:s30+$0x2D70]  }
0x287: {  	v41 =	vld [tilespmem:s30+$0x3100]  }
0x288: {  	v42 =	vld [tilespmem:s30+$0x3110]  }
0x289: {  	v43 =	vld [tilespmem:s30+$0x3120]  }
0x28a: {  	v45 =	vld [tilespmem:s30+$0x3140]  }
0x28b: {  	v46 =	vld [tilespmem:s30+$0x3150]  }
0x28c: {  	v47 =	vld [tilespmem:s30+$0x3160]  }
0x28d: {  	v49 =	vld [tilespmem:s30+$0xF510]  }
0x28e: {  	s1 =	simm.s32 $0x1100;
	s0 =	simm.s32 $0x21;
	v51 =	vld [tilespmem:s30+$0xF530]  }
.LBB2_4:
0x28f: {  	p0 =	sne.s32 s1, $0x1F80;
	v52 =	vld [tilespmem:s30+$0x3530]  }
0x290: {  	s31 =	sadd.s32 $0x80, s31;
	v53 =	vld [tilespmem:s30+$0x3520]  }
0x291: {  	v33 =	vld [tilespmem:s31+$0xFFFFFFF0]  }
0x292: {  	v32 =	vld [tilespmem:s31+$0x0]  }
0x293: {  	v54 =	vld [tilespmem:s30+$0xF520]  }
0x294: {  	v55 =	vld [tilespmem:s30+$0xF500]  }
0x295: {  	v56 =	vld [tilespmem:s30+$0x3170]  }
0x296: {  	v57 =	vld [tilespmem:s30+$0xF170];
	v50 =	vmul.f32 v50, v33;
	v53 =	vmul.f32 v53, v33  }
0x297: {  	v52 =	vmul.f32 v52, v33;
	v58 =	vld [tilespmem:s30+$0xF160];
	v51 =	vmul.f32 v51, v32  }
0x298: {  	v49 =	vmul.f32 v49, v32;
	v59 =	vld [tilespmem:s30+$0xF150];
	v54 =	vmul.f32 v54, v32  }
0x299: {  	v48 =	vmul.f32 v48, v33;
	v60 =	vld [tilespmem:s30+$0xF140];
	v55 =	vmul.f32 v55, v32;
	v51 =	vadd.f32 v51, v52  }
0x29a: {  	v49 =	vadd.f32 v49, v50;
	v52 =	vld [tilespmem:s30+$0xF130];
	v56 =	vmul.f32 v56, v33;
	v50 =	vadd.f32 v54, v53  }
0x29b: {  	v47 =	vmul.f32 v47, v33;
	v53 =	vld [tilespmem:s30+$0xF120];
	v54 =	vmul.f32 v57, v32;
	v48 =	vadd.f32 v55, v48;
	[tilespmem:s30+$0x3530] =	vst v51  }
0x29c: {  	v46 =	vmul.f32 v46, v33;
	v51 =	vld [tilespmem:s30+$0xF110];
	v55 =	vmul.f32 v58, v32;
	[tilespmem:s30+$0x3520] =	vst v50  }
0x29d: {  	v45 =	vmul.f32 v45, v33;
	v50 =	vld [tilespmem:s30+$0xF100];
	v57 =	vmul.f32 v59, v32;
	v54 =	vadd.f32 v54, v56;
	[tilespmem:s30+$0x3510] =	vst v49  }
0x29e: {  	v44 =	vmul.f32 v44, v33;
	v49 =	vld [tilespmem:s30+$0xED70];
	v56 =	vmul.f32 v60, v32;
	v47 =	vadd.f32 v55, v47;
	[tilespmem:s30+$0x3500] =	vst v48  }
0x29f: {  	v43 =	vmul.f32 v43, v33;
	v48 =	vld [tilespmem:s30+$0xED60];
	v52 =	vmul.f32 v52, v32;
	v46 =	vadd.f32 v57, v46;
	[tilespmem:s30+$0x3170] =	vst v54  }
0x2a0: {  	v42 =	vmul.f32 v42, v33;
	v54 =	vld [tilespmem:s30+$0xED50];
	v53 =	vmul.f32 v53, v32;
	v45 =	vadd.f32 v56, v45;
	[tilespmem:s30+$0x3160] =	vst v47  }
0x2a1: {  	v41 =	vmul.f32 v41, v33;
	v47 =	vld [tilespmem:s30+$0xED40];
	v51 =	vmul.f32 v51, v32;
	v44 =	vadd.f32 v52, v44;
	[tilespmem:s30+$0x3150] =	vst v46  }
0x2a2: {  	v40 =	vmul.f32 v40, v33;
	v46 =	vld [tilespmem:s30+$0xED30];
	v50 =	vmul.f32 v50, v32;
	v43 =	vadd.f32 v53, v43;
	[tilespmem:s30+$0x3140] =	vst v45  }
0x2a3: {  	v39 =	vmul.f32 v39, v33;
	v45 =	vld [tilespmem:s30+$0xED20];
	v49 =	vmul.f32 v49, v32;
	v42 =	vadd.f32 v51, v42;
	[tilespmem:s30+$0x3130] =	vst v44  }
0x2a4: {  	v38 =	vmul.f32 v38, v33;
	v44 =	vld [tilespmem:s30+$0xED10];
	v48 =	vmul.f32 v48, v32;
	v41 =	vadd.f32 v50, v41;
	[tilespmem:s30+$0x3120] =	vst v43  }
0x2a5: {  	v37 =	vmul.f32 v37, v33;
	v43 =	vld [tilespmem:s30+$0xED00];
	v50 =	vmul.f32 v54, v32;
	v40 =	vadd.f32 v49, v40;
	[tilespmem:s30+$0x3110] =	vst v42  }
0x2a6: {  	v36 =	vmul.f32 v36, v33;
	v42 =	vld [tilespmem:s30+$0xE970];
	v47 =	vmul.f32 v47, v32;
	v39 =	vadd.f32 v48, v39;
	[tilespmem:s30+$0x3100] =	vst v41  }
0x2a7: {  	v35 =	vmul.f32 v35, v33;
	v41 =	vld [tilespmem:s30+$0xE960];
	v46 =	vmul.f32 v46, v32;
	v38 =	vadd.f32 v50, v38;
	[tilespmem:s30+$0x2D70] =	vst v40  }
0x2a8: {  	v34 =	vmul.f32 v34, v33;
	v40 =	vld [tilespmem:s30+$0xE950];
	v45 =	vmul.f32 v45, v32;
	v37 =	vadd.f32 v47, v37;
	[tilespmem:s30+$0x2D60] =	vst v39  }
0x2a9: {  	v31 =	vmul.f32 v31, v33;
	v39 =	vld [tilespmem:s30+$0xE940];
	v44 =	vmul.f32 v44, v32;
	v36 =	vadd.f32 v46, v36;
	[tilespmem:s30+$0x2D50] =	vst v38  }
0x2aa: {  	v30 =	vmul.f32 v30, v33;
	v38 =	vld [tilespmem:s30+$0xE930];
	v43 =	vmul.f32 v43, v32;
	v35 =	vadd.f32 v45, v35;
	[tilespmem:s30+$0x2D40] =	vst v37  }
0x2ab: {  	v29 =	vmul.f32 v29, v33;
	v37 =	vld [tilespmem:s30+$0xE920];
	v42 =	vmul.f32 v42, v32;
	v34 =	vadd.f32 v44, v34;
	[tilespmem:s30+$0x2D30] =	vst v36  }
0x2ac: {  	v28 =	vmul.f32 v28, v33;
	v36 =	vld [tilespmem:s30+$0xE910];
	v41 =	vmul.f32 v41, v32;
	v31 =	vadd.f32 v43, v31;
	[tilespmem:s30+$0x2D20] =	vst v35  }
0x2ad: {  	v27 =	vmul.f32 v27, v33;
	v35 =	vld [tilespmem:s30+$0xE900];
	v40 =	vmul.f32 v40, v32;
	v30 =	vadd.f32 v42, v30;
	[tilespmem:s30+$0x2D10] =	vst v34  }
0x2ae: {  	v26 =	vmul.f32 v26, v33;
	v34 =	vld [tilespmem:s30+$0xE570];
	v39 =	vmul.f32 v39, v32;
	v29 =	vadd.f32 v41, v29;
	[tilespmem:s30+$0x2D00] =	vst v31  }
0x2af: {  	v25 =	vmul.f32 v25, v33;
	v31 =	vld [tilespmem:s30+$0xE560];
	v38 =	vmul.f32 v38, v32;
	v28 =	vadd.f32 v40, v28;
	[tilespmem:s30+$0x2970] =	vst v30  }
0x2b0: {  	v24 =	vmul.f32 v24, v33;
	v30 =	vld [tilespmem:s30+$0xE550];
	v37 =	vmul.f32 v37, v32;
	v27 =	vadd.f32 v39, v27;
	[tilespmem:s30+$0x2960] =	vst v29  }
0x2b1: {  	v23 =	vmul.f32 v23, v33;
	v29 =	vld [tilespmem:s30+$0xE540];
	v36 =	vmul.f32 v36, v32;
	v26 =	vadd.f32 v38, v26;
	[tilespmem:s30+$0x2950] =	vst v28  }
0x2b2: {  	v22 =	vmul.f32 v22, v33;
	v28 =	vld [tilespmem:s30+$0xE530];
	v35 =	vmul.f32 v35, v32;
	v25 =	vadd.f32 v37, v25;
	[tilespmem:s30+$0x2940] =	vst v27  }
0x2b3: {  	v21 =	vmul.f32 v21, v33;
	v27 =	vld [tilespmem:s30+$0xE520];
	v34 =	vmul.f32 v34, v32;
	v24 =	vadd.f32 v36, v24;
	[tilespmem:s30+$0x2930] =	vst v26  }
0x2b4: {  	v20 =	vmul.f32 v20, v33;
	v26 =	vld [tilespmem:s30+$0xE510];
	v31 =	vmul.f32 v31, v32;
	v23 =	vadd.f32 v35, v23;
	[tilespmem:s30+$0x2920] =	vst v25  }
0x2b5: {  	v19 =	vmul.f32 v19, v33;
	v25 =	vld [tilespmem:s30+$0xE500];
	v30 =	vmul.f32 v30, v32;
	v22 =	vadd.f32 v34, v22;
	[tilespmem:s30+$0x2910] =	vst v24  }
0x2b6: {  	v18 =	vmul.f32 v18, v33;
	v24 =	vld [tilespmem:s30+$0xE170];
	v29 =	vmul.f32 v29, v32;
	v21 =	vadd.f32 v31, v21;
	[tilespmem:s30+$0x2900] =	vst v23  }
0x2b7: {  	v17 =	vmul.f32 v17, v33;
	v23 =	vld [tilespmem:s30+$0xE160];
	v28 =	vmul.f32 v28, v32;
	v20 =	vadd.f32 v30, v20;
	[tilespmem:s30+$0x2570] =	vst v22  }
0x2b8: {  	v16 =	vmul.f32 v16, v33;
	v22 =	vmul.f32 v27, v32;
	v19 =	vadd.f32 v29, v19;
	[tilespmem:s30+$0x2560] =	vst v21;
	v21 =	vld [tilespmem:s30+$0xF540]  }
0x2b9: {  	v15 =	vmul.f32 v15, v33;
	v26 =	vmul.f32 v26, v32;
	v18 =	vadd.f32 v28, v18;
	[tilespmem:s30+$0x2550] =	vst v20;
	v20 =	vld [tilespmem:s30+$0xF550]  }
0x2ba: {  	v14 =	vmul.f32 v14, v33;
	v25 =	vmul.f32 v25, v32;
	v17 =	vadd.f32 v22, v17;
	[tilespmem:s30+$0x2540] =	vst v19;
	v19 =	vld [tilespmem:s30+$0xF560]  }
0x2bb: {  	v13 =	vmul.f32 v13, v33;
	v22 =	vmul.f32 v24, v32;
	v16 =	vadd.f32 v26, v16;
	[tilespmem:s30+$0x2530] =	vst v18;
	v18 =	vld [tilespmem:s30+$0xF570]  }
0x2bc: {  	v12 =	vmul.f32 v12, v33;
	v23 =	vmul.f32 v23, v32;
	v15 =	vadd.f32 v25, v15;
	[tilespmem:s30+$0x2520] =	vst v17;
	v17 =	vld [tilespmem:s30+$0x3540]  }
0x2bd: {  	v10 =	vmul.f32 v10, v33;
	v11 =	vmul.f32 v11, v32;
	v14 =	vadd.f32 v22, v14;
	[tilespmem:s30+$0x2510] =	vst v16;
	v16 =	vld [tilespmem:s30+$0x3550]  }
0x2be: {  	v8 =	vmul.f32 v8, v33;
	v9 =	vmul.f32 v9, v32;
	v13 =	vadd.f32 v23, v13;
	[tilespmem:s30+$0x2500] =	vst v15;
	v15 =	vld [tilespmem:s30+$0x3560]  }
0x2bf: {  	v6 =	vmul.f32 v6, v33;
	v7 =	vmul.f32 v7, v32;
	v11 =	vadd.f32 v11, v12;
	[tilespmem:s30+$0x2170] =	vst v14;
	v12 =	vld [tilespmem:s30+$0x3570]  }
0x2c0: {  	v3 =	vmul.f32 v3, v33;
	v5 =	vmul.f32 v5, v32;
	v9 =	vadd.f32 v9, v10;
	v14 =	vld [tilespmem:s30+$0x2100];
	[tilespmem:s30+$0x2160] =	vst v13  }
0x2c1: {  	s0 =	sadd.s32 $0x1, s0;
	v4 =	vmul.f32 v4, v32;
	v7 =	vadd.f32 v7, v8;
	v10 =	vld [tilespmem:s30+$0xE100];
	[tilespmem:s30+$0x2150] =	vst v11;
	v8 =	vmul.f32 v17, v33  }
0x2c2: {  	s13 =	sshrl.u32 s0, $0x3;
	v5 =	vadd.f32 v5, v6;
	v6 =	vmul.f32 v21, v32;
	[tilespmem:s30+$0x2140] =	vst v9;
	v9 =	vmul.f32 v16, v33  }
0x2c3: {  	s13 =	smul.u32 $0x1800, s13;
	v3 =	vadd.f32 v4, v3;
	v4 =	vmul.f32 v20, v32;
	[tilespmem:s30+$0x2130] =	vst v7;
	v7 =	vmul.f32 v15, v33  }
0x2c4: {  	s14 =	sand.u32 $0x380, s1;
	[tilespmem:s30+$0x2120] =	vst v5;
	v5 =	vadd.f32 v6, v8;
	v6 =	vmul.f32 v19, v32;
	v8 =	vmul.f32 v12, v33  }
0x2c5: {  	s13 =	sor.u32 s14, s13;
	v9 =	vadd.f32 v4, v9;
	v12 =	vmul.f32 v18, v32;
	v11 =	vmul.f32 v14, v33;
	[tilespmem:s30+$0x2110] =	vst v3  }
0x2c6: {  	v3 =	vld [tilespmem:s13+$0x2110];
	v10 =	vmul.f32 v10, v32;
	[tilespmem:s30+$0x3540] =	vst v5;
	v5 =	vadd.f32 v6, v7  }
0x2c7: {  	v7 =	vadd.f32 v12, v8;
	v4 =	vld [tilespmem:s13+$0xE110];
	[tilespmem:s30+$0x3550] =	vst v9  }
0x2c8: {  	v6 =	vld [tilespmem:s13+$0x2120];
	v9 =	vadd.f32 v10, v11;
	[tilespmem:s30+$0x3560] =	vst v5  }
0x2c9: {  	v5 =	vld [tilespmem:s13+$0xE120];
	[tilespmem:s30+$0x3570] =	vst v7  }
0x2ca: {  	v8 =	vld [tilespmem:s13+$0x2130];
	[tilespmem:s30+$0x2100] =	vst v9;
	s30 =	smov.u32 s13  }
0x2cb: {  	v7 =	vld [tilespmem:s30+$0xE130]  }
0x2cc: {  	v10 =	vld [tilespmem:s30+$0x2140]  }
0x2cd: {  	v9 =	vld [tilespmem:s30+$0xE140]  }
0x2ce: {  	v12 =	vld [tilespmem:s30+$0x2150]  }
0x2cf: {  	v11 =	vld [tilespmem:s30+$0xE150]  }
0x2d0: {  	v13 =	vld [tilespmem:s30+$0x2160]  }
0x2d1: {  	v14 =	vld [tilespmem:s30+$0x2170]  }
0x2d2: {  	v15 =	vld [tilespmem:s30+$0x2500]  }
0x2d3: {  	v16 =	vld [tilespmem:s30+$0x2510]  }
0x2d4: {  	v17 =	vld [tilespmem:s30+$0x2520]  }
0x2d5: {  	v18 =	vld [tilespmem:s30+$0x2530]  }
0x2d6: {  	v19 =	vld [tilespmem:s30+$0x2540]  }
0x2d7: {  	v20 =	vld [tilespmem:s30+$0x2550]  }
0x2d8: {  	v21 =	vld [tilespmem:s30+$0x2560]  }
0x2d9: {  	v22 =	vld [tilespmem:s30+$0x2570]  }
0x2da: {  	v23 =	vld [tilespmem:s30+$0x2900]  }
0x2db: {  	v24 =	vld [tilespmem:s30+$0x2910]  }
0x2dc: {  	v25 =	vld [tilespmem:s30+$0x2920]  }
0x2dd: {  	v26 =	vld [tilespmem:s30+$0x2930]  }
0x2de: {  	v27 =	vld [tilespmem:s30+$0x2940]  }
0x2df: {  	v28 =	vld [tilespmem:s30+$0x2950]  }
0x2e0: {  	v29 =	vld [tilespmem:s30+$0x2960]  }
0x2e1: {  	v30 =	vld [tilespmem:s30+$0x2970]  }
0x2e2: {  	v31 =	vld [tilespmem:s30+$0x2D00]  }
0x2e3: {  	v34 =	vld [tilespmem:s30+$0x2D10]  }
0x2e4: {  	v35 =	vld [tilespmem:s30+$0x2D20]  }
0x2e5: {  	v36 =	vld [tilespmem:s30+$0x2D30]  }
0x2e6: {  	v37 =	vld [tilespmem:s30+$0x2D40]  }
0x2e7: {  	v38 =	vld [tilespmem:s30+$0x2D50]  }
0x2e8: {  	v39 =	vld [tilespmem:s30+$0x2D60]  }
0x2e9: {  	v40 =	vld [tilespmem:s30+$0x2D70]  }
0x2ea: {  	v41 =	vld [tilespmem:s30+$0x3100]  }
0x2eb: {  	v42 =	vld [tilespmem:s30+$0x3110]  }
0x2ec: {  	v43 =	vld [tilespmem:s30+$0x3120]  }
0x2ed: {  	v44 =	vld [tilespmem:s30+$0x3130]  }
0x2ee: {  	v45 =	vld [tilespmem:s30+$0x3140]  }
0x2ef: {  	v46 =	vld [tilespmem:s30+$0x3150]  }
.Ltmp1:
0x2f0: {  	v47 =	vld [tilespmem:s30+$0x3160];
	(pc) =	sbr.rel @p0 .LBB2_4-.Ltmp1, $4  }
0x2f1: {  	v48 =	vld [tilespmem:s30+$0x3500]  }
0x2f2: {  	v50 =	vld [tilespmem:s30+$0x3510]  }
0x2f3: {  	v49 =	vld [tilespmem:s30+$0xF510]  }
0x2f4: {  	s1 =	sadd.s32 $0x80, s1;
	v51 =	vld [tilespmem:s30+$0xF530]  }
0x2f5: {  	v52 =	vld [tilespmem:s30+$0x3530]  }
0x2f6: {  	v53 =	vld [tilespmem:s30+$0x3520];
	s0 =	sadd.s32 $0x80, s31  }
0x2f7: {  	v32 =	vld [tilespmem:s0+$0xFFFFFFF0]  }
0x2f8: {  	v33 =	vld [tilespmem:s0+$0x0]  }
0x2f9: {  	v54 =	vld [tilespmem:s30+$0xF520];
	_ =	sdelay $0x1  }
0x2fa: {  	v55 =	vld [tilespmem:s30+$0xF500]  }
0x2fb: {  	v56 =	vld [tilespmem:s30+$0x3170]  }
0x2fc: {  	v58 =	vld [tilespmem:s30+$0xF160];
	v52 =	vmul.f32 v52, v32;
	v51 =	vmul.f32 v51, v33  }
0x2fd: {  	v57 =	vld [tilespmem:s30+$0xF170];
	v53 =	vmul.f32 v53, v32;
	v54 =	vmul.f32 v54, v33  }
0x2fe: {  	v59 =	vld [tilespmem:s30+$0xF150];
	v50 =	vmul.f32 v50, v32;
	v49 =	vmul.f32 v49, v33  }
0x2ff: {  	v60 =	vld [tilespmem:s30+$0xF140];
	v48 =	vmul.f32 v48, v32;
	v62 =	vmul.f32 v55, v33;
	v51 =	vadd.f32 v51, v52  }
0x300: {  	v61 =	vld [tilespmem:s30+$0xF120];
	v63 =	vmul.f32 v56, v32;
	v47 =	vmul.f32 v47, v32;
	v53 =	vadd.f32 v54, v53  }
0x301: {  	v58 =	vmul.f32 v58, v33;
	v55 =	vld [tilespmem:s30+$0xE560];
	v12 =	vmul.f32 v12, v32;
	v49 =	vadd.f32 v49, v50;
	[tilespmem:s30+$0x3530] =	vst v51  }
0x302: {  	v56 =	vld [tilespmem:s30+$0xE550];
	v11 =	vmul.f32 v11, v33;
	v10 =	vmul.f32 v10, v32;
	v48 =	vadd.f32 v62, v48;
	[tilespmem:s30+$0x3520] =	vst v53  }
0x303: {  	v9 =	vmul.f32 v9, v33;
	v8 =	vmul.f32 v8, v32;
	v52 =	vld [tilespmem:s30+$0xF130];
	v47 =	vadd.f32 v58, v47;
	[tilespmem:s30+$0x3510] =	vst v49  }
0x304: {  	v7 =	vmul.f32 v7, v33;
	v6 =	vmul.f32 v6, v32;
	v50 =	vld [tilespmem:s30+$0xF100];
	v11 =	vadd.f32 v11, v12;
	[tilespmem:s30+$0x3500] =	vst v48  }
0x305: {  	v5 =	vmul.f32 v5, v33;
	v3 =	vmul.f32 v3, v32;
	v58 =	vld [tilespmem:s30+$0xED20];
	v9 =	vadd.f32 v9, v10;
	[tilespmem:s30+$0x3160] =	vst v47  }
0x306: {  	v4 =	vmul.f32 v4, v33;
	v62 =	vmul.f32 v59, v33;
	v59 =	vld [tilespmem:s30+$0xED10];
	v7 =	vadd.f32 v7, v8;
	[tilespmem:s30+$0x2150] =	vst v11  }
0x307: {  	v57 =	vmul.f32 v57, v33;
	v54 =	vld [tilespmem:s30+$0xE570];
	v5 =	vadd.f32 v5, v6;
	[tilespmem:s30+$0x2140] =	vst v9  }
0x308: {  	v46 =	vmul.f32 v46, v32;
	v3 =	vadd.f32 v4, v3;
	v51 =	vld [tilespmem:s30+$0xF110];
	[tilespmem:s30+$0x2130] =	vst v7  }
0x309: {  	v45 =	vmul.f32 v45, v32;
	v49 =	vld [tilespmem:s30+$0xED70];
	v53 =	vadd.f32 v57, v63;
	v63 =	vmul.f32 v60, v33;
	[tilespmem:s30+$0x2120] =	vst v5  }
0x30a: {  	v43 =	vmul.f32 v43, v32;
	v48 =	vld [tilespmem:s30+$0xED60];
	v46 =	vadd.f32 v62, v46;
	v57 =	vmul.f32 v61, v33;
	[tilespmem:s30+$0x2110] =	vst v3  }
0x30b: {  	v44 =	vmul.f32 v44, v32;
	v47 =	vld [tilespmem:s30+$0xED40];
	[tilespmem:s30+$0x3170] =	vst v53;
	v45 =	vadd.f32 v63, v45;
	v52 =	vmul.f32 v52, v33  }
0x30c: {  	v41 =	vmul.f32 v41, v32;
	v60 =	vld [tilespmem:s30+$0xED00];
	[tilespmem:s30+$0x3150] =	vst v46;
	v43 =	vadd.f32 v57, v43;
	v50 =	vmul.f32 v50, v33  }
0x30d: {  	v35 =	vmul.f32 v35, v32;
	v61 =	vld [tilespmem:s30+$0xE970];
	[tilespmem:s30+$0x3140] =	vst v45;
	v45 =	vmul.f32 v58, v33;
	v44 =	vadd.f32 v52, v44  }
0x30e: {  	v42 =	vmul.f32 v42, v32;
	v53 =	vld [tilespmem:s30+$0xED50];
	[tilespmem:s30+$0x3120] =	vst v43;
	v51 =	vmul.f32 v51, v33;
	v41 =	vadd.f32 v50, v41  }
0x30f: {  	v40 =	vmul.f32 v40, v32;
	v46 =	vld [tilespmem:s30+$0xED30];
	v49 =	vmul.f32 v49, v33;
	v35 =	vadd.f32 v45, v35;
	[tilespmem:s30+$0x3130] =	vst v44  }
0x310: {  	v39 =	vmul.f32 v39, v32;
	v62 =	vld [tilespmem:s30+$0xE960];
	v48 =	vmul.f32 v48, v33;
	v42 =	vadd.f32 v51, v42;
	[tilespmem:s30+$0x3100] =	vst v41  }
0x311: {  	v37 =	vmul.f32 v37, v32;
	v57 =	vld [tilespmem:s30+$0xE540];
	v47 =	vmul.f32 v47, v33;
	v40 =	vadd.f32 v49, v40;
	[tilespmem:s30+$0x2D20] =	vst v35  }
0x312: {  	v31 =	vmul.f32 v31, v32;
	v58 =	vld [tilespmem:s30+$0xE530];
	v43 =	vmul.f32 v60, v33;
	v39 =	vadd.f32 v48, v39;
	[tilespmem:s30+$0x3110] =	vst v42  }
0x313: {  	v38 =	vmul.f32 v38, v32;
	v50 =	vld [tilespmem:s30+$0xE930];
	v63 =	vmul.f32 v53, v33;
	v37 =	vadd.f32 v47, v37;
	[tilespmem:s30+$0x2D70] =	vst v40  }
0x314: {  	v36 =	vmul.f32 v36, v32;
	v60 =	vld [tilespmem:s30+$0xE510];
	v46 =	vmul.f32 v46, v33;
	v31 =	vadd.f32 v43, v31;
	[tilespmem:s30+$0x2D60] =	vst v39  }
0x315: {  	v34 =	vmul.f32 v34, v32;
	v52 =	vld [tilespmem:s30+$0xE910];
	v44 =	vmul.f32 v59, v33;
	v38 =	vadd.f32 v63, v38;
	[tilespmem:s30+$0x2D40] =	vst v37  }
0x316: {  	v29 =	vmul.f32 v29, v32;
	v45 =	vld [tilespmem:s30+$0x3540];
	v41 =	vmul.f32 v62, v33;
	v36 =	vadd.f32 v46, v36;
	[tilespmem:s30+$0x2D00] =	vst v31  }
0x317: {  	v21 =	vmul.f32 v21, v32;
	v48 =	vld [tilespmem:s30+$0xE950];
	v62 =	vmul.f32 v55, v33;
	v34 =	vadd.f32 v44, v34;
	[tilespmem:s30+$0x2D50] =	vst v38  }
0x318: {  	v30 =	vmul.f32 v30, v32;
	v49 =	vld [tilespmem:s30+$0xE940];
	v42 =	vmul.f32 v61, v33;
	v29 =	vadd.f32 v41, v29;
	[tilespmem:s30+$0x2D30] =	vst v36  }
0x319: {  	v16 =	vmul.f32 v16, v32;
	v51 =	vld [tilespmem:s30+$0xE920];
	v21 =	vadd.f32 v62, v21;
	v41 =	vmul.f32 v60, v33;
	[tilespmem:s30+$0x2D10] =	vst v34  }
0x31a: {  	v26 =	vmul.f32 v26, v32;
	v53 =	vld [tilespmem:s30+$0xE900];
	v30 =	vadd.f32 v42, v30;
	[tilespmem:s30+$0x2960] =	vst v29;
	v38 =	vmul.f32 v50, v33  }
0x31b: {  	v24 =	vmul.f32 v24, v32;
	v59 =	vld [tilespmem:s30+$0xE520];
	v36 =	vmul.f32 v52, v33;
	[tilespmem:s30+$0x2560] =	vst v21;
	v16 =	vadd.f32 v41, v16  }
0x31c: {  	v22 =	vmul.f32 v22, v32;
	v43 =	vld [tilespmem:s30+$0xF570];
	v34 =	vmul.f32 v54, v33;
	[tilespmem:s30+$0x2970] =	vst v30;
	v26 =	vadd.f32 v38, v26  }
0x31d: {  	v28 =	vmul.f32 v28, v32;
	v61 =	vld [tilespmem:s30+$0xE500];
	v40 =	vmul.f32 v48, v33;
	v24 =	vadd.f32 v36, v24;
	[tilespmem:s30+$0x2510] =	vst v16  }
0x31e: {  	v27 =	vmul.f32 v27, v32;
	v63 =	vld [tilespmem:s30+$0xE170];
	v39 =	vmul.f32 v49, v33;
	v22 =	vadd.f32 v34, v22;
	[tilespmem:s30+$0x2930] =	vst v26  }
0x31f: {  	v25 =	vmul.f32 v25, v32;
	v46 =	vld [tilespmem:s30+$0x3550];
	v37 =	vmul.f32 v51, v33;
	v28 =	vadd.f32 v40, v28;
	[tilespmem:s30+$0x2910] =	vst v24  }
0x320: {  	v23 =	vmul.f32 v23, v32;
	v50 =	vld [tilespmem:s30+$0xE100];
	v35 =	vmul.f32 v53, v33;
	v27 =	vadd.f32 v39, v27;
	[tilespmem:s30+$0x2570] =	vst v22  }
0x321: {  	v20 =	vmul.f32 v20, v32;
	v48 =	vld [tilespmem:s30+$0x3560];
	v30 =	vmul.f32 v56, v33;
	v25 =	vadd.f32 v37, v25;
	[tilespmem:s30+$0x2950] =	vst v28  }
0x322: {  	v19 =	vmul.f32 v19, v32;
	v51 =	vld [tilespmem:s30+$0x2100];
	v23 =	vadd.f32 v35, v23;
	v35 =	vmul.f32 v57, v33;
	[tilespmem:s30+$0x2940] =	vst v27  }
0x323: {  	v18 =	vmul.f32 v18, v32;
	v34 =	vld [tilespmem:s30+$0xE160];
	v37 =	vmul.f32 v58, v33;
	v20 =	vadd.f32 v30, v20;
	[tilespmem:s30+$0x2920] =	vst v25  }
0x324: {  	v17 =	vmul.f32 v17, v32;
	v36 =	vld [tilespmem:s30+$0xF540];
	v39 =	vmul.f32 v59, v33;
	[tilespmem:s30+$0x2900] =	vst v23;
	v19 =	vadd.f32 v35, v19  }
0x325: {  	v15 =	vmul.f32 v15, v32;
	v38 =	vld [tilespmem:s30+$0xF550];
	v42 =	vmul.f32 v61, v33;
	v18 =	vadd.f32 v37, v18;
	[tilespmem:s30+$0x2550] =	vst v20  }
0x326: {  	v14 =	vmul.f32 v14, v32;
	v40 =	vld [tilespmem:s30+$0xF560];
	v44 =	vmul.f32 v63, v33;
	v17 =	vadd.f32 v39, v17;
	[tilespmem:s30+$0x2540] =	vst v19  }
0x327: {  	v49 =	vld [tilespmem:s30+$0x3570];
	v15 =	vadd.f32 v42, v15;
	v10 =	vmul.f32 v50, v33;
	v61 =	vmul.f32 v51, v32;
	[tilespmem:s30+$0x2530] =	vst v18  }
0x328: {  	v13 =	vmul.f32 v13, v32;
	v14 =	vadd.f32 v44, v14;
	[tilespmem:s30+$0x2520] =	vst v17;
	v47 =	vmul.f32 v34, v33  }
0x329: {  	v52 =	vmul.f32 v45, v32;
	[tilespmem:s30+$0x2500] =	vst v15;
	v53 =	vmul.f32 v36, v33;
	v63 =	vadd.f32 v10, v61  }
0x32a: {  	v54 =	vmul.f32 v46, v32;
	[tilespmem:s30+$0x2170] =	vst v14;
	v55 =	vmul.f32 v38, v33;
	v13 =	vadd.f32 v47, v13  }
0x32b: {  	v56 =	vmul.f32 v48, v32;
	v58 =	vmul.f32 v40, v33;
	v57 =	vadd.f32 v53, v52;
	[tilespmem:s30+$0x2100] =	vst v63  }
0x32c: {  	v60 =	vmul.f32 v43, v33;
	v59 =	vmul.f32 v49, v32;
	v3 =	vadd.f32 v55, v54;
	[tilespmem:s30+$0x2160] =	vst v13  }
0x32d: {  	v62 =	vadd.f32 v58, v56;
	[tilespmem:s30+$0x3540] =	vst v57  }
0x32e: {  	[tilespmem:s30+$0x3550] =	vst v3;
	v3 =	vadd.f32 v60, v59  }
0x32f: {  	[tilespmem:s30+$0x3560] =	vst v62  }
0x330: {  	s29 =	sadd.s32 $0x1, s29;
	[tilespmem:s30+$0x3570] =	vst v3  }
0x331: {  	[hbm4b:s10+s2] =	stream.linear.scatter [tilespmem:s20], [sflag:$0x3], $0x6000, $0x38;
	[tilespmem:$0x1A100] =	vst v63  }
0x332: {  	p0 =	sne.s32 s29, s11;
	_ =	swait.ge [sflag:s12], $0x6000  }
.Ltmp2:
0x333: {  	[sflag:s12] =	ssyncset.done $0x0;
	(pc) =	sbr.rel @p0 .LBB2_1-.Ltmp2, $4  }
0x334: {  	[sflag:s12] =	ssyncadd.s32 $0xFFFFA000  }
0x335: {  	_ =	swait.ge [sflag:s28], $0x6000  }
0x336: {  	[sflag:s28] =	ssyncset.done $0x0  }
0x337: {  	[sflag:s28] =	ssyncadd.s32 $0xFFFFA000  }
0x338: {  	_ =	sfence.sel $0x180000  }
0x339: {  	[bflag:$0x0] =	sbarrier.arrive $0xFFFF  }
0x33a: {  	_ =	strace $0x9000004A  }
0x33b: {  	s0 =	stileid.u32;
	[bflag:$0x2] =	sbarrier.arrive $0xFFFF  }
0x33c: {  	p0 =	sne.s32 s0, $0x0;
	s0 =	rddreg [dreg:$0x2]  }
0x33d: {  	s0 =	sadd.s32 @!p0 $0x100000, s0  }
0x33e: {  	[sflag:s0] =	ssyncadd.tile.s32 @!p0 $0x1;
	_ =	shalt  }
.Lfunc_end2:
_tile_overlayer_lowered:
.L_overlay_start_2:
0x33f: {  	(tag) =	ssettag $0x2  }
0x340: {  	s0 =	rddreg [dreg:$0x0];
	s2 =	stileid.u32  }
0x341: {  	s1 =	rddreg [dreg:$0x1];
	p0 =	sne.s32 s2, $0x0  }
0x342: {  	s3 =	rddreg [dreg:$0x2];
	[bflag:$0x3] =	sbarrier.arrive $0xFFFF;
	s2 =	simm.s32 @!p0 $0x1C03  }
0x343: {  	[timem:s3], [sflag:s2] =	dma.local @!p0 [hbm:s0], s1  }
0x344: {  	s0 =	simm.s32 @!p0 $0x3  }
0x345: {  	_ =	swait.ge @!p0 [sflag:s0], s1  }
0x346: {  	s1 =	ssub.s32 @!p0 $0x0, s1;
	[sflag:s0] =	ssyncset.done @!p0 $0x0  }
0x347: {  	[sflag:s0] =	ssyncadd.s32 @!p0 s1  }
0x348: {  	[bflag:$0x3] =	sbarrier.arrive $0xFFFF  }
0x349: {  	_ =	shalt  }

</sc_bundles>
